<compile_context>
chip_gen: v7x
topology: tpu7x:2x2x1
jax: 0.10.2.dev20260603
libtpu: 0.0.44.dev20260713+nightly
codegen_flags: <defaults>
</compile_context>

<pallas_src>
import functools

import jax
import jax.numpy as jnp
from jax import lax
from jax.experimental import pallas as pl
from jax.experimental.pallas import tpu as pltpu
from jax.experimental.pallas import tpu_sc as plsc

N = 10000
E = 320000
DI = 128
DH = 64
DL = 20
B = 8
LQ = 10

NC = 2
NS = 16
NW = NC * NS
K = 128
CH0 = 79
CH1 = 79
CHP = max(CH0, CH1)
NP = 10240
RPT = NP // NS
BLK = 1024
G = NP // BLK

_vmesh = plsc.VectorSubcoreMesh(core_axis_name="c", subcore_axis_name="s")
_sc_params = pltpu.CompilerParams(use_tc_tiling_on_sc=False)



def _make_spmm(DW):
    @functools.partial(
        pl.kernel,
        out_type=jax.ShapeDtypeStruct((NC, NP, DW), jnp.float32),
        mesh=_vmesh,
        scratch_types=[
            pltpu.VMEM((CHP, K), jnp.int32),
            pltpu.VMEM((CHP, K), jnp.int32),
            pltpu.VMEM((K, DW), jnp.float32),
            pltpu.VMEM_SHARED((NP, DW), jnp.float32),
            pltpu.VMEM_SHARED((NP, DW), jnp.float32),
        ],
        compiler_params=_sc_params,
    )
    def _k(hp_hbm, row_hbm, col_hbm, zero_hbm, out_hbm, rowv, colv, buf,
           accum, hps):
        c = lax.axis_index("c")
        s = lax.axis_index("s")
        t = c * NS + s
        pltpu.sync_copy(zero_hbm.at[pl.ds(s * RPT, RPT)],
                        accum.at[pl.ds(s * RPT, RPT)])
        pltpu.sync_copy(hp_hbm.at[pl.ds(s * RPT, RPT)],
                        hps.at[pl.ds(s * RPT, RPT)])
        pltpu.sync_copy(row_hbm.at[t], rowv)
        pltpu.sync_copy(col_hbm.at[t], colv)
        plsc.subcore_barrier()
        nch = jnp.where(c == 0, CH0, CH1)

        @pl.loop(0, nch)
        def _(j):
            pltpu.sync_copy(hps.at[rowv.at[j]], buf)
            pltpu.sync_copy(buf, accum.at[colv.at[j]], add=True)

        plsc.subcore_barrier()
        pltpu.sync_copy(accum.at[pl.ds(s * RPT, RPT)],
                        out_hbm.at[c, pl.ds(s * RPT, RPT)])

    return _k


_spmm = _make_spmm(DH)
_spmm32 = _make_spmm(32)


@functools.partial(
    pl.kernel,
    out_type=jax.ShapeDtypeStruct((NC, NP, 16), jnp.float32),
    mesh=_vmesh,
    scratch_types=[
        pltpu.VMEM((CHP, K), jnp.int32),
        pltpu.VMEM((K, 16), jnp.float32),
        pltpu.VMEM_SHARED((NP, 16), jnp.float32),
    ],
    compiler_params=_sc_params,
)
def _deg(col_hbm, zero_hbm, out_hbm, colv, onesb, dacc):
    c = lax.axis_index("c")
    s = lax.axis_index("s")
    t = c * NS + s
    pltpu.sync_copy(zero_hbm.at[pl.ds(s * RPT, RPT)], dacc.at[pl.ds(s * RPT, RPT)])
    pltpu.sync_copy(col_hbm.at[t], colv)

    @pl.loop(0, K)
    def _(i):
        onesb[i, :] = jnp.ones((16,), jnp.float32)

    plsc.subcore_barrier()
    nch = jnp.where(c == 0, CH0, CH1)

    @pl.loop(0, nch)
    def _(j):
        pltpu.sync_copy(onesb, dacc.at[colv.at[j]], add=True)

    plsc.subcore_barrier()
    pltpu.sync_copy(dacc.at[pl.ds(s * RPT, RPT)],
                    out_hbm.at[c, pl.ds(s * RPT, RPT)])



def _mm_body(x_ref, w_ref, o_ref):
    o_ref[...] = jnp.dot(x_ref[...], w_ref[...], preferred_element_type=jnp.float32)


_mm1 = pl.pallas_call(
    _mm_body,
    grid=(G,),
    in_specs=[pl.BlockSpec((BLK, DI), lambda i: (i, 0)),
              pl.BlockSpec((DI, DH), lambda i: (0, 0))],
    out_specs=pl.BlockSpec((BLK, DH), lambda i: (i, 0)),
    out_shape=jax.ShapeDtypeStruct((NP, DH), jnp.float32),
)


def _dishp_body(dp_ref, xw_ref, dis_ref, hp_ref):
    deg = dp_ref[0, :, 0:1] + dp_ref[1, :, 0:1] + 1.0
    dis = lax.rsqrt(deg)
    dis_ref[...] = dis
    hp_ref[...] = dis * xw_ref[...]


_dishp = pl.pallas_call(
    _dishp_body,
    out_shape=(jax.ShapeDtypeStruct((NP, 1), jnp.float32),
               jax.ShapeDtypeStruct((NP, DH), jnp.float32)),
)


def _layer_body(acc_ref, hp_ref, dis_ref, b_ref, w_ref, o_ref):
    pre = dis_ref[...] * (acc_ref[0] + acc_ref[1] + hp_ref[...]) + b_ref[...]
    h = jnp.maximum(pre, 0.0)
    o_ref[...] = dis_ref[...] * jnp.dot(h, w_ref[...], preferred_element_type=jnp.float32)


_layer = pl.pallas_call(
    _layer_body,
    grid=(G,),
    in_specs=[pl.BlockSpec((NC, BLK, DH), lambda i: (0, i, 0)),
              pl.BlockSpec((BLK, DH), lambda i: (i, 0)),
              pl.BlockSpec((BLK, 1), lambda i: (i, 0)),
              pl.BlockSpec((1, DH), lambda i: (0, 0)),
              pl.BlockSpec((DH, DH), lambda i: (0, 0))],
    out_specs=pl.BlockSpec((BLK, DH), lambda i: (i, 0)),
    out_shape=jax.ShapeDtypeStruct((NP, DH), jnp.float32),
)


_layer5 = pl.pallas_call(
    _layer_body,
    grid=(G,),
    in_specs=[pl.BlockSpec((NC, BLK, DH), lambda i: (0, i, 0)),
              pl.BlockSpec((BLK, DH), lambda i: (i, 0)),
              pl.BlockSpec((BLK, 1), lambda i: (i, 0)),
              pl.BlockSpec((1, DH), lambda i: (0, 0)),
              pl.BlockSpec((DH, 32), lambda i: (0, 0))],
    out_specs=pl.BlockSpec((BLK, 32), lambda i: (i, 0)),
    out_shape=jax.ShapeDtypeStruct((NP, 32), jnp.float32),
)


def _head1_body(acc_ref, hp_ref, dis_ref, b5_ref, batch_ref,
                h5_ref, sums_ref, cnt_ref):
    i = pl.program_id(0)
    outsp = dis_ref[...] * (acc_ref[0] + acc_ref[1] + hp_ref[...])
    h5 = outsp[:, :DL] + b5_ref[...]
    h5_ref[...] = h5
    onehot = (batch_ref[...] == lax.broadcasted_iota(jnp.int32, (1, B), 1)
              ).astype(jnp.float32)
    ps = lax.dot_general(onehot, h5, (((0,), (0,)), ((), ())),
                         preferred_element_type=jnp.float32, precision=lax.Precision.HIGHEST)
    pc = lax.dot_general(onehot, jnp.ones((BLK, 1), jnp.float32),
                         (((0,), (0,)), ((), ())),
                         preferred_element_type=jnp.float32, precision=lax.Precision.HIGHEST)

    @pl.when(i == 0)
    def _():
        sums_ref[...] = jnp.zeros_like(sums_ref)
        cnt_ref[...] = jnp.zeros_like(cnt_ref)

    sums_ref[...] += ps
    cnt_ref[...] += pc


_head1 = pl.pallas_call(
    _head1_body,
    grid=(G,),
    in_specs=[pl.BlockSpec((NC, BLK, 32), lambda i: (0, i, 0)),
              pl.BlockSpec((BLK, 32), lambda i: (i, 0)),
              pl.BlockSpec((BLK, 1), lambda i: (i, 0)),
              pl.BlockSpec((1, DL), lambda i: (0, 0)),
              pl.BlockSpec((BLK, 1), lambda i: (i, 0))],
    out_specs=(pl.BlockSpec((BLK, DL), lambda i: (i, 0)),
               pl.BlockSpec((B, DL), lambda i: (0, 0)),
               pl.BlockSpec((B, 1), lambda i: (0, 0))),
    out_shape=(jax.ShapeDtypeStruct((NP, DL), jnp.float32),
               jax.ShapeDtypeStruct((B, DL), jnp.float32),
               jax.ShapeDtypeStruct((B, 1), jnp.float32)),
)


def _head2_body(h5_ref, sums_ref, cntv_ref, cnts_ref, base_ref,
                wl1_ref, bl1_ref, wl2_ref, bl2_ref, o_ref):
    rows = []
    off = jnp.int32(0)
    for b in range(B):
        pieces = []
        for l in range(LQ):
            bs = base_ref[b, l]
            idxv = jnp.clip(off + bs, 0, N - 1)
            rv = h5_ref[pl.ds(idxv, 1), :]
            rv = jnp.where(bs != 0, rv, 0.0)
            pieces.append(rv)
        rows.append(jnp.concatenate(pieces, axis=1))
        off = off + cnts_ref[b, 0].astype(jnp.int32)
    xs = jnp.concatenate(rows, axis=0)
    xg = sums_ref[...] / jnp.maximum(cntv_ref[...], 1.0)
    z = jnp.concatenate([xs, xg], axis=1)
    z = jnp.maximum(
        jnp.dot(z, wl1_ref[...], preferred_element_type=jnp.float32) + bl1_ref[...],
        0.0)
    o_ref[...] = jnp.dot(z, wl2_ref[...], preferred_element_type=jnp.float32) + bl2_ref[...]


_head2 = pl.pallas_call(
    _head2_body,
    in_specs=[pl.BlockSpec(memory_space=pltpu.VMEM),
              pl.BlockSpec(memory_space=pltpu.VMEM),
              pl.BlockSpec(memory_space=pltpu.VMEM),
              pl.BlockSpec(memory_space=pltpu.SMEM),
              pl.BlockSpec(memory_space=pltpu.SMEM),
              pl.BlockSpec(memory_space=pltpu.VMEM),
              pl.BlockSpec(memory_space=pltpu.VMEM),
              pl.BlockSpec(memory_space=pltpu.VMEM),
              pl.BlockSpec(memory_space=pltpu.VMEM)],
    out_shape=jax.ShapeDtypeStruct((B, 1), jnp.float32),
)



def kernel(x, edge_index, batch, base, W1, b1, W2, b2, W3, b3, W4, b4,
           W5, b5, Wl1, bl1, Wl2, bl2):
    def _pack(a):
        e0 = NS * CH0 * K
        c0 = a[:e0].reshape(NS, CH0, K)
        pad1 = jnp.full((NS * CH1 * K - (E - e0),), N, jnp.int32)
        c1 = jnp.concatenate([a[e0:], pad1]).reshape(NS, CH1, K)
        out = jnp.full((NW, CHP, K), N, jnp.int32)
        out = out.at[:NS, :CH0].set(c0)
        out = out.at[NS:, :CH1].set(c1)
        return out

    rowp = _pack(edge_index[0])
    colp = _pack(edge_index[1])
    xp = jnp.pad(x.astype(jnp.float32), ((0, NP - N), (0, 0)))
    batchp = jnp.pad(batch, (0, NP - N), constant_values=-1)[:, None]
    z64 = jnp.zeros((NP, DH), jnp.float32)
    z32 = jnp.zeros((NP, 32), jnp.float32)
    z16 = jnp.zeros((NP, 16), jnp.float32)
    W5p = jnp.pad(W5, ((0, 0), (0, 32 - DL)))

    xw = _mm1(xp, W1)
    degparts = _deg(colp, z16)
    dis, hp = _dishp(degparts, xw)

    for bb, Wn in ((b1, W2), (b2, W3), (b3, W4)):
        acc = _spmm(hp, rowp, colp, z64)
        hp = _layer(acc, hp, dis, bb[None, :], Wn)
    acc = _spmm(hp, rowp, colp, z64)
    hp = _layer5(acc, hp, dis, b4[None, :], W5p)
    acc = _spmm32(hp, rowp, colp, z32)
    h5, sums, cnt = _head1(acc, hp, dis, b5[None, :], batchp)
    out = _head2(h5, sums, cnt, cnt, base, Wl1, bl1[None, :], Wl2,
                 bl2[None, :])
    return out

# --- scband reference (transcript-rebuilt; emitter-appended) ---
"""Pipeline reference for scband-gcnselective-22428319219832 (READ-ONLY COPY).

The authoritative reference and input builder live on the scoring server;
editing this copy changes nothing except your own understanding.
"""

import jax, jax.numpy as jnp
import numpy as np

N = 10000
E = 320000
D_IN = 128
D_H = 64
D_LAT = 20
B = 8
L = 10


def setup_inputs(seed: int = 0) -> dict:
    key = jax.random.key(seed)
    ks = jax.random.split(key, 12)
    x = jax.random.normal(ks[0], (N, D_IN), dtype=jnp.float32)
    edge_index = jax.random.randint(ks[1], (2, E), 0, N, dtype=jnp.int32)
    batch = jnp.sort(jax.random.randint(ks[2], (N,), 0, B, dtype=jnp.int32))
    base = jax.random.randint(ks[3], (B, L), 0, 1000, dtype=jnp.int32)

    def lin(k, fi, fo):
        return jax.random.normal(k, (fi, fo), dtype=jnp.float32) / np.sqrt(fi)

    W1 = lin(ks[4], D_IN, D_H)
    b1 = jnp.zeros((D_H,), jnp.float32)
    W2 = lin(ks[5], D_H, D_H)
    b2 = jnp.zeros((D_H,), jnp.float32)
    W3 = lin(ks[6], D_H, D_H)
    b3 = jnp.zeros((D_H,), jnp.float32)
    W4 = lin(ks[7], D_H, D_H)
    b4 = jnp.zeros((D_H,), jnp.float32)
    W5 = lin(ks[8], D_H, D_LAT)
    b5 = jnp.zeros((D_LAT,), jnp.float32)
    Wl1 = lin(ks[9], D_LAT * (1 + L), D_H)
    bl1 = jnp.zeros((D_H,), jnp.float32)
    Wl2 = lin(ks[10], D_H, 1)
    bl2 = jnp.zeros((1,), jnp.float32)
    return {"x": x, "edge_index": edge_index, "batch": batch, "base": base,
            "W1": W1, "b1": b1, "W2": W2, "b2": b2, "W3": W3, "b3": b3,
            "W4": W4, "b4": b4, "W5": W5, "b5": b5,
            "Wl1": Wl1, "bl1": bl1, "Wl2": Wl2, "bl2": bl2}


def _gcn(h, row, col, norm, W, b):
    h = h @ W
    msg = h[row] * norm[:, None]
    out = jax.ops.segment_sum(msg, col, num_segments=N)
    return out + b


def reference(x, edge_index, batch, base, W1, b1, W2, b2, W3, b3, W4, b4, W5, b5, Wl1, bl1, Wl2, bl2):
    x = x.astype(jnp.float32)
    loops = jnp.arange(N, dtype=edge_index.dtype)
    row = jnp.concatenate([edge_index[0], loops])
    col = jnp.concatenate([edge_index[1], loops])
    deg = jax.ops.segment_sum(jnp.ones_like(col, dtype=jnp.float32), col, num_segments=N)
    dis = jnp.where(deg > 0, jax.lax.rsqrt(jnp.maximum(deg, 1e-12)), 0.0)
    norm = dis[row] * dis[col]
    h = jax.nn.relu(_gcn(x, row, col, norm, W1, b1))
    h = jax.nn.relu(_gcn(h, row, col, norm, W2, b2))
    h = jax.nn.relu(_gcn(h, row, col, norm, W3, b3))
    h = jax.nn.relu(_gcn(h, row, col, norm, W4, b4))
    h = _gcn(h, row, col, norm, W5, b5)
    counts = jax.ops.segment_sum(jnp.ones((N,), jnp.float32), batch, num_segments=B)
    sums = jax.ops.segment_sum(h, batch, num_segments=B)
    x_g = sums / jnp.maximum(counts, 1.0)[:, None]
    counts_i = jnp.bincount(batch, length=B)
    offsets = jnp.concatenate([jnp.zeros((1,), counts_i.dtype), jnp.cumsum(counts_i)[:-1]])
    idx = offsets[:, None] + base
    gathered = h[idx]
    x_s = jnp.where((base != 0)[:, :, None], gathered, 0.0).reshape(B, L * D_LAT)
    z = jnp.concatenate([x_s, x_g], axis=1)
    z = jax.nn.relu(z @ Wl1 + bl1)
    out = z @ Wl2 + bl2
    return out

if __name__ == "__main__":
    import jax
    _d = setup_inputs()
    print(jax.jit(kernel)(*tuple(_d.values())))

</pallas_src>

<mosaic_0001>
#map = affine_map<(d0, d1) -> (0, 0, 0)>
#map1 = affine_map<(d0, d1) -> (0, 0)>
module attributes {stable_mosaic.version = 14 : i64} {
  func.func @_deg(%arg0: i32, %arg1: i32, %arg2: memref<32x79x128xi32, #tpu.memory_space<hbm>>, %arg3: memref<10240x16xf32, #tpu.memory_space<hbm>>, %arg4: memref<2x10240x16xf32, #tpu.memory_space<hbm>>, %arg5: memref<79x128xi32, #tpu.memory_space<vmem>>, %arg6: memref<128x16xf32, #tpu.memory_space<vmem>>, %arg7: memref<10240x16xf32, #tpu.memory_space<vmem_shared>>) attributes {dimension_semantics = [#tpu.dimension_semantics<core_parallel>, #tpu.dimension_semantics<subcore_parallel>], iteration_bounds = array<i64: 2, 16>, scalar_prefetch = 0 : i64, scratch_operands = 3 : i64, tpu.core_type = #tpu.core_type<sc_vector_subcore>, window_params = [{transform_indices = #map}, {transform_indices = #map1}, {transform_indices = #map}]} {
    %mul3A = arith.constant 16 : i32
    %mul3A_0 = arith.muli %arg0, %mul3A : i32
    %add3A = arith.addi %mul3A_0, %arg1 : i32
    %mul3A_1 = arith.constant 640 : i32
    %mul3A_2 = arith.muli %arg1, %mul3A_1 : i32
    %mul3A_3 = arith.constant 640 : i32
    %mul3A_4 = arith.muli %arg1, %mul3A_3 : i32
    "tpu.region"() ({
      %run_scoped3A = tpu.sem_alloc : memref<!tpu.dma_semaphore, #tpu.memory_space<semaphore_mem>>
      %dma_start3A = arith.constant 0 : i32
      %dma_start3A_32 = tpu.memref_slice %arg7[%mul3A_4, %dma_start3A] : memref<10240x16xf32, #tpu.memory_space<vmem_shared>> -> memref<640x16xf32, #tpu.memory_space<vmem_shared>>
      %dma_start3A_33 = arith.constant 0 : i32
      %dma_start3A_34 = tpu.memref_slice %arg3[%mul3A_2, %dma_start3A_33] : memref<10240x16xf32, #tpu.memory_space<hbm>> -> memref<640x16xf32, #tpu.memory_space<hbm>>
      tpu.enqueue_dma source(%dma_start3A_34 : memref<640x16xf32, #tpu.memory_space<hbm>>) target(%dma_start3A_32 : memref<640x16xf32, #tpu.memory_space<vmem_shared>>) target_semaphore(%run_scoped3A : memref<!tpu.dma_semaphore, #tpu.memory_space<semaphore_mem>>)
      %dma_wait3A = arith.constant 0 : i32
      %dma_wait3A_35 = tpu.memref_slice %arg7[%mul3A_4, %dma_wait3A] : memref<10240x16xf32, #tpu.memory_space<vmem_shared>> -> memref<640x16xf32, #tpu.memory_space<vmem_shared>>
      %dma_wait3A_36 = arith.constant 0 : i32
      %dma_wait3A_37 = tpu.memref_slice %arg3[%mul3A_2, %dma_wait3A_36] : memref<10240x16xf32, #tpu.memory_space<hbm>> -> memref<640x16xf32, #tpu.memory_space<hbm>>
      tpu.wait_dma2 semaphore(%run_scoped3A : memref<!tpu.dma_semaphore, #tpu.memory_space<semaphore_mem>>) src(%dma_wait3A_37 : memref<640x16xf32, #tpu.memory_space<hbm>>) dst(%dma_wait3A_35 : memref<640x16xf32, #tpu.memory_space<vmem_shared>>)
      tpu.yield
    }) : () -> ()
    "tpu.region"() ({
      %run_scoped3A = tpu.sem_alloc : memref<!tpu.dma_semaphore, #tpu.memory_space<semaphore_mem>>
      %dma_start3A = arith.constant 0 : i32
      %dma_start3A_32 = arith.constant 0 : i32
      %dma_start3A_33 = tpu.memref_slice %arg2[%add3A, %dma_start3A, %dma_start3A_32] : memref<32x79x128xi32, #tpu.memory_space<hbm>> -> memref<1x79x128xi32, #tpu.memory_space<hbm>>
      %dma_start3A_34 = tpu.memref_squeeze %dma_start3A_33 : memref<1x79x128xi32, #tpu.memory_space<hbm>> -> memref<79x128xi32, #tpu.memory_space<hbm>>
      %dma_start3A_35 = arith.constant 0 : i32
      %dma_start3A_36 = arith.constant 0 : i32
      %dma_start3A_37 = tpu.memref_slice %arg2[%add3A, %dma_start3A_35, %dma_start3A_36] : memref<32x79x128xi32, #tpu.memory_space<hbm>> -> memref<1x79x128xi32, #tpu.memory_space<hbm>>
      %dma_start3A_38 = tpu.memref_squeeze %dma_start3A_37 : memref<1x79x128xi32, #tpu.memory_space<hbm>> -> memref<79x128xi32, #tpu.memory_space<hbm>>
      tpu.enqueue_dma source(%dma_start3A_38 : memref<79x128xi32, #tpu.memory_space<hbm>>) target(%arg5 : memref<79x128xi32, #tpu.memory_space<vmem>>) target_semaphore(%run_scoped3A : memref<!tpu.dma_semaphore, #tpu.memory_space<semaphore_mem>>)
      %dma_wait3A = arith.constant 0 : i32
      %dma_wait3A_39 = arith.constant 0 : i32
      %dma_wait3A_40 = tpu.memref_slice %arg2[%add3A, %dma_wait3A, %dma_wait3A_39] : memref<32x79x128xi32, #tpu.memory_space<hbm>> -> memref<1x79x128xi32, #tpu.memory_space<hbm>>
      %dma_wait3A_41 = tpu.memref_squeeze %dma_wait3A_40 : memref<1x79x128xi32, #tpu.memory_space<hbm>> -> memref<79x128xi32, #tpu.memory_space<hbm>>
      %dma_wait3A_42 = arith.constant 0 : i32
      %dma_wait3A_43 = arith.constant 0 : i32
      %dma_wait3A_44 = tpu.memref_slice %arg2[%add3A, %dma_wait3A_42, %dma_wait3A_43] : memref<32x79x128xi32, #tpu.memory_space<hbm>> -> memref<1x79x128xi32, #tpu.memory_space<hbm>>
      %dma_wait3A_45 = tpu.memref_squeeze %dma_wait3A_44 : memref<1x79x128xi32, #tpu.memory_space<hbm>> -> memref<79x128xi32, #tpu.memory_space<hbm>>
      tpu.wait_dma2 semaphore(%run_scoped3A : memref<!tpu.dma_semaphore, #tpu.memory_space<semaphore_mem>>) src(%dma_wait3A_45 : memref<79x128xi32, #tpu.memory_space<hbm>>) dst(%arg5 : memref<79x128xi32, #tpu.memory_space<vmem>>)
      tpu.yield
    }) : () -> ()
    %scan3A = arith.constant 0 : i32
    %scan3A_5 = arith.constant 128 : i32
    %scan3A_6 = arith.addi %scan3A, %scan3A_5 : i32
    %scan3A_7 = arith.constant 1 : i32
    scf.for %scan3A_32 = %scan3A to %scan3A_6 step %scan3A_7  : i32 {
      %mul3A_33 = arith.constant 1 : i32
      %mul3A_34 = arith.muli %scan3A_32, %mul3A_33 : i32
      %add3A_35 = arith.constant 0 : i32
      %add3A_36 = arith.addi %add3A_35, %mul3A_34 : i32
      %broadcast_in_dim3A = arith.constant 1.000000e+00 : f32
      %broadcast_in_dim3A_37 = vector.broadcast %broadcast_in_dim3A : f32 to vector<16xf32>
      %swap3A = arith.index_cast %add3A_36 : i32 to index
      %swap3A_38 = arith.constant 0 : index
      %swap3A_39 = tpu.vector_load %arg6[%swap3A, %swap3A_38] {strides = array<i32>} : memref<128x16xf32, #tpu.memory_space<vmem>>, vector<1x16xf32>,
      %swap3A_40 = vector.shape_cast %swap3A_39 : vector<1x16xf32> to vector<16xf32>
      %swap3A_41 = vector.shape_cast %broadcast_in_dim3A_37 : vector<16xf32> to vector<1x16xf32>
      tpu.vector_store %arg6[%swap3A, %swap3A_38], %swap3A_41 {strides = array<i32>} : memref<128x16xf32, #tpu.memory_space<vmem>>, vector<1x16xf32>,
    }
    %scan3A_8 = arith.constant 128 : i32
    %barrier3A = arith.constant 0 : index
    tpu.barrier barrier_id(%barrier3A)
    %eq3A = arith.constant 0 : i32
    %eq3A_9 = arith.cmpi eq, %arg0, %eq3A : i32
    %jit3A = arith.constant 79 : i32
    %jit3A_10 = arith.constant 79 : i32
    %select_n3A = arith.select %eq3A_9, %jit3A, %jit3A_10 : i32
    %sub3A = arith.constant 0 : i32
    %sub3A_11 = arith.subi %select_n3A, %sub3A : i32
    %sub3A_12 = arith.constant 1 : i32
    %sub3A_13 = arith.constant 1 : i32
    %sub3A_14 = arith.subi %sub3A_12, %sub3A_13 : i32
    %add3A_15 = arith.addi %sub3A_11, %sub3A_14 : i32
    %div3A = arith.constant 1 : i32
    %div3A_16 = arith.divsi %add3A_15, %div3A : i32
    %while3A = arith.constant 1 : i32
    %while3A_17 = arith.constant 0 : i32
    %while3A_18 = arith.constant 0 : i32
    %while3A_19 = arith.subi %div3A_16, %while3A_18 : i32
    %while3A_20 = arith.addi %while3A_18, %while3A_19 : i32
    %while3A_21 = arith.constant 1 : i32
    %while3A_22 = arith.divsi %while3A_19, %while3A_21 : i32
    %while3A_23 = arith.muli %while3A_22, %while3A_21 : i32
    %while3A_24 = arith.addi %while3A_18, %while3A_23 : i32
    %while3A_25 = arith.constant 1 : i32
    scf.for %while3A_32 = %while3A_18 to %while3A_24 step %while3A_25  : i32 {
      %mul3A_33 = arith.muli %while3A_32, %while3A : i32
      %add3A_34 = arith.addi %while3A_17, %mul3A_33 : i32
      "tpu.region"() ({
        %run_scoped3A = tpu.sem_alloc : memref<!tpu.dma_semaphore, #tpu.memory_space<semaphore_mem>>
        %dma_start3A = arith.constant 0 : i32
        %dma_start3A_35 = tpu.memref_slice %arg5[%add3A_34, %dma_start3A] : memref<79x128xi32, #tpu.memory_space<vmem>> -> memref<1x128xi32, #tpu.memory_space<vmem>>
        %dma_start3A_36 = tpu.memref_squeeze %dma_start3A_35 : memref<1x128xi32, #tpu.memory_space<vmem>> -> memref<128xi32, #tpu.memory_space<vmem>>
        %dma_start3A_37 = arith.constant 0 : i32
        %dma_start3A_38 = arith.constant 0 : i32
        %dma_start3A_39 = tpu.memref_slice %arg7[%dma_start3A_37, %dma_start3A_38] : memref<10240x16xf32, #tpu.memory_space<vmem_shared>> -> memref<10240x16xf32, #tpu.memory_space<vmem_shared>>
        tpu.enqueue_indirect_dma source(%arg6 : memref<128x16xf32, #tpu.memory_space<vmem>>) target(%dma_start3A_39 : memref<10240x16xf32, #tpu.memory_space<vmem_shared>>) offsets(%dma_start3A_36 : memref<128xi32, #tpu.memory_space<vmem>>) semaphore(%run_scoped3A : memref<!tpu.dma_semaphore, #tpu.memory_space<semaphore_mem>>) {add = true}
        %dma_wait3A = arith.constant 0 : i32
        %dma_wait3A_40 = tpu.memref_slice %arg5[%add3A_34, %dma_wait3A] : memref<79x128xi32, #tpu.memory_space<vmem>> -> memref<1x128xi32, #tpu.memory_space<vmem>>
        %dma_wait3A_41 = tpu.memref_squeeze %dma_wait3A_40 : memref<1x128xi32, #tpu.memory_space<vmem>> -> memref<128xi32, #tpu.memory_space<vmem>>
        %dma_wait3A_42 = arith.constant 0 : i32
        %dma_wait3A_43 = arith.constant 0 : i32
        %dma_wait3A_44 = tpu.memref_slice %arg7[%dma_wait3A_42, %dma_wait3A_43] : memref<10240x16xf32, #tpu.memory_space<vmem_shared>> -> memref<10240x16xf32, #tpu.memory_space<vmem_shared>>
        tpu.wait_indirect_dma semaphore(%run_scoped3A : memref<!tpu.dma_semaphore, #tpu.memory_space<semaphore_mem>>) src(%arg6 : memref<128x16xf32, #tpu.memory_space<vmem>>) dst(%dma_wait3A_44 : memref<10240x16xf32, #tpu.memory_space<vmem_shared>>)
        tpu.yield
      }) : () -> ()
    }
    %while3A_26 = arith.constant 1 : i32
    scf.for %while3A_32 = %while3A_24 to %while3A_20 step %while3A_26  : i32 {
      %mul3A_33 = arith.muli %while3A_32, %while3A : i32
      %add3A_34 = arith.addi %while3A_17, %mul3A_33 : i32
      "tpu.region"() ({
        %run_scoped3A = tpu.sem_alloc : memref<!tpu.dma_semaphore, #tpu.memory_space<semaphore_mem>>
        %dma_start3A = arith.constant 0 : i32
        %dma_start3A_35 = tpu.memref_slice %arg5[%add3A_34, %dma_start3A] : memref<79x128xi32, #tpu.memory_space<vmem>> -> memref<1x128xi32, #tpu.memory_space<vmem>>
        %dma_start3A_36 = tpu.memref_squeeze %dma_start3A_35 : memref<1x128xi32, #tpu.memory_space<vmem>> -> memref<128xi32, #tpu.memory_space<vmem>>
        %dma_start3A_37 = arith.constant 0 : i32
        %dma_start3A_38 = arith.constant 0 : i32
        %dma_start3A_39 = tpu.memref_slice %arg7[%dma_start3A_37, %dma_start3A_38] : memref<10240x16xf32, #tpu.memory_space<vmem_shared>> -> memref<10240x16xf32, #tpu.memory_space<vmem_shared>>
        tpu.enqueue_indirect_dma source(%arg6 : memref<128x16xf32, #tpu.memory_space<vmem>>) target(%dma_start3A_39 : memref<10240x16xf32, #tpu.memory_space<vmem_shared>>) offsets(%dma_start3A_36 : memref<128xi32, #tpu.memory_space<vmem>>) semaphore(%run_scoped3A : memref<!tpu.dma_semaphore, #tpu.memory_space<semaphore_mem>>) {add = true}
        %dma_wait3A = arith.constant 0 : i32
        %dma_wait3A_40 = tpu.memref_slice %arg5[%add3A_34, %dma_wait3A] : memref<79x128xi32, #tpu.memory_space<vmem>> -> memref<1x128xi32, #tpu.memory_space<vmem>>
        %dma_wait3A_41 = tpu.memref_squeeze %dma_wait3A_40 : memref<1x128xi32, #tpu.memory_space<vmem>> -> memref<128xi32, #tpu.memory_space<vmem>>
        %dma_wait3A_42 = arith.constant 0 : i32
        %dma_wait3A_43 = arith.constant 0 : i32
        %dma_wait3A_44 = tpu.memref_slice %arg7[%dma_wait3A_42, %dma_wait3A_43] : memref<10240x16xf32, #tpu.memory_space<vmem_shared>> -> memref<10240x16xf32, #tpu.memory_space<vmem_shared>>
        tpu.wait_indirect_dma semaphore(%run_scoped3A : memref<!tpu.dma_semaphore, #tpu.memory_space<semaphore_mem>>) src(%arg6 : memref<128x16xf32, #tpu.memory_space<vmem>>) dst(%dma_wait3A_44 : memref<10240x16xf32, #tpu.memory_space<vmem_shared>>)
        tpu.yield
      }) : () -> ()
    }
    %barrier3A_27 = arith.constant 0 : index
    tpu.barrier barrier_id(%barrier3A_27)
    %mul3A_28 = arith.constant 640 : i32
    %mul3A_29 = arith.muli %arg1, %mul3A_28 : i32
    %mul3A_30 = arith.constant 640 : i32
    %mul3A_31 = arith.muli %arg1, %mul3A_30 : i32
    "tpu.region"() ({
      %run_scoped3A = tpu.sem_alloc : memref<!tpu.dma_semaphore, #tpu.memory_space<semaphore_mem>>
      %dma_start3A = arith.constant 0 : i32
      %dma_start3A_32 = tpu.memref_slice %arg4[%arg0, %mul3A_31, %dma_start3A] : memref<2x10240x16xf32, #tpu.memory_space<hbm>> -> memref<1x640x16xf32, #tpu.memory_space<hbm>>
      %dma_start3A_33 = tpu.memref_squeeze %dma_start3A_32 : memref<1x640x16xf32, #tpu.memory_space<hbm>> -> memref<640x16xf32, #tpu.memory_space<hbm>>
      %dma_start3A_34 = arith.constant 0 : i32
      %dma_start3A_35 = tpu.memref_slice %arg7[%mul3A_29, %dma_start3A_34] : memref<10240x16xf32, #tpu.memory_space<vmem_shared>> -> memref<640x16xf32, #tpu.memory_space<vmem_shared>>
      tpu.enqueue_dma source(%dma_start3A_35 : memref<640x16xf32, #tpu.memory_space<vmem_shared>>) target(%dma_start3A_33 : memref<640x16xf32, #tpu.memory_space<hbm>>) target_semaphore(%run_scoped3A : memref<!tpu.dma_semaphore, #tpu.memory_space<semaphore_mem>>)
      %dma_wait3A = arith.constant 0 : i32
      %dma_wait3A_36 = tpu.memref_slice %arg4[%arg0, %mul3A_31, %dma_wait3A] : memref<2x10240x16xf32, #tpu.memory_space<hbm>> -> memref<1x640x16xf32, #tpu.memory_space<hbm>>
      %dma_wait3A_37 = tpu.memref_squeeze %dma_wait3A_36 : memref<1x640x16xf32, #tpu.memory_space<hbm>> -> memref<640x16xf32, #tpu.memory_space<hbm>>
      %dma_wait3A_38 = arith.constant 0 : i32
      %dma_wait3A_39 = tpu.memref_slice %arg7[%mul3A_29, %dma_wait3A_38] : memref<10240x16xf32, #tpu.memory_space<vmem_shared>> -> memref<640x16xf32, #tpu.memory_space<vmem_shared>>
      tpu.wait_dma2 semaphore(%run_scoped3A : memref<!tpu.dma_semaphore, #tpu.memory_space<semaphore_mem>>) src(%dma_wait3A_39 : memref<640x16xf32, #tpu.memory_space<vmem_shared>>) dst(%dma_wait3A_37 : memref<640x16xf32, #tpu.memory_space<hbm>>)
      tpu.yield
    }) : () -> ()
    return
  }
}

#map = affine_map<(d0, d1) -> (0, 0)>
#map1 = affine_map<(d0, d1) -> (0, 0, 0)>
module attributes {stable_mosaic.version = 14 : i64} {
  func.func @_k(%arg0: i32, %arg1: i32, %arg2: memref<10240x64xf32, #tpu.memory_space<hbm>>, %arg3: memref<32x79x128xi32, #tpu.memory_space<hbm>>, %arg4: memref<32x79x128xi32, #tpu.memory_space<hbm>>, %arg5: memref<10240x64xf32, #tpu.memory_space<hbm>>, %arg6: memref<2x10240x64xf32, #tpu.memory_space<hbm>>, %arg7: memref<79x128xi32, #tpu.memory_space<vmem>>, %arg8: memref<79x128xi32, #tpu.memory_space<vmem>>, %arg9: memref<128x64xf32, #tpu.memory_space<vmem>>, %arg10: memref<10240x64xf32, #tpu.memory_space<vmem_shared>>, %arg11: memref<10240x64xf32, #tpu.memory_space<vmem_shared>>) attributes {dimension_semantics = [#tpu.dimension_semantics<core_parallel>, #tpu.dimension_semantics<subcore_parallel>], iteration_bounds = array<i64: 2, 16>, scalar_prefetch = 0 : i64, scratch_operands = 5 : i64, tpu.core_type = #tpu.core_type<sc_vector_subcore>, window_params = [{transform_indices = #map}, {transform_indices = #map1}, {transform_indices = #map1}, {transform_indices = #map}, {transform_indices = #map1}]} {
    %mul3A = arith.constant 16 : i32
    %mul3A_0 = arith.muli %arg0, %mul3A : i32
    %add3A = arith.addi %mul3A_0, %arg1 : i32
    %mul3A_1 = arith.constant 640 : i32
    %mul3A_2 = arith.muli %arg1, %mul3A_1 : i32
    %mul3A_3 = arith.constant 640 : i32
    %mul3A_4 = arith.muli %arg1, %mul3A_3 : i32
    "tpu.region"() ({
      %run_scoped3A = tpu.sem_alloc : memref<!tpu.dma_semaphore, #tpu.memory_space<semaphore_mem>>
      %dma_start3A = arith.constant 0 : i32
      %dma_start3A_32 = tpu.memref_slice %arg10[%mul3A_4, %dma_start3A] : memref<10240x64xf32, #tpu.memory_space<vmem_shared>> -> memref<640x64xf32, #tpu.memory_space<vmem_shared>>
      %dma_start3A_33 = arith.constant 0 : i32
      %dma_start3A_34 = tpu.memref_slice %arg5[%mul3A_2, %dma_start3A_33] : memref<10240x64xf32, #tpu.memory_space<hbm>> -> memref<640x64xf32, #tpu.memory_space<hbm>>
      tpu.enqueue_dma source(%dma_start3A_34 : memref<640x64xf32, #tpu.memory_space<hbm>>) target(%dma_start3A_32 : memref<640x64xf32, #tpu.memory_space<vmem_shared>>) target_semaphore(%run_scoped3A : memref<!tpu.dma_semaphore, #tpu.memory_space<semaphore_mem>>)
      %dma_wait3A = arith.constant 0 : i32
      %dma_wait3A_35 = tpu.memref_slice %arg10[%mul3A_4, %dma_wait3A] : memref<10240x64xf32, #tpu.memory_space<vmem_shared>> -> memref<640x64xf32, #tpu.memory_space<vmem_shared>>
      %dma_wait3A_36 = arith.constant 0 : i32
      %dma_wait3A_37 = tpu.memref_slice %arg5[%mul3A_2, %dma_wait3A_36] : memref<10240x64xf32, #tpu.memory_space<hbm>> -> memref<640x64xf32, #tpu.memory_space<hbm>>
      tpu.wait_dma2 semaphore(%run_scoped3A : memref<!tpu.dma_semaphore, #tpu.memory_space<semaphore_mem>>) src(%dma_wait3A_37 : memref<640x64xf32, #tpu.memory_space<hbm>>) dst(%dma_wait3A_35 : memref<640x64xf32, #tpu.memory_space<vmem_shared>>)
      tpu.yield
    }) : () -> ()
    %mul3A_5 = arith.constant 640 : i32
    %mul3A_6 = arith.muli %arg1, %mul3A_5 : i32
    %mul3A_7 = arith.constant 640 : i32
    %mul3A_8 = arith.muli %arg1, %mul3A_7 : i32
    "tpu.region"() ({
      %run_scoped3A = tpu.sem_alloc : memref<!tpu.dma_semaphore, #tpu.memory_space<semaphore_mem>>
      %dma_start3A = arith.constant 0 : i32
      %dma_start3A_32 = tpu.memref_slice %arg11[%mul3A_8, %dma_start3A] : memref<10240x64xf32, #tpu.memory_space<vmem_shared>> -> memref<640x64xf32, #tpu.memory_space<vmem_shared>>
      %dma_start3A_33 = arith.constant 0 : i32
      %dma_start3A_34 = tpu.memref_slice %arg2[%mul3A_6, %dma_start3A_33] : memref<10240x64xf32, #tpu.memory_space<hbm>> -> memref<640x64xf32, #tpu.memory_space<hbm>>
      tpu.enqueue_dma source(%dma_start3A_34 : memref<640x64xf32, #tpu.memory_space<hbm>>) target(%dma_start3A_32 : memref<640x64xf32, #tpu.memory_space<vmem_shared>>) target_semaphore(%run_scoped3A : memref<!tpu.dma_semaphore, #tpu.memory_space<semaphore_mem>>)
      %dma_wait3A = arith.constant 0 : i32
      %dma_wait3A_35 = tpu.memref_slice %arg11[%mul3A_8, %dma_wait3A] : memref<10240x64xf32, #tpu.memory_space<vmem_shared>> -> memref<640x64xf32, #tpu.memory_space<vmem_shared>>
      %dma_wait3A_36 = arith.constant 0 : i32
      %dma_wait3A_37 = tpu.memref_slice %arg2[%mul3A_6, %dma_wait3A_36] : memref<10240x64xf32, #tpu.memory_space<hbm>> -> memref<640x64xf32, #tpu.memory_space<hbm>>
      tpu.wait_dma2 semaphore(%run_scoped3A : memref<!tpu.dma_semaphore, #tpu.memory_space<semaphore_mem>>) src(%dma_wait3A_37 : memref<640x64xf32, #tpu.memory_space<hbm>>) dst(%dma_wait3A_35 : memref<640x64xf32, #tpu.memory_space<vmem_shared>>)
      tpu.yield
    }) : () -> ()
    "tpu.region"() ({
      %run_scoped3A = tpu.sem_alloc : memref<!tpu.dma_semaphore, #tpu.memory_space<semaphore_mem>>
      %dma_start3A = arith.constant 0 : i32
      %dma_start3A_32 = arith.constant 0 : i32
      %dma_start3A_33 = tpu.memref_slice %arg3[%add3A, %dma_start3A, %dma_start3A_32] : memref<32x79x128xi32, #tpu.memory_space<hbm>> -> memref<1x79x128xi32, #tpu.memory_space<hbm>>
      %dma_start3A_34 = tpu.memref_squeeze %dma_start3A_33 : memref<1x79x128xi32, #tpu.memory_space<hbm>> -> memref<79x128xi32, #tpu.memory_space<hbm>>
      %dma_start3A_35 = arith.constant 0 : i32
      %dma_start3A_36 = arith.constant 0 : i32
      %dma_start3A_37 = tpu.memref_slice %arg3[%add3A, %dma_start3A_35, %dma_start3A_36] : memref<32x79x128xi32, #tpu.memory_space<hbm>> -> memref<1x79x128xi32, #tpu.memory_space<hbm>>
      %dma_start3A_38 = tpu.memref_squeeze %dma_start3A_37 : memref<1x79x128xi32, #tpu.memory_space<hbm>> -> memref<79x128xi32, #tpu.memory_space<hbm>>
      tpu.enqueue_dma source(%dma_start3A_38 : memref<79x128xi32, #tpu.memory_space<hbm>>) target(%arg7 : memref<79x128xi32, #tpu.memory_space<vmem>>) target_semaphore(%run_scoped3A : memref<!tpu.dma_semaphore, #tpu.memory_space<semaphore_mem>>)
      %dma_wait3A = arith.constant 0 : i32
      %dma_wait3A_39 = arith.constant 0 : i32
      %dma_wait3A_40 = tpu.memref_slice %arg3[%add3A, %dma_wait3A, %dma_wait3A_39] : memref<32x79x128xi32, #tpu.memory_space<hbm>> -> memref<1x79x128xi32, #tpu.memory_space<hbm>>
      %dma_wait3A_41 = tpu.memref_squeeze %dma_wait3A_40 : memref<1x79x128xi32, #tpu.memory_space<hbm>> -> memref<79x128xi32, #tpu.memory_space<hbm>>
      %dma_wait3A_42 = arith.constant 0 : i32
      %dma_wait3A_43 = arith.constant 0 : i32
      %dma_wait3A_44 = tpu.memref_slice %arg3[%add3A, %dma_wait3A_42, %dma_wait3A_43] : memref<32x79x128xi32, #tpu.memory_space<hbm>> -> memref<1x79x128xi32, #tpu.memory_space<hbm>>
      %dma_wait3A_45 = tpu.memref_squeeze %dma_wait3A_44 : memref<1x79x128xi32, #tpu.memory_space<hbm>> -> memref<79x128xi32, #tpu.memory_space<hbm>>
      tpu.wait_dma2 semaphore(%run_scoped3A : memref<!tpu.dma_semaphore, #tpu.memory_space<semaphore_mem>>) src(%dma_wait3A_45 : memref<79x128xi32, #tpu.memory_space<hbm>>) dst(%arg7 : memref<79x128xi32, #tpu.memory_space<vmem>>)
      tpu.yield
    }) : () -> ()
    "tpu.region"() ({
      %run_scoped3A = tpu.sem_alloc : memref<!tpu.dma_semaphore, #tpu.memory_space<semaphore_mem>>
      %dma_start3A = arith.constant 0 : i32
      %dma_start3A_32 = arith.constant 0 : i32
      %dma_start3A_33 = tpu.memref_slice %arg4[%add3A, %dma_start3A, %dma_start3A_32] : memref<32x79x128xi32, #tpu.memory_space<hbm>> -> memref<1x79x128xi32, #tpu.memory_space<hbm>>
      %dma_start3A_34 = tpu.memref_squeeze %dma_start3A_33 : memref<1x79x128xi32, #tpu.memory_space<hbm>> -> memref<79x128xi32, #tpu.memory_space<hbm>>
      %dma_start3A_35 = arith.constant 0 : i32
      %dma_start3A_36 = arith.constant 0 : i32
      %dma_start3A_37 = tpu.memref_slice %arg4[%add3A, %dma_start3A_35, %dma_start3A_36] : memref<32x79x128xi32, #tpu.memory_space<hbm>> -> memref<1x79x128xi32, #tpu.memory_space<hbm>>
      %dma_start3A_38 = tpu.memref_squeeze %dma_start3A_37 : memref<1x79x128xi32, #tpu.memory_space<hbm>> -> memref<79x128xi32, #tpu.memory_space<hbm>>
      tpu.enqueue_dma source(%dma_start3A_38 : memref<79x128xi32, #tpu.memory_space<hbm>>) target(%arg8 : memref<79x128xi32, #tpu.memory_space<vmem>>) target_semaphore(%run_scoped3A : memref<!tpu.dma_semaphore, #tpu.memory_space<semaphore_mem>>)
      %dma_wait3A = arith.constant 0 : i32
      %dma_wait3A_39 = arith.constant 0 : i32
      %dma_wait3A_40 = tpu.memref_slice %arg4[%add3A, %dma_wait3A, %dma_wait3A_39] : memref<32x79x128xi32, #tpu.memory_space<hbm>> -> memref<1x79x128xi32, #tpu.memory_space<hbm>>
      %dma_wait3A_41 = tpu.memref_squeeze %dma_wait3A_40 : memref<1x79x128xi32, #tpu.memory_space<hbm>> -> memref<79x128xi32, #tpu.memory_space<hbm>>
      %dma_wait3A_42 = arith.constant 0 : i32
      %dma_wait3A_43 = arith.constant 0 : i32
      %dma_wait3A_44 = tpu.memref_slice %arg4[%add3A, %dma_wait3A_42, %dma_wait3A_43] : memref<32x79x128xi32, #tpu.memory_space<hbm>> -> memref<1x79x128xi32, #tpu.memory_space<hbm>>
      %dma_wait3A_45 = tpu.memref_squeeze %dma_wait3A_44 : memref<1x79x128xi32, #tpu.memory_space<hbm>> -> memref<79x128xi32, #tpu.memory_space<hbm>>
      tpu.wait_dma2 semaphore(%run_scoped3A : memref<!tpu.dma_semaphore, #tpu.memory_space<semaphore_mem>>) src(%dma_wait3A_45 : memref<79x128xi32, #tpu.memory_space<hbm>>) dst(%arg8 : memref<79x128xi32, #tpu.memory_space<vmem>>)
      tpu.yield
    }) : () -> ()
    %barrier3A = arith.constant 0 : index
    tpu.barrier barrier_id(%barrier3A)
    %eq3A = arith.constant 0 : i32
    %eq3A_9 = arith.cmpi eq, %arg0, %eq3A : i32
    %jit3A = arith.constant 79 : i32
    %jit3A_10 = arith.constant 79 : i32
    %select_n3A = arith.select %eq3A_9, %jit3A, %jit3A_10 : i32
    %sub3A = arith.constant 0 : i32
    %sub3A_11 = arith.subi %select_n3A, %sub3A : i32
    %sub3A_12 = arith.constant 1 : i32
    %sub3A_13 = arith.constant 1 : i32
    %sub3A_14 = arith.subi %sub3A_12, %sub3A_13 : i32
    %add3A_15 = arith.addi %sub3A_11, %sub3A_14 : i32
    %div3A = arith.constant 1 : i32
    %div3A_16 = arith.divsi %add3A_15, %div3A : i32
    %while3A = arith.constant 1 : i32
    %while3A_17 = arith.constant 0 : i32
    %while3A_18 = arith.constant 0 : i32
    %while3A_19 = arith.subi %div3A_16, %while3A_18 : i32
    %while3A_20 = arith.addi %while3A_18, %while3A_19 : i32
    %while3A_21 = arith.constant 1 : i32
    %while3A_22 = arith.divsi %while3A_19, %while3A_21 : i32
    %while3A_23 = arith.muli %while3A_22, %while3A_21 : i32
    %while3A_24 = arith.addi %while3A_18, %while3A_23 : i32
    %while3A_25 = arith.constant 1 : i32
    scf.for %while3A_32 = %while3A_18 to %while3A_24 step %while3A_25  : i32 {
      %mul3A_33 = arith.muli %while3A_32, %while3A : i32
      %add3A_34 = arith.addi %while3A_17, %mul3A_33 : i32
      "tpu.region"() ({
        %run_scoped3A = tpu.sem_alloc : memref<!tpu.dma_semaphore, #tpu.memory_space<semaphore_mem>>
        %dma_start3A = arith.constant 0 : i32
        %dma_start3A_35 = tpu.memref_slice %arg7[%add3A_34, %dma_start3A] : memref<79x128xi32, #tpu.memory_space<vmem>> -> memref<1x128xi32, #tpu.memory_space<vmem>>
        %dma_start3A_36 = tpu.memref_squeeze %dma_start3A_35 : memref<1x128xi32, #tpu.memory_space<vmem>> -> memref<128xi32, #tpu.memory_space<vmem>>
        %dma_start3A_37 = arith.constant 0 : i32
        %dma_start3A_38 = arith.constant 0 : i32
        %dma_start3A_39 = tpu.memref_slice %arg11[%dma_start3A_37, %dma_start3A_38] : memref<10240x64xf32, #tpu.memory_space<vmem_shared>> -> memref<10240x64xf32, #tpu.memory_space<vmem_shared>>
        tpu.enqueue_indirect_dma source(%dma_start3A_39 : memref<10240x64xf32, #tpu.memory_space<vmem_shared>>) target(%arg9 : memref<128x64xf32, #tpu.memory_space<vmem>>) offsets(%dma_start3A_36 : memref<128xi32, #tpu.memory_space<vmem>>) semaphore(%run_scoped3A : memref<!tpu.dma_semaphore, #tpu.memory_space<semaphore_mem>>)
        %dma_wait3A = arith.constant 0 : i32
        %dma_wait3A_40 = tpu.memref_slice %arg7[%add3A_34, %dma_wait3A] : memref<79x128xi32, #tpu.memory_space<vmem>> -> memref<1x128xi32, #tpu.memory_space<vmem>>
        %dma_wait3A_41 = tpu.memref_squeeze %dma_wait3A_40 : memref<1x128xi32, #tpu.memory_space<vmem>> -> memref<128xi32, #tpu.memory_space<vmem>>
        %dma_wait3A_42 = arith.constant 0 : i32
        %dma_wait3A_43 = arith.constant 0 : i32
        %dma_wait3A_44 = tpu.memref_slice %arg11[%dma_wait3A_42, %dma_wait3A_43] : memref<10240x64xf32, #tpu.memory_space<vmem_shared>> -> memref<10240x64xf32, #tpu.memory_space<vmem_shared>>
        tpu.wait_indirect_dma semaphore(%run_scoped3A : memref<!tpu.dma_semaphore, #tpu.memory_space<semaphore_mem>>) src(%dma_wait3A_44 : memref<10240x64xf32, #tpu.memory_space<vmem_shared>>) dst(%arg9 : memref<128x64xf32, #tpu.memory_space<vmem>>)
        tpu.yield
      }) : () -> ()
      "tpu.region"() ({
        %run_scoped3A = tpu.sem_alloc : memref<!tpu.dma_semaphore, #tpu.memory_space<semaphore_mem>>
        %dma_start3A = arith.constant 0 : i32
        %dma_start3A_35 = tpu.memref_slice %arg8[%add3A_34, %dma_start3A] : memref<79x128xi32, #tpu.memory_space<vmem>> -> memref<1x128xi32, #tpu.memory_space<vmem>>
        %dma_start3A_36 = tpu.memref_squeeze %dma_start3A_35 : memref<1x128xi32, #tpu.memory_space<vmem>> -> memref<128xi32, #tpu.memory_space<vmem>>
        %dma_start3A_37 = arith.constant 0 : i32
        %dma_start3A_38 = arith.constant 0 : i32
        %dma_start3A_39 = tpu.memref_slice %arg10[%dma_start3A_37, %dma_start3A_38] : memref<10240x64xf32, #tpu.memory_space<vmem_shared>> -> memref<10240x64xf32, #tpu.memory_space<vmem_shared>>
        tpu.enqueue_indirect_dma source(%arg9 : memref<128x64xf32, #tpu.memory_space<vmem>>) target(%dma_start3A_39 : memref<10240x64xf32, #tpu.memory_space<vmem_shared>>) offsets(%dma_start3A_36 : memref<128xi32, #tpu.memory_space<vmem>>) semaphore(%run_scoped3A : memref<!tpu.dma_semaphore, #tpu.memory_space<semaphore_mem>>) {add = true}
        %dma_wait3A = arith.constant 0 : i32
        %dma_wait3A_40 = tpu.memref_slice %arg8[%add3A_34, %dma_wait3A] : memref<79x128xi32, #tpu.memory_space<vmem>> -> memref<1x128xi32, #tpu.memory_space<vmem>>
        %dma_wait3A_41 = tpu.memref_squeeze %dma_wait3A_40 : memref<1x128xi32, #tpu.memory_space<vmem>> -> memref<128xi32, #tpu.memory_space<vmem>>
        %dma_wait3A_42 = arith.constant 0 : i32
        %dma_wait3A_43 = arith.constant 0 : i32
        %dma_wait3A_44 = tpu.memref_slice %arg10[%dma_wait3A_42, %dma_wait3A_43] : memref<10240x64xf32, #tpu.memory_space<vmem_shared>> -> memref<10240x64xf32, #tpu.memory_space<vmem_shared>>
        tpu.wait_indirect_dma semaphore(%run_scoped3A : memref<!tpu.dma_semaphore, #tpu.memory_space<semaphore_mem>>) src(%arg9 : memref<128x64xf32, #tpu.memory_space<vmem>>) dst(%dma_wait3A_44 : memref<10240x64xf32, #tpu.memory_space<vmem_shared>>)
        tpu.yield
      }) : () -> ()
    }
    %while3A_26 = arith.constant 1 : i32
    scf.for %while3A_32 = %while3A_24 to %while3A_20 step %while3A_26  : i32 {
      %mul3A_33 = arith.muli %while3A_32, %while3A : i32
      %add3A_34 = arith.addi %while3A_17, %mul3A_33 : i32
      "tpu.region"() ({
        %run_scoped3A = tpu.sem_alloc : memref<!tpu.dma_semaphore, #tpu.memory_space<semaphore_mem>>
        %dma_start3A = arith.constant 0 : i32
        %dma_start3A_35 = tpu.memref_slice %arg7[%add3A_34, %dma_start3A] : memref<79x128xi32, #tpu.memory_space<vmem>> -> memref<1x128xi32, #tpu.memory_space<vmem>>
        %dma_start3A_36 = tpu.memref_squeeze %dma_start3A_35 : memref<1x128xi32, #tpu.memory_space<vmem>> -> memref<128xi32, #tpu.memory_space<vmem>>
        %dma_start3A_37 = arith.constant 0 : i32
        %dma_start3A_38 = arith.constant 0 : i32
        %dma_start3A_39 = tpu.memref_slice %arg11[%dma_start3A_37, %dma_start3A_38] : memref<10240x64xf32, #tpu.memory_space<vmem_shared>> -> memref<10240x64xf32, #tpu.memory_space<vmem_shared>>
        tpu.enqueue_indirect_dma source(%dma_start3A_39 : memref<10240x64xf32, #tpu.memory_space<vmem_shared>>) target(%arg9 : memref<128x64xf32, #tpu.memory_space<vmem>>) offsets(%dma_start3A_36 : memref<128xi32, #tpu.memory_space<vmem>>) semaphore(%run_scoped3A : memref<!tpu.dma_semaphore, #tpu.memory_space<semaphore_mem>>)
        %dma_wait3A = arith.constant 0 : i32
        %dma_wait3A_40 = tpu.memref_slice %arg7[%add3A_34, %dma_wait3A] : memref<79x128xi32, #tpu.memory_space<vmem>> -> memref<1x128xi32, #tpu.memory_space<vmem>>
        %dma_wait3A_41 = tpu.memref_squeeze %dma_wait3A_40 : memref<1x128xi32, #tpu.memory_space<vmem>> -> memref<128xi32, #tpu.memory_space<vmem>>
        %dma_wait3A_42 = arith.constant 0 : i32
        %dma_wait3A_43 = arith.constant 0 : i32
        %dma_wait3A_44 = tpu.memref_slice %arg11[%dma_wait3A_42, %dma_wait3A_43] : memref<10240x64xf32, #tpu.memory_space<vmem_shared>> -> memref<10240x64xf32, #tpu.memory_space<vmem_shared>>
        tpu.wait_indirect_dma semaphore(%run_scoped3A : memref<!tpu.dma_semaphore, #tpu.memory_space<semaphore_mem>>) src(%dma_wait3A_44 : memref<10240x64xf32, #tpu.memory_space<vmem_shared>>) dst(%arg9 : memref<128x64xf32, #tpu.memory_space<vmem>>)
        tpu.yield
      }) : () -> ()
      "tpu.region"() ({
        %run_scoped3A = tpu.sem_alloc : memref<!tpu.dma_semaphore, #tpu.memory_space<semaphore_mem>>
        %dma_start3A = arith.constant 0 : i32
        %dma_start3A_35 = tpu.memref_slice %arg8[%add3A_34, %dma_start3A] : memref<79x128xi32, #tpu.memory_space<vmem>> -> memref<1x128xi32, #tpu.memory_space<vmem>>
        %dma_start3A_36 = tpu.memref_squeeze %dma_start3A_35 : memref<1x128xi32, #tpu.memory_space<vmem>> -> memref<128xi32, #tpu.memory_space<vmem>>
        %dma_start3A_37 = arith.constant 0 : i32
        %dma_start3A_38 = arith.constant 0 : i32
        %dma_start3A_39 = tpu.memref_slice %arg10[%dma_start3A_37, %dma_start3A_38] : memref<10240x64xf32, #tpu.memory_space<vmem_shared>> -> memref<10240x64xf32, #tpu.memory_space<vmem_shared>>
        tpu.enqueue_indirect_dma source(%arg9 : memref<128x64xf32, #tpu.memory_space<vmem>>) target(%dma_start3A_39 : memref<10240x64xf32, #tpu.memory_space<vmem_shared>>) offsets(%dma_start3A_36 : memref<128xi32, #tpu.memory_space<vmem>>) semaphore(%run_scoped3A : memref<!tpu.dma_semaphore, #tpu.memory_space<semaphore_mem>>) {add = true}
        %dma_wait3A = arith.constant 0 : i32
        %dma_wait3A_40 = tpu.memref_slice %arg8[%add3A_34, %dma_wait3A] : memref<79x128xi32, #tpu.memory_space<vmem>> -> memref<1x128xi32, #tpu.memory_space<vmem>>
        %dma_wait3A_41 = tpu.memref_squeeze %dma_wait3A_40 : memref<1x128xi32, #tpu.memory_space<vmem>> -> memref<128xi32, #tpu.memory_space<vmem>>
        %dma_wait3A_42 = arith.constant 0 : i32
        %dma_wait3A_43 = arith.constant 0 : i32
        %dma_wait3A_44 = tpu.memref_slice %arg10[%dma_wait3A_42, %dma_wait3A_43] : memref<10240x64xf32, #tpu.memory_space<vmem_shared>> -> memref<10240x64xf32, #tpu.memory_space<vmem_shared>>
        tpu.wait_indirect_dma semaphore(%run_scoped3A : memref<!tpu.dma_semaphore, #tpu.memory_space<semaphore_mem>>) src(%arg9 : memref<128x64xf32, #tpu.memory_space<vmem>>) dst(%dma_wait3A_44 : memref<10240x64xf32, #tpu.memory_space<vmem_shared>>)
        tpu.yield
      }) : () -> ()
    }
    %barrier3A_27 = arith.constant 0 : index
    tpu.barrier barrier_id(%barrier3A_27)
    %mul3A_28 = arith.constant 640 : i32
    %mul3A_29 = arith.muli %arg1, %mul3A_28 : i32
    %mul3A_30 = arith.constant 640 : i32
    %mul3A_31 = arith.muli %arg1, %mul3A_30 : i32
    "tpu.region"() ({
      %run_scoped3A = tpu.sem_alloc : memref<!tpu.dma_semaphore, #tpu.memory_space<semaphore_mem>>
      %dma_start3A = arith.constant 0 : i32
      %dma_start3A_32 = tpu.memref_slice %arg6[%arg0, %mul3A_31, %dma_start3A] : memref<2x10240x64xf32, #tpu.memory_space<hbm>> -> memref<1x640x64xf32, #tpu.memory_space<hbm>>
      %dma_start3A_33 = tpu.memref_squeeze %dma_start3A_32 : memref<1x640x64xf32, #tpu.memory_space<hbm>> -> memref<640x64xf32, #tpu.memory_space<hbm>>
      %dma_start3A_34 = arith.constant 0 : i32
      %dma_start3A_35 = tpu.memref_slice %arg10[%mul3A_29, %dma_start3A_34] : memref<10240x64xf32, #tpu.memory_space<vmem_shared>> -> memref<640x64xf32, #tpu.memory_space<vmem_shared>>
      tpu.enqueue_dma source(%dma_start3A_35 : memref<640x64xf32, #tpu.memory_space<vmem_shared>>) target(%dma_start3A_33 : memref<640x64xf32, #tpu.memory_space<hbm>>) target_semaphore(%run_scoped3A : memref<!tpu.dma_semaphore, #tpu.memory_space<semaphore_mem>>)
      %dma_wait3A = arith.constant 0 : i32
      %dma_wait3A_36 = tpu.memref_slice %arg6[%arg0, %mul3A_31, %dma_wait3A] : memref<2x10240x64xf32, #tpu.memory_space<hbm>> -> memref<1x640x64xf32, #tpu.memory_space<hbm>>
      %dma_wait3A_37 = tpu.memref_squeeze %dma_wait3A_36 : memref<1x640x64xf32, #tpu.memory_space<hbm>> -> memref<640x64xf32, #tpu.memory_space<hbm>>
      %dma_wait3A_38 = arith.constant 0 : i32
      %dma_wait3A_39 = tpu.memref_slice %arg10[%mul3A_29, %dma_wait3A_38] : memref<10240x64xf32, #tpu.memory_space<vmem_shared>> -> memref<640x64xf32, #tpu.memory_space<vmem_shared>>
      tpu.wait_dma2 semaphore(%run_scoped3A : memref<!tpu.dma_semaphore, #tpu.memory_space<semaphore_mem>>) src(%dma_wait3A_39 : memref<640x64xf32, #tpu.memory_space<vmem_shared>>) dst(%dma_wait3A_37 : memref<640x64xf32, #tpu.memory_space<hbm>>)
      tpu.yield
    }) : () -> ()
    return
  }
}

#map = affine_map<(d0, d1) -> (0, 0)>
#map1 = affine_map<(d0, d1) -> (0, 0, 0)>
module attributes {stable_mosaic.version = 14 : i64} {
  func.func @_k(%arg0: i32, %arg1: i32, %arg2: memref<10240x64xf32, #tpu.memory_space<hbm>>, %arg3: memref<32x79x128xi32, #tpu.memory_space<hbm>>, %arg4: memref<32x79x128xi32, #tpu.memory_space<hbm>>, %arg5: memref<10240x64xf32, #tpu.memory_space<hbm>>, %arg6: memref<2x10240x64xf32, #tpu.memory_space<hbm>>, %arg7: memref<79x128xi32, #tpu.memory_space<vmem>>, %arg8: memref<79x128xi32, #tpu.memory_space<vmem>>, %arg9: memref<128x64xf32, #tpu.memory_space<vmem>>, %arg10: memref<10240x64xf32, #tpu.memory_space<vmem_shared>>, %arg11: memref<10240x64xf32, #tpu.memory_space<vmem_shared>>) attributes {dimension_semantics = [#tpu.dimension_semantics<core_parallel>, #tpu.dimension_semantics<subcore_parallel>], iteration_bounds = array<i64: 2, 16>, scalar_prefetch = 0 : i64, scratch_operands = 5 : i64, tpu.core_type = #tpu.core_type<sc_vector_subcore>, window_params = [{transform_indices = #map}, {transform_indices = #map1}, {transform_indices = #map1}, {transform_indices = #map}, {transform_indices = #map1}]} {
    %mul3A = arith.constant 16 : i32
    %mul3A_0 = arith.muli %arg0, %mul3A : i32
    %add3A = arith.addi %mul3A_0, %arg1 : i32
    %mul3A_1 = arith.constant 640 : i32
    %mul3A_2 = arith.muli %arg1, %mul3A_1 : i32
    %mul3A_3 = arith.constant 640 : i32
    %mul3A_4 = arith.muli %arg1, %mul3A_3 : i32
    "tpu.region"() ({
      %run_scoped3A = tpu.sem_alloc : memref<!tpu.dma_semaphore, #tpu.memory_space<semaphore_mem>>
      %dma_start3A = arith.constant 0 : i32
      %dma_start3A_32 = tpu.memref_slice %arg10[%mul3A_4, %dma_start3A] : memref<10240x64xf32, #tpu.memory_space<vmem_shared>> -> memref<640x64xf32, #tpu.memory_space<vmem_shared>>
      %dma_start3A_33 = arith.constant 0 : i32
      %dma_start3A_34 = tpu.memref_slice %arg5[%mul3A_2, %dma_start3A_33] : memref<10240x64xf32, #tpu.memory_space<hbm>> -> memref<640x64xf32, #tpu.memory_space<hbm>>
      tpu.enqueue_dma source(%dma_start3A_34 : memref<640x64xf32, #tpu.memory_space<hbm>>) target(%dma_start3A_32 : memref<640x64xf32, #tpu.memory_space<vmem_shared>>) target_semaphore(%run_scoped3A : memref<!tpu.dma_semaphore, #tpu.memory_space<semaphore_mem>>)
      %dma_wait3A = arith.constant 0 : i32
      %dma_wait3A_35 = tpu.memref_slice %arg10[%mul3A_4, %dma_wait3A] : memref<10240x64xf32, #tpu.memory_space<vmem_shared>> -> memref<640x64xf32, #tpu.memory_space<vmem_shared>>
      %dma_wait3A_36 = arith.constant 0 : i32
      %dma_wait3A_37 = tpu.memref_slice %arg5[%mul3A_2, %dma_wait3A_36] : memref<10240x64xf32, #tpu.memory_space<hbm>> -> memref<640x64xf32, #tpu.memory_space<hbm>>
      tpu.wait_dma2 semaphore(%run_scoped3A : memref<!tpu.dma_semaphore, #tpu.memory_space<semaphore_mem>>) src(%dma_wait3A_37 : memref<640x64xf32, #tpu.memory_space<hbm>>) dst(%dma_wait3A_35 : memref<640x64xf32, #tpu.memory_space<vmem_shared>>)
      tpu.yield
    }) : () -> ()
    %mul3A_5 = arith.constant 640 : i32
    %mul3A_6 = arith.muli %arg1, %mul3A_5 : i32
    %mul3A_7 = arith.constant 640 : i32
    %mul3A_8 = arith.muli %arg1, %mul3A_7 : i32
    "tpu.region"() ({
      %run_scoped3A = tpu.sem_alloc : memref<!tpu.dma_semaphore, #tpu.memory_space<semaphore_mem>>
      %dma_start3A = arith.constant 0 : i32
      %dma_start3A_32 = tpu.memref_slice %arg11[%mul3A_8, %dma_start3A] : memref<10240x64xf32, #tpu.memory_space<vmem_shared>> -> memref<640x64xf32, #tpu.memory_space<vmem_shared>>
      %dma_start3A_33 = arith.constant 0 : i32
      %dma_start3A_34 = tpu.memref_slice %arg2[%mul3A_6, %dma_start3A_33] : memref<10240x64xf32, #tpu.memory_space<hbm>> -> memref<640x64xf32, #tpu.memory_space<hbm>>
      tpu.enqueue_dma source(%dma_start3A_34 : memref<640x64xf32, #tpu.memory_space<hbm>>) target(%dma_start3A_32 : memref<640x64xf32, #tpu.memory_space<vmem_shared>>) target_semaphore(%run_scoped3A : memref<!tpu.dma_semaphore, #tpu.memory_space<semaphore_mem>>)
      %dma_wait3A = arith.constant 0 : i32
      %dma_wait3A_35 = tpu.memref_slice %arg11[%mul3A_8, %dma_wait3A] : memref<10240x64xf32, #tpu.memory_space<vmem_shared>> -> memref<640x64xf32, #tpu.memory_space<vmem_shared>>
      %dma_wait3A_36 = arith.constant 0 : i32
      %dma_wait3A_37 = tpu.memref_slice %arg2[%mul3A_6, %dma_wait3A_36] : memref<10240x64xf32, #tpu.memory_space<hbm>> -> memref<640x64xf32, #tpu.memory_space<hbm>>
      tpu.wait_dma2 semaphore(%run_scoped3A : memref<!tpu.dma_semaphore, #tpu.memory_space<semaphore_mem>>) src(%dma_wait3A_37 : memref<640x64xf32, #tpu.memory_space<hbm>>) dst(%dma_wait3A_35 : memref<640x64xf32, #tpu.memory_space<vmem_shared>>)
      tpu.yield
    }) : () -> ()
    "tpu.region"() ({
      %run_scoped3A = tpu.sem_alloc : memref<!tpu.dma_semaphore, #tpu.memory_space<semaphore_mem>>
      %dma_start3A = arith.constant 0 : i32
      %dma_start3A_32 = arith.constant 0 : i32
      %dma_start3A_33 = tpu.memref_slice %arg3[%add3A, %dma_start3A, %dma_start3A_32] : memref<32x79x128xi32, #tpu.memory_space<hbm>> -> memref<1x79x128xi32, #tpu.memory_space<hbm>>
      %dma_start3A_34 = tpu.memref_squeeze %dma_start3A_33 : memref<1x79x128xi32, #tpu.memory_space<hbm>> -> memref<79x128xi32, #tpu.memory_space<hbm>>
      %dma_start3A_35 = arith.constant 0 : i32
      %dma_start3A_36 = arith.constant 0 : i32
      %dma_start3A_37 = tpu.memref_slice %arg3[%add3A, %dma_start3A_35, %dma_start3A_36] : memref<32x79x128xi32, #tpu.memory_space<hbm>> -> memref<1x79x128xi32, #tpu.memory_space<hbm>>
      %dma_start3A_38 = tpu.memref_squeeze %dma_start3A_37 : memref<1x79x128xi32, #tpu.memory_space<hbm>> -> memref<79x128xi32, #tpu.memory_space<hbm>>
      tpu.enqueue_dma source(%dma_start3A_38 : memref<79x128xi32, #tpu.memory_space<hbm>>) target(%arg7 : memref<79x128xi32, #tpu.memory_space<vmem>>) target_semaphore(%run_scoped3A : memref<!tpu.dma_semaphore, #tpu.memory_space<semaphore_mem>>)
      %dma_wait3A = arith.constant 0 : i32
      %dma_wait3A_39 = arith.constant 0 : i32
      %dma_wait3A_40 = tpu.memref_slice %arg3[%add3A, %dma_wait3A, %dma_wait3A_39] : memref<32x79x128xi32, #tpu.memory_space<hbm>> -> memref<1x79x128xi32, #tpu.memory_space<hbm>>
      %dma_wait3A_41 = tpu.memref_squeeze %dma_wait3A_40 : memref<1x79x128xi32, #tpu.memory_space<hbm>> -> memref<79x128xi32, #tpu.memory_space<hbm>>
      %dma_wait3A_42 = arith.constant 0 : i32
      %dma_wait3A_43 = arith.constant 0 : i32
      %dma_wait3A_44 = tpu.memref_slice %arg3[%add3A, %dma_wait3A_42, %dma_wait3A_43] : memref<32x79x128xi32, #tpu.memory_space<hbm>> -> memref<1x79x128xi32, #tpu.memory_space<hbm>>
      %dma_wait3A_45 = tpu.memref_squeeze %dma_wait3A_44 : memref<1x79x128xi32, #tpu.memory_space<hbm>> -> memref<79x128xi32, #tpu.memory_space<hbm>>
      tpu.wait_dma2 semaphore(%run_scoped3A : memref<!tpu.dma_semaphore, #tpu.memory_space<semaphore_mem>>) src(%dma_wait3A_45 : memref<79x128xi32, #tpu.memory_space<hbm>>) dst(%arg7 : memref<79x128xi32, #tpu.memory_space<vmem>>)
      tpu.yield
    }) : () -> ()
    "tpu.region"() ({
      %run_scoped3A = tpu.sem_alloc : memref<!tpu.dma_semaphore, #tpu.memory_space<semaphore_mem>>
      %dma_start3A = arith.constant 0 : i32
      %dma_start3A_32 = arith.constant 0 : i32
      %dma_start3A_33 = tpu.memref_slice %arg4[%add3A, %dma_start3A, %dma_start3A_32] : memref<32x79x128xi32, #tpu.memory_space<hbm>> -> memref<1x79x128xi32, #tpu.memory_space<hbm>>
      %dma_start3A_34 = tpu.memref_squeeze %dma_start3A_33 : memref<1x79x128xi32, #tpu.memory_space<hbm>> -> memref<79x128xi32, #tpu.memory_space<hbm>>
      %dma_start3A_35 = arith.constant 0 : i32
      %dma_start3A_36 = arith.constant 0 : i32
      %dma_start3A_37 = tpu.memref_slice %arg4[%add3A, %dma_start3A_35, %dma_start3A_36] : memref<32x79x128xi32, #tpu.memory_space<hbm>> -> memref<1x79x128xi32, #tpu.memory_space<hbm>>
      %dma_start3A_38 = tpu.memref_squeeze %dma_start3A_37 : memref<1x79x128xi32, #tpu.memory_space<hbm>> -> memref<79x128xi32, #tpu.memory_space<hbm>>
      tpu.enqueue_dma source(%dma_start3A_38 : memref<79x128xi32, #tpu.memory_space<hbm>>) target(%arg8 : memref<79x128xi32, #tpu.memory_space<vmem>>) target_semaphore(%run_scoped3A : memref<!tpu.dma_semaphore, #tpu.memory_space<semaphore_mem>>)
      %dma_wait3A = arith.constant 0 : i32
      %dma_wait3A_39 = arith.constant 0 : i32
      %dma_wait3A_40 = tpu.memref_slice %arg4[%add3A, %dma_wait3A, %dma_wait3A_39] : memref<32x79x128xi32, #tpu.memory_space<hbm>> -> memref<1x79x128xi32, #tpu.memory_space<hbm>>
      %dma_wait3A_41 = tpu.memref_squeeze %dma_wait3A_40 : memref<1x79x128xi32, #tpu.memory_space<hbm>> -> memref<79x128xi32, #tpu.memory_space<hbm>>
      %dma_wait3A_42 = arith.constant 0 : i32
      %dma_wait3A_43 = arith.constant 0 : i32
      %dma_wait3A_44 = tpu.memref_slice %arg4[%add3A, %dma_wait3A_42, %dma_wait3A_43] : memref<32x79x128xi32, #tpu.memory_space<hbm>> -> memref<1x79x128xi32, #tpu.memory_space<hbm>>
      %dma_wait3A_45 = tpu.memref_squeeze %dma_wait3A_44 : memref<1x79x128xi32, #tpu.memory_space<hbm>> -> memref<79x128xi32, #tpu.memory_space<hbm>>
      tpu.wait_dma2 semaphore(%run_scoped3A : memref<!tpu.dma_semaphore, #tpu.memory_space<semaphore_mem>>) src(%dma_wait3A_45 : memref<79x128xi32, #tpu.memory_space<hbm>>) dst(%arg8 : memref<79x128xi32, #tpu.memory_space<vmem>>)
      tpu.yield
    }) : () -> ()
    %barrier3A = arith.constant 0 : index
    tpu.barrier barrier_id(%barrier3A)
    %eq3A = arith.constant 0 : i32
    %eq3A_9 = arith.cmpi eq, %arg0, %eq3A : i32
    %jit3A = arith.constant 79 : i32
    %jit3A_10 = arith.constant 79 : i32
    %select_n3A = arith.select %eq3A_9, %jit3A, %jit3A_10 : i32
    %sub3A = arith.constant 0 : i32
    %sub3A_11 = arith.subi %select_n3A, %sub3A : i32
    %sub3A_12 = arith.constant 1 : i32
    %sub3A_13 = arith.constant 1 : i32
    %sub3A_14 = arith.subi %sub3A_12, %sub3A_13 : i32
    %add3A_15 = arith.addi %sub3A_11, %sub3A_14 : i32
    %div3A = arith.constant 1 : i32
    %div3A_16 = arith.divsi %add3A_15, %div3A : i32
    %while3A = arith.constant 1 : i32
    %while3A_17 = arith.constant 0 : i32
    %while3A_18 = arith.constant 0 : i32
    %while3A_19 = arith.subi %div3A_16, %while3A_18 : i32
    %while3A_20 = arith.addi %while3A_18, %while3A_19 : i32
    %while3A_21 = arith.constant 1 : i32
    %while3A_22 = arith.divsi %while3A_19, %while3A_21 : i32
    %while3A_23 = arith.muli %while3A_22, %while3A_21 : i32
    %while3A_24 = arith.addi %while3A_18, %while3A_23 : i32
    %while3A_25 = arith.constant 1 : i32
    scf.for %while3A_32 = %while3A_18 to %while3A_24 step %while3A_25  : i32 {
      %mul3A_33 = arith.muli %while3A_32, %while3A : i32
      %add3A_34 = arith.addi %while3A_17, %mul3A_33 : i32
      "tpu.region"() ({
        %run_scoped3A = tpu.sem_alloc : memref<!tpu.dma_semaphore, #tpu.memory_space<semaphore_mem>>
        %dma_start3A = arith.constant 0 : i32
        %dma_start3A_35 = tpu.memref_slice %arg7[%add3A_34, %dma_start3A] : memref<79x128xi32, #tpu.memory_space<vmem>> -> memref<1x128xi32, #tpu.memory_space<vmem>>
        %dma_start3A_36 = tpu.memref_squeeze %dma_start3A_35 : memref<1x128xi32, #tpu.memory_space<vmem>> -> memref<128xi32, #tpu.memory_space<vmem>>
        %dma_start3A_37 = arith.constant 0 : i32
        %dma_start3A_38 = arith.constant 0 : i32
        %dma_start3A_39 = tpu.memref_slice %arg11[%dma_start3A_37, %dma_start3A_38] : memref<10240x64xf32, #tpu.memory_space<vmem_shared>> -> memref<10240x64xf32, #tpu.memory_space<vmem_shared>>
        tpu.enqueue_indirect_dma source(%dma_start3A_39 : memref<10240x64xf32, #tpu.memory_space<vmem_shared>>) target(%arg9 : memref<128x64xf32, #tpu.memory_space<vmem>>) offsets(%dma_start3A_36 : memref<128xi32, #tpu.memory_space<vmem>>) semaphore(%run_scoped3A : memref<!tpu.dma_semaphore, #tpu.memory_space<semaphore_mem>>)
        %dma_wait3A = arith.constant 0 : i32
        %dma_wait3A_40 = tpu.memref_slice %arg7[%add3A_34, %dma_wait3A] : memref<79x128xi32, #tpu.memory_space<vmem>> -> memref<1x128xi32, #tpu.memory_space<vmem>>
        %dma_wait3A_41 = tpu.memref_squeeze %dma_wait3A_40 : memref<1x128xi32, #tpu.memory_space<vmem>> -> memref<128xi32, #tpu.memory_space<vmem>>
        %dma_wait3A_42 = arith.constant 0 : i32
        %dma_wait3A_43 = arith.constant 0 : i32
        %dma_wait3A_44 = tpu.memref_slice %arg11[%dma_wait3A_42, %dma_wait3A_43] : memref<10240x64xf32, #tpu.memory_space<vmem_shared>> -> memref<10240x64xf32, #tpu.memory_space<vmem_shared>>
        tpu.wait_indirect_dma semaphore(%run_scoped3A : memref<!tpu.dma_semaphore, #tpu.memory_space<semaphore_mem>>) src(%dma_wait3A_44 : memref<10240x64xf32, #tpu.memory_space<vmem_shared>>) dst(%arg9 : memref<128x64xf32, #tpu.memory_space<vmem>>)
        tpu.yield
      }) : () -> ()
      "tpu.region"() ({
        %run_scoped3A = tpu.sem_alloc : memref<!tpu.dma_semaphore, #tpu.memory_space<semaphore_mem>>
        %dma_start3A = arith.constant 0 : i32
        %dma_start3A_35 = tpu.memref_slice %arg8[%add3A_34, %dma_start3A] : memref<79x128xi32, #tpu.memory_space<vmem>> -> memref<1x128xi32, #tpu.memory_space<vmem>>
        %dma_start3A_36 = tpu.memref_squeeze %dma_start3A_35 : memref<1x128xi32, #tpu.memory_space<vmem>> -> memref<128xi32, #tpu.memory_space<vmem>>
        %dma_start3A_37 = arith.constant 0 : i32
        %dma_start3A_38 = arith.constant 0 : i32
        %dma_start3A_39 = tpu.memref_slice %arg10[%dma_start3A_37, %dma_start3A_38] : memref<10240x64xf32, #tpu.memory_space<vmem_shared>> -> memref<10240x64xf32, #tpu.memory_space<vmem_shared>>
        tpu.enqueue_indirect_dma source(%arg9 : memref<128x64xf32, #tpu.memory_space<vmem>>) target(%dma_start3A_39 : memref<10240x64xf32, #tpu.memory_space<vmem_shared>>) offsets(%dma_start3A_36 : memref<128xi32, #tpu.memory_space<vmem>>) semaphore(%run_scoped3A : memref<!tpu.dma_semaphore, #tpu.memory_space<semaphore_mem>>) {add = true}
        %dma_wait3A = arith.constant 0 : i32
        %dma_wait3A_40 = tpu.memref_slice %arg8[%add3A_34, %dma_wait3A] : memref<79x128xi32, #tpu.memory_space<vmem>> -> memref<1x128xi32, #tpu.memory_space<vmem>>
        %dma_wait3A_41 = tpu.memref_squeeze %dma_wait3A_40 : memref<1x128xi32, #tpu.memory_space<vmem>> -> memref<128xi32, #tpu.memory_space<vmem>>
        %dma_wait3A_42 = arith.constant 0 : i32
        %dma_wait3A_43 = arith.constant 0 : i32
        %dma_wait3A_44 = tpu.memref_slice %arg10[%dma_wait3A_42, %dma_wait3A_43] : memref<10240x64xf32, #tpu.memory_space<vmem_shared>> -> memref<10240x64xf32, #tpu.memory_space<vmem_shared>>
        tpu.wait_indirect_dma semaphore(%run_scoped3A : memref<!tpu.dma_semaphore, #tpu.memory_space<semaphore_mem>>) src(%arg9 : memref<128x64xf32, #tpu.memory_space<vmem>>) dst(%dma_wait3A_44 : memref<10240x64xf32, #tpu.memory_space<vmem_shared>>)
        tpu.yield
      }) : () -> ()
    }
    %while3A_26 = arith.constant 1 : i32
    scf.for %while3A_32 = %while3A_24 to %while3A_20 step %while3A_26  : i32 {
      %mul3A_33 = arith.muli %while3A_32, %while3A : i32
      %add3A_34 = arith.addi %while3A_17, %mul3A_33 : i32
      "tpu.region"() ({
        %run_scoped3A = tpu.sem_alloc : memref<!tpu.dma_semaphore, #tpu.memory_space<semaphore_mem>>
        %dma_start3A = arith.constant 0 : i32
        %dma_start3A_35 = tpu.memref_slice %arg7[%add3A_34, %dma_start3A] : memref<79x128xi32, #tpu.memory_space<vmem>> -> memref<1x128xi32, #tpu.memory_space<vmem>>
        %dma_start3A_36 = tpu.memref_squeeze %dma_start3A_35 : memref<1x128xi32, #tpu.memory_space<vmem>> -> memref<128xi32, #tpu.memory_space<vmem>>
        %dma_start3A_37 = arith.constant 0 : i32
        %dma_start3A_38 = arith.constant 0 : i32
        %dma_start3A_39 = tpu.memref_slice %arg11[%dma_start3A_37, %dma_start3A_38] : memref<10240x64xf32, #tpu.memory_space<vmem_shared>> -> memref<10240x64xf32, #tpu.memory_space<vmem_shared>>
        tpu.enqueue_indirect_dma source(%dma_start3A_39 : memref<10240x64xf32, #tpu.memory_space<vmem_shared>>) target(%arg9 : memref<128x64xf32, #tpu.memory_space<vmem>>) offsets(%dma_start3A_36 : memref<128xi32, #tpu.memory_space<vmem>>) semaphore(%run_scoped3A : memref<!tpu.dma_semaphore, #tpu.memory_space<semaphore_mem>>)
        %dma_wait3A = arith.constant 0 : i32
        %dma_wait3A_40 = tpu.memref_slice %arg7[%add3A_34, %dma_wait3A] : memref<79x128xi32, #tpu.memory_space<vmem>> -> memref<1x128xi32, #tpu.memory_space<vmem>>
        %dma_wait3A_41 = tpu.memref_squeeze %dma_wait3A_40 : memref<1x128xi32, #tpu.memory_space<vmem>> -> memref<128xi32, #tpu.memory_space<vmem>>
        %dma_wait3A_42 = arith.constant 0 : i32
        %dma_wait3A_43 = arith.constant 0 : i32
        %dma_wait3A_44 = tpu.memref_slice %arg11[%dma_wait3A_42, %dma_wait3A_43] : memref<10240x64xf32, #tpu.memory_space<vmem_shared>> -> memref<10240x64xf32, #tpu.memory_space<vmem_shared>>
        tpu.wait_indirect_dma semaphore(%run_scoped3A : memref<!tpu.dma_semaphore, #tpu.memory_space<semaphore_mem>>) src(%dma_wait3A_44 : memref<10240x64xf32, #tpu.memory_space<vmem_shared>>) dst(%arg9 : memref<128x64xf32, #tpu.memory_space<vmem>>)
        tpu.yield
      }) : () -> ()
      "tpu.region"() ({
        %run_scoped3A = tpu.sem_alloc : memref<!tpu.dma_semaphore, #tpu.memory_space<semaphore_mem>>
        %dma_start3A = arith.constant 0 : i32
        %dma_start3A_35 = tpu.memref_slice %arg8[%add3A_34, %dma_start3A] : memref<79x128xi32, #tpu.memory_space<vmem>> -> memref<1x128xi32, #tpu.memory_space<vmem>>
        %dma_start3A_36 = tpu.memref_squeeze %dma_start3A_35 : memref<1x128xi32, #tpu.memory_space<vmem>> -> memref<128xi32, #tpu.memory_space<vmem>>
        %dma_start3A_37 = arith.constant 0 : i32
        %dma_start3A_38 = arith.constant 0 : i32
        %dma_start3A_39 = tpu.memref_slice %arg10[%dma_start3A_37, %dma_start3A_38] : memref<10240x64xf32, #tpu.memory_space<vmem_shared>> -> memref<10240x64xf32, #tpu.memory_space<vmem_shared>>
        tpu.enqueue_indirect_dma source(%arg9 : memref<128x64xf32, #tpu.memory_space<vmem>>) target(%dma_start3A_39 : memref<10240x64xf32, #tpu.memory_space<vmem_shared>>) offsets(%dma_start3A_36 : memref<128xi32, #tpu.memory_space<vmem>>) semaphore(%run_scoped3A : memref<!tpu.dma_semaphore, #tpu.memory_space<semaphore_mem>>) {add = true}
        %dma_wait3A = arith.constant 0 : i32
        %dma_wait3A_40 = tpu.memref_slice %arg8[%add3A_34, %dma_wait3A] : memref<79x128xi32, #tpu.memory_space<vmem>> -> memref<1x128xi32, #tpu.memory_space<vmem>>
        %dma_wait3A_41 = tpu.memref_squeeze %dma_wait3A_40 : memref<1x128xi32, #tpu.memory_space<vmem>> -> memref<128xi32, #tpu.memory_space<vmem>>
        %dma_wait3A_42 = arith.constant 0 : i32
        %dma_wait3A_43 = arith.constant 0 : i32
        %dma_wait3A_44 = tpu.memref_slice %arg10[%dma_wait3A_42, %dma_wait3A_43] : memref<10240x64xf32, #tpu.memory_space<vmem_shared>> -> memref<10240x64xf32, #tpu.memory_space<vmem_shared>>
        tpu.wait_indirect_dma semaphore(%run_scoped3A : memref<!tpu.dma_semaphore, #tpu.memory_space<semaphore_mem>>) src(%arg9 : memref<128x64xf32, #tpu.memory_space<vmem>>) dst(%dma_wait3A_44 : memref<10240x64xf32, #tpu.memory_space<vmem_shared>>)
        tpu.yield
      }) : () -> ()
    }
    %barrier3A_27 = arith.constant 0 : index
    tpu.barrier barrier_id(%barrier3A_27)
    %mul3A_28 = arith.constant 640 : i32
    %mul3A_29 = arith.muli %arg1, %mul3A_28 : i32
    %mul3A_30 = arith.constant 640 : i32
    %mul3A_31 = arith.muli %arg1, %mul3A_30 : i32
    "tpu.region"() ({
      %run_scoped3A = tpu.sem_alloc : memref<!tpu.dma_semaphore, #tpu.memory_space<semaphore_mem>>
      %dma_start3A = arith.constant 0 : i32
      %dma_start3A_32 = tpu.memref_slice %arg6[%arg0, %mul3A_31, %dma_start3A] : memref<2x10240x64xf32, #tpu.memory_space<hbm>> -> memref<1x640x64xf32, #tpu.memory_space<hbm>>
      %dma_start3A_33 = tpu.memref_squeeze %dma_start3A_32 : memref<1x640x64xf32, #tpu.memory_space<hbm>> -> memref<640x64xf32, #tpu.memory_space<hbm>>
      %dma_start3A_34 = arith.constant 0 : i32
      %dma_start3A_35 = tpu.memref_slice %arg10[%mul3A_29, %dma_start3A_34] : memref<10240x64xf32, #tpu.memory_space<vmem_shared>> -> memref<640x64xf32, #tpu.memory_space<vmem_shared>>
      tpu.enqueue_dma source(%dma_start3A_35 : memref<640x64xf32, #tpu.memory_space<vmem_shared>>) target(%dma_start3A_33 : memref<640x64xf32, #tpu.memory_space<hbm>>) target_semaphore(%run_scoped3A : memref<!tpu.dma_semaphore, #tpu.memory_space<semaphore_mem>>)
      %dma_wait3A = arith.constant 0 : i32
      %dma_wait3A_36 = tpu.memref_slice %arg6[%arg0, %mul3A_31, %dma_wait3A] : memref<2x10240x64xf32, #tpu.memory_space<hbm>> -> memref<1x640x64xf32, #tpu.memory_space<hbm>>
      %dma_wait3A_37 = tpu.memref_squeeze %dma_wait3A_36 : memref<1x640x64xf32, #tpu.memory_space<hbm>> -> memref<640x64xf32, #tpu.memory_space<hbm>>
      %dma_wait3A_38 = arith.constant 0 : i32
      %dma_wait3A_39 = tpu.memref_slice %arg10[%mul3A_29, %dma_wait3A_38] : memref<10240x64xf32, #tpu.memory_space<vmem_shared>> -> memref<640x64xf32, #tpu.memory_space<vmem_shared>>
      tpu.wait_dma2 semaphore(%run_scoped3A : memref<!tpu.dma_semaphore, #tpu.memory_space<semaphore_mem>>) src(%dma_wait3A_39 : memref<640x64xf32, #tpu.memory_space<vmem_shared>>) dst(%dma_wait3A_37 : memref<640x64xf32, #tpu.memory_space<hbm>>)
      tpu.yield
    }) : () -> ()
    return
  }
}

#map = affine_map<(d0, d1) -> (0, 0)>
#map1 = affine_map<(d0, d1) -> (0, 0, 0)>
module attributes {stable_mosaic.version = 14 : i64} {
  func.func @_k(%arg0: i32, %arg1: i32, %arg2: memref<10240x64xf32, #tpu.memory_space<hbm>>, %arg3: memref<32x79x128xi32, #tpu.memory_space<hbm>>, %arg4: memref<32x79x128xi32, #tpu.memory_space<hbm>>, %arg5: memref<10240x64xf32, #tpu.memory_space<hbm>>, %arg6: memref<2x10240x64xf32, #tpu.memory_space<hbm>>, %arg7: memref<79x128xi32, #tpu.memory_space<vmem>>, %arg8: memref<79x128xi32, #tpu.memory_space<vmem>>, %arg9: memref<128x64xf32, #tpu.memory_space<vmem>>, %arg10: memref<10240x64xf32, #tpu.memory_space<vmem_shared>>, %arg11: memref<10240x64xf32, #tpu.memory_space<vmem_shared>>) attributes {dimension_semantics = [#tpu.dimension_semantics<core_parallel>, #tpu.dimension_semantics<subcore_parallel>], iteration_bounds = array<i64: 2, 16>, scalar_prefetch = 0 : i64, scratch_operands = 5 : i64, tpu.core_type = #tpu.core_type<sc_vector_subcore>, window_params = [{transform_indices = #map}, {transform_indices = #map1}, {transform_indices = #map1}, {transform_indices = #map}, {transform_indices = #map1}]} {
    %mul3A = arith.constant 16 : i32
    %mul3A_0 = arith.muli %arg0, %mul3A : i32
    %add3A = arith.addi %mul3A_0, %arg1 : i32
    %mul3A_1 = arith.constant 640 : i32
    %mul3A_2 = arith.muli %arg1, %mul3A_1 : i32
    %mul3A_3 = arith.constant 640 : i32
    %mul3A_4 = arith.muli %arg1, %mul3A_3 : i32
    "tpu.region"() ({
      %run_scoped3A = tpu.sem_alloc : memref<!tpu.dma_semaphore, #tpu.memory_space<semaphore_mem>>
      %dma_start3A = arith.constant 0 : i32
      %dma_start3A_32 = tpu.memref_slice %arg10[%mul3A_4, %dma_start3A] : memref<10240x64xf32, #tpu.memory_space<vmem_shared>> -> memref<640x64xf32, #tpu.memory_space<vmem_shared>>
      %dma_start3A_33 = arith.constant 0 : i32
      %dma_start3A_34 = tpu.memref_slice %arg5[%mul3A_2, %dma_start3A_33] : memref<10240x64xf32, #tpu.memory_space<hbm>> -> memref<640x64xf32, #tpu.memory_space<hbm>>
      tpu.enqueue_dma source(%dma_start3A_34 : memref<640x64xf32, #tpu.memory_space<hbm>>) target(%dma_start3A_32 : memref<640x64xf32, #tpu.memory_space<vmem_shared>>) target_semaphore(%run_scoped3A : memref<!tpu.dma_semaphore, #tpu.memory_space<semaphore_mem>>)
      %dma_wait3A = arith.constant 0 : i32
      %dma_wait3A_35 = tpu.memref_slice %arg10[%mul3A_4, %dma_wait3A] : memref<10240x64xf32, #tpu.memory_space<vmem_shared>> -> memref<640x64xf32, #tpu.memory_space<vmem_shared>>
      %dma_wait3A_36 = arith.constant 0 : i32
      %dma_wait3A_37 = tpu.memref_slice %arg5[%mul3A_2, %dma_wait3A_36] : memref<10240x64xf32, #tpu.memory_space<hbm>> -> memref<640x64xf32, #tpu.memory_space<hbm>>
      tpu.wait_dma2 semaphore(%run_scoped3A : memref<!tpu.dma_semaphore, #tpu.memory_space<semaphore_mem>>) src(%dma_wait3A_37 : memref<640x64xf32, #tpu.memory_space<hbm>>) dst(%dma_wait3A_35 : memref<640x64xf32, #tpu.memory_space<vmem_shared>>)
      tpu.yield
    }) : () -> ()
    %mul3A_5 = arith.constant 640 : i32
    %mul3A_6 = arith.muli %arg1, %mul3A_5 : i32
    %mul3A_7 = arith.constant 640 : i32
    %mul3A_8 = arith.muli %arg1, %mul3A_7 : i32
    "tpu.region"() ({
      %run_scoped3A = tpu.sem_alloc : memref<!tpu.dma_semaphore, #tpu.memory_space<semaphore_mem>>
      %dma_start3A = arith.constant 0 : i32
      %dma_start3A_32 = tpu.memref_slice %arg11[%mul3A_8, %dma_start3A] : memref<10240x64xf32, #tpu.memory_space<vmem_shared>> -> memref<640x64xf32, #tpu.memory_space<vmem_shared>>
      %dma_start3A_33 = arith.constant 0 : i32
      %dma_start3A_34 = tpu.memref_slice %arg2[%mul3A_6, %dma_start3A_33] : memref<10240x64xf32, #tpu.memory_space<hbm>> -> memref<640x64xf32, #tpu.memory_space<hbm>>
      tpu.enqueue_dma source(%dma_start3A_34 : memref<640x64xf32, #tpu.memory_space<hbm>>) target(%dma_start3A_32 : memref<640x64xf32, #tpu.memory_space<vmem_shared>>) target_semaphore(%run_scoped3A : memref<!tpu.dma_semaphore, #tpu.memory_space<semaphore_mem>>)
      %dma_wait3A = arith.constant 0 : i32
      %dma_wait3A_35 = tpu.memref_slice %arg11[%mul3A_8, %dma_wait3A] : memref<10240x64xf32, #tpu.memory_space<vmem_shared>> -> memref<640x64xf32, #tpu.memory_space<vmem_shared>>
      %dma_wait3A_36 = arith.constant 0 : i32
      %dma_wait3A_37 = tpu.memref_slice %arg2[%mul3A_6, %dma_wait3A_36] : memref<10240x64xf32, #tpu.memory_space<hbm>> -> memref<640x64xf32, #tpu.memory_space<hbm>>
      tpu.wait_dma2 semaphore(%run_scoped3A : memref<!tpu.dma_semaphore, #tpu.memory_space<semaphore_mem>>) src(%dma_wait3A_37 : memref<640x64xf32, #tpu.memory_space<hbm>>) dst(%dma_wait3A_35 : memref<640x64xf32, #tpu.memory_space<vmem_shared>>)
      tpu.yield
    }) : () -> ()
    "tpu.region"() ({
      %run_scoped3A = tpu.sem_alloc : memref<!tpu.dma_semaphore, #tpu.memory_space<semaphore_mem>>
      %dma_start3A = arith.constant 0 : i32
      %dma_start3A_32 = arith.constant 0 : i32
      %dma_start3A_33 = tpu.memref_slice %arg3[%add3A, %dma_start3A, %dma_start3A_32] : memref<32x79x128xi32, #tpu.memory_space<hbm>> -> memref<1x79x128xi32, #tpu.memory_space<hbm>>
      %dma_start3A_34 = tpu.memref_squeeze %dma_start3A_33 : memref<1x79x128xi32, #tpu.memory_space<hbm>> -> memref<79x128xi32, #tpu.memory_space<hbm>>
      %dma_start3A_35 = arith.constant 0 : i32
      %dma_start3A_36 = arith.constant 0 : i32
      %dma_start3A_37 = tpu.memref_slice %arg3[%add3A, %dma_start3A_35, %dma_start3A_36] : memref<32x79x128xi32, #tpu.memory_space<hbm>> -> memref<1x79x128xi32, #tpu.memory_space<hbm>>
      %dma_start3A_38 = tpu.memref_squeeze %dma_start3A_37 : memref<1x79x128xi32, #tpu.memory_space<hbm>> -> memref<79x128xi32, #tpu.memory_space<hbm>>
      tpu.enqueue_dma source(%dma_start3A_38 : memref<79x128xi32, #tpu.memory_space<hbm>>) target(%arg7 : memref<79x128xi32, #tpu.memory_space<vmem>>) target_semaphore(%run_scoped3A : memref<!tpu.dma_semaphore, #tpu.memory_space<semaphore_mem>>)
      %dma_wait3A = arith.constant 0 : i32
      %dma_wait3A_39 = arith.constant 0 : i32
      %dma_wait3A_40 = tpu.memref_slice %arg3[%add3A, %dma_wait3A, %dma_wait3A_39] : memref<32x79x128xi32, #tpu.memory_space<hbm>> -> memref<1x79x128xi32, #tpu.memory_space<hbm>>
      %dma_wait3A_41 = tpu.memref_squeeze %dma_wait3A_40 : memref<1x79x128xi32, #tpu.memory_space<hbm>> -> memref<79x128xi32, #tpu.memory_space<hbm>>
      %dma_wait3A_42 = arith.constant 0 : i32
      %dma_wait3A_43 = arith.constant 0 : i32
      %dma_wait3A_44 = tpu.memref_slice %arg3[%add3A, %dma_wait3A_42, %dma_wait3A_43] : memref<32x79x128xi32, #tpu.memory_space<hbm>> -> memref<1x79x128xi32, #tpu.memory_space<hbm>>
      %dma_wait3A_45 = tpu.memref_squeeze %dma_wait3A_44 : memref<1x79x128xi32, #tpu.memory_space<hbm>> -> memref<79x128xi32, #tpu.memory_space<hbm>>
      tpu.wait_dma2 semaphore(%run_scoped3A : memref<!tpu.dma_semaphore, #tpu.memory_space<semaphore_mem>>) src(%dma_wait3A_45 : memref<79x128xi32, #tpu.memory_space<hbm>>) dst(%arg7 : memref<79x128xi32, #tpu.memory_space<vmem>>)
      tpu.yield
    }) : () -> ()
    "tpu.region"() ({
      %run_scoped3A = tpu.sem_alloc : memref<!tpu.dma_semaphore, #tpu.memory_space<semaphore_mem>>
      %dma_start3A = arith.constant 0 : i32
      %dma_start3A_32 = arith.constant 0 : i32
      %dma_start3A_33 = tpu.memref_slice %arg4[%add3A, %dma_start3A, %dma_start3A_32] : memref<32x79x128xi32, #tpu.memory_space<hbm>> -> memref<1x79x128xi32, #tpu.memory_space<hbm>>
      %dma_start3A_34 = tpu.memref_squeeze %dma_start3A_33 : memref<1x79x128xi32, #tpu.memory_space<hbm>> -> memref<79x128xi32, #tpu.memory_space<hbm>>
      %dma_start3A_35 = arith.constant 0 : i32
      %dma_start3A_36 = arith.constant 0 : i32
      %dma_start3A_37 = tpu.memref_slice %arg4[%add3A, %dma_start3A_35, %dma_start3A_36] : memref<32x79x128xi32, #tpu.memory_space<hbm>> -> memref<1x79x128xi32, #tpu.memory_space<hbm>>
      %dma_start3A_38 = tpu.memref_squeeze %dma_start3A_37 : memref<1x79x128xi32, #tpu.memory_space<hbm>> -> memref<79x128xi32, #tpu.memory_space<hbm>>
      tpu.enqueue_dma source(%dma_start3A_38 : memref<79x128xi32, #tpu.memory_space<hbm>>) target(%arg8 : memref<79x128xi32, #tpu.memory_space<vmem>>) target_semaphore(%run_scoped3A : memref<!tpu.dma_semaphore, #tpu.memory_space<semaphore_mem>>)
      %dma_wait3A = arith.constant 0 : i32
      %dma_wait3A_39 = arith.constant 0 : i32
      %dma_wait3A_40 = tpu.memref_slice %arg4[%add3A, %dma_wait3A, %dma_wait3A_39] : memref<32x79x128xi32, #tpu.memory_space<hbm>> -> memref<1x79x128xi32, #tpu.memory_space<hbm>>
      %dma_wait3A_41 = tpu.memref_squeeze %dma_wait3A_40 : memref<1x79x128xi32, #tpu.memory_space<hbm>> -> memref<79x128xi32, #tpu.memory_space<hbm>>
      %dma_wait3A_42 = arith.constant 0 : i32
      %dma_wait3A_43 = arith.constant 0 : i32
      %dma_wait3A_44 = tpu.memref_slice %arg4[%add3A, %dma_wait3A_42, %dma_wait3A_43] : memref<32x79x128xi32, #tpu.memory_space<hbm>> -> memref<1x79x128xi32, #tpu.memory_space<hbm>>
      %dma_wait3A_45 = tpu.memref_squeeze %dma_wait3A_44 : memref<1x79x128xi32, #tpu.memory_space<hbm>> -> memref<79x128xi32, #tpu.memory_space<hbm>>
      tpu.wait_dma2 semaphore(%run_scoped3A : memref<!tpu.dma_semaphore, #tpu.memory_space<semaphore_mem>>) src(%dma_wait3A_45 : memref<79x128xi32, #tpu.memory_space<hbm>>) dst(%arg8 : memref<79x128xi32, #tpu.memory_space<vmem>>)
      tpu.yield
    }) : () -> ()
    %barrier3A = arith.constant 0 : index
    tpu.barrier barrier_id(%barrier3A)
    %eq3A = arith.constant 0 : i32
    %eq3A_9 = arith.cmpi eq, %arg0, %eq3A : i32
    %jit3A = arith.constant 79 : i32
    %jit3A_10 = arith.constant 79 : i32
    %select_n3A = arith.select %eq3A_9, %jit3A, %jit3A_10 : i32
    %sub3A = arith.constant 0 : i32
    %sub3A_11 = arith.subi %select_n3A, %sub3A : i32
    %sub3A_12 = arith.constant 1 : i32
    %sub3A_13 = arith.constant 1 : i32
    %sub3A_14 = arith.subi %sub3A_12, %sub3A_13 : i32
    %add3A_15 = arith.addi %sub3A_11, %sub3A_14 : i32
    %div3A = arith.constant 1 : i32
    %div3A_16 = arith.divsi %add3A_15, %div3A : i32
    %while3A = arith.constant 1 : i32
    %while3A_17 = arith.constant 0 : i32
    %while3A_18 = arith.constant 0 : i32
    %while3A_19 = arith.subi %div3A_16, %while3A_18 : i32
    %while3A_20 = arith.addi %while3A_18, %while3A_19 : i32
    %while3A_21 = arith.constant 1 : i32
    %while3A_22 = arith.divsi %while3A_19, %while3A_21 : i32
    %while3A_23 = arith.muli %while3A_22, %while3A_21 : i32
    %while3A_24 = arith.addi %while3A_18, %while3A_23 : i32
    %while3A_25 = arith.constant 1 : i32
    scf.for %while3A_32 = %while3A_18 to %while3A_24 step %while3A_25  : i32 {
      %mul3A_33 = arith.muli %while3A_32, %while3A : i32
      %add3A_34 = arith.addi %while3A_17, %mul3A_33 : i32
      "tpu.region"() ({
        %run_scoped3A = tpu.sem_alloc : memref<!tpu.dma_semaphore, #tpu.memory_space<semaphore_mem>>
        %dma_start3A = arith.constant 0 : i32
        %dma_start3A_35 = tpu.memref_slice %arg7[%add3A_34, %dma_start3A] : memref<79x128xi32, #tpu.memory_space<vmem>> -> memref<1x128xi32, #tpu.memory_space<vmem>>
        %dma_start3A_36 = tpu.memref_squeeze %dma_start3A_35 : memref<1x128xi32, #tpu.memory_space<vmem>> -> memref<128xi32, #tpu.memory_space<vmem>>
        %dma_start3A_37 = arith.constant 0 : i32
        %dma_start3A_38 = arith.constant 0 : i32
        %dma_start3A_39 = tpu.memref_slice %arg11[%dma_start3A_37, %dma_start3A_38] : memref<10240x64xf32, #tpu.memory_space<vmem_shared>> -> memref<10240x64xf32, #tpu.memory_space<vmem_shared>>
        tpu.enqueue_indirect_dma source(%dma_start3A_39 : memref<10240x64xf32, #tpu.memory_space<vmem_shared>>) target(%arg9 : memref<128x64xf32, #tpu.memory_space<vmem>>) offsets(%dma_start3A_36 : memref<128xi32, #tpu.memory_space<vmem>>) semaphore(%run_scoped3A : memref<!tpu.dma_semaphore, #tpu.memory_space<semaphore_mem>>)
        %dma_wait3A = arith.constant 0 : i32
        %dma_wait3A_40 = tpu.memref_slice %arg7[%add3A_34, %dma_wait3A] : memref<79x128xi32, #tpu.memory_space<vmem>> -> memref<1x128xi32, #tpu.memory_space<vmem>>
        %dma_wait3A_41 = tpu.memref_squeeze %dma_wait3A_40 : memref<1x128xi32, #tpu.memory_space<vmem>> -> memref<128xi32, #tpu.memory_space<vmem>>
        %dma_wait3A_42 = arith.constant 0 : i32
        %dma_wait3A_43 = arith.constant 0 : i32
        %dma_wait3A_44 = tpu.memref_slice %arg11[%dma_wait3A_42, %dma_wait3A_43] : memref<10240x64xf32, #tpu.memory_space<vmem_shared>> -> memref<10240x64xf32, #tpu.memory_space<vmem_shared>>
        tpu.wait_indirect_dma semaphore(%run_scoped3A : memref<!tpu.dma_semaphore, #tpu.memory_space<semaphore_mem>>) src(%dma_wait3A_44 : memref<10240x64xf32, #tpu.memory_space<vmem_shared>>) dst(%arg9 : memref<128x64xf32, #tpu.memory_space<vmem>>)
        tpu.yield
      }) : () -> ()
      "tpu.region"() ({
        %run_scoped3A = tpu.sem_alloc : memref<!tpu.dma_semaphore, #tpu.memory_space<semaphore_mem>>
        %dma_start3A = arith.constant 0 : i32
        %dma_start3A_35 = tpu.memref_slice %arg8[%add3A_34, %dma_start3A] : memref<79x128xi32, #tpu.memory_space<vmem>> -> memref<1x128xi32, #tpu.memory_space<vmem>>
        %dma_start3A_36 = tpu.memref_squeeze %dma_start3A_35 : memref<1x128xi32, #tpu.memory_space<vmem>> -> memref<128xi32, #tpu.memory_space<vmem>>
        %dma_start3A_37 = arith.constant 0 : i32
        %dma_start3A_38 = arith.constant 0 : i32
        %dma_start3A_39 = tpu.memref_slice %arg10[%dma_start3A_37, %dma_start3A_38] : memref<10240x64xf32, #tpu.memory_space<vmem_shared>> -> memref<10240x64xf32, #tpu.memory_space<vmem_shared>>
        tpu.enqueue_indirect_dma source(%arg9 : memref<128x64xf32, #tpu.memory_space<vmem>>) target(%dma_start3A_39 : memref<10240x64xf32, #tpu.memory_space<vmem_shared>>) offsets(%dma_start3A_36 : memref<128xi32, #tpu.memory_space<vmem>>) semaphore(%run_scoped3A : memref<!tpu.dma_semaphore, #tpu.memory_space<semaphore_mem>>) {add = true}
        %dma_wait3A = arith.constant 0 : i32
        %dma_wait3A_40 = tpu.memref_slice %arg8[%add3A_34, %dma_wait3A] : memref<79x128xi32, #tpu.memory_space<vmem>> -> memref<1x128xi32, #tpu.memory_space<vmem>>
        %dma_wait3A_41 = tpu.memref_squeeze %dma_wait3A_40 : memref<1x128xi32, #tpu.memory_space<vmem>> -> memref<128xi32, #tpu.memory_space<vmem>>
        %dma_wait3A_42 = arith.constant 0 : i32
        %dma_wait3A_43 = arith.constant 0 : i32
        %dma_wait3A_44 = tpu.memref_slice %arg10[%dma_wait3A_42, %dma_wait3A_43] : memref<10240x64xf32, #tpu.memory_space<vmem_shared>> -> memref<10240x64xf32, #tpu.memory_space<vmem_shared>>
        tpu.wait_indirect_dma semaphore(%run_scoped3A : memref<!tpu.dma_semaphore, #tpu.memory_space<semaphore_mem>>) src(%arg9 : memref<128x64xf32, #tpu.memory_space<vmem>>) dst(%dma_wait3A_44 : memref<10240x64xf32, #tpu.memory_space<vmem_shared>>)
        tpu.yield
      }) : () -> ()
    }
    %while3A_26 = arith.constant 1 : i32
    scf.for %while3A_32 = %while3A_24 to %while3A_20 step %while3A_26  : i32 {
      %mul3A_33 = arith.muli %while3A_32, %while3A : i32
      %add3A_34 = arith.addi %while3A_17, %mul3A_33 : i32
      "tpu.region"() ({
        %run_scoped3A = tpu.sem_alloc : memref<!tpu.dma_semaphore, #tpu.memory_space<semaphore_mem>>
        %dma_start3A = arith.constant 0 : i32
        %dma_start3A_35 = tpu.memref_slice %arg7[%add3A_34, %dma_start3A] : memref<79x128xi32, #tpu.memory_space<vmem>> -> memref<1x128xi32, #tpu.memory_space<vmem>>
        %dma_start3A_36 = tpu.memref_squeeze %dma_start3A_35 : memref<1x128xi32, #tpu.memory_space<vmem>> -> memref<128xi32, #tpu.memory_space<vmem>>
        %dma_start3A_37 = arith.constant 0 : i32
        %dma_start3A_38 = arith.constant 0 : i32
        %dma_start3A_39 = tpu.memref_slice %arg11[%dma_start3A_37, %dma_start3A_38] : memref<10240x64xf32, #tpu.memory_space<vmem_shared>> -> memref<10240x64xf32, #tpu.memory_space<vmem_shared>>
        tpu.enqueue_indirect_dma source(%dma_start3A_39 : memref<10240x64xf32, #tpu.memory_space<vmem_shared>>) target(%arg9 : memref<128x64xf32, #tpu.memory_space<vmem>>) offsets(%dma_start3A_36 : memref<128xi32, #tpu.memory_space<vmem>>) semaphore(%run_scoped3A : memref<!tpu.dma_semaphore, #tpu.memory_space<semaphore_mem>>)
        %dma_wait3A = arith.constant 0 : i32
        %dma_wait3A_40 = tpu.memref_slice %arg7[%add3A_34, %dma_wait3A] : memref<79x128xi32, #tpu.memory_space<vmem>> -> memref<1x128xi32, #tpu.memory_space<vmem>>
        %dma_wait3A_41 = tpu.memref_squeeze %dma_wait3A_40 : memref<1x128xi32, #tpu.memory_space<vmem>> -> memref<128xi32, #tpu.memory_space<vmem>>
        %dma_wait3A_42 = arith.constant 0 : i32
        %dma_wait3A_43 = arith.constant 0 : i32
        %dma_wait3A_44 = tpu.memref_slice %arg11[%dma_wait3A_42, %dma_wait3A_43] : memref<10240x64xf32, #tpu.memory_space<vmem_shared>> -> memref<10240x64xf32, #tpu.memory_space<vmem_shared>>
        tpu.wait_indirect_dma semaphore(%run_scoped3A : memref<!tpu.dma_semaphore, #tpu.memory_space<semaphore_mem>>) src(%dma_wait3A_44 : memref<10240x64xf32, #tpu.memory_space<vmem_shared>>) dst(%arg9 : memref<128x64xf32, #tpu.memory_space<vmem>>)
        tpu.yield
      }) : () -> ()
      "tpu.region"() ({
        %run_scoped3A = tpu.sem_alloc : memref<!tpu.dma_semaphore, #tpu.memory_space<semaphore_mem>>
        %dma_start3A = arith.constant 0 : i32
        %dma_start3A_35 = tpu.memref_slice %arg8[%add3A_34, %dma_start3A] : memref<79x128xi32, #tpu.memory_space<vmem>> -> memref<1x128xi32, #tpu.memory_space<vmem>>
        %dma_start3A_36 = tpu.memref_squeeze %dma_start3A_35 : memref<1x128xi32, #tpu.memory_space<vmem>> -> memref<128xi32, #tpu.memory_space<vmem>>
        %dma_start3A_37 = arith.constant 0 : i32
        %dma_start3A_38 = arith.constant 0 : i32
        %dma_start3A_39 = tpu.memref_slice %arg10[%dma_start3A_37, %dma_start3A_38] : memref<10240x64xf32, #tpu.memory_space<vmem_shared>> -> memref<10240x64xf32, #tpu.memory_space<vmem_shared>>
        tpu.enqueue_indirect_dma source(%arg9 : memref<128x64xf32, #tpu.memory_space<vmem>>) target(%dma_start3A_39 : memref<10240x64xf32, #tpu.memory_space<vmem_shared>>) offsets(%dma_start3A_36 : memref<128xi32, #tpu.memory_space<vmem>>) semaphore(%run_scoped3A : memref<!tpu.dma_semaphore, #tpu.memory_space<semaphore_mem>>) {add = true}
        %dma_wait3A = arith.constant 0 : i32
        %dma_wait3A_40 = tpu.memref_slice %arg8[%add3A_34, %dma_wait3A] : memref<79x128xi32, #tpu.memory_space<vmem>> -> memref<1x128xi32, #tpu.memory_space<vmem>>
        %dma_wait3A_41 = tpu.memref_squeeze %dma_wait3A_40 : memref<1x128xi32, #tpu.memory_space<vmem>> -> memref<128xi32, #tpu.memory_space<vmem>>
        %dma_wait3A_42 = arith.constant 0 : i32
        %dma_wait3A_43 = arith.constant 0 : i32
        %dma_wait3A_44 = tpu.memref_slice %arg10[%dma_wait3A_42, %dma_wait3A_43] : memref<10240x64xf32, #tpu.memory_space<vmem_shared>> -> memref<10240x64xf32, #tpu.memory_space<vmem_shared>>
        tpu.wait_indirect_dma semaphore(%run_scoped3A : memref<!tpu.dma_semaphore, #tpu.memory_space<semaphore_mem>>) src(%arg9 : memref<128x64xf32, #tpu.memory_space<vmem>>) dst(%dma_wait3A_44 : memref<10240x64xf32, #tpu.memory_space<vmem_shared>>)
        tpu.yield
      }) : () -> ()
    }
    %barrier3A_27 = arith.constant 0 : index
    tpu.barrier barrier_id(%barrier3A_27)
    %mul3A_28 = arith.constant 640 : i32
    %mul3A_29 = arith.muli %arg1, %mul3A_28 : i32
    %mul3A_30 = arith.constant 640 : i32
    %mul3A_31 = arith.muli %arg1, %mul3A_30 : i32
    "tpu.region"() ({
      %run_scoped3A = tpu.sem_alloc : memref<!tpu.dma_semaphore, #tpu.memory_space<semaphore_mem>>
      %dma_start3A = arith.constant 0 : i32
      %dma_start3A_32 = tpu.memref_slice %arg6[%arg0, %mul3A_31, %dma_start3A] : memref<2x10240x64xf32, #tpu.memory_space<hbm>> -> memref<1x640x64xf32, #tpu.memory_space<hbm>>
      %dma_start3A_33 = tpu.memref_squeeze %dma_start3A_32 : memref<1x640x64xf32, #tpu.memory_space<hbm>> -> memref<640x64xf32, #tpu.memory_space<hbm>>
      %dma_start3A_34 = arith.constant 0 : i32
      %dma_start3A_35 = tpu.memref_slice %arg10[%mul3A_29, %dma_start3A_34] : memref<10240x64xf32, #tpu.memory_space<vmem_shared>> -> memref<640x64xf32, #tpu.memory_space<vmem_shared>>
      tpu.enqueue_dma source(%dma_start3A_35 : memref<640x64xf32, #tpu.memory_space<vmem_shared>>) target(%dma_start3A_33 : memref<640x64xf32, #tpu.memory_space<hbm>>) target_semaphore(%run_scoped3A : memref<!tpu.dma_semaphore, #tpu.memory_space<semaphore_mem>>)
      %dma_wait3A = arith.constant 0 : i32
      %dma_wait3A_36 = tpu.memref_slice %arg6[%arg0, %mul3A_31, %dma_wait3A] : memref<2x10240x64xf32, #tpu.memory_space<hbm>> -> memref<1x640x64xf32, #tpu.memory_space<hbm>>
      %dma_wait3A_37 = tpu.memref_squeeze %dma_wait3A_36 : memref<1x640x64xf32, #tpu.memory_space<hbm>> -> memref<640x64xf32, #tpu.memory_space<hbm>>
      %dma_wait3A_38 = arith.constant 0 : i32
      %dma_wait3A_39 = tpu.memref_slice %arg10[%mul3A_29, %dma_wait3A_38] : memref<10240x64xf32, #tpu.memory_space<vmem_shared>> -> memref<640x64xf32, #tpu.memory_space<vmem_shared>>
      tpu.wait_dma2 semaphore(%run_scoped3A : memref<!tpu.dma_semaphore, #tpu.memory_space<semaphore_mem>>) src(%dma_wait3A_39 : memref<640x64xf32, #tpu.memory_space<vmem_shared>>) dst(%dma_wait3A_37 : memref<640x64xf32, #tpu.memory_space<hbm>>)
      tpu.yield
    }) : () -> ()
    return
  }
}

#map = affine_map<(d0, d1) -> (0, 0)>
#map1 = affine_map<(d0, d1) -> (0, 0, 0)>
module attributes {stable_mosaic.version = 14 : i64} {
  func.func @_k(%arg0: i32, %arg1: i32, %arg2: memref<10240x64xf32, #tpu.memory_space<hbm>>, %arg3: memref<32x79x128xi32, #tpu.memory_space<hbm>>, %arg4: memref<32x79x128xi32, #tpu.memory_space<hbm>>, %arg5: memref<10240x64xf32, #tpu.memory_space<hbm>>, %arg6: memref<2x10240x64xf32, #tpu.memory_space<hbm>>, %arg7: memref<79x128xi32, #tpu.memory_space<vmem>>, %arg8: memref<79x128xi32, #tpu.memory_space<vmem>>, %arg9: memref<128x64xf32, #tpu.memory_space<vmem>>, %arg10: memref<10240x64xf32, #tpu.memory_space<vmem_shared>>, %arg11: memref<10240x64xf32, #tpu.memory_space<vmem_shared>>) attributes {dimension_semantics = [#tpu.dimension_semantics<core_parallel>, #tpu.dimension_semantics<subcore_parallel>], iteration_bounds = array<i64: 2, 16>, scalar_prefetch = 0 : i64, scratch_operands = 5 : i64, tpu.core_type = #tpu.core_type<sc_vector_subcore>, window_params = [{transform_indices = #map}, {transform_indices = #map1}, {transform_indices = #map1}, {transform_indices = #map}, {transform_indices = #map1}]} {
    %mul3A = arith.constant 16 : i32
    %mul3A_0 = arith.muli %arg0, %mul3A : i32
    %add3A = arith.addi %mul3A_0, %arg1 : i32
    %mul3A_1 = arith.constant 640 : i32
    %mul3A_2 = arith.muli %arg1, %mul3A_1 : i32
    %mul3A_3 = arith.constant 640 : i32
    %mul3A_4 = arith.muli %arg1, %mul3A_3 : i32
    "tpu.region"() ({
      %run_scoped3A = tpu.sem_alloc : memref<!tpu.dma_semaphore, #tpu.memory_space<semaphore_mem>>
      %dma_start3A = arith.constant 0 : i32
      %dma_start3A_32 = tpu.memref_slice %arg10[%mul3A_4, %dma_start3A] : memref<10240x64xf32, #tpu.memory_space<vmem_shared>> -> memref<640x64xf32, #tpu.memory_space<vmem_shared>>
      %dma_start3A_33 = arith.constant 0 : i32
      %dma_start3A_34 = tpu.memref_slice %arg5[%mul3A_2, %dma_start3A_33] : memref<10240x64xf32, #tpu.memory_space<hbm>> -> memref<640x64xf32, #tpu.memory_space<hbm>>
      tpu.enqueue_dma source(%dma_start3A_34 : memref<640x64xf32, #tpu.memory_space<hbm>>) target(%dma_start3A_32 : memref<640x64xf32, #tpu.memory_space<vmem_shared>>) target_semaphore(%run_scoped3A : memref<!tpu.dma_semaphore, #tpu.memory_space<semaphore_mem>>)
      %dma_wait3A = arith.constant 0 : i32
      %dma_wait3A_35 = tpu.memref_slice %arg10[%mul3A_4, %dma_wait3A] : memref<10240x64xf32, #tpu.memory_space<vmem_shared>> -> memref<640x64xf32, #tpu.memory_space<vmem_shared>>
      %dma_wait3A_36 = arith.constant 0 : i32
      %dma_wait3A_37 = tpu.memref_slice %arg5[%mul3A_2, %dma_wait3A_36] : memref<10240x64xf32, #tpu.memory_space<hbm>> -> memref<640x64xf32, #tpu.memory_space<hbm>>
      tpu.wait_dma2 semaphore(%run_scoped3A : memref<!tpu.dma_semaphore, #tpu.memory_space<semaphore_mem>>) src(%dma_wait3A_37 : memref<640x64xf32, #tpu.memory_space<hbm>>) dst(%dma_wait3A_35 : memref<640x64xf32, #tpu.memory_space<vmem_shared>>)
      tpu.yield
    }) : () -> ()
    %mul3A_5 = arith.constant 640 : i32
    %mul3A_6 = arith.muli %arg1, %mul3A_5 : i32
    %mul3A_7 = arith.constant 640 : i32
    %mul3A_8 = arith.muli %arg1, %mul3A_7 : i32
    "tpu.region"() ({
      %run_scoped3A = tpu.sem_alloc : memref<!tpu.dma_semaphore, #tpu.memory_space<semaphore_mem>>
      %dma_start3A = arith.constant 0 : i32
      %dma_start3A_32 = tpu.memref_slice %arg11[%mul3A_8, %dma_start3A] : memref<10240x64xf32, #tpu.memory_space<vmem_shared>> -> memref<640x64xf32, #tpu.memory_space<vmem_shared>>
      %dma_start3A_33 = arith.constant 0 : i32
      %dma_start3A_34 = tpu.memref_slice %arg2[%mul3A_6, %dma_start3A_33] : memref<10240x64xf32, #tpu.memory_space<hbm>> -> memref<640x64xf32, #tpu.memory_space<hbm>>
      tpu.enqueue_dma source(%dma_start3A_34 : memref<640x64xf32, #tpu.memory_space<hbm>>) target(%dma_start3A_32 : memref<640x64xf32, #tpu.memory_space<vmem_shared>>) target_semaphore(%run_scoped3A : memref<!tpu.dma_semaphore, #tpu.memory_space<semaphore_mem>>)
      %dma_wait3A = arith.constant 0 : i32
      %dma_wait3A_35 = tpu.memref_slice %arg11[%mul3A_8, %dma_wait3A] : memref<10240x64xf32, #tpu.memory_space<vmem_shared>> -> memref<640x64xf32, #tpu.memory_space<vmem_shared>>
      %dma_wait3A_36 = arith.constant 0 : i32
      %dma_wait3A_37 = tpu.memref_slice %arg2[%mul3A_6, %dma_wait3A_36] : memref<10240x64xf32, #tpu.memory_space<hbm>> -> memref<640x64xf32, #tpu.memory_space<hbm>>
      tpu.wait_dma2 semaphore(%run_scoped3A : memref<!tpu.dma_semaphore, #tpu.memory_space<semaphore_mem>>) src(%dma_wait3A_37 : memref<640x64xf32, #tpu.memory_space<hbm>>) dst(%dma_wait3A_35 : memref<640x64xf32, #tpu.memory_space<vmem_shared>>)
      tpu.yield
    }) : () -> ()
    "tpu.region"() ({
      %run_scoped3A = tpu.sem_alloc : memref<!tpu.dma_semaphore, #tpu.memory_space<semaphore_mem>>
      %dma_start3A = arith.constant 0 : i32
      %dma_start3A_32 = arith.constant 0 : i32
      %dma_start3A_33 = tpu.memref_slice %arg3[%add3A, %dma_start3A, %dma_start3A_32] : memref<32x79x128xi32, #tpu.memory_space<hbm>> -> memref<1x79x128xi32, #tpu.memory_space<hbm>>
      %dma_start3A_34 = tpu.memref_squeeze %dma_start3A_33 : memref<1x79x128xi32, #tpu.memory_space<hbm>> -> memref<79x128xi32, #tpu.memory_space<hbm>>
      %dma_start3A_35 = arith.constant 0 : i32
      %dma_start3A_36 = arith.constant 0 : i32
      %dma_start3A_37 = tpu.memref_slice %arg3[%add3A, %dma_start3A_35, %dma_start3A_36] : memref<32x79x128xi32, #tpu.memory_space<hbm>> -> memref<1x79x128xi32, #tpu.memory_space<hbm>>
      %dma_start3A_38 = tpu.memref_squeeze %dma_start3A_37 : memref<1x79x128xi32, #tpu.memory_space<hbm>> -> memref<79x128xi32, #tpu.memory_space<hbm>>
      tpu.enqueue_dma source(%dma_start3A_38 : memref<79x128xi32, #tpu.memory_space<hbm>>) target(%arg7 : memref<79x128xi32, #tpu.memory_space<vmem>>) target_semaphore(%run_scoped3A : memref<!tpu.dma_semaphore, #tpu.memory_space<semaphore_mem>>)
      %dma_wait3A = arith.constant 0 : i32
      %dma_wait3A_39 = arith.constant 0 : i32
      %dma_wait3A_40 = tpu.memref_slice %arg3[%add3A, %dma_wait3A, %dma_wait3A_39] : memref<32x79x128xi32, #tpu.memory_space<hbm>> -> memref<1x79x128xi32, #tpu.memory_space<hbm>>
      %dma_wait3A_41 = tpu.memref_squeeze %dma_wait3A_40 : memref<1x79x128xi32, #tpu.memory_space<hbm>> -> memref<79x128xi32, #tpu.memory_space<hbm>>
      %dma_wait3A_42 = arith.constant 0 : i32
      %dma_wait3A_43 = arith.constant 0 : i32
      %dma_wait3A_44 = tpu.memref_slice %arg3[%add3A, %dma_wait3A_42, %dma_wait3A_43] : memref<32x79x128xi32, #tpu.memory_space<hbm>> -> memref<1x79x128xi32, #tpu.memory_space<hbm>>
      %dma_wait3A_45 = tpu.memref_squeeze %dma_wait3A_44 : memref<1x79x128xi32, #tpu.memory_space<hbm>> -> memref<79x128xi32, #tpu.memory_space<hbm>>
      tpu.wait_dma2 semaphore(%run_scoped3A : memref<!tpu.dma_semaphore, #tpu.memory_space<semaphore_mem>>) src(%dma_wait3A_45 : memref<79x128xi32, #tpu.memory_space<hbm>>) dst(%arg7 : memref<79x128xi32, #tpu.memory_space<vmem>>)
      tpu.yield
    }) : () -> ()
    "tpu.region"() ({
      %run_scoped3A = tpu.sem_alloc : memref<!tpu.dma_semaphore, #tpu.memory_space<semaphore_mem>>
      %dma_start3A = arith.constant 0 : i32
      %dma_start3A_32 = arith.constant 0 : i32
      %dma_start3A_33 = tpu.memref_slice %arg4[%add3A, %dma_start3A, %dma_start3A_32] : memref<32x79x128xi32, #tpu.memory_space<hbm>> -> memref<1x79x128xi32, #tpu.memory_space<hbm>>
      %dma_start3A_34 = tpu.memref_squeeze %dma_start3A_33 : memref<1x79x128xi32, #tpu.memory_space<hbm>> -> memref<79x128xi32, #tpu.memory_space<hbm>>
      %dma_start3A_35 = arith.constant 0 : i32
      %dma_start3A_36 = arith.constant 0 : i32
      %dma_start3A_37 = tpu.memref_slice %arg4[%add3A, %dma_start3A_35, %dma_start3A_36] : memref<32x79x128xi32, #tpu.memory_space<hbm>> -> memref<1x79x128xi32, #tpu.memory_space<hbm>>
      %dma_start3A_38 = tpu.memref_squeeze %dma_start3A_37 : memref<1x79x128xi32, #tpu.memory_space<hbm>> -> memref<79x128xi32, #tpu.memory_space<hbm>>
      tpu.enqueue_dma source(%dma_start3A_38 : memref<79x128xi32, #tpu.memory_space<hbm>>) target(%arg8 : memref<79x128xi32, #tpu.memory_space<vmem>>) target_semaphore(%run_scoped3A : memref<!tpu.dma_semaphore, #tpu.memory_space<semaphore_mem>>)
      %dma_wait3A = arith.constant 0 : i32
      %dma_wait3A_39 = arith.constant 0 : i32
      %dma_wait3A_40 = tpu.memref_slice %arg4[%add3A, %dma_wait3A, %dma_wait3A_39] : memref<32x79x128xi32, #tpu.memory_space<hbm>> -> memref<1x79x128xi32, #tpu.memory_space<hbm>>
      %dma_wait3A_41 = tpu.memref_squeeze %dma_wait3A_40 : memref<1x79x128xi32, #tpu.memory_space<hbm>> -> memref<79x128xi32, #tpu.memory_space<hbm>>
      %dma_wait3A_42 = arith.constant 0 : i32
      %dma_wait3A_43 = arith.constant 0 : i32
      %dma_wait3A_44 = tpu.memref_slice %arg4[%add3A, %dma_wait3A_42, %dma_wait3A_43] : memref<32x79x128xi32, #tpu.memory_space<hbm>> -> memref<1x79x128xi32, #tpu.memory_space<hbm>>
      %dma_wait3A_45 = tpu.memref_squeeze %dma_wait3A_44 : memref<1x79x128xi32, #tpu.memory_space<hbm>> -> memref<79x128xi32, #tpu.memory_space<hbm>>
      tpu.wait_dma2 semaphore(%run_scoped3A : memref<!tpu.dma_semaphore, #tpu.memory_space<semaphore_mem>>) src(%dma_wait3A_45 : memref<79x128xi32, #tpu.memory_space<hbm>>) dst(%arg8 : memref<79x128xi32, #tpu.memory_space<vmem>>)
      tpu.yield
    }) : () -> ()
    %barrier3A = arith.constant 0 : index
    tpu.barrier barrier_id(%barrier3A)
    %eq3A = arith.constant 0 : i32
    %eq3A_9 = arith.cmpi eq, %arg0, %eq3A : i32
    %jit3A = arith.constant 79 : i32
    %jit3A_10 = arith.constant 79 : i32
    %select_n3A = arith.select %eq3A_9, %jit3A, %jit3A_10 : i32
    %sub3A = arith.constant 0 : i32
    %sub3A_11 = arith.subi %select_n3A, %sub3A : i32
    %sub3A_12 = arith.constant 1 : i32
    %sub3A_13 = arith.constant 1 : i32
    %sub3A_14 = arith.subi %sub3A_12, %sub3A_13 : i32
    %add3A_15 = arith.addi %sub3A_11, %sub3A_14 : i32
    %div3A = arith.constant 1 : i32
    %div3A_16 = arith.divsi %add3A_15, %div3A : i32
    %while3A = arith.constant 1 : i32
    %while3A_17 = arith.constant 0 : i32
    %while3A_18 = arith.constant 0 : i32
    %while3A_19 = arith.subi %div3A_16, %while3A_18 : i32
    %while3A_20 = arith.addi %while3A_18, %while3A_19 : i32
    %while3A_21 = arith.constant 1 : i32
    %while3A_22 = arith.divsi %while3A_19, %while3A_21 : i32
    %while3A_23 = arith.muli %while3A_22, %while3A_21 : i32
    %while3A_24 = arith.addi %while3A_18, %while3A_23 : i32
    %while3A_25 = arith.constant 1 : i32
    scf.for %while3A_32 = %while3A_18 to %while3A_24 step %while3A_25  : i32 {
      %mul3A_33 = arith.muli %while3A_32, %while3A : i32
      %add3A_34 = arith.addi %while3A_17, %mul3A_33 : i32
      "tpu.region"() ({
        %run_scoped3A = tpu.sem_alloc : memref<!tpu.dma_semaphore, #tpu.memory_space<semaphore_mem>>
        %dma_start3A = arith.constant 0 : i32
        %dma_start3A_35 = tpu.memref_slice %arg7[%add3A_34, %dma_start3A] : memref<79x128xi32, #tpu.memory_space<vmem>> -> memref<1x128xi32, #tpu.memory_space<vmem>>
        %dma_start3A_36 = tpu.memref_squeeze %dma_start3A_35 : memref<1x128xi32, #tpu.memory_space<vmem>> -> memref<128xi32, #tpu.memory_space<vmem>>
        %dma_start3A_37 = arith.constant 0 : i32
        %dma_start3A_38 = arith.constant 0 : i32
        %dma_start3A_39 = tpu.memref_slice %arg11[%dma_start3A_37, %dma_start3A_38] : memref<10240x64xf32, #tpu.memory_space<vmem_shared>> -> memref<10240x64xf32, #tpu.memory_space<vmem_shared>>
        tpu.enqueue_indirect_dma source(%dma_start3A_39 : memref<10240x64xf32, #tpu.memory_space<vmem_shared>>) target(%arg9 : memref<128x64xf32, #tpu.memory_space<vmem>>) offsets(%dma_start3A_36 : memref<128xi32, #tpu.memory_space<vmem>>) semaphore(%run_scoped3A : memref<!tpu.dma_semaphore, #tpu.memory_space<semaphore_mem>>)
        %dma_wait3A = arith.constant 0 : i32
        %dma_wait3A_40 = tpu.memref_slice %arg7[%add3A_34, %dma_wait3A] : memref<79x128xi32, #tpu.memory_space<vmem>> -> memref<1x128xi32, #tpu.memory_space<vmem>>
        %dma_wait3A_41 = tpu.memref_squeeze %dma_wait3A_40 : memref<1x128xi32, #tpu.memory_space<vmem>> -> memref<128xi32, #tpu.memory_space<vmem>>
        %dma_wait3A_42 = arith.constant 0 : i32
        %dma_wait3A_43 = arith.constant 0 : i32
        %dma_wait3A_44 = tpu.memref_slice %arg11[%dma_wait3A_42, %dma_wait3A_43] : memref<10240x64xf32, #tpu.memory_space<vmem_shared>> -> memref<10240x64xf32, #tpu.memory_space<vmem_shared>>
        tpu.wait_indirect_dma semaphore(%run_scoped3A : memref<!tpu.dma_semaphore, #tpu.memory_space<semaphore_mem>>) src(%dma_wait3A_44 : memref<10240x64xf32, #tpu.memory_space<vmem_shared>>) dst(%arg9 : memref<128x64xf32, #tpu.memory_space<vmem>>)
        tpu.yield
      }) : () -> ()
      "tpu.region"() ({
        %run_scoped3A = tpu.sem_alloc : memref<!tpu.dma_semaphore, #tpu.memory_space<semaphore_mem>>
        %dma_start3A = arith.constant 0 : i32
        %dma_start3A_35 = tpu.memref_slice %arg8[%add3A_34, %dma_start3A] : memref<79x128xi32, #tpu.memory_space<vmem>> -> memref<1x128xi32, #tpu.memory_space<vmem>>
        %dma_start3A_36 = tpu.memref_squeeze %dma_start3A_35 : memref<1x128xi32, #tpu.memory_space<vmem>> -> memref<128xi32, #tpu.memory_space<vmem>>
        %dma_start3A_37 = arith.constant 0 : i32
        %dma_start3A_38 = arith.constant 0 : i32
        %dma_start3A_39 = tpu.memref_slice %arg10[%dma_start3A_37, %dma_start3A_38] : memref<10240x64xf32, #tpu.memory_space<vmem_shared>> -> memref<10240x64xf32, #tpu.memory_space<vmem_shared>>
        tpu.enqueue_indirect_dma source(%arg9 : memref<128x64xf32, #tpu.memory_space<vmem>>) target(%dma_start3A_39 : memref<10240x64xf32, #tpu.memory_space<vmem_shared>>) offsets(%dma_start3A_36 : memref<128xi32, #tpu.memory_space<vmem>>) semaphore(%run_scoped3A : memref<!tpu.dma_semaphore, #tpu.memory_space<semaphore_mem>>) {add = true}
        %dma_wait3A = arith.constant 0 : i32
        %dma_wait3A_40 = tpu.memref_slice %arg8[%add3A_34, %dma_wait3A] : memref<79x128xi32, #tpu.memory_space<vmem>> -> memref<1x128xi32, #tpu.memory_space<vmem>>
        %dma_wait3A_41 = tpu.memref_squeeze %dma_wait3A_40 : memref<1x128xi32, #tpu.memory_space<vmem>> -> memref<128xi32, #tpu.memory_space<vmem>>
        %dma_wait3A_42 = arith.constant 0 : i32
        %dma_wait3A_43 = arith.constant 0 : i32
        %dma_wait3A_44 = tpu.memref_slice %arg10[%dma_wait3A_42, %dma_wait3A_43] : memref<10240x64xf32, #tpu.memory_space<vmem_shared>> -> memref<10240x64xf32, #tpu.memory_space<vmem_shared>>
        tpu.wait_indirect_dma semaphore(%run_scoped3A : memref<!tpu.dma_semaphore, #tpu.memory_space<semaphore_mem>>) src(%arg9 : memref<128x64xf32, #tpu.memory_space<vmem>>) dst(%dma_wait3A_44 : memref<10240x64xf32, #tpu.memory_space<vmem_shared>>)
        tpu.yield
      }) : () -> ()
    }
    %while3A_26 = arith.constant 1 : i32
    scf.for %while3A_32 = %while3A_24 to %while3A_20 step %while3A_26  : i32 {
      %mul3A_33 = arith.muli %while3A_32, %while3A : i32
      %add3A_34 = arith.addi %while3A_17, %mul3A_33 : i32
      "tpu.region"() ({
        %run_scoped3A = tpu.sem_alloc : memref<!tpu.dma_semaphore, #tpu.memory_space<semaphore_mem>>
        %dma_start3A = arith.constant 0 : i32
        %dma_start3A_35 = tpu.memref_slice %arg7[%add3A_34, %dma_start3A] : memref<79x128xi32, #tpu.memory_space<vmem>> -> memref<1x128xi32, #tpu.memory_space<vmem>>
        %dma_start3A_36 = tpu.memref_squeeze %dma_start3A_35 : memref<1x128xi32, #tpu.memory_space<vmem>> -> memref<128xi32, #tpu.memory_space<vmem>>
        %dma_start3A_37 = arith.constant 0 : i32
        %dma_start3A_38 = arith.constant 0 : i32
        %dma_start3A_39 = tpu.memref_slice %arg11[%dma_start3A_37, %dma_start3A_38] : memref<10240x64xf32, #tpu.memory_space<vmem_shared>> -> memref<10240x64xf32, #tpu.memory_space<vmem_shared>>
        tpu.enqueue_indirect_dma source(%dma_start3A_39 : memref<10240x64xf32, #tpu.memory_space<vmem_shared>>) target(%arg9 : memref<128x64xf32, #tpu.memory_space<vmem>>) offsets(%dma_start3A_36 : memref<128xi32, #tpu.memory_space<vmem>>) semaphore(%run_scoped3A : memref<!tpu.dma_semaphore, #tpu.memory_space<semaphore_mem>>)
        %dma_wait3A = arith.constant 0 : i32
        %dma_wait3A_40 = tpu.memref_slice %arg7[%add3A_34, %dma_wait3A] : memref<79x128xi32, #tpu.memory_space<vmem>> -> memref<1x128xi32, #tpu.memory_space<vmem>>
        %dma_wait3A_41 = tpu.memref_squeeze %dma_wait3A_40 : memref<1x128xi32, #tpu.memory_space<vmem>> -> memref<128xi32, #tpu.memory_space<vmem>>
        %dma_wait3A_42 = arith.constant 0 : i32
        %dma_wait3A_43 = arith.constant 0 : i32
        %dma_wait3A_44 = tpu.memref_slice %arg11[%dma_wait3A_42, %dma_wait3A_43] : memref<10240x64xf32, #tpu.memory_space<vmem_shared>> -> memref<10240x64xf32, #tpu.memory_space<vmem_shared>>
        tpu.wait_indirect_dma semaphore(%run_scoped3A : memref<!tpu.dma_semaphore, #tpu.memory_space<semaphore_mem>>) src(%dma_wait3A_44 : memref<10240x64xf32, #tpu.memory_space<vmem_shared>>) dst(%arg9 : memref<128x64xf32, #tpu.memory_space<vmem>>)
        tpu.yield
      }) : () -> ()
      "tpu.region"() ({
        %run_scoped3A = tpu.sem_alloc : memref<!tpu.dma_semaphore, #tpu.memory_space<semaphore_mem>>
        %dma_start3A = arith.constant 0 : i32
        %dma_start3A_35 = tpu.memref_slice %arg8[%add3A_34, %dma_start3A] : memref<79x128xi32, #tpu.memory_space<vmem>> -> memref<1x128xi32, #tpu.memory_space<vmem>>
        %dma_start3A_36 = tpu.memref_squeeze %dma_start3A_35 : memref<1x128xi32, #tpu.memory_space<vmem>> -> memref<128xi32, #tpu.memory_space<vmem>>
        %dma_start3A_37 = arith.constant 0 : i32
        %dma_start3A_38 = arith.constant 0 : i32
        %dma_start3A_39 = tpu.memref_slice %arg10[%dma_start3A_37, %dma_start3A_38] : memref<10240x64xf32, #tpu.memory_space<vmem_shared>> -> memref<10240x64xf32, #tpu.memory_space<vmem_shared>>
        tpu.enqueue_indirect_dma source(%arg9 : memref<128x64xf32, #tpu.memory_space<vmem>>) target(%dma_start3A_39 : memref<10240x64xf32, #tpu.memory_space<vmem_shared>>) offsets(%dma_start3A_36 : memref<128xi32, #tpu.memory_space<vmem>>) semaphore(%run_scoped3A : memref<!tpu.dma_semaphore, #tpu.memory_space<semaphore_mem>>) {add = true}
        %dma_wait3A = arith.constant 0 : i32
        %dma_wait3A_40 = tpu.memref_slice %arg8[%add3A_34, %dma_wait3A] : memref<79x128xi32, #tpu.memory_space<vmem>> -> memref<1x128xi32, #tpu.memory_space<vmem>>
        %dma_wait3A_41 = tpu.memref_squeeze %dma_wait3A_40 : memref<1x128xi32, #tpu.memory_space<vmem>> -> memref<128xi32, #tpu.memory_space<vmem>>
        %dma_wait3A_42 = arith.constant 0 : i32
        %dma_wait3A_43 = arith.constant 0 : i32
        %dma_wait3A_44 = tpu.memref_slice %arg10[%dma_wait3A_42, %dma_wait3A_43] : memref<10240x64xf32, #tpu.memory_space<vmem_shared>> -> memref<10240x64xf32, #tpu.memory_space<vmem_shared>>
        tpu.wait_indirect_dma semaphore(%run_scoped3A : memref<!tpu.dma_semaphore, #tpu.memory_space<semaphore_mem>>) src(%arg9 : memref<128x64xf32, #tpu.memory_space<vmem>>) dst(%dma_wait3A_44 : memref<10240x64xf32, #tpu.memory_space<vmem_shared>>)
        tpu.yield
      }) : () -> ()
    }
    %barrier3A_27 = arith.constant 0 : index
    tpu.barrier barrier_id(%barrier3A_27)
    %mul3A_28 = arith.constant 640 : i32
    %mul3A_29 = arith.muli %arg1, %mul3A_28 : i32
    %mul3A_30 = arith.constant 640 : i32
    %mul3A_31 = arith.muli %arg1, %mul3A_30 : i32
    "tpu.region"() ({
      %run_scoped3A = tpu.sem_alloc : memref<!tpu.dma_semaphore, #tpu.memory_space<semaphore_mem>>
      %dma_start3A = arith.constant 0 : i32
      %dma_start3A_32 = tpu.memref_slice %arg6[%arg0, %mul3A_31, %dma_start3A] : memref<2x10240x64xf32, #tpu.memory_space<hbm>> -> memref<1x640x64xf32, #tpu.memory_space<hbm>>
      %dma_start3A_33 = tpu.memref_squeeze %dma_start3A_32 : memref<1x640x64xf32, #tpu.memory_space<hbm>> -> memref<640x64xf32, #tpu.memory_space<hbm>>
      %dma_start3A_34 = arith.constant 0 : i32
      %dma_start3A_35 = tpu.memref_slice %arg10[%mul3A_29, %dma_start3A_34] : memref<10240x64xf32, #tpu.memory_space<vmem_shared>> -> memref<640x64xf32, #tpu.memory_space<vmem_shared>>
      tpu.enqueue_dma source(%dma_start3A_35 : memref<640x64xf32, #tpu.memory_space<vmem_shared>>) target(%dma_start3A_33 : memref<640x64xf32, #tpu.memory_space<hbm>>) target_semaphore(%run_scoped3A : memref<!tpu.dma_semaphore, #tpu.memory_space<semaphore_mem>>)
      %dma_wait3A = arith.constant 0 : i32
      %dma_wait3A_36 = tpu.memref_slice %arg6[%arg0, %mul3A_31, %dma_wait3A] : memref<2x10240x64xf32, #tpu.memory_space<hbm>> -> memref<1x640x64xf32, #tpu.memory_space<hbm>>
      %dma_wait3A_37 = tpu.memref_squeeze %dma_wait3A_36 : memref<1x640x64xf32, #tpu.memory_space<hbm>> -> memref<640x64xf32, #tpu.memory_space<hbm>>
      %dma_wait3A_38 = arith.constant 0 : i32
      %dma_wait3A_39 = tpu.memref_slice %arg10[%mul3A_29, %dma_wait3A_38] : memref<10240x64xf32, #tpu.memory_space<vmem_shared>> -> memref<640x64xf32, #tpu.memory_space<vmem_shared>>
      tpu.wait_dma2 semaphore(%run_scoped3A : memref<!tpu.dma_semaphore, #tpu.memory_space<semaphore_mem>>) src(%dma_wait3A_39 : memref<640x64xf32, #tpu.memory_space<vmem_shared>>) dst(%dma_wait3A_37 : memref<640x64xf32, #tpu.memory_space<hbm>>)
      tpu.yield
    }) : () -> ()
    return
  }
}

#map = affine_map<(d0, d1) -> (0, 0)>
#map1 = affine_map<(d0, d1) -> (0, 0, 0)>
module attributes {stable_mosaic.version = 14 : i64} {
  func.func @_k(%arg0: i32, %arg1: i32, %arg2: memref<10240x32xf32, #tpu.memory_space<hbm>>, %arg3: memref<32x79x128xi32, #tpu.memory_space<hbm>>, %arg4: memref<32x79x128xi32, #tpu.memory_space<hbm>>, %arg5: memref<10240x32xf32, #tpu.memory_space<hbm>>, %arg6: memref<2x10240x32xf32, #tpu.memory_space<hbm>>, %arg7: memref<79x128xi32, #tpu.memory_space<vmem>>, %arg8: memref<79x128xi32, #tpu.memory_space<vmem>>, %arg9: memref<128x32xf32, #tpu.memory_space<vmem>>, %arg10: memref<10240x32xf32, #tpu.memory_space<vmem_shared>>, %arg11: memref<10240x32xf32, #tpu.memory_space<vmem_shared>>) attributes {dimension_semantics = [#tpu.dimension_semantics<core_parallel>, #tpu.dimension_semantics<subcore_parallel>], iteration_bounds = array<i64: 2, 16>, scalar_prefetch = 0 : i64, scratch_operands = 5 : i64, tpu.core_type = #tpu.core_type<sc_vector_subcore>, window_params = [{transform_indices = #map}, {transform_indices = #map1}, {transform_indices = #map1}, {transform_indices = #map}, {transform_indices = #map1}]} {
    %mul3A = arith.constant 16 : i32
    %mul3A_0 = arith.muli %arg0, %mul3A : i32
    %add3A = arith.addi %mul3A_0, %arg1 : i32
    %mul3A_1 = arith.constant 640 : i32
    %mul3A_2 = arith.muli %arg1, %mul3A_1 : i32
    %mul3A_3 = arith.constant 640 : i32
    %mul3A_4 = arith.muli %arg1, %mul3A_3 : i32
    "tpu.region"() ({
      %run_scoped3A = tpu.sem_alloc : memref<!tpu.dma_semaphore, #tpu.memory_space<semaphore_mem>>
      %dma_start3A = arith.constant 0 : i32
      %dma_start3A_32 = tpu.memref_slice %arg10[%mul3A_4, %dma_start3A] : memref<10240x32xf32, #tpu.memory_space<vmem_shared>> -> memref<640x32xf32, #tpu.memory_space<vmem_shared>>
      %dma_start3A_33 = arith.constant 0 : i32
      %dma_start3A_34 = tpu.memref_slice %arg5[%mul3A_2, %dma_start3A_33] : memref<10240x32xf32, #tpu.memory_space<hbm>> -> memref<640x32xf32, #tpu.memory_space<hbm>>
      tpu.enqueue_dma source(%dma_start3A_34 : memref<640x32xf32, #tpu.memory_space<hbm>>) target(%dma_start3A_32 : memref<640x32xf32, #tpu.memory_space<vmem_shared>>) target_semaphore(%run_scoped3A : memref<!tpu.dma_semaphore, #tpu.memory_space<semaphore_mem>>)
      %dma_wait3A = arith.constant 0 : i32
      %dma_wait3A_35 = tpu.memref_slice %arg10[%mul3A_4, %dma_wait3A] : memref<10240x32xf32, #tpu.memory_space<vmem_shared>> -> memref<640x32xf32, #tpu.memory_space<vmem_shared>>
      %dma_wait3A_36 = arith.constant 0 : i32
      %dma_wait3A_37 = tpu.memref_slice %arg5[%mul3A_2, %dma_wait3A_36] : memref<10240x32xf32, #tpu.memory_space<hbm>> -> memref<640x32xf32, #tpu.memory_space<hbm>>
      tpu.wait_dma2 semaphore(%run_scoped3A : memref<!tpu.dma_semaphore, #tpu.memory_space<semaphore_mem>>) src(%dma_wait3A_37 : memref<640x32xf32, #tpu.memory_space<hbm>>) dst(%dma_wait3A_35 : memref<640x32xf32, #tpu.memory_space<vmem_shared>>)
      tpu.yield
    }) : () -> ()
    %mul3A_5 = arith.constant 640 : i32
    %mul3A_6 = arith.muli %arg1, %mul3A_5 : i32
    %mul3A_7 = arith.constant 640 : i32
    %mul3A_8 = arith.muli %arg1, %mul3A_7 : i32
    "tpu.region"() ({
      %run_scoped3A = tpu.sem_alloc : memref<!tpu.dma_semaphore, #tpu.memory_space<semaphore_mem>>
      %dma_start3A = arith.constant 0 : i32
      %dma_start3A_32 = tpu.memref_slice %arg11[%mul3A_8, %dma_start3A] : memref<10240x32xf32, #tpu.memory_space<vmem_shared>> -> memref<640x32xf32, #tpu.memory_space<vmem_shared>>
      %dma_start3A_33 = arith.constant 0 : i32
      %dma_start3A_34 = tpu.memref_slice %arg2[%mul3A_6, %dma_start3A_33] : memref<10240x32xf32, #tpu.memory_space<hbm>> -> memref<640x32xf32, #tpu.memory_space<hbm>>
      tpu.enqueue_dma source(%dma_start3A_34 : memref<640x32xf32, #tpu.memory_space<hbm>>) target(%dma_start3A_32 : memref<640x32xf32, #tpu.memory_space<vmem_shared>>) target_semaphore(%run_scoped3A : memref<!tpu.dma_semaphore, #tpu.memory_space<semaphore_mem>>)
      %dma_wait3A = arith.constant 0 : i32
      %dma_wait3A_35 = tpu.memref_slice %arg11[%mul3A_8, %dma_wait3A] : memref<10240x32xf32, #tpu.memory_space<vmem_shared>> -> memref<640x32xf32, #tpu.memory_space<vmem_shared>>
      %dma_wait3A_36 = arith.constant 0 : i32
      %dma_wait3A_37 = tpu.memref_slice %arg2[%mul3A_6, %dma_wait3A_36] : memref<10240x32xf32, #tpu.memory_space<hbm>> -> memref<640x32xf32, #tpu.memory_space<hbm>>
      tpu.wait_dma2 semaphore(%run_scoped3A : memref<!tpu.dma_semaphore, #tpu.memory_space<semaphore_mem>>) src(%dma_wait3A_37 : memref<640x32xf32, #tpu.memory_space<hbm>>) dst(%dma_wait3A_35 : memref<640x32xf32, #tpu.memory_space<vmem_shared>>)
      tpu.yield
    }) : () -> ()
    "tpu.region"() ({
      %run_scoped3A = tpu.sem_alloc : memref<!tpu.dma_semaphore, #tpu.memory_space<semaphore_mem>>
      %dma_start3A = arith.constant 0 : i32
      %dma_start3A_32 = arith.constant 0 : i32
      %dma_start3A_33 = tpu.memref_slice %arg3[%add3A, %dma_start3A, %dma_start3A_32] : memref<32x79x128xi32, #tpu.memory_space<hbm>> -> memref<1x79x128xi32, #tpu.memory_space<hbm>>
      %dma_start3A_34 = tpu.memref_squeeze %dma_start3A_33 : memref<1x79x128xi32, #tpu.memory_space<hbm>> -> memref<79x128xi32, #tpu.memory_space<hbm>>
      %dma_start3A_35 = arith.constant 0 : i32
      %dma_start3A_36 = arith.constant 0 : i32
      %dma_start3A_37 = tpu.memref_slice %arg3[%add3A, %dma_start3A_35, %dma_start3A_36] : memref<32x79x128xi32, #tpu.memory_space<hbm>> -> memref<1x79x128xi32, #tpu.memory_space<hbm>>
      %dma_start3A_38 = tpu.memref_squeeze %dma_start3A_37 : memref<1x79x128xi32, #tpu.memory_space<hbm>> -> memref<79x128xi32, #tpu.memory_space<hbm>>
      tpu.enqueue_dma source(%dma_start3A_38 : memref<79x128xi32, #tpu.memory_space<hbm>>) target(%arg7 : memref<79x128xi32, #tpu.memory_space<vmem>>) target_semaphore(%run_scoped3A : memref<!tpu.dma_semaphore, #tpu.memory_space<semaphore_mem>>)
      %dma_wait3A = arith.constant 0 : i32
      %dma_wait3A_39 = arith.constant 0 : i32
      %dma_wait3A_40 = tpu.memref_slice %arg3[%add3A, %dma_wait3A, %dma_wait3A_39] : memref<32x79x128xi32, #tpu.memory_space<hbm>> -> memref<1x79x128xi32, #tpu.memory_space<hbm>>
      %dma_wait3A_41 = tpu.memref_squeeze %dma_wait3A_40 : memref<1x79x128xi32, #tpu.memory_space<hbm>> -> memref<79x128xi32, #tpu.memory_space<hbm>>
      %dma_wait3A_42 = arith.constant 0 : i32
      %dma_wait3A_43 = arith.constant 0 : i32
      %dma_wait3A_44 = tpu.memref_slice %arg3[%add3A, %dma_wait3A_42, %dma_wait3A_43] : memref<32x79x128xi32, #tpu.memory_space<hbm>> -> memref<1x79x128xi32, #tpu.memory_space<hbm>>
      %dma_wait3A_45 = tpu.memref_squeeze %dma_wait3A_44 : memref<1x79x128xi32, #tpu.memory_space<hbm>> -> memref<79x128xi32, #tpu.memory_space<hbm>>
      tpu.wait_dma2 semaphore(%run_scoped3A : memref<!tpu.dma_semaphore, #tpu.memory_space<semaphore_mem>>) src(%dma_wait3A_45 : memref<79x128xi32, #tpu.memory_space<hbm>>) dst(%arg7 : memref<79x128xi32, #tpu.memory_space<vmem>>)
      tpu.yield
    }) : () -> ()
    "tpu.region"() ({
      %run_scoped3A = tpu.sem_alloc : memref<!tpu.dma_semaphore, #tpu.memory_space<semaphore_mem>>
      %dma_start3A = arith.constant 0 : i32
      %dma_start3A_32 = arith.constant 0 : i32
      %dma_start3A_33 = tpu.memref_slice %arg4[%add3A, %dma_start3A, %dma_start3A_32] : memref<32x79x128xi32, #tpu.memory_space<hbm>> -> memref<1x79x128xi32, #tpu.memory_space<hbm>>
      %dma_start3A_34 = tpu.memref_squeeze %dma_start3A_33 : memref<1x79x128xi32, #tpu.memory_space<hbm>> -> memref<79x128xi32, #tpu.memory_space<hbm>>
      %dma_start3A_35 = arith.constant 0 : i32
      %dma_start3A_36 = arith.constant 0 : i32
      %dma_start3A_37 = tpu.memref_slice %arg4[%add3A, %dma_start3A_35, %dma_start3A_36] : memref<32x79x128xi32, #tpu.memory_space<hbm>> -> memref<1x79x128xi32, #tpu.memory_space<hbm>>
      %dma_start3A_38 = tpu.memref_squeeze %dma_start3A_37 : memref<1x79x128xi32, #tpu.memory_space<hbm>> -> memref<79x128xi32, #tpu.memory_space<hbm>>
      tpu.enqueue_dma source(%dma_start3A_38 : memref<79x128xi32, #tpu.memory_space<hbm>>) target(%arg8 : memref<79x128xi32, #tpu.memory_space<vmem>>) target_semaphore(%run_scoped3A : memref<!tpu.dma_semaphore, #tpu.memory_space<semaphore_mem>>)
      %dma_wait3A = arith.constant 0 : i32
      %dma_wait3A_39 = arith.constant 0 : i32
      %dma_wait3A_40 = tpu.memref_slice %arg4[%add3A, %dma_wait3A, %dma_wait3A_39] : memref<32x79x128xi32, #tpu.memory_space<hbm>> -> memref<1x79x128xi32, #tpu.memory_space<hbm>>
      %dma_wait3A_41 = tpu.memref_squeeze %dma_wait3A_40 : memref<1x79x128xi32, #tpu.memory_space<hbm>> -> memref<79x128xi32, #tpu.memory_space<hbm>>
      %dma_wait3A_42 = arith.constant 0 : i32
      %dma_wait3A_43 = arith.constant 0 : i32
      %dma_wait3A_44 = tpu.memref_slice %arg4[%add3A, %dma_wait3A_42, %dma_wait3A_43] : memref<32x79x128xi32, #tpu.memory_space<hbm>> -> memref<1x79x128xi32, #tpu.memory_space<hbm>>
      %dma_wait3A_45 = tpu.memref_squeeze %dma_wait3A_44 : memref<1x79x128xi32, #tpu.memory_space<hbm>> -> memref<79x128xi32, #tpu.memory_space<hbm>>
      tpu.wait_dma2 semaphore(%run_scoped3A : memref<!tpu.dma_semaphore, #tpu.memory_space<semaphore_mem>>) src(%dma_wait3A_45 : memref<79x128xi32, #tpu.memory_space<hbm>>) dst(%arg8 : memref<79x128xi32, #tpu.memory_space<vmem>>)
      tpu.yield
    }) : () -> ()
    %barrier3A = arith.constant 0 : index
    tpu.barrier barrier_id(%barrier3A)
    %eq3A = arith.constant 0 : i32
    %eq3A_9 = arith.cmpi eq, %arg0, %eq3A : i32
    %jit3A = arith.constant 79 : i32
    %jit3A_10 = arith.constant 79 : i32
    %select_n3A = arith.select %eq3A_9, %jit3A, %jit3A_10 : i32
    %sub3A = arith.constant 0 : i32
    %sub3A_11 = arith.subi %select_n3A, %sub3A : i32
    %sub3A_12 = arith.constant 1 : i32
    %sub3A_13 = arith.constant 1 : i32
    %sub3A_14 = arith.subi %sub3A_12, %sub3A_13 : i32
    %add3A_15 = arith.addi %sub3A_11, %sub3A_14 : i32
    %div3A = arith.constant 1 : i32
    %div3A_16 = arith.divsi %add3A_15, %div3A : i32
    %while3A = arith.constant 1 : i32
    %while3A_17 = arith.constant 0 : i32
    %while3A_18 = arith.constant 0 : i32
    %while3A_19 = arith.subi %div3A_16, %while3A_18 : i32
    %while3A_20 = arith.addi %while3A_18, %while3A_19 : i32
    %while3A_21 = arith.constant 1 : i32
    %while3A_22 = arith.divsi %while3A_19, %while3A_21 : i32
    %while3A_23 = arith.muli %while3A_22, %while3A_21 : i32
    %while3A_24 = arith.addi %while3A_18, %while3A_23 : i32
    %while3A_25 = arith.constant 1 : i32
    scf.for %while3A_32 = %while3A_18 to %while3A_24 step %while3A_25  : i32 {
      %mul3A_33 = arith.muli %while3A_32, %while3A : i32
      %add3A_34 = arith.addi %while3A_17, %mul3A_33 : i32
      "tpu.region"() ({
        %run_scoped3A = tpu.sem_alloc : memref<!tpu.dma_semaphore, #tpu.memory_space<semaphore_mem>>
        %dma_start3A = arith.constant 0 : i32
        %dma_start3A_35 = tpu.memref_slice %arg7[%add3A_34, %dma_start3A] : memref<79x128xi32, #tpu.memory_space<vmem>> -> memref<1x128xi32, #tpu.memory_space<vmem>>
        %dma_start3A_36 = tpu.memref_squeeze %dma_start3A_35 : memref<1x128xi32, #tpu.memory_space<vmem>> -> memref<128xi32, #tpu.memory_space<vmem>>
        %dma_start3A_37 = arith.constant 0 : i32
        %dma_start3A_38 = arith.constant 0 : i32
        %dma_start3A_39 = tpu.memref_slice %arg11[%dma_start3A_37, %dma_start3A_38] : memref<10240x32xf32, #tpu.memory_space<vmem_shared>> -> memref<10240x32xf32, #tpu.memory_space<vmem_shared>>
        tpu.enqueue_indirect_dma source(%dma_start3A_39 : memref<10240x32xf32, #tpu.memory_space<vmem_shared>>) target(%arg9 : memref<128x32xf32, #tpu.memory_space<vmem>>) offsets(%dma_start3A_36 : memref<128xi32, #tpu.memory_space<vmem>>) semaphore(%run_scoped3A : memref<!tpu.dma_semaphore, #tpu.memory_space<semaphore_mem>>)
        %dma_wait3A = arith.constant 0 : i32
        %dma_wait3A_40 = tpu.memref_slice %arg7[%add3A_34, %dma_wait3A] : memref<79x128xi32, #tpu.memory_space<vmem>> -> memref<1x128xi32, #tpu.memory_space<vmem>>
        %dma_wait3A_41 = tpu.memref_squeeze %dma_wait3A_40 : memref<1x128xi32, #tpu.memory_space<vmem>> -> memref<128xi32, #tpu.memory_space<vmem>>
        %dma_wait3A_42 = arith.constant 0 : i32
        %dma_wait3A_43 = arith.constant 0 : i32
        %dma_wait3A_44 = tpu.memref_slice %arg11[%dma_wait3A_42, %dma_wait3A_43] : memref<10240x32xf32, #tpu.memory_space<vmem_shared>> -> memref<10240x32xf32, #tpu.memory_space<vmem_shared>>
        tpu.wait_indirect_dma semaphore(%run_scoped3A : memref<!tpu.dma_semaphore, #tpu.memory_space<semaphore_mem>>) src(%dma_wait3A_44 : memref<10240x32xf32, #tpu.memory_space<vmem_shared>>) dst(%arg9 : memref<128x32xf32, #tpu.memory_space<vmem>>)
        tpu.yield
      }) : () -> ()
      "tpu.region"() ({
        %run_scoped3A = tpu.sem_alloc : memref<!tpu.dma_semaphore, #tpu.memory_space<semaphore_mem>>
        %dma_start3A = arith.constant 0 : i32
        %dma_start3A_35 = tpu.memref_slice %arg8[%add3A_34, %dma_start3A] : memref<79x128xi32, #tpu.memory_space<vmem>> -> memref<1x128xi32, #tpu.memory_space<vmem>>
        %dma_start3A_36 = tpu.memref_squeeze %dma_start3A_35 : memref<1x128xi32, #tpu.memory_space<vmem>> -> memref<128xi32, #tpu.memory_space<vmem>>
        %dma_start3A_37 = arith.constant 0 : i32
        %dma_start3A_38 = arith.constant 0 : i32
        %dma_start3A_39 = tpu.memref_slice %arg10[%dma_start3A_37, %dma_start3A_38] : memref<10240x32xf32, #tpu.memory_space<vmem_shared>> -> memref<10240x32xf32, #tpu.memory_space<vmem_shared>>
        tpu.enqueue_indirect_dma source(%arg9 : memref<128x32xf32, #tpu.memory_space<vmem>>) target(%dma_start3A_39 : memref<10240x32xf32, #tpu.memory_space<vmem_shared>>) offsets(%dma_start3A_36 : memref<128xi32, #tpu.memory_space<vmem>>) semaphore(%run_scoped3A : memref<!tpu.dma_semaphore, #tpu.memory_space<semaphore_mem>>) {add = true}
        %dma_wait3A = arith.constant 0 : i32
        %dma_wait3A_40 = tpu.memref_slice %arg8[%add3A_34, %dma_wait3A] : memref<79x128xi32, #tpu.memory_space<vmem>> -> memref<1x128xi32, #tpu.memory_space<vmem>>
        %dma_wait3A_41 = tpu.memref_squeeze %dma_wait3A_40 : memref<1x128xi32, #tpu.memory_space<vmem>> -> memref<128xi32, #tpu.memory_space<vmem>>
        %dma_wait3A_42 = arith.constant 0 : i32
        %dma_wait3A_43 = arith.constant 0 : i32
        %dma_wait3A_44 = tpu.memref_slice %arg10[%dma_wait3A_42, %dma_wait3A_43] : memref<10240x32xf32, #tpu.memory_space<vmem_shared>> -> memref<10240x32xf32, #tpu.memory_space<vmem_shared>>
        tpu.wait_indirect_dma semaphore(%run_scoped3A : memref<!tpu.dma_semaphore, #tpu.memory_space<semaphore_mem>>) src(%arg9 : memref<128x32xf32, #tpu.memory_space<vmem>>) dst(%dma_wait3A_44 : memref<10240x32xf32, #tpu.memory_space<vmem_shared>>)
        tpu.yield
      }) : () -> ()
    }
    %while3A_26 = arith.constant 1 : i32
    scf.for %while3A_32 = %while3A_24 to %while3A_20 step %while3A_26  : i32 {
      %mul3A_33 = arith.muli %while3A_32, %while3A : i32
      %add3A_34 = arith.addi %while3A_17, %mul3A_33 : i32
      "tpu.region"() ({
        %run_scoped3A = tpu.sem_alloc : memref<!tpu.dma_semaphore, #tpu.memory_space<semaphore_mem>>
        %dma_start3A = arith.constant 0 : i32
        %dma_start3A_35 = tpu.memref_slice %arg7[%add3A_34, %dma_start3A] : memref<79x128xi32, #tpu.memory_space<vmem>> -> memref<1x128xi32, #tpu.memory_space<vmem>>
        %dma_start3A_36 = tpu.memref_squeeze %dma_start3A_35 : memref<1x128xi32, #tpu.memory_space<vmem>> -> memref<128xi32, #tpu.memory_space<vmem>>
        %dma_start3A_37 = arith.constant 0 : i32
        %dma_start3A_38 = arith.constant 0 : i32
        %dma_start3A_39 = tpu.memref_slice %arg11[%dma_start3A_37, %dma_start3A_38] : memref<10240x32xf32, #tpu.memory_space<vmem_shared>> -> memref<10240x32xf32, #tpu.memory_space<vmem_shared>>
        tpu.enqueue_indirect_dma source(%dma_start3A_39 : memref<10240x32xf32, #tpu.memory_space<vmem_shared>>) target(%arg9 : memref<128x32xf32, #tpu.memory_space<vmem>>) offsets(%dma_start3A_36 : memref<128xi32, #tpu.memory_space<vmem>>) semaphore(%run_scoped3A : memref<!tpu.dma_semaphore, #tpu.memory_space<semaphore_mem>>)
        %dma_wait3A = arith.constant 0 : i32
        %dma_wait3A_40 = tpu.memref_slice %arg7[%add3A_34, %dma_wait3A] : memref<79x128xi32, #tpu.memory_space<vmem>> -> memref<1x128xi32, #tpu.memory_space<vmem>>
        %dma_wait3A_41 = tpu.memref_squeeze %dma_wait3A_40 : memref<1x128xi32, #tpu.memory_space<vmem>> -> memref<128xi32, #tpu.memory_space<vmem>>
        %dma_wait3A_42 = arith.constant 0 : i32
        %dma_wait3A_43 = arith.constant 0 : i32
        %dma_wait3A_44 = tpu.memref_slice %arg11[%dma_wait3A_42, %dma_wait3A_43] : memref<10240x32xf32, #tpu.memory_space<vmem_shared>> -> memref<10240x32xf32, #tpu.memory_space<vmem_shared>>
        tpu.wait_indirect_dma semaphore(%run_scoped3A : memref<!tpu.dma_semaphore, #tpu.memory_space<semaphore_mem>>) src(%dma_wait3A_44 : memref<10240x32xf32, #tpu.memory_space<vmem_shared>>) dst(%arg9 : memref<128x32xf32, #tpu.memory_space<vmem>>)
        tpu.yield
      }) : () -> ()
      "tpu.region"() ({
        %run_scoped3A = tpu.sem_alloc : memref<!tpu.dma_semaphore, #tpu.memory_space<semaphore_mem>>
        %dma_start3A = arith.constant 0 : i32
        %dma_start3A_35 = tpu.memref_slice %arg8[%add3A_34, %dma_start3A] : memref<79x128xi32, #tpu.memory_space<vmem>> -> memref<1x128xi32, #tpu.memory_space<vmem>>
        %dma_start3A_36 = tpu.memref_squeeze %dma_start3A_35 : memref<1x128xi32, #tpu.memory_space<vmem>> -> memref<128xi32, #tpu.memory_space<vmem>>
        %dma_start3A_37 = arith.constant 0 : i32
        %dma_start3A_38 = arith.constant 0 : i32
        %dma_start3A_39 = tpu.memref_slice %arg10[%dma_start3A_37, %dma_start3A_38] : memref<10240x32xf32, #tpu.memory_space<vmem_shared>> -> memref<10240x32xf32, #tpu.memory_space<vmem_shared>>
        tpu.enqueue_indirect_dma source(%arg9 : memref<128x32xf32, #tpu.memory_space<vmem>>) target(%dma_start3A_39 : memref<10240x32xf32, #tpu.memory_space<vmem_shared>>) offsets(%dma_start3A_36 : memref<128xi32, #tpu.memory_space<vmem>>) semaphore(%run_scoped3A : memref<!tpu.dma_semaphore, #tpu.memory_space<semaphore_mem>>) {add = true}
        %dma_wait3A = arith.constant 0 : i32
        %dma_wait3A_40 = tpu.memref_slice %arg8[%add3A_34, %dma_wait3A] : memref<79x128xi32, #tpu.memory_space<vmem>> -> memref<1x128xi32, #tpu.memory_space<vmem>>
        %dma_wait3A_41 = tpu.memref_squeeze %dma_wait3A_40 : memref<1x128xi32, #tpu.memory_space<vmem>> -> memref<128xi32, #tpu.memory_space<vmem>>
        %dma_wait3A_42 = arith.constant 0 : i32
        %dma_wait3A_43 = arith.constant 0 : i32
        %dma_wait3A_44 = tpu.memref_slice %arg10[%dma_wait3A_42, %dma_wait3A_43] : memref<10240x32xf32, #tpu.memory_space<vmem_shared>> -> memref<10240x32xf32, #tpu.memory_space<vmem_shared>>
        tpu.wait_indirect_dma semaphore(%run_scoped3A : memref<!tpu.dma_semaphore, #tpu.memory_space<semaphore_mem>>) src(%arg9 : memref<128x32xf32, #tpu.memory_space<vmem>>) dst(%dma_wait3A_44 : memref<10240x32xf32, #tpu.memory_space<vmem_shared>>)
        tpu.yield
      }) : () -> ()
    }
    %barrier3A_27 = arith.constant 0 : index
    tpu.barrier barrier_id(%barrier3A_27)
    %mul3A_28 = arith.constant 640 : i32
    %mul3A_29 = arith.muli %arg1, %mul3A_28 : i32
    %mul3A_30 = arith.constant 640 : i32
    %mul3A_31 = arith.muli %arg1, %mul3A_30 : i32
    "tpu.region"() ({
      %run_scoped3A = tpu.sem_alloc : memref<!tpu.dma_semaphore, #tpu.memory_space<semaphore_mem>>
      %dma_start3A = arith.constant 0 : i32
      %dma_start3A_32 = tpu.memref_slice %arg6[%arg0, %mul3A_31, %dma_start3A] : memref<2x10240x32xf32, #tpu.memory_space<hbm>> -> memref<1x640x32xf32, #tpu.memory_space<hbm>>
      %dma_start3A_33 = tpu.memref_squeeze %dma_start3A_32 : memref<1x640x32xf32, #tpu.memory_space<hbm>> -> memref<640x32xf32, #tpu.memory_space<hbm>>
      %dma_start3A_34 = arith.constant 0 : i32
      %dma_start3A_35 = tpu.memref_slice %arg10[%mul3A_29, %dma_start3A_34] : memref<10240x32xf32, #tpu.memory_space<vmem_shared>> -> memref<640x32xf32, #tpu.memory_space<vmem_shared>>
      tpu.enqueue_dma source(%dma_start3A_35 : memref<640x32xf32, #tpu.memory_space<vmem_shared>>) target(%dma_start3A_33 : memref<640x32xf32, #tpu.memory_space<hbm>>) target_semaphore(%run_scoped3A : memref<!tpu.dma_semaphore, #tpu.memory_space<semaphore_mem>>)
      %dma_wait3A = arith.constant 0 : i32
      %dma_wait3A_36 = tpu.memref_slice %arg6[%arg0, %mul3A_31, %dma_wait3A] : memref<2x10240x32xf32, #tpu.memory_space<hbm>> -> memref<1x640x32xf32, #tpu.memory_space<hbm>>
      %dma_wait3A_37 = tpu.memref_squeeze %dma_wait3A_36 : memref<1x640x32xf32, #tpu.memory_space<hbm>> -> memref<640x32xf32, #tpu.memory_space<hbm>>
      %dma_wait3A_38 = arith.constant 0 : i32
      %dma_wait3A_39 = tpu.memref_slice %arg10[%mul3A_29, %dma_wait3A_38] : memref<10240x32xf32, #tpu.memory_space<vmem_shared>> -> memref<640x32xf32, #tpu.memory_space<vmem_shared>>
      tpu.wait_dma2 semaphore(%run_scoped3A : memref<!tpu.dma_semaphore, #tpu.memory_space<semaphore_mem>>) src(%dma_wait3A_39 : memref<640x32xf32, #tpu.memory_space<vmem_shared>>) dst(%dma_wait3A_37 : memref<640x32xf32, #tpu.memory_space<hbm>>)
      tpu.yield
    }) : () -> ()
    return
  }
}

module attributes {stable_mosaic.version = 14 : i64} {
  func.func @_mm_body(%arg0: i32, %arg1: memref<1024x128xf32, #tpu.memory_space<vmem>>, %arg2: memref<128x64xf32, #tpu.memory_space<vmem>>, %arg3: memref<1024x64xf32, #tpu.memory_space<vmem>>) attributes {dimension_semantics = [#tpu.dimension_semantics<arbitrary>], iteration_bounds = array<i64: 10>, scalar_prefetch = 0 : i64, scratch_operands = 0 : i64, tpu.core_type = #tpu.core_type<tc>, window_params = [{transform_indices = @transform_0, window_bounds = array<i64: 1024, 128>}, {pipeline_mode = #tpu.pipeline_mode<synchronous>, transform_indices = @transform_1, window_bounds = array<i64: 128, 64>}, {transform_indices = @transform_2, window_bounds = array<i64: 1024, 64>}]} {
    %get3A = arith.constant 0 : index
    %get3A_0 = arith.constant 0 : index
    %get3A_1 = vector.load %arg1[%get3A, %get3A_0] : memref<1024x128xf32, #tpu.memory_space<vmem>>, vector<1024x128xf32>
    %get3A_2 = arith.constant 0 : index
    %get3A_3 = arith.constant 0 : index
    %get3A_4 = vector.load %arg2[%get3A_2, %get3A_3] : memref<128x64xf32, #tpu.memory_space<vmem>>, vector<128x64xf32>
    %dot_general3A = arith.constant dense<0.000000e+00> : vector<1024x64xf32>
    %dot_general3A_5 = tpu.matmul %get3A_1, %get3A_4, %dot_general3A {dimension_numbers = #tpu.dot_dimension_numbers<[1], [0], [0], [1], [0, 0, 1, 1], [], []>, transpose_lhs_hint = false} : vector<1024x128xf32>, vector<128x64xf32>, vector<1024x64xf32> -> vector<1024x64xf32>
    %swap3A = arith.constant 0 : index
    %swap3A_6 = arith.constant 0 : index
    %swap3A_7 = vector.load %arg3[%swap3A, %swap3A_6] : memref<1024x64xf32, #tpu.memory_space<vmem>>, vector<1024x64xf32>
    tpu.vector_store %arg3[%swap3A, %swap3A_6], %dot_general3A_5 {strides = array<i32>} : memref<1024x64xf32, #tpu.memory_space<vmem>>, vector<1024x64xf32>,
    return
  }
  func.func @transform_0(%arg0: i32) -> (i32, i32) {
    %c0_i32 = arith.constant 0 : i32
    %c0_i32_0 = arith.constant 0 : i32
    return %arg0, %c0_i32 : i32, i32
  }
  func.func @transform_1(%arg0: i32) -> (i32, i32) {
    %c0_i32 = arith.constant 0 : i32
    %c0_i32_0 = arith.constant 0 : i32
    %c0_i32_1 = arith.constant 0 : i32
    return %c0_i32, %c0_i32_0 : i32, i32
  }
  func.func @transform_2(%arg0: i32) -> (i32, i32) {
    %c0_i32 = arith.constant 0 : i32
    %c0_i32_0 = arith.constant 0 : i32
    return %arg0, %c0_i32 : i32, i32
  }
}

module attributes {stable_mosaic.version = 14 : i64} {
  func.func @_dishp_body(%arg0: memref<2x10240x16xf32, #tpu.memory_space<vmem>>, %arg1: memref<10240x64xf32, #tpu.memory_space<vmem>>, %arg2: memref<10240x1xf32, #tpu.memory_space<vmem>>, %arg3: memref<10240x64xf32, #tpu.memory_space<vmem>>) attributes {dimension_semantics = [], scalar_prefetch = 0 : i64, scratch_operands = 0 : i64, tpu.core_type = #tpu.core_type<tc>} {
    %get3A = arith.constant 0 : index
    %get3A_0 = arith.constant 0 : index
    %get3A_1 = arith.constant 0 : index
    %get3A_2 = vector.load %arg0[%get3A, %get3A_0, %get3A_1] : memref<2x10240x16xf32, #tpu.memory_space<vmem>>, vector<1x10240x1xf32>
    %get3A_3 = vector.shape_cast %get3A_2 : vector<1x10240x1xf32> to vector<10240x1xf32>
    %get3A_4 = arith.constant 1 : index
    %get3A_5 = arith.constant 0 : index
    %get3A_6 = arith.constant 0 : index
    %get3A_7 = vector.load %arg0[%get3A_4, %get3A_5, %get3A_6] : memref<2x10240x16xf32, #tpu.memory_space<vmem>>, vector<1x10240x1xf32>
    %get3A_8 = vector.shape_cast %get3A_7 : vector<1x10240x1xf32> to vector<10240x1xf32>
    %add3A = arith.addf %get3A_3, %get3A_8 : vector<10240x1xf32>
    %add3A_9 = arith.constant 1.000000e+00 : f32
    %add3A_10 = vector.broadcast %add3A_9 : f32 to vector<10240x1xf32>
    %add3A_11 = arith.addf %add3A, %add3A_10 : vector<10240x1xf32>
    %rsqrt3A = math.rsqrt %add3A_11 : vector<10240x1xf32>
    %swap3A = arith.constant 0 : index
    %swap3A_12 = arith.constant 0 : index
    %swap3A_13 = vector.load %arg2[%swap3A, %swap3A_12] : memref<10240x1xf32, #tpu.memory_space<vmem>>, vector<10240x1xf32>
    tpu.vector_store %arg2[%swap3A, %swap3A_12], %rsqrt3A {strides = array<i32>} : memref<10240x1xf32, #tpu.memory_space<vmem>>, vector<10240x1xf32>,
    %get3A_14 = arith.constant 0 : index
    %get3A_15 = arith.constant 0 : index
    %get3A_16 = vector.load %arg1[%get3A_14, %get3A_15] : memref<10240x64xf32, #tpu.memory_space<vmem>>, vector<10240x64xf32>
    %mul3A = vector.broadcast %rsqrt3A : vector<10240x1xf32> to vector<10240x64xf32>
    %mul3A_17 = arith.mulf %mul3A, %get3A_16 : vector<10240x64xf32>
    %swap3A_18 = arith.constant 0 : index
    %swap3A_19 = arith.constant 0 : index
    %swap3A_20 = vector.load %arg3[%swap3A_18, %swap3A_19] : memref<10240x64xf32, #tpu.memory_space<vmem>>, vector<10240x64xf32>
    tpu.vector_store %arg3[%swap3A_18, %swap3A_19], %mul3A_17 {strides = array<i32>} : memref<10240x64xf32, #tpu.memory_space<vmem>>, vector<10240x64xf32>,
    return
  }
}

module attributes {stable_mosaic.version = 14 : i64} {
  func.func @_layer_body(%arg0: i32, %arg1: memref<2x1024x64xf32, #tpu.memory_space<vmem>>, %arg2: memref<1024x64xf32, #tpu.memory_space<vmem>>, %arg3: memref<1024x1xf32, #tpu.memory_space<vmem>>, %arg4: memref<1x64xf32, #tpu.memory_space<vmem>>, %arg5: memref<64x64xf32, #tpu.memory_space<vmem>>, %arg6: memref<1024x64xf32, #tpu.memory_space<vmem>>) attributes {dimension_semantics = [#tpu.dimension_semantics<arbitrary>], iteration_bounds = array<i64: 10>, scalar_prefetch = 0 : i64, scratch_operands = 0 : i64, tpu.core_type = #tpu.core_type<tc>, window_params = [{transform_indices = @transform_0, window_bounds = array<i64: 2, 1024, 64>}, {transform_indices = @transform_1, window_bounds = array<i64: 1024, 64>}, {transform_indices = @transform_2, window_bounds = array<i64: 1024, 1>}, {pipeline_mode = #tpu.pipeline_mode<synchronous>, transform_indices = @transform_3, window_bounds = array<i64: 1, 64>}, {pipeline_mode = #tpu.pipeline_mode<synchronous>, transform_indices = @transform_4, window_bounds = array<i64: 64, 64>}, {transform_indices = @transform_5, window_bounds = array<i64: 1024, 64>}]} {
    %get3A = arith.constant 0 : index
    %get3A_0 = arith.constant 0 : index
    %get3A_1 = vector.load %arg3[%get3A, %get3A_0] : memref<1024x1xf32, #tpu.memory_space<vmem>>, vector<1024x1xf32>
    %get3A_2 = arith.constant 0 : index
    %get3A_3 = arith.constant 0 : index
    %get3A_4 = arith.constant 0 : index
    %get3A_5 = vector.load %arg1[%get3A_2, %get3A_3, %get3A_4] : memref<2x1024x64xf32, #tpu.memory_space<vmem>>, vector<1x1024x64xf32>
    %get3A_6 = vector.shape_cast %get3A_5 : vector<1x1024x64xf32> to vector<1024x64xf32>
    %get3A_7 = arith.constant 1 : index
    %get3A_8 = arith.constant 0 : index
    %get3A_9 = arith.constant 0 : index
    %get3A_10 = vector.load %arg1[%get3A_7, %get3A_8, %get3A_9] : memref<2x1024x64xf32, #tpu.memory_space<vmem>>, vector<1x1024x64xf32>
    %get3A_11 = vector.shape_cast %get3A_10 : vector<1x1024x64xf32> to vector<1024x64xf32>
    %add3A = arith.addf %get3A_6, %get3A_11 : vector<1024x64xf32>
    %get3A_12 = arith.constant 0 : index
    %get3A_13 = arith.constant 0 : index
    %get3A_14 = vector.load %arg2[%get3A_12, %get3A_13] : memref<1024x64xf32, #tpu.memory_space<vmem>>, vector<1024x64xf32>
    %add3A_15 = arith.addf %add3A, %get3A_14 : vector<1024x64xf32>
    %mul3A = vector.broadcast %get3A_1 : vector<1024x1xf32> to vector<1024x64xf32>
    %mul3A_16 = arith.mulf %mul3A, %add3A_15 : vector<1024x64xf32>
    %get3A_17 = arith.constant 0 : index
    %get3A_18 = arith.constant 0 : index
    %get3A_19 = vector.load %arg4[%get3A_17, %get3A_18] : memref<1x64xf32, #tpu.memory_space<vmem>>, vector<1x64xf32>
    %add3A_20 = vector.broadcast %get3A_19 : vector<1x64xf32> to vector<1024x64xf32>
    %add3A_21 = arith.addf %mul3A_16, %add3A_20 : vector<1024x64xf32>
    %max3A = arith.constant 0.000000e+00 : f32
    %max3A_22 = vector.broadcast %max3A : f32 to vector<1024x64xf32>
    %max3A_23 = arith.maximumf %add3A_21, %max3A_22 : vector<1024x64xf32>
    %get3A_24 = arith.constant 0 : index
    %get3A_25 = arith.constant 0 : index
    %get3A_26 = vector.load %arg3[%get3A_24, %get3A_25] : memref<1024x1xf32, #tpu.memory_space<vmem>>, vector<1024x1xf32>
    %get3A_27 = arith.constant 0 : index
    %get3A_28 = arith.constant 0 : index
    %get3A_29 = vector.load %arg5[%get3A_27, %get3A_28] : memref<64x64xf32, #tpu.memory_space<vmem>>, vector<64x64xf32>
    %dot_general3A = arith.constant dense<0.000000e+00> : vector<1024x64xf32>
    %dot_general3A_30 = tpu.matmul %max3A_23, %get3A_29, %dot_general3A {dimension_numbers = #tpu.dot_dimension_numbers<[1], [0], [0], [1], [0, 0, 1, 1], [], []>, transpose_lhs_hint = false} : vector<1024x64xf32>, vector<64x64xf32>, vector<1024x64xf32> -> vector<1024x64xf32>
    %mul3A_31 = vector.broadcast %get3A_26 : vector<1024x1xf32> to vector<1024x64xf32>
    %mul3A_32 = arith.mulf %mul3A_31, %dot_general3A_30 : vector<1024x64xf32>
    %swap3A = arith.constant 0 : index
    %swap3A_33 = arith.constant 0 : index
    %swap3A_34 = vector.load %arg6[%swap3A, %swap3A_33] : memref<1024x64xf32, #tpu.memory_space<vmem>>, vector<1024x64xf32>
    tpu.vector_store %arg6[%swap3A, %swap3A_33], %mul3A_32 {strides = array<i32>} : memref<1024x64xf32, #tpu.memory_space<vmem>>, vector<1024x64xf32>,
    return
  }
  func.func @transform_0(%arg0: i32) -> (i32, i32, i32) {
    %c0_i32 = arith.constant 0 : i32
    %c0_i32_0 = arith.constant 0 : i32
    %c0_i32_1 = arith.constant 0 : i32
    return %c0_i32, %arg0, %c0_i32_0 : i32, i32, i32
  }
  func.func @transform_1(%arg0: i32) -> (i32, i32) {
    %c0_i32 = arith.constant 0 : i32
    %c0_i32_0 = arith.constant 0 : i32
    return %arg0, %c0_i32 : i32, i32
  }
  func.func @transform_2(%arg0: i32) -> (i32, i32) {
    %c0_i32 = arith.constant 0 : i32
    %c0_i32_0 = arith.constant 0 : i32
    return %arg0, %c0_i32 : i32, i32
  }
  func.func @transform_3(%arg0: i32) -> (i32, i32) {
    %c0_i32 = arith.constant 0 : i32
    %c0_i32_0 = arith.constant 0 : i32
    %c0_i32_1 = arith.constant 0 : i32
    return %c0_i32, %c0_i32_0 : i32, i32
  }
  func.func @transform_4(%arg0: i32) -> (i32, i32) {
    %c0_i32 = arith.constant 0 : i32
    %c0_i32_0 = arith.constant 0 : i32
    %c0_i32_1 = arith.constant 0 : i32
    return %c0_i32, %c0_i32_0 : i32, i32
  }
  func.func @transform_5(%arg0: i32) -> (i32, i32) {
    %c0_i32 = arith.constant 0 : i32
    %c0_i32_0 = arith.constant 0 : i32
    return %arg0, %c0_i32 : i32, i32
  }
}

module attributes {stable_mosaic.version = 14 : i64} {
  func.func @_layer_body(%arg0: i32, %arg1: memref<2x1024x64xf32, #tpu.memory_space<vmem>>, %arg2: memref<1024x64xf32, #tpu.memory_space<vmem>>, %arg3: memref<1024x1xf32, #tpu.memory_space<vmem>>, %arg4: memref<1x64xf32, #tpu.memory_space<vmem>>, %arg5: memref<64x32xf32, #tpu.memory_space<vmem>>, %arg6: memref<1024x32xf32, #tpu.memory_space<vmem>>) attributes {dimension_semantics = [#tpu.dimension_semantics<arbitrary>], iteration_bounds = array<i64: 10>, scalar_prefetch = 0 : i64, scratch_operands = 0 : i64, tpu.core_type = #tpu.core_type<tc>, window_params = [{transform_indices = @transform_0, window_bounds = array<i64: 2, 1024, 64>}, {transform_indices = @transform_1, window_bounds = array<i64: 1024, 64>}, {transform_indices = @transform_2, window_bounds = array<i64: 1024, 1>}, {pipeline_mode = #tpu.pipeline_mode<synchronous>, transform_indices = @transform_3, window_bounds = array<i64: 1, 64>}, {pipeline_mode = #tpu.pipeline_mode<synchronous>, transform_indices = @transform_4, window_bounds = array<i64: 64, 32>}, {transform_indices = @transform_5, window_bounds = array<i64: 1024, 32>}]} {
    %get3A = arith.constant 0 : index
    %get3A_0 = arith.constant 0 : index
    %get3A_1 = vector.load %arg3[%get3A, %get3A_0] : memref<1024x1xf32, #tpu.memory_space<vmem>>, vector<1024x1xf32>
    %get3A_2 = arith.constant 0 : index
    %get3A_3 = arith.constant 0 : index
    %get3A_4 = arith.constant 0 : index
    %get3A_5 = vector.load %arg1[%get3A_2, %get3A_3, %get3A_4] : memref<2x1024x64xf32, #tpu.memory_space<vmem>>, vector<1x1024x64xf32>
    %get3A_6 = vector.shape_cast %get3A_5 : vector<1x1024x64xf32> to vector<1024x64xf32>
    %get3A_7 = arith.constant 1 : index
    %get3A_8 = arith.constant 0 : index
    %get3A_9 = arith.constant 0 : index
    %get3A_10 = vector.load %arg1[%get3A_7, %get3A_8, %get3A_9] : memref<2x1024x64xf32, #tpu.memory_space<vmem>>, vector<1x1024x64xf32>
    %get3A_11 = vector.shape_cast %get3A_10 : vector<1x1024x64xf32> to vector<1024x64xf32>
    %add3A = arith.addf %get3A_6, %get3A_11 : vector<1024x64xf32>
    %get3A_12 = arith.constant 0 : index
    %get3A_13 = arith.constant 0 : index
    %get3A_14 = vector.load %arg2[%get3A_12, %get3A_13] : memref<1024x64xf32, #tpu.memory_space<vmem>>, vector<1024x64xf32>
    %add3A_15 = arith.addf %add3A, %get3A_14 : vector<1024x64xf32>
    %mul3A = vector.broadcast %get3A_1 : vector<1024x1xf32> to vector<1024x64xf32>
    %mul3A_16 = arith.mulf %mul3A, %add3A_15 : vector<1024x64xf32>
    %get3A_17 = arith.constant 0 : index
    %get3A_18 = arith.constant 0 : index
    %get3A_19 = vector.load %arg4[%get3A_17, %get3A_18] : memref<1x64xf32, #tpu.memory_space<vmem>>, vector<1x64xf32>
    %add3A_20 = vector.broadcast %get3A_19 : vector<1x64xf32> to vector<1024x64xf32>
    %add3A_21 = arith.addf %mul3A_16, %add3A_20 : vector<1024x64xf32>
    %max3A = arith.constant 0.000000e+00 : f32
    %max3A_22 = vector.broadcast %max3A : f32 to vector<1024x64xf32>
    %max3A_23 = arith.maximumf %add3A_21, %max3A_22 : vector<1024x64xf32>
    %get3A_24 = arith.constant 0 : index
    %get3A_25 = arith.constant 0 : index
    %get3A_26 = vector.load %arg3[%get3A_24, %get3A_25] : memref<1024x1xf32, #tpu.memory_space<vmem>>, vector<1024x1xf32>
    %get3A_27 = arith.constant 0 : index
    %get3A_28 = arith.constant 0 : index
    %get3A_29 = vector.load %arg5[%get3A_27, %get3A_28] : memref<64x32xf32, #tpu.memory_space<vmem>>, vector<64x32xf32>
    %dot_general3A = arith.constant dense<0.000000e+00> : vector<1024x32xf32>
    %dot_general3A_30 = tpu.matmul %max3A_23, %get3A_29, %dot_general3A {dimension_numbers = #tpu.dot_dimension_numbers<[1], [0], [0], [1], [0, 0, 1, 1], [], []>, transpose_lhs_hint = false} : vector<1024x64xf32>, vector<64x32xf32>, vector<1024x32xf32> -> vector<1024x32xf32>
    %mul3A_31 = vector.broadcast %get3A_26 : vector<1024x1xf32> to vector<1024x32xf32>
    %mul3A_32 = arith.mulf %mul3A_31, %dot_general3A_30 : vector<1024x32xf32>
    %swap3A = arith.constant 0 : index
    %swap3A_33 = arith.constant 0 : index
    %swap3A_34 = vector.load %arg6[%swap3A, %swap3A_33] : memref<1024x32xf32, #tpu.memory_space<vmem>>, vector<1024x32xf32>
    tpu.vector_store %arg6[%swap3A, %swap3A_33], %mul3A_32 {strides = array<i32>} : memref<1024x32xf32, #tpu.memory_space<vmem>>, vector<1024x32xf32>,
    return
  }
  func.func @transform_0(%arg0: i32) -> (i32, i32, i32) {
    %c0_i32 = arith.constant 0 : i32
    %c0_i32_0 = arith.constant 0 : i32
    %c0_i32_1 = arith.constant 0 : i32
    return %c0_i32, %arg0, %c0_i32_0 : i32, i32, i32
  }
  func.func @transform_1(%arg0: i32) -> (i32, i32) {
    %c0_i32 = arith.constant 0 : i32
    %c0_i32_0 = arith.constant 0 : i32
    return %arg0, %c0_i32 : i32, i32
  }
  func.func @transform_2(%arg0: i32) -> (i32, i32) {
    %c0_i32 = arith.constant 0 : i32
    %c0_i32_0 = arith.constant 0 : i32
    return %arg0, %c0_i32 : i32, i32
  }
  func.func @transform_3(%arg0: i32) -> (i32, i32) {
    %c0_i32 = arith.constant 0 : i32
    %c0_i32_0 = arith.constant 0 : i32
    %c0_i32_1 = arith.constant 0 : i32
    return %c0_i32, %c0_i32_0 : i32, i32
  }
  func.func @transform_4(%arg0: i32) -> (i32, i32) {
    %c0_i32 = arith.constant 0 : i32
    %c0_i32_0 = arith.constant 0 : i32
    %c0_i32_1 = arith.constant 0 : i32
    return %c0_i32, %c0_i32_0 : i32, i32
  }
  func.func @transform_5(%arg0: i32) -> (i32, i32) {
    %c0_i32 = arith.constant 0 : i32
    %c0_i32_0 = arith.constant 0 : i32
    return %arg0, %c0_i32 : i32, i32
  }
}

module attributes {stable_mosaic.version = 14 : i64} {
  func.func @_head1_body(%arg0: i32, %arg1: memref<2x1024x32xf32, #tpu.memory_space<vmem>>, %arg2: memref<1024x32xf32, #tpu.memory_space<vmem>>, %arg3: memref<1024x1xf32, #tpu.memory_space<vmem>>, %arg4: memref<1x20xf32, #tpu.memory_space<vmem>>, %arg5: memref<1024x1xi32, #tpu.memory_space<vmem>>, %arg6: memref<1024x20xf32, #tpu.memory_space<vmem>>, %arg7: memref<8x20xf32, #tpu.memory_space<vmem>>, %arg8: memref<8x1xf32, #tpu.memory_space<vmem>>) attributes {dimension_semantics = [#tpu.dimension_semantics<arbitrary>], iteration_bounds = array<i64: 10>, scalar_prefetch = 0 : i64, scratch_operands = 0 : i64, tpu.core_type = #tpu.core_type<tc>, window_params = [{transform_indices = @transform_0, window_bounds = array<i64: 2, 1024, 32>}, {transform_indices = @transform_1, window_bounds = array<i64: 1024, 32>}, {transform_indices = @transform_2, window_bounds = array<i64: 1024, 1>}, {pipeline_mode = #tpu.pipeline_mode<synchronous>, transform_indices = @transform_3, window_bounds = array<i64: 1, 20>}, {transform_indices = @transform_4, window_bounds = array<i64: 1024, 1>}, {transform_indices = @transform_5, window_bounds = array<i64: 1024, 20>}, {pipeline_mode = #tpu.pipeline_mode<synchronous>, transform_indices = @transform_6, window_bounds = array<i64: 8, 20>}, {pipeline_mode = #tpu.pipeline_mode<synchronous>, transform_indices = @transform_7, window_bounds = array<i64: 8, 1>}]} {
    %get3A = arith.constant 0 : index
    %get3A_0 = arith.constant 0 : index
    %get3A_1 = vector.load %arg3[%get3A, %get3A_0] : memref<1024x1xf32, #tpu.memory_space<vmem>>, vector<1024x1xf32>
    %get3A_2 = arith.constant 0 : index
    %get3A_3 = arith.constant 0 : index
    %get3A_4 = arith.constant 0 : index
    %get3A_5 = vector.load %arg1[%get3A_2, %get3A_3, %get3A_4] : memref<2x1024x32xf32, #tpu.memory_space<vmem>>, vector<1x1024x32xf32>
    %get3A_6 = vector.shape_cast %get3A_5 : vector<1x1024x32xf32> to vector<1024x32xf32>
    %get3A_7 = arith.constant 1 : index
    %get3A_8 = arith.constant 0 : index
    %get3A_9 = arith.constant 0 : index
    %get3A_10 = vector.load %arg1[%get3A_7, %get3A_8, %get3A_9] : memref<2x1024x32xf32, #tpu.memory_space<vmem>>, vector<1x1024x32xf32>
    %get3A_11 = vector.shape_cast %get3A_10 : vector<1x1024x32xf32> to vector<1024x32xf32>
    %add3A = arith.addf %get3A_6, %get3A_11 : vector<1024x32xf32>
    %get3A_12 = arith.constant 0 : index
    %get3A_13 = arith.constant 0 : index
    %get3A_14 = vector.load %arg2[%get3A_12, %get3A_13] : memref<1024x32xf32, #tpu.memory_space<vmem>>, vector<1024x32xf32>
    %add3A_15 = arith.addf %add3A, %get3A_14 : vector<1024x32xf32>
    %mul3A = vector.broadcast %get3A_1 : vector<1024x1xf32> to vector<1024x32xf32>
    %mul3A_16 = arith.mulf %mul3A, %add3A_15 : vector<1024x32xf32>
    %slice3A = vector.extract_strided_slice %mul3A_16 {offsets = [0, 0], sizes = [1024, 20], strides = [1, 1]} : vector<1024x32xf32> to vector<1024x20xf32>
    %get3A_17 = arith.constant 0 : index
    %get3A_18 = arith.constant 0 : index
    %get3A_19 = vector.load %arg4[%get3A_17, %get3A_18] : memref<1x20xf32, #tpu.memory_space<vmem>>, vector<1x20xf32>
    %add3A_20 = vector.broadcast %get3A_19 : vector<1x20xf32> to vector<1024x20xf32>
    %add3A_21 = arith.addf %slice3A, %add3A_20 : vector<1024x20xf32>
    %swap3A = arith.constant 0 : index
    %swap3A_22 = arith.constant 0 : index
    %swap3A_23 = vector.load %arg6[%swap3A, %swap3A_22] : memref<1024x20xf32, #tpu.memory_space<vmem>>, vector<1024x20xf32>
    tpu.vector_store %arg6[%swap3A, %swap3A_22], %add3A_21 {strides = array<i32>} : memref<1024x20xf32, #tpu.memory_space<vmem>>, vector<1024x20xf32>,
    %get3A_24 = arith.constant 0 : index
    %get3A_25 = arith.constant 0 : index
    %get3A_26 = vector.load %arg5[%get3A_24, %get3A_25] : memref<1024x1xi32, #tpu.memory_space<vmem>>, vector<1024x1xi32>
    %iota3A = tpu.iota {dimensions = array<i32: 1>} : vector<1x8xi32>
    %eq3A = vector.broadcast %get3A_26 : vector<1024x1xi32> to vector<1024x8xi32>
    %eq3A_27 = vector.broadcast %iota3A : vector<1x8xi32> to vector<1024x8xi32>
    %eq3A_28 = arith.cmpi eq, %eq3A, %eq3A_27 : vector<1024x8xi32>
    %convert_element_type3A = arith.extui %eq3A_28 : vector<1024x8xi1> to vector<1024x8xi32>
    %convert_element_type3A_29 = arith.sitofp %convert_element_type3A : vector<1024x8xi32> to vector<1024x8xf32>
    %dot_general3A = arith.constant dense<0.000000e+00> : vector<8x20xf32>
    %dot_general3A_30 = tpu.matmul %convert_element_type3A_29, %add3A_21, %dot_general3A {dimension_numbers = #tpu.dot_dimension_numbers<[0], [0], [1], [1], [0, 1, 1, 1], [], []>, precision = #tpu.contract_precision<fp32>, transpose_lhs_hint = false} : vector<1024x8xf32>, vector<1024x20xf32>, vector<8x20xf32> -> vector<8x20xf32>
    %broadcast_in_dim3A = arith.constant 1.000000e+00 : f32
    %broadcast_in_dim3A_31 = vector.broadcast %broadcast_in_dim3A : f32 to vector<1024x1xf32>
    %dot_general3A_32 = arith.constant dense<0.000000e+00> : vector<8x1xf32>
    %dot_general3A_33 = tpu.matmul %convert_element_type3A_29, %broadcast_in_dim3A_31, %dot_general3A_32 {dimension_numbers = #tpu.dot_dimension_numbers<[0], [0], [1], [1], [0, 1, 1, 1], [], []>, precision = #tpu.contract_precision<fp32>, transpose_lhs_hint = false} : vector<1024x8xf32>, vector<1024x1xf32>, vector<8x1xf32> -> vector<8x1xf32>
    %eq3A_34 = arith.constant 0 : i32
    %eq3A_35 = arith.cmpi eq, %arg0, %eq3A_34 : i32
    %convert_element_type3A_36 = arith.extui %eq3A_35 : i1 to i32
    %cond3A = arith.constant 0 : i32
    %cond3A_37 = arith.cmpi ne, %convert_element_type3A_36, %cond3A : i32
    scf.if %cond3A_37 {
      %broadcast_in_dim3A_52 = arith.constant 0.000000e+00 : f32
      %broadcast_in_dim3A_53 = vector.broadcast %broadcast_in_dim3A_52 : f32 to vector<8x20xf32>
      %swap3A_54 = arith.constant 0 : index
      %swap3A_55 = arith.constant 0 : index
      %swap3A_56 = vector.load %arg7[%swap3A_54, %swap3A_55] : memref<8x20xf32, #tpu.memory_space<vmem>>, vector<8x20xf32>
      tpu.vector_store %arg7[%swap3A_54, %swap3A_55], %broadcast_in_dim3A_53 {strides = array<i32>} : memref<8x20xf32, #tpu.memory_space<vmem>>, vector<8x20xf32>,
      %broadcast_in_dim3A_57 = arith.constant 0.000000e+00 : f32
      %broadcast_in_dim3A_58 = vector.broadcast %broadcast_in_dim3A_57 : f32 to vector<8x1xf32>
      %swap3A_59 = arith.constant 0 : index
      %swap3A_60 = arith.constant 0 : index
      %swap3A_61 = vector.load %arg8[%swap3A_59, %swap3A_60] : memref<8x1xf32, #tpu.memory_space<vmem>>, vector<8x1xf32>
      tpu.vector_store %arg8[%swap3A_59, %swap3A_60], %broadcast_in_dim3A_58 {strides = array<i32>} : memref<8x1xf32, #tpu.memory_space<vmem>>, vector<8x1xf32>,
    } else {
    }
    %get3A_38 = arith.constant 0 : index
    %get3A_39 = arith.constant 0 : index
    %get3A_40 = vector.load %arg7[%get3A_38, %get3A_39] : memref<8x20xf32, #tpu.memory_space<vmem>>, vector<8x20xf32>
    %add3A_41 = arith.addf %get3A_40, %dot_general3A_30 : vector<8x20xf32>
    %swap3A_42 = arith.constant 0 : index
    %swap3A_43 = arith.constant 0 : index
    %swap3A_44 = vector.load %arg7[%swap3A_42, %swap3A_43] : memref<8x20xf32, #tpu.memory_space<vmem>>, vector<8x20xf32>
    tpu.vector_store %arg7[%swap3A_42, %swap3A_43], %add3A_41 {strides = array<i32>} : memref<8x20xf32, #tpu.memory_space<vmem>>, vector<8x20xf32>,
    %get3A_45 = arith.constant 0 : index
    %get3A_46 = arith.constant 0 : index
    %get3A_47 = vector.load %arg8[%get3A_45, %get3A_46] : memref<8x1xf32, #tpu.memory_space<vmem>>, vector<8x1xf32>
    %add3A_48 = arith.addf %get3A_47, %dot_general3A_33 : vector<8x1xf32>
    %swap3A_49 = arith.constant 0 : index
    %swap3A_50 = arith.constant 0 : index
    %swap3A_51 = vector.load %arg8[%swap3A_49, %swap3A_50] : memref<8x1xf32, #tpu.memory_space<vmem>>, vector<8x1xf32>
    tpu.vector_store %arg8[%swap3A_49, %swap3A_50], %add3A_48 {strides = array<i32>} : memref<8x1xf32, #tpu.memory_space<vmem>>, vector<8x1xf32>,
    return
  }
  func.func @transform_0(%arg0: i32) -> (i32, i32, i32) {
    %c0_i32 = arith.constant 0 : i32
    %c0_i32_0 = arith.constant 0 : i32
    %c0_i32_1 = arith.constant 0 : i32
    return %c0_i32, %arg0, %c0_i32_0 : i32, i32, i32
  }
  func.func @transform_1(%arg0: i32) -> (i32, i32) {
    %c0_i32 = arith.constant 0 : i32
    %c0_i32_0 = arith.constant 0 : i32
    return %arg0, %c0_i32 : i32, i32
  }
  func.func @transform_2(%arg0: i32) -> (i32, i32) {
    %c0_i32 = arith.constant 0 : i32
    %c0_i32_0 = arith.constant 0 : i32
    return %arg0, %c0_i32 : i32, i32
  }
  func.func @transform_3(%arg0: i32) -> (i32, i32) {
    %c0_i32 = arith.constant 0 : i32
    %c0_i32_0 = arith.constant 0 : i32
    %c0_i32_1 = arith.constant 0 : i32
    return %c0_i32, %c0_i32_0 : i32, i32
  }
  func.func @transform_4(%arg0: i32) -> (i32, i32) {
    %c0_i32 = arith.constant 0 : i32
    %c0_i32_0 = arith.constant 0 : i32
    return %arg0, %c0_i32 : i32, i32
  }
  func.func @transform_5(%arg0: i32) -> (i32, i32) {
    %c0_i32 = arith.constant 0 : i32
    %c0_i32_0 = arith.constant 0 : i32
    return %arg0, %c0_i32 : i32, i32
  }
  func.func @transform_6(%arg0: i32) -> (i32, i32) {
    %c0_i32 = arith.constant 0 : i32
    %c0_i32_0 = arith.constant 0 : i32
    %c0_i32_1 = arith.constant 0 : i32
    return %c0_i32, %c0_i32_0 : i32, i32
  }
  func.func @transform_7(%arg0: i32) -> (i32, i32) {
    %c0_i32 = arith.constant 0 : i32
    %c0_i32_0 = arith.constant 0 : i32
    %c0_i32_1 = arith.constant 0 : i32
    return %c0_i32, %c0_i32_0 : i32, i32
  }
}

module attributes {stable_mosaic.version = 14 : i64} {
  func.func @_head2_body(%arg0: memref<10240x20xf32, #tpu.memory_space<vmem>>, %arg1: memref<8x20xf32, #tpu.memory_space<vmem>>, %arg2: memref<8x1xf32, #tpu.memory_space<vmem>>, %arg3: memref<8x1xf32, #tpu.memory_space<smem>>, %arg4: memref<8x10xi32, #tpu.memory_space<smem>>, %arg5: memref<220x64xf32, #tpu.memory_space<vmem>>, %arg6: memref<1x64xf32, #tpu.memory_space<vmem>>, %arg7: memref<64x1xf32, #tpu.memory_space<vmem>>, %arg8: memref<1x1xf32, #tpu.memory_space<vmem>>, %arg9: memref<8x1xf32, #tpu.memory_space<vmem>>) attributes {dimension_semantics = [], scalar_prefetch = 0 : i64, scratch_operands = 0 : i64, tpu.core_type = #tpu.core_type<tc>} {
    %get3A = arith.constant 0 : index
    %get3A_0 = arith.constant 0 : index
    %get3A_1 = memref.load %arg4[%get3A, %get3A_0] : memref<8x10xi32, #tpu.memory_space<smem>>
    %add3A = arith.constant 0 : i32
    %add3A_2 = arith.addi %add3A, %get3A_1 : i32
    %jit3A = arith.constant 0 : i32
    %jit3A_3 = arith.constant 9999 : i32
    %max3A = arith.maxsi %jit3A, %add3A_2 : i32
    %min3A = arith.minsi %jit3A_3, %max3A : i32
    %get3A_4 = arith.index_cast %min3A : i32 to index
    %get3A_5 = arith.constant 0 : index
    %get3A_6 = vector.load %arg0[%get3A_4, %get3A_5] : memref<10240x20xf32, #tpu.memory_space<vmem>>, vector<1x20xf32>
    %ne3A = arith.constant 0 : i32
    %ne3A_7 = arith.cmpi ne, %get3A_1, %ne3A : i32
    %jit3A_8 = arith.constant 0.000000e+00 : f32
    %broadcast_in_dim3A = vector.broadcast %jit3A_8 : f32 to vector<1x20xf32>
    %select_n3A = arith.select %ne3A_7, %get3A_6, %broadcast_in_dim3A : vector<1x20xf32>
    %get3A_9 = arith.constant 0 : index
    %get3A_10 = arith.constant 1 : index
    %get3A_11 = memref.load %arg4[%get3A_9, %get3A_10] : memref<8x10xi32, #tpu.memory_space<smem>>
    %add3A_12 = arith.constant 0 : i32
    %add3A_13 = arith.addi %add3A_12, %get3A_11 : i32
    %jit3A_14 = arith.constant 0 : i32
    %jit3A_15 = arith.constant 9999 : i32
    %max3A_16 = arith.maxsi %jit3A_14, %add3A_13 : i32
    %min3A_17 = arith.minsi %jit3A_15, %max3A_16 : i32
    %get3A_18 = arith.index_cast %min3A_17 : i32 to index
    %get3A_19 = arith.constant 0 : index
    %get3A_20 = vector.load %arg0[%get3A_18, %get3A_19] : memref<10240x20xf32, #tpu.memory_space<vmem>>, vector<1x20xf32>
    %ne3A_21 = arith.constant 0 : i32
    %ne3A_22 = arith.cmpi ne, %get3A_11, %ne3A_21 : i32
    %jit3A_23 = arith.constant 0.000000e+00 : f32
    %broadcast_in_dim3A_24 = vector.broadcast %jit3A_23 : f32 to vector<1x20xf32>
    %select_n3A_25 = arith.select %ne3A_22, %get3A_20, %broadcast_in_dim3A_24 : vector<1x20xf32>
    %get3A_26 = arith.constant 0 : index
    %get3A_27 = arith.constant 2 : index
    %get3A_28 = memref.load %arg4[%get3A_26, %get3A_27] : memref<8x10xi32, #tpu.memory_space<smem>>
    %add3A_29 = arith.constant 0 : i32
    %add3A_30 = arith.addi %add3A_29, %get3A_28 : i32
    %jit3A_31 = arith.constant 0 : i32
    %jit3A_32 = arith.constant 9999 : i32
    %max3A_33 = arith.maxsi %jit3A_31, %add3A_30 : i32
    %min3A_34 = arith.minsi %jit3A_32, %max3A_33 : i32
    %get3A_35 = arith.index_cast %min3A_34 : i32 to index
    %get3A_36 = arith.constant 0 : index
    %get3A_37 = vector.load %arg0[%get3A_35, %get3A_36] : memref<10240x20xf32, #tpu.memory_space<vmem>>, vector<1x20xf32>
    %ne3A_38 = arith.constant 0 : i32
    %ne3A_39 = arith.cmpi ne, %get3A_28, %ne3A_38 : i32
    %jit3A_40 = arith.constant 0.000000e+00 : f32
    %broadcast_in_dim3A_41 = vector.broadcast %jit3A_40 : f32 to vector<1x20xf32>
    %select_n3A_42 = arith.select %ne3A_39, %get3A_37, %broadcast_in_dim3A_41 : vector<1x20xf32>
    %get3A_43 = arith.constant 0 : index
    %get3A_44 = arith.constant 3 : index
    %get3A_45 = memref.load %arg4[%get3A_43, %get3A_44] : memref<8x10xi32, #tpu.memory_space<smem>>
    %add3A_46 = arith.constant 0 : i32
    %add3A_47 = arith.addi %add3A_46, %get3A_45 : i32
    %jit3A_48 = arith.constant 0 : i32
    %jit3A_49 = arith.constant 9999 : i32
    %max3A_50 = arith.maxsi %jit3A_48, %add3A_47 : i32
    %min3A_51 = arith.minsi %jit3A_49, %max3A_50 : i32
    %get3A_52 = arith.index_cast %min3A_51 : i32 to index
    %get3A_53 = arith.constant 0 : index
    %get3A_54 = vector.load %arg0[%get3A_52, %get3A_53] : memref<10240x20xf32, #tpu.memory_space<vmem>>, vector<1x20xf32>
    %ne3A_55 = arith.constant 0 : i32
    %ne3A_56 = arith.cmpi ne, %get3A_45, %ne3A_55 : i32
    %jit3A_57 = arith.constant 0.000000e+00 : f32
    %broadcast_in_dim3A_58 = vector.broadcast %jit3A_57 : f32 to vector<1x20xf32>
    %select_n3A_59 = arith.select %ne3A_56, %get3A_54, %broadcast_in_dim3A_58 : vector<1x20xf32>
    %get3A_60 = arith.constant 0 : index
    %get3A_61 = arith.constant 4 : index
    %get3A_62 = memref.load %arg4[%get3A_60, %get3A_61] : memref<8x10xi32, #tpu.memory_space<smem>>
    %add3A_63 = arith.constant 0 : i32
    %add3A_64 = arith.addi %add3A_63, %get3A_62 : i32
    %jit3A_65 = arith.constant 0 : i32
    %jit3A_66 = arith.constant 9999 : i32
    %max3A_67 = arith.maxsi %jit3A_65, %add3A_64 : i32
    %min3A_68 = arith.minsi %jit3A_66, %max3A_67 : i32
    %get3A_69 = arith.index_cast %min3A_68 : i32 to index
    %get3A_70 = arith.constant 0 : index
    %get3A_71 = vector.load %arg0[%get3A_69, %get3A_70] : memref<10240x20xf32, #tpu.memory_space<vmem>>, vector<1x20xf32>
    %ne3A_72 = arith.constant 0 : i32
    %ne3A_73 = arith.cmpi ne, %get3A_62, %ne3A_72 : i32
    %jit3A_74 = arith.constant 0.000000e+00 : f32
    %broadcast_in_dim3A_75 = vector.broadcast %jit3A_74 : f32 to vector<1x20xf32>
    %select_n3A_76 = arith.select %ne3A_73, %get3A_71, %broadcast_in_dim3A_75 : vector<1x20xf32>
    %get3A_77 = arith.constant 0 : index
    %get3A_78 = arith.constant 5 : index
    %get3A_79 = memref.load %arg4[%get3A_77, %get3A_78] : memref<8x10xi32, #tpu.memory_space<smem>>
    %add3A_80 = arith.constant 0 : i32
    %add3A_81 = arith.addi %add3A_80, %get3A_79 : i32
    %jit3A_82 = arith.constant 0 : i32
    %jit3A_83 = arith.constant 9999 : i32
    %max3A_84 = arith.maxsi %jit3A_82, %add3A_81 : i32
    %min3A_85 = arith.minsi %jit3A_83, %max3A_84 : i32
    %get3A_86 = arith.index_cast %min3A_85 : i32 to index
    %get3A_87 = arith.constant 0 : index
    %get3A_88 = vector.load %arg0[%get3A_86, %get3A_87] : memref<10240x20xf32, #tpu.memory_space<vmem>>, vector<1x20xf32>
    %ne3A_89 = arith.constant 0 : i32
    %ne3A_90 = arith.cmpi ne, %get3A_79, %ne3A_89 : i32
    %jit3A_91 = arith.constant 0.000000e+00 : f32
    %broadcast_in_dim3A_92 = vector.broadcast %jit3A_91 : f32 to vector<1x20xf32>
    %select_n3A_93 = arith.select %ne3A_90, %get3A_88, %broadcast_in_dim3A_92 : vector<1x20xf32>
    %get3A_94 = arith.constant 0 : index
    %get3A_95 = arith.constant 6 : index
    %get3A_96 = memref.load %arg4[%get3A_94, %get3A_95] : memref<8x10xi32, #tpu.memory_space<smem>>
    %add3A_97 = arith.constant 0 : i32
    %add3A_98 = arith.addi %add3A_97, %get3A_96 : i32
    %jit3A_99 = arith.constant 0 : i32
    %jit3A_100 = arith.constant 9999 : i32
    %max3A_101 = arith.maxsi %jit3A_99, %add3A_98 : i32
    %min3A_102 = arith.minsi %jit3A_100, %max3A_101 : i32
    %get3A_103 = arith.index_cast %min3A_102 : i32 to index
    %get3A_104 = arith.constant 0 : index
    %get3A_105 = vector.load %arg0[%get3A_103, %get3A_104] : memref<10240x20xf32, #tpu.memory_space<vmem>>, vector<1x20xf32>
    %ne3A_106 = arith.constant 0 : i32
    %ne3A_107 = arith.cmpi ne, %get3A_96, %ne3A_106 : i32
    %jit3A_108 = arith.constant 0.000000e+00 : f32
    %broadcast_in_dim3A_109 = vector.broadcast %jit3A_108 : f32 to vector<1x20xf32>
    %select_n3A_110 = arith.select %ne3A_107, %get3A_105, %broadcast_in_dim3A_109 : vector<1x20xf32>
    %get3A_111 = arith.constant 0 : index
    %get3A_112 = arith.constant 7 : index
    %get3A_113 = memref.load %arg4[%get3A_111, %get3A_112] : memref<8x10xi32, #tpu.memory_space<smem>>
    %add3A_114 = arith.constant 0 : i32
    %add3A_115 = arith.addi %add3A_114, %get3A_113 : i32
    %jit3A_116 = arith.constant 0 : i32
    %jit3A_117 = arith.constant 9999 : i32
    %max3A_118 = arith.maxsi %jit3A_116, %add3A_115 : i32
    %min3A_119 = arith.minsi %jit3A_117, %max3A_118 : i32
    %get3A_120 = arith.index_cast %min3A_119 : i32 to index
    %get3A_121 = arith.constant 0 : index
    %get3A_122 = vector.load %arg0[%get3A_120, %get3A_121] : memref<10240x20xf32, #tpu.memory_space<vmem>>, vector<1x20xf32>
    %ne3A_123 = arith.constant 0 : i32
    %ne3A_124 = arith.cmpi ne, %get3A_113, %ne3A_123 : i32
    %jit3A_125 = arith.constant 0.000000e+00 : f32
    %broadcast_in_dim3A_126 = vector.broadcast %jit3A_125 : f32 to vector<1x20xf32>
    %select_n3A_127 = arith.select %ne3A_124, %get3A_122, %broadcast_in_dim3A_126 : vector<1x20xf32>
    %get3A_128 = arith.constant 0 : index
    %get3A_129 = arith.constant 8 : index
    %get3A_130 = memref.load %arg4[%get3A_128, %get3A_129] : memref<8x10xi32, #tpu.memory_space<smem>>
    %add3A_131 = arith.constant 0 : i32
    %add3A_132 = arith.addi %add3A_131, %get3A_130 : i32
    %jit3A_133 = arith.constant 0 : i32
    %jit3A_134 = arith.constant 9999 : i32
    %max3A_135 = arith.maxsi %jit3A_133, %add3A_132 : i32
    %min3A_136 = arith.minsi %jit3A_134, %max3A_135 : i32
    %get3A_137 = arith.index_cast %min3A_136 : i32 to index
    %get3A_138 = arith.constant 0 : index
    %get3A_139 = vector.load %arg0[%get3A_137, %get3A_138] : memref<10240x20xf32, #tpu.memory_space<vmem>>, vector<1x20xf32>
    %ne3A_140 = arith.constant 0 : i32
    %ne3A_141 = arith.cmpi ne, %get3A_130, %ne3A_140 : i32
    %jit3A_142 = arith.constant 0.000000e+00 : f32
    %broadcast_in_dim3A_143 = vector.broadcast %jit3A_142 : f32 to vector<1x20xf32>
    %select_n3A_144 = arith.select %ne3A_141, %get3A_139, %broadcast_in_dim3A_143 : vector<1x20xf32>
    %get3A_145 = arith.constant 0 : index
    %get3A_146 = arith.constant 9 : index
    %get3A_147 = memref.load %arg4[%get3A_145, %get3A_146] : memref<8x10xi32, #tpu.memory_space<smem>>
    %add3A_148 = arith.constant 0 : i32
    %add3A_149 = arith.addi %add3A_148, %get3A_147 : i32
    %jit3A_150 = arith.constant 0 : i32
    %jit3A_151 = arith.constant 9999 : i32
    %max3A_152 = arith.maxsi %jit3A_150, %add3A_149 : i32
    %min3A_153 = arith.minsi %jit3A_151, %max3A_152 : i32
    %get3A_154 = arith.index_cast %min3A_153 : i32 to index
    %get3A_155 = arith.constant 0 : index
    %get3A_156 = vector.load %arg0[%get3A_154, %get3A_155] : memref<10240x20xf32, #tpu.memory_space<vmem>>, vector<1x20xf32>
    %ne3A_157 = arith.constant 0 : i32
    %ne3A_158 = arith.cmpi ne, %get3A_147, %ne3A_157 : i32
    %jit3A_159 = arith.constant 0.000000e+00 : f32
    %broadcast_in_dim3A_160 = vector.broadcast %jit3A_159 : f32 to vector<1x20xf32>
    %select_n3A_161 = arith.select %ne3A_158, %get3A_156, %broadcast_in_dim3A_160 : vector<1x20xf32>
    %concatenate3A = tpu.concatenate %select_n3A, %select_n3A_25, %select_n3A_42, %select_n3A_59, %select_n3A_76, %select_n3A_93, %select_n3A_110, %select_n3A_127, %select_n3A_144, %select_n3A_161 in 1 : vector<1x20xf32>, vector<1x20xf32>, vector<1x20xf32>, vector<1x20xf32>, vector<1x20xf32>, vector<1x20xf32>, vector<1x20xf32>, vector<1x20xf32>, vector<1x20xf32>, vector<1x20xf32> -> vector<1x200xf32>
    %get3A_162 = arith.constant 0 : index
    %get3A_163 = arith.constant 0 : index
    %get3A_164 = memref.load %arg3[%get3A_162, %get3A_163] : memref<8x1xf32, #tpu.memory_space<smem>>
    %convert_element_type3A = arith.fptosi %get3A_164 : f32 to i32
    %add3A_165 = arith.constant 0 : i32
    %add3A_166 = arith.addi %add3A_165, %convert_element_type3A : i32
    %get3A_167 = arith.constant 1 : index
    %get3A_168 = arith.constant 0 : index
    %get3A_169 = memref.load %arg4[%get3A_167, %get3A_168] : memref<8x10xi32, #tpu.memory_space<smem>>
    %add3A_170 = arith.addi %add3A_166, %get3A_169 : i32
    %jit3A_171 = arith.constant 0 : i32
    %jit3A_172 = arith.constant 9999 : i32
    %max3A_173 = arith.maxsi %jit3A_171, %add3A_170 : i32
    %min3A_174 = arith.minsi %jit3A_172, %max3A_173 : i32
    %get3A_175 = arith.index_cast %min3A_174 : i32 to index
    %get3A_176 = arith.constant 0 : index
    %get3A_177 = vector.load %arg0[%get3A_175, %get3A_176] : memref<10240x20xf32, #tpu.memory_space<vmem>>, vector<1x20xf32>
    %ne3A_178 = arith.constant 0 : i32
    %ne3A_179 = arith.cmpi ne, %get3A_169, %ne3A_178 : i32
    %jit3A_180 = arith.constant 0.000000e+00 : f32
    %broadcast_in_dim3A_181 = vector.broadcast %jit3A_180 : f32 to vector<1x20xf32>
    %select_n3A_182 = arith.select %ne3A_179, %get3A_177, %broadcast_in_dim3A_181 : vector<1x20xf32>
    %get3A_183 = arith.constant 1 : index
    %get3A_184 = arith.constant 1 : index
    %get3A_185 = memref.load %arg4[%get3A_183, %get3A_184] : memref<8x10xi32, #tpu.memory_space<smem>>
    %add3A_186 = arith.addi %add3A_166, %get3A_185 : i32
    %jit3A_187 = arith.constant 0 : i32
    %jit3A_188 = arith.constant 9999 : i32
    %max3A_189 = arith.maxsi %jit3A_187, %add3A_186 : i32
    %min3A_190 = arith.minsi %jit3A_188, %max3A_189 : i32
    %get3A_191 = arith.index_cast %min3A_190 : i32 to index
    %get3A_192 = arith.constant 0 : index
    %get3A_193 = vector.load %arg0[%get3A_191, %get3A_192] : memref<10240x20xf32, #tpu.memory_space<vmem>>, vector<1x20xf32>
    %ne3A_194 = arith.constant 0 : i32
    %ne3A_195 = arith.cmpi ne, %get3A_185, %ne3A_194 : i32
    %jit3A_196 = arith.constant 0.000000e+00 : f32
    %broadcast_in_dim3A_197 = vector.broadcast %jit3A_196 : f32 to vector<1x20xf32>
    %select_n3A_198 = arith.select %ne3A_195, %get3A_193, %broadcast_in_dim3A_197 : vector<1x20xf32>
    %get3A_199 = arith.constant 1 : index
    %get3A_200 = arith.constant 2 : index
    %get3A_201 = memref.load %arg4[%get3A_199, %get3A_200] : memref<8x10xi32, #tpu.memory_space<smem>>
    %add3A_202 = arith.addi %add3A_166, %get3A_201 : i32
    %jit3A_203 = arith.constant 0 : i32
    %jit3A_204 = arith.constant 9999 : i32
    %max3A_205 = arith.maxsi %jit3A_203, %add3A_202 : i32
    %min3A_206 = arith.minsi %jit3A_204, %max3A_205 : i32
    %get3A_207 = arith.index_cast %min3A_206 : i32 to index
    %get3A_208 = arith.constant 0 : index
    %get3A_209 = vector.load %arg0[%get3A_207, %get3A_208] : memref<10240x20xf32, #tpu.memory_space<vmem>>, vector<1x20xf32>
    %ne3A_210 = arith.constant 0 : i32
    %ne3A_211 = arith.cmpi ne, %get3A_201, %ne3A_210 : i32
    %jit3A_212 = arith.constant 0.000000e+00 : f32
    %broadcast_in_dim3A_213 = vector.broadcast %jit3A_212 : f32 to vector<1x20xf32>
    %select_n3A_214 = arith.select %ne3A_211, %get3A_209, %broadcast_in_dim3A_213 : vector<1x20xf32>
    %get3A_215 = arith.constant 1 : index
    %get3A_216 = arith.constant 3 : index
    %get3A_217 = memref.load %arg4[%get3A_215, %get3A_216] : memref<8x10xi32, #tpu.memory_space<smem>>
    %add3A_218 = arith.addi %add3A_166, %get3A_217 : i32
    %jit3A_219 = arith.constant 0 : i32
    %jit3A_220 = arith.constant 9999 : i32
    %max3A_221 = arith.maxsi %jit3A_219, %add3A_218 : i32
    %min3A_222 = arith.minsi %jit3A_220, %max3A_221 : i32
    %get3A_223 = arith.index_cast %min3A_222 : i32 to index
    %get3A_224 = arith.constant 0 : index
    %get3A_225 = vector.load %arg0[%get3A_223, %get3A_224] : memref<10240x20xf32, #tpu.memory_space<vmem>>, vector<1x20xf32>
    %ne3A_226 = arith.constant 0 : i32
    %ne3A_227 = arith.cmpi ne, %get3A_217, %ne3A_226 : i32
    %jit3A_228 = arith.constant 0.000000e+00 : f32
    %broadcast_in_dim3A_229 = vector.broadcast %jit3A_228 : f32 to vector<1x20xf32>
    %select_n3A_230 = arith.select %ne3A_227, %get3A_225, %broadcast_in_dim3A_229 : vector<1x20xf32>
    %get3A_231 = arith.constant 1 : index
    %get3A_232 = arith.constant 4 : index
    %get3A_233 = memref.load %arg4[%get3A_231, %get3A_232] : memref<8x10xi32, #tpu.memory_space<smem>>
    %add3A_234 = arith.addi %add3A_166, %get3A_233 : i32
    %jit3A_235 = arith.constant 0 : i32
    %jit3A_236 = arith.constant 9999 : i32
    %max3A_237 = arith.maxsi %jit3A_235, %add3A_234 : i32
    %min3A_238 = arith.minsi %jit3A_236, %max3A_237 : i32
    %get3A_239 = arith.index_cast %min3A_238 : i32 to index
    %get3A_240 = arith.constant 0 : index
    %get3A_241 = vector.load %arg0[%get3A_239, %get3A_240] : memref<10240x20xf32, #tpu.memory_space<vmem>>, vector<1x20xf32>
    %ne3A_242 = arith.constant 0 : i32
    %ne3A_243 = arith.cmpi ne, %get3A_233, %ne3A_242 : i32
    %jit3A_244 = arith.constant 0.000000e+00 : f32
    %broadcast_in_dim3A_245 = vector.broadcast %jit3A_244 : f32 to vector<1x20xf32>
    %select_n3A_246 = arith.select %ne3A_243, %get3A_241, %broadcast_in_dim3A_245 : vector<1x20xf32>
    %get3A_247 = arith.constant 1 : index
    %get3A_248 = arith.constant 5 : index
    %get3A_249 = memref.load %arg4[%get3A_247, %get3A_248] : memref<8x10xi32, #tpu.memory_space<smem>>
    %add3A_250 = arith.addi %add3A_166, %get3A_249 : i32
    %jit3A_251 = arith.constant 0 : i32
    %jit3A_252 = arith.constant 9999 : i32
    %max3A_253 = arith.maxsi %jit3A_251, %add3A_250 : i32
    %min3A_254 = arith.minsi %jit3A_252, %max3A_253 : i32
    %get3A_255 = arith.index_cast %min3A_254 : i32 to index
    %get3A_256 = arith.constant 0 : index
    %get3A_257 = vector.load %arg0[%get3A_255, %get3A_256] : memref<10240x20xf32, #tpu.memory_space<vmem>>, vector<1x20xf32>
    %ne3A_258 = arith.constant 0 : i32
    %ne3A_259 = arith.cmpi ne, %get3A_249, %ne3A_258 : i32
    %jit3A_260 = arith.constant 0.000000e+00 : f32
    %broadcast_in_dim3A_261 = vector.broadcast %jit3A_260 : f32 to vector<1x20xf32>
    %select_n3A_262 = arith.select %ne3A_259, %get3A_257, %broadcast_in_dim3A_261 : vector<1x20xf32>
    %get3A_263 = arith.constant 1 : index
    %get3A_264 = arith.constant 6 : index
    %get3A_265 = memref.load %arg4[%get3A_263, %get3A_264] : memref<8x10xi32, #tpu.memory_space<smem>>
    %add3A_266 = arith.addi %add3A_166, %get3A_265 : i32
    %jit3A_267 = arith.constant 0 : i32
    %jit3A_268 = arith.constant 9999 : i32
    %max3A_269 = arith.maxsi %jit3A_267, %add3A_266 : i32
    %min3A_270 = arith.minsi %jit3A_268, %max3A_269 : i32
    %get3A_271 = arith.index_cast %min3A_270 : i32 to index
    %get3A_272 = arith.constant 0 : index
    %get3A_273 = vector.load %arg0[%get3A_271, %get3A_272] : memref<10240x20xf32, #tpu.memory_space<vmem>>, vector<1x20xf32>
    %ne3A_274 = arith.constant 0 : i32
    %ne3A_275 = arith.cmpi ne, %get3A_265, %ne3A_274 : i32
    %jit3A_276 = arith.constant 0.000000e+00 : f32
    %broadcast_in_dim3A_277 = vector.broadcast %jit3A_276 : f32 to vector<1x20xf32>
    %select_n3A_278 = arith.select %ne3A_275, %get3A_273, %broadcast_in_dim3A_277 : vector<1x20xf32>
    %get3A_279 = arith.constant 1 : index
    %get3A_280 = arith.constant 7 : index
    %get3A_281 = memref.load %arg4[%get3A_279, %get3A_280] : memref<8x10xi32, #tpu.memory_space<smem>>
    %add3A_282 = arith.addi %add3A_166, %get3A_281 : i32
    %jit3A_283 = arith.constant 0 : i32
    %jit3A_284 = arith.constant 9999 : i32
    %max3A_285 = arith.maxsi %jit3A_283, %add3A_282 : i32
    %min3A_286 = arith.minsi %jit3A_284, %max3A_285 : i32
    %get3A_287 = arith.index_cast %min3A_286 : i32 to index
    %get3A_288 = arith.constant 0 : index
    %get3A_289 = vector.load %arg0[%get3A_287, %get3A_288] : memref<10240x20xf32, #tpu.memory_space<vmem>>, vector<1x20xf32>
    %ne3A_290 = arith.constant 0 : i32
    %ne3A_291 = arith.cmpi ne, %get3A_281, %ne3A_290 : i32
    %jit3A_292 = arith.constant 0.000000e+00 : f32
    %broadcast_in_dim3A_293 = vector.broadcast %jit3A_292 : f32 to vector<1x20xf32>
    %select_n3A_294 = arith.select %ne3A_291, %get3A_289, %broadcast_in_dim3A_293 : vector<1x20xf32>
    %get3A_295 = arith.constant 1 : index
    %get3A_296 = arith.constant 8 : index
    %get3A_297 = memref.load %arg4[%get3A_295, %get3A_296] : memref<8x10xi32, #tpu.memory_space<smem>>
    %add3A_298 = arith.addi %add3A_166, %get3A_297 : i32
    %jit3A_299 = arith.constant 0 : i32
    %jit3A_300 = arith.constant 9999 : i32
    %max3A_301 = arith.maxsi %jit3A_299, %add3A_298 : i32
    %min3A_302 = arith.minsi %jit3A_300, %max3A_301 : i32
    %get3A_303 = arith.index_cast %min3A_302 : i32 to index
    %get3A_304 = arith.constant 0 : index
    %get3A_305 = vector.load %arg0[%get3A_303, %get3A_304] : memref<10240x20xf32, #tpu.memory_space<vmem>>, vector<1x20xf32>
    %ne3A_306 = arith.constant 0 : i32
    %ne3A_307 = arith.cmpi ne, %get3A_297, %ne3A_306 : i32
    %jit3A_308 = arith.constant 0.000000e+00 : f32
    %broadcast_in_dim3A_309 = vector.broadcast %jit3A_308 : f32 to vector<1x20xf32>
    %select_n3A_310 = arith.select %ne3A_307, %get3A_305, %broadcast_in_dim3A_309 : vector<1x20xf32>
    %get3A_311 = arith.constant 1 : index
    %get3A_312 = arith.constant 9 : index
    %get3A_313 = memref.load %arg4[%get3A_311, %get3A_312] : memref<8x10xi32, #tpu.memory_space<smem>>
    %add3A_314 = arith.addi %add3A_166, %get3A_313 : i32
    %jit3A_315 = arith.constant 0 : i32
    %jit3A_316 = arith.constant 9999 : i32
    %max3A_317 = arith.maxsi %jit3A_315, %add3A_314 : i32
    %min3A_318 = arith.minsi %jit3A_316, %max3A_317 : i32
    %get3A_319 = arith.index_cast %min3A_318 : i32 to index
    %get3A_320 = arith.constant 0 : index
    %get3A_321 = vector.load %arg0[%get3A_319, %get3A_320] : memref<10240x20xf32, #tpu.memory_space<vmem>>, vector<1x20xf32>
    %ne3A_322 = arith.constant 0 : i32
    %ne3A_323 = arith.cmpi ne, %get3A_313, %ne3A_322 : i32
    %jit3A_324 = arith.constant 0.000000e+00 : f32
    %broadcast_in_dim3A_325 = vector.broadcast %jit3A_324 : f32 to vector<1x20xf32>
    %select_n3A_326 = arith.select %ne3A_323, %get3A_321, %broadcast_in_dim3A_325 : vector<1x20xf32>
    %concatenate3A_327 = tpu.concatenate %select_n3A_182, %select_n3A_198, %select_n3A_214, %select_n3A_230, %select_n3A_246, %select_n3A_262, %select_n3A_278, %select_n3A_294, %select_n3A_310, %select_n3A_326 in 1 : vector<1x20xf32>, vector<1x20xf32>, vector<1x20xf32>, vector<1x20xf32>, vector<1x20xf32>, vector<1x20xf32>, vector<1x20xf32>, vector<1x20xf32>, vector<1x20xf32>, vector<1x20xf32> -> vector<1x200xf32>
    %get3A_328 = arith.constant 1 : index
    %get3A_329 = arith.constant 0 : index
    %get3A_330 = memref.load %arg3[%get3A_328, %get3A_329] : memref<8x1xf32, #tpu.memory_space<smem>>
    %convert_element_type3A_331 = arith.fptosi %get3A_330 : f32 to i32
    %add3A_332 = arith.addi %add3A_166, %convert_element_type3A_331 : i32
    %get3A_333 = arith.constant 2 : index
    %get3A_334 = arith.constant 0 : index
    %get3A_335 = memref.load %arg4[%get3A_333, %get3A_334] : memref<8x10xi32, #tpu.memory_space<smem>>
    %add3A_336 = arith.addi %add3A_332, %get3A_335 : i32
    %jit3A_337 = arith.constant 0 : i32
    %jit3A_338 = arith.constant 9999 : i32
    %max3A_339 = arith.maxsi %jit3A_337, %add3A_336 : i32
    %min3A_340 = arith.minsi %jit3A_338, %max3A_339 : i32
    %get3A_341 = arith.index_cast %min3A_340 : i32 to index
    %get3A_342 = arith.constant 0 : index
    %get3A_343 = vector.load %arg0[%get3A_341, %get3A_342] : memref<10240x20xf32, #tpu.memory_space<vmem>>, vector<1x20xf32>
    %ne3A_344 = arith.constant 0 : i32
    %ne3A_345 = arith.cmpi ne, %get3A_335, %ne3A_344 : i32
    %jit3A_346 = arith.constant 0.000000e+00 : f32
    %broadcast_in_dim3A_347 = vector.broadcast %jit3A_346 : f32 to vector<1x20xf32>
    %select_n3A_348 = arith.select %ne3A_345, %get3A_343, %broadcast_in_dim3A_347 : vector<1x20xf32>
    %get3A_349 = arith.constant 2 : index
    %get3A_350 = arith.constant 1 : index
    %get3A_351 = memref.load %arg4[%get3A_349, %get3A_350] : memref<8x10xi32, #tpu.memory_space<smem>>
    %add3A_352 = arith.addi %add3A_332, %get3A_351 : i32
    %jit3A_353 = arith.constant 0 : i32
    %jit3A_354 = arith.constant 9999 : i32
    %max3A_355 = arith.maxsi %jit3A_353, %add3A_352 : i32
    %min3A_356 = arith.minsi %jit3A_354, %max3A_355 : i32
    %get3A_357 = arith.index_cast %min3A_356 : i32 to index
    %get3A_358 = arith.constant 0 : index
    %get3A_359 = vector.load %arg0[%get3A_357, %get3A_358] : memref<10240x20xf32, #tpu.memory_space<vmem>>, vector<1x20xf32>
    %ne3A_360 = arith.constant 0 : i32
    %ne3A_361 = arith.cmpi ne, %get3A_351, %ne3A_360 : i32
    %jit3A_362 = arith.constant 0.000000e+00 : f32
    %broadcast_in_dim3A_363 = vector.broadcast %jit3A_362 : f32 to vector<1x20xf32>
    %select_n3A_364 = arith.select %ne3A_361, %get3A_359, %broadcast_in_dim3A_363 : vector<1x20xf32>
    %get3A_365 = arith.constant 2 : index
    %get3A_366 = arith.constant 2 : index
    %get3A_367 = memref.load %arg4[%get3A_365, %get3A_366] : memref<8x10xi32, #tpu.memory_space<smem>>
    %add3A_368 = arith.addi %add3A_332, %get3A_367 : i32
    %jit3A_369 = arith.constant 0 : i32
    %jit3A_370 = arith.constant 9999 : i32
    %max3A_371 = arith.maxsi %jit3A_369, %add3A_368 : i32
    %min3A_372 = arith.minsi %jit3A_370, %max3A_371 : i32
    %get3A_373 = arith.index_cast %min3A_372 : i32 to index
    %get3A_374 = arith.constant 0 : index
    %get3A_375 = vector.load %arg0[%get3A_373, %get3A_374] : memref<10240x20xf32, #tpu.memory_space<vmem>>, vector<1x20xf32>
    %ne3A_376 = arith.constant 0 : i32
    %ne3A_377 = arith.cmpi ne, %get3A_367, %ne3A_376 : i32
    %jit3A_378 = arith.constant 0.000000e+00 : f32
    %broadcast_in_dim3A_379 = vector.broadcast %jit3A_378 : f32 to vector<1x20xf32>
    %select_n3A_380 = arith.select %ne3A_377, %get3A_375, %broadcast_in_dim3A_379 : vector<1x20xf32>
    %get3A_381 = arith.constant 2 : index
    %get3A_382 = arith.constant 3 : index
    %get3A_383 = memref.load %arg4[%get3A_381, %get3A_382] : memref<8x10xi32, #tpu.memory_space<smem>>
    %add3A_384 = arith.addi %add3A_332, %get3A_383 : i32
    %jit3A_385 = arith.constant 0 : i32
    %jit3A_386 = arith.constant 9999 : i32
    %max3A_387 = arith.maxsi %jit3A_385, %add3A_384 : i32
    %min3A_388 = arith.minsi %jit3A_386, %max3A_387 : i32
    %get3A_389 = arith.index_cast %min3A_388 : i32 to index
    %get3A_390 = arith.constant 0 : index
    %get3A_391 = vector.load %arg0[%get3A_389, %get3A_390] : memref<10240x20xf32, #tpu.memory_space<vmem>>, vector<1x20xf32>
    %ne3A_392 = arith.constant 0 : i32
    %ne3A_393 = arith.cmpi ne, %get3A_383, %ne3A_392 : i32
    %jit3A_394 = arith.constant 0.000000e+00 : f32
    %broadcast_in_dim3A_395 = vector.broadcast %jit3A_394 : f32 to vector<1x20xf32>
    %select_n3A_396 = arith.select %ne3A_393, %get3A_391, %broadcast_in_dim3A_395 : vector<1x20xf32>
    %get3A_397 = arith.constant 2 : index
    %get3A_398 = arith.constant 4 : index
    %get3A_399 = memref.load %arg4[%get3A_397, %get3A_398] : memref<8x10xi32, #tpu.memory_space<smem>>
    %add3A_400 = arith.addi %add3A_332, %get3A_399 : i32
    %jit3A_401 = arith.constant 0 : i32
    %jit3A_402 = arith.constant 9999 : i32
    %max3A_403 = arith.maxsi %jit3A_401, %add3A_400 : i32
    %min3A_404 = arith.minsi %jit3A_402, %max3A_403 : i32
    %get3A_405 = arith.index_cast %min3A_404 : i32 to index
    %get3A_406 = arith.constant 0 : index
    %get3A_407 = vector.load %arg0[%get3A_405, %get3A_406] : memref<10240x20xf32, #tpu.memory_space<vmem>>, vector<1x20xf32>
    %ne3A_408 = arith.constant 0 : i32
    %ne3A_409 = arith.cmpi ne, %get3A_399, %ne3A_408 : i32
    %jit3A_410 = arith.constant 0.000000e+00 : f32
    %broadcast_in_dim3A_411 = vector.broadcast %jit3A_410 : f32 to vector<1x20xf32>
    %select_n3A_412 = arith.select %ne3A_409, %get3A_407, %broadcast_in_dim3A_411 : vector<1x20xf32>
    %get3A_413 = arith.constant 2 : index
    %get3A_414 = arith.constant 5 : index
    %get3A_415 = memref.load %arg4[%get3A_413, %get3A_414] : memref<8x10xi32, #tpu.memory_space<smem>>
    %add3A_416 = arith.addi %add3A_332, %get3A_415 : i32
    %jit3A_417 = arith.constant 0 : i32
    %jit3A_418 = arith.constant 9999 : i32
    %max3A_419 = arith.maxsi %jit3A_417, %add3A_416 : i32
    %min3A_420 = arith.minsi %jit3A_418, %max3A_419 : i32
    %get3A_421 = arith.index_cast %min3A_420 : i32 to index
    %get3A_422 = arith.constant 0 : index
    %get3A_423 = vector.load %arg0[%get3A_421, %get3A_422] : memref<10240x20xf32, #tpu.memory_space<vmem>>, vector<1x20xf32>
    %ne3A_424 = arith.constant 0 : i32
    %ne3A_425 = arith.cmpi ne, %get3A_415, %ne3A_424 : i32
    %jit3A_426 = arith.constant 0.000000e+00 : f32
    %broadcast_in_dim3A_427 = vector.broadcast %jit3A_426 : f32 to vector<1x20xf32>
    %select_n3A_428 = arith.select %ne3A_425, %get3A_423, %broadcast_in_dim3A_427 : vector<1x20xf32>
    %get3A_429 = arith.constant 2 : index
    %get3A_430 = arith.constant 6 : index
    %get3A_431 = memref.load %arg4[%get3A_429, %get3A_430] : memref<8x10xi32, #tpu.memory_space<smem>>
    %add3A_432 = arith.addi %add3A_332, %get3A_431 : i32
    %jit3A_433 = arith.constant 0 : i32
    %jit3A_434 = arith.constant 9999 : i32
    %max3A_435 = arith.maxsi %jit3A_433, %add3A_432 : i32
    %min3A_436 = arith.minsi %jit3A_434, %max3A_435 : i32
    %get3A_437 = arith.index_cast %min3A_436 : i32 to index
    %get3A_438 = arith.constant 0 : index
    %get3A_439 = vector.load %arg0[%get3A_437, %get3A_438] : memref<10240x20xf32, #tpu.memory_space<vmem>>, vector<1x20xf32>
    %ne3A_440 = arith.constant 0 : i32
    %ne3A_441 = arith.cmpi ne, %get3A_431, %ne3A_440 : i32
    %jit3A_442 = arith.constant 0.000000e+00 : f32
    %broadcast_in_dim3A_443 = vector.broadcast %jit3A_442 : f32 to vector<1x20xf32>
    %select_n3A_444 = arith.select %ne3A_441, %get3A_439, %broadcast_in_dim3A_443 : vector<1x20xf32>
    %get3A_445 = arith.constant 2 : index
    %get3A_446 = arith.constant 7 : index
    %get3A_447 = memref.load %arg4[%get3A_445, %get3A_446] : memref<8x10xi32, #tpu.memory_space<smem>>
    %add3A_448 = arith.addi %add3A_332, %get3A_447 : i32
    %jit3A_449 = arith.constant 0 : i32
    %jit3A_450 = arith.constant 9999 : i32
    %max3A_451 = arith.maxsi %jit3A_449, %add3A_448 : i32
    %min3A_452 = arith.minsi %jit3A_450, %max3A_451 : i32
    %get3A_453 = arith.index_cast %min3A_452 : i32 to index
    %get3A_454 = arith.constant 0 : index
    %get3A_455 = vector.load %arg0[%get3A_453, %get3A_454] : memref<10240x20xf32, #tpu.memory_space<vmem>>, vector<1x20xf32>
    %ne3A_456 = arith.constant 0 : i32
    %ne3A_457 = arith.cmpi ne, %get3A_447, %ne3A_456 : i32
    %jit3A_458 = arith.constant 0.000000e+00 : f32
    %broadcast_in_dim3A_459 = vector.broadcast %jit3A_458 : f32 to vector<1x20xf32>
    %select_n3A_460 = arith.select %ne3A_457, %get3A_455, %broadcast_in_dim3A_459 : vector<1x20xf32>
    %get3A_461 = arith.constant 2 : index
    %get3A_462 = arith.constant 8 : index
    %get3A_463 = memref.load %arg4[%get3A_461, %get3A_462] : memref<8x10xi32, #tpu.memory_space<smem>>
    %add3A_464 = arith.addi %add3A_332, %get3A_463 : i32
    %jit3A_465 = arith.constant 0 : i32
    %jit3A_466 = arith.constant 9999 : i32
    %max3A_467 = arith.maxsi %jit3A_465, %add3A_464 : i32
    %min3A_468 = arith.minsi %jit3A_466, %max3A_467 : i32
    %get3A_469 = arith.index_cast %min3A_468 : i32 to index
    %get3A_470 = arith.constant 0 : index
    %get3A_471 = vector.load %arg0[%get3A_469, %get3A_470] : memref<10240x20xf32, #tpu.memory_space<vmem>>, vector<1x20xf32>
    %ne3A_472 = arith.constant 0 : i32
    %ne3A_473 = arith.cmpi ne, %get3A_463, %ne3A_472 : i32
    %jit3A_474 = arith.constant 0.000000e+00 : f32
    %broadcast_in_dim3A_475 = vector.broadcast %jit3A_474 : f32 to vector<1x20xf32>
    %select_n3A_476 = arith.select %ne3A_473, %get3A_471, %broadcast_in_dim3A_475 : vector<1x20xf32>
    %get3A_477 = arith.constant 2 : index
    %get3A_478 = arith.constant 9 : index
    %get3A_479 = memref.load %arg4[%get3A_477, %get3A_478] : memref<8x10xi32, #tpu.memory_space<smem>>
    %add3A_480 = arith.addi %add3A_332, %get3A_479 : i32
    %jit3A_481 = arith.constant 0 : i32
    %jit3A_482 = arith.constant 9999 : i32
    %max3A_483 = arith.maxsi %jit3A_481, %add3A_480 : i32
    %min3A_484 = arith.minsi %jit3A_482, %max3A_483 : i32
    %get3A_485 = arith.index_cast %min3A_484 : i32 to index
    %get3A_486 = arith.constant 0 : index
    %get3A_487 = vector.load %arg0[%get3A_485, %get3A_486] : memref<10240x20xf32, #tpu.memory_space<vmem>>, vector<1x20xf32>
    %ne3A_488 = arith.constant 0 : i32
    %ne3A_489 = arith.cmpi ne, %get3A_479, %ne3A_488 : i32
    %jit3A_490 = arith.constant 0.000000e+00 : f32
    %broadcast_in_dim3A_491 = vector.broadcast %jit3A_490 : f32 to vector<1x20xf32>
    %select_n3A_492 = arith.select %ne3A_489, %get3A_487, %broadcast_in_dim3A_491 : vector<1x20xf32>
    %concatenate3A_493 = tpu.concatenate %select_n3A_348, %select_n3A_364, %select_n3A_380, %select_n3A_396, %select_n3A_412, %select_n3A_428, %select_n3A_444, %select_n3A_460, %select_n3A_476, %select_n3A_492 in 1 : vector<1x20xf32>, vector<1x20xf32>, vector<1x20xf32>, vector<1x20xf32>, vector<1x20xf32>, vector<1x20xf32>, vector<1x20xf32>, vector<1x20xf32>, vector<1x20xf32>, vector<1x20xf32> -> vector<1x200xf32>
    %get3A_494 = arith.constant 2 : index
    %get3A_495 = arith.constant 0 : index
    %get3A_496 = memref.load %arg3[%get3A_494, %get3A_495] : memref<8x1xf32, #tpu.memory_space<smem>>
    %convert_element_type3A_497 = arith.fptosi %get3A_496 : f32 to i32
    %add3A_498 = arith.addi %add3A_332, %convert_element_type3A_497 : i32
    %get3A_499 = arith.constant 3 : index
    %get3A_500 = arith.constant 0 : index
    %get3A_501 = memref.load %arg4[%get3A_499, %get3A_500] : memref<8x10xi32, #tpu.memory_space<smem>>
    %add3A_502 = arith.addi %add3A_498, %get3A_501 : i32
    %jit3A_503 = arith.constant 0 : i32
    %jit3A_504 = arith.constant 9999 : i32
    %max3A_505 = arith.maxsi %jit3A_503, %add3A_502 : i32
    %min3A_506 = arith.minsi %jit3A_504, %max3A_505 : i32
    %get3A_507 = arith.index_cast %min3A_506 : i32 to index
    %get3A_508 = arith.constant 0 : index
    %get3A_509 = vector.load %arg0[%get3A_507, %get3A_508] : memref<10240x20xf32, #tpu.memory_space<vmem>>, vector<1x20xf32>
    %ne3A_510 = arith.constant 0 : i32
    %ne3A_511 = arith.cmpi ne, %get3A_501, %ne3A_510 : i32
    %jit3A_512 = arith.constant 0.000000e+00 : f32
    %broadcast_in_dim3A_513 = vector.broadcast %jit3A_512 : f32 to vector<1x20xf32>
    %select_n3A_514 = arith.select %ne3A_511, %get3A_509, %broadcast_in_dim3A_513 : vector<1x20xf32>
    %get3A_515 = arith.constant 3 : index
    %get3A_516 = arith.constant 1 : index
    %get3A_517 = memref.load %arg4[%get3A_515, %get3A_516] : memref<8x10xi32, #tpu.memory_space<smem>>
    %add3A_518 = arith.addi %add3A_498, %get3A_517 : i32
    %jit3A_519 = arith.constant 0 : i32
    %jit3A_520 = arith.constant 9999 : i32
    %max3A_521 = arith.maxsi %jit3A_519, %add3A_518 : i32
    %min3A_522 = arith.minsi %jit3A_520, %max3A_521 : i32
    %get3A_523 = arith.index_cast %min3A_522 : i32 to index
    %get3A_524 = arith.constant 0 : index
    %get3A_525 = vector.load %arg0[%get3A_523, %get3A_524] : memref<10240x20xf32, #tpu.memory_space<vmem>>, vector<1x20xf32>
    %ne3A_526 = arith.constant 0 : i32
    %ne3A_527 = arith.cmpi ne, %get3A_517, %ne3A_526 : i32
    %jit3A_528 = arith.constant 0.000000e+00 : f32
    %broadcast_in_dim3A_529 = vector.broadcast %jit3A_528 : f32 to vector<1x20xf32>
    %select_n3A_530 = arith.select %ne3A_527, %get3A_525, %broadcast_in_dim3A_529 : vector<1x20xf32>
    %get3A_531 = arith.constant 3 : index
    %get3A_532 = arith.constant 2 : index
    %get3A_533 = memref.load %arg4[%get3A_531, %get3A_532] : memref<8x10xi32, #tpu.memory_space<smem>>
    %add3A_534 = arith.addi %add3A_498, %get3A_533 : i32
    %jit3A_535 = arith.constant 0 : i32
    %jit3A_536 = arith.constant 9999 : i32
    %max3A_537 = arith.maxsi %jit3A_535, %add3A_534 : i32
    %min3A_538 = arith.minsi %jit3A_536, %max3A_537 : i32
    %get3A_539 = arith.index_cast %min3A_538 : i32 to index
    %get3A_540 = arith.constant 0 : index
    %get3A_541 = vector.load %arg0[%get3A_539, %get3A_540] : memref<10240x20xf32, #tpu.memory_space<vmem>>, vector<1x20xf32>
    %ne3A_542 = arith.constant 0 : i32
    %ne3A_543 = arith.cmpi ne, %get3A_533, %ne3A_542 : i32
    %jit3A_544 = arith.constant 0.000000e+00 : f32
    %broadcast_in_dim3A_545 = vector.broadcast %jit3A_544 : f32 to vector<1x20xf32>
    %select_n3A_546 = arith.select %ne3A_543, %get3A_541, %broadcast_in_dim3A_545 : vector<1x20xf32>
    %get3A_547 = arith.constant 3 : index
    %get3A_548 = arith.constant 3 : index
    %get3A_549 = memref.load %arg4[%get3A_547, %get3A_548] : memref<8x10xi32, #tpu.memory_space<smem>>
    %add3A_550 = arith.addi %add3A_498, %get3A_549 : i32
    %jit3A_551 = arith.constant 0 : i32
    %jit3A_552 = arith.constant 9999 : i32
    %max3A_553 = arith.maxsi %jit3A_551, %add3A_550 : i32
    %min3A_554 = arith.minsi %jit3A_552, %max3A_553 : i32
    %get3A_555 = arith.index_cast %min3A_554 : i32 to index
    %get3A_556 = arith.constant 0 : index
    %get3A_557 = vector.load %arg0[%get3A_555, %get3A_556] : memref<10240x20xf32, #tpu.memory_space<vmem>>, vector<1x20xf32>
    %ne3A_558 = arith.constant 0 : i32
    %ne3A_559 = arith.cmpi ne, %get3A_549, %ne3A_558 : i32
    %jit3A_560 = arith.constant 0.000000e+00 : f32
    %broadcast_in_dim3A_561 = vector.broadcast %jit3A_560 : f32 to vector<1x20xf32>
    %select_n3A_562 = arith.select %ne3A_559, %get3A_557, %broadcast_in_dim3A_561 : vector<1x20xf32>
    %get3A_563 = arith.constant 3 : index
    %get3A_564 = arith.constant 4 : index
    %get3A_565 = memref.load %arg4[%get3A_563, %get3A_564] : memref<8x10xi32, #tpu.memory_space<smem>>
    %add3A_566 = arith.addi %add3A_498, %get3A_565 : i32
    %jit3A_567 = arith.constant 0 : i32
    %jit3A_568 = arith.constant 9999 : i32
    %max3A_569 = arith.maxsi %jit3A_567, %add3A_566 : i32
    %min3A_570 = arith.minsi %jit3A_568, %max3A_569 : i32
    %get3A_571 = arith.index_cast %min3A_570 : i32 to index
    %get3A_572 = arith.constant 0 : index
    %get3A_573 = vector.load %arg0[%get3A_571, %get3A_572] : memref<10240x20xf32, #tpu.memory_space<vmem>>, vector<1x20xf32>
    %ne3A_574 = arith.constant 0 : i32
    %ne3A_575 = arith.cmpi ne, %get3A_565, %ne3A_574 : i32
    %jit3A_576 = arith.constant 0.000000e+00 : f32
    %broadcast_in_dim3A_577 = vector.broadcast %jit3A_576 : f32 to vector<1x20xf32>
    %select_n3A_578 = arith.select %ne3A_575, %get3A_573, %broadcast_in_dim3A_577 : vector<1x20xf32>
    %get3A_579 = arith.constant 3 : index
    %get3A_580 = arith.constant 5 : index
    %get3A_581 = memref.load %arg4[%get3A_579, %get3A_580] : memref<8x10xi32, #tpu.memory_space<smem>>
    %add3A_582 = arith.addi %add3A_498, %get3A_581 : i32
    %jit3A_583 = arith.constant 0 : i32
    %jit3A_584 = arith.constant 9999 : i32
    %max3A_585 = arith.maxsi %jit3A_583, %add3A_582 : i32
    %min3A_586 = arith.minsi %jit3A_584, %max3A_585 : i32
    %get3A_587 = arith.index_cast %min3A_586 : i32 to index
    %get3A_588 = arith.constant 0 : index
    %get3A_589 = vector.load %arg0[%get3A_587, %get3A_588] : memref<10240x20xf32, #tpu.memory_space<vmem>>, vector<1x20xf32>
    %ne3A_590 = arith.constant 0 : i32
    %ne3A_591 = arith.cmpi ne, %get3A_581, %ne3A_590 : i32
    %jit3A_592 = arith.constant 0.000000e+00 : f32
    %broadcast_in_dim3A_593 = vector.broadcast %jit3A_592 : f32 to vector<1x20xf32>
    %select_n3A_594 = arith.select %ne3A_591, %get3A_589, %broadcast_in_dim3A_593 : vector<1x20xf32>
    %get3A_595 = arith.constant 3 : index
    %get3A_596 = arith.constant 6 : index
    %get3A_597 = memref.load %arg4[%get3A_595, %get3A_596] : memref<8x10xi32, #tpu.memory_space<smem>>
    %add3A_598 = arith.addi %add3A_498, %get3A_597 : i32
    %jit3A_599 = arith.constant 0 : i32
    %jit3A_600 = arith.constant 9999 : i32
    %max3A_601 = arith.maxsi %jit3A_599, %add3A_598 : i32
    %min3A_602 = arith.minsi %jit3A_600, %max3A_601 : i32
    %get3A_603 = arith.index_cast %min3A_602 : i32 to index
    %get3A_604 = arith.constant 0 : index
    %get3A_605 = vector.load %arg0[%get3A_603, %get3A_604] : memref<10240x20xf32, #tpu.memory_space<vmem>>, vector<1x20xf32>
    %ne3A_606 = arith.constant 0 : i32
    %ne3A_607 = arith.cmpi ne, %get3A_597, %ne3A_606 : i32
    %jit3A_608 = arith.constant 0.000000e+00 : f32
    %broadcast_in_dim3A_609 = vector.broadcast %jit3A_608 : f32 to vector<1x20xf32>
    %select_n3A_610 = arith.select %ne3A_607, %get3A_605, %broadcast_in_dim3A_609 : vector<1x20xf32>
    %get3A_611 = arith.constant 3 : index
    %get3A_612 = arith.constant 7 : index
    %get3A_613 = memref.load %arg4[%get3A_611, %get3A_612] : memref<8x10xi32, #tpu.memory_space<smem>>
    %add3A_614 = arith.addi %add3A_498, %get3A_613 : i32
    %jit3A_615 = arith.constant 0 : i32
    %jit3A_616 = arith.constant 9999 : i32
    %max3A_617 = arith.maxsi %jit3A_615, %add3A_614 : i32
    %min3A_618 = arith.minsi %jit3A_616, %max3A_617 : i32
    %get3A_619 = arith.index_cast %min3A_618 : i32 to index
    %get3A_620 = arith.constant 0 : index
    %get3A_621 = vector.load %arg0[%get3A_619, %get3A_620] : memref<10240x20xf32, #tpu.memory_space<vmem>>, vector<1x20xf32>
    %ne3A_622 = arith.constant 0 : i32
    %ne3A_623 = arith.cmpi ne, %get3A_613, %ne3A_622 : i32
    %jit3A_624 = arith.constant 0.000000e+00 : f32
    %broadcast_in_dim3A_625 = vector.broadcast %jit3A_624 : f32 to vector<1x20xf32>
    %select_n3A_626 = arith.select %ne3A_623, %get3A_621, %broadcast_in_dim3A_625 : vector<1x20xf32>
    %get3A_627 = arith.constant 3 : index
    %get3A_628 = arith.constant 8 : index
    %get3A_629 = memref.load %arg4[%get3A_627, %get3A_628] : memref<8x10xi32, #tpu.memory_space<smem>>
    %add3A_630 = arith.addi %add3A_498, %get3A_629 : i32
    %jit3A_631 = arith.constant 0 : i32
    %jit3A_632 = arith.constant 9999 : i32
    %max3A_633 = arith.maxsi %jit3A_631, %add3A_630 : i32
    %min3A_634 = arith.minsi %jit3A_632, %max3A_633 : i32
    %get3A_635 = arith.index_cast %min3A_634 : i32 to index
    %get3A_636 = arith.constant 0 : index
    %get3A_637 = vector.load %arg0[%get3A_635, %get3A_636] : memref<10240x20xf32, #tpu.memory_space<vmem>>, vector<1x20xf32>
    %ne3A_638 = arith.constant 0 : i32
    %ne3A_639 = arith.cmpi ne, %get3A_629, %ne3A_638 : i32
    %jit3A_640 = arith.constant 0.000000e+00 : f32
    %broadcast_in_dim3A_641 = vector.broadcast %jit3A_640 : f32 to vector<1x20xf32>
    %select_n3A_642 = arith.select %ne3A_639, %get3A_637, %broadcast_in_dim3A_641 : vector<1x20xf32>
    %get3A_643 = arith.constant 3 : index
    %get3A_644 = arith.constant 9 : index
    %get3A_645 = memref.load %arg4[%get3A_643, %get3A_644] : memref<8x10xi32, #tpu.memory_space<smem>>
    %add3A_646 = arith.addi %add3A_498, %get3A_645 : i32
    %jit3A_647 = arith.constant 0 : i32
    %jit3A_648 = arith.constant 9999 : i32
    %max3A_649 = arith.maxsi %jit3A_647, %add3A_646 : i32
    %min3A_650 = arith.minsi %jit3A_648, %max3A_649 : i32
    %get3A_651 = arith.index_cast %min3A_650 : i32 to index
    %get3A_652 = arith.constant 0 : index
    %get3A_653 = vector.load %arg0[%get3A_651, %get3A_652] : memref<10240x20xf32, #tpu.memory_space<vmem>>, vector<1x20xf32>
    %ne3A_654 = arith.constant 0 : i32
    %ne3A_655 = arith.cmpi ne, %get3A_645, %ne3A_654 : i32
    %jit3A_656 = arith.constant 0.000000e+00 : f32
    %broadcast_in_dim3A_657 = vector.broadcast %jit3A_656 : f32 to vector<1x20xf32>
    %select_n3A_658 = arith.select %ne3A_655, %get3A_653, %broadcast_in_dim3A_657 : vector<1x20xf32>
    %concatenate3A_659 = tpu.concatenate %select_n3A_514, %select_n3A_530, %select_n3A_546, %select_n3A_562, %select_n3A_578, %select_n3A_594, %select_n3A_610, %select_n3A_626, %select_n3A_642, %select_n3A_658 in 1 : vector<1x20xf32>, vector<1x20xf32>, vector<1x20xf32>, vector<1x20xf32>, vector<1x20xf32>, vector<1x20xf32>, vector<1x20xf32>, vector<1x20xf32>, vector<1x20xf32>, vector<1x20xf32> -> vector<1x200xf32>
    %get3A_660 = arith.constant 3 : index
    %get3A_661 = arith.constant 0 : index
    %get3A_662 = memref.load %arg3[%get3A_660, %get3A_661] : memref<8x1xf32, #tpu.memory_space<smem>>
    %convert_element_type3A_663 = arith.fptosi %get3A_662 : f32 to i32
    %add3A_664 = arith.addi %add3A_498, %convert_element_type3A_663 : i32
    %get3A_665 = arith.constant 4 : index
    %get3A_666 = arith.constant 0 : index
    %get3A_667 = memref.load %arg4[%get3A_665, %get3A_666] : memref<8x10xi32, #tpu.memory_space<smem>>
    %add3A_668 = arith.addi %add3A_664, %get3A_667 : i32
    %jit3A_669 = arith.constant 0 : i32
    %jit3A_670 = arith.constant 9999 : i32
    %max3A_671 = arith.maxsi %jit3A_669, %add3A_668 : i32
    %min3A_672 = arith.minsi %jit3A_670, %max3A_671 : i32
    %get3A_673 = arith.index_cast %min3A_672 : i32 to index
    %get3A_674 = arith.constant 0 : index
    %get3A_675 = vector.load %arg0[%get3A_673, %get3A_674] : memref<10240x20xf32, #tpu.memory_space<vmem>>, vector<1x20xf32>
    %ne3A_676 = arith.constant 0 : i32
    %ne3A_677 = arith.cmpi ne, %get3A_667, %ne3A_676 : i32
    %jit3A_678 = arith.constant 0.000000e+00 : f32
    %broadcast_in_dim3A_679 = vector.broadcast %jit3A_678 : f32 to vector<1x20xf32>
    %select_n3A_680 = arith.select %ne3A_677, %get3A_675, %broadcast_in_dim3A_679 : vector<1x20xf32>
    %get3A_681 = arith.constant 4 : index
    %get3A_682 = arith.constant 1 : index
    %get3A_683 = memref.load %arg4[%get3A_681, %get3A_682] : memref<8x10xi32, #tpu.memory_space<smem>>
    %add3A_684 = arith.addi %add3A_664, %get3A_683 : i32
    %jit3A_685 = arith.constant 0 : i32
    %jit3A_686 = arith.constant 9999 : i32
    %max3A_687 = arith.maxsi %jit3A_685, %add3A_684 : i32
    %min3A_688 = arith.minsi %jit3A_686, %max3A_687 : i32
    %get3A_689 = arith.index_cast %min3A_688 : i32 to index
    %get3A_690 = arith.constant 0 : index
    %get3A_691 = vector.load %arg0[%get3A_689, %get3A_690] : memref<10240x20xf32, #tpu.memory_space<vmem>>, vector<1x20xf32>
    %ne3A_692 = arith.constant 0 : i32
    %ne3A_693 = arith.cmpi ne, %get3A_683, %ne3A_692 : i32
    %jit3A_694 = arith.constant 0.000000e+00 : f32
    %broadcast_in_dim3A_695 = vector.broadcast %jit3A_694 : f32 to vector<1x20xf32>
    %select_n3A_696 = arith.select %ne3A_693, %get3A_691, %broadcast_in_dim3A_695 : vector<1x20xf32>
    %get3A_697 = arith.constant 4 : index
    %get3A_698 = arith.constant 2 : index
    %get3A_699 = memref.load %arg4[%get3A_697, %get3A_698] : memref<8x10xi32, #tpu.memory_space<smem>>
    %add3A_700 = arith.addi %add3A_664, %get3A_699 : i32
    %jit3A_701 = arith.constant 0 : i32
    %jit3A_702 = arith.constant 9999 : i32
    %max3A_703 = arith.maxsi %jit3A_701, %add3A_700 : i32
    %min3A_704 = arith.minsi %jit3A_702, %max3A_703 : i32
    %get3A_705 = arith.index_cast %min3A_704 : i32 to index
    %get3A_706 = arith.constant 0 : index
    %get3A_707 = vector.load %arg0[%get3A_705, %get3A_706] : memref<10240x20xf32, #tpu.memory_space<vmem>>, vector<1x20xf32>
    %ne3A_708 = arith.constant 0 : i32
    %ne3A_709 = arith.cmpi ne, %get3A_699, %ne3A_708 : i32
    %jit3A_710 = arith.constant 0.000000e+00 : f32
    %broadcast_in_dim3A_711 = vector.broadcast %jit3A_710 : f32 to vector<1x20xf32>
    %select_n3A_712 = arith.select %ne3A_709, %get3A_707, %broadcast_in_dim3A_711 : vector<1x20xf32>
    %get3A_713 = arith.constant 4 : index
    %get3A_714 = arith.constant 3 : index
    %get3A_715 = memref.load %arg4[%get3A_713, %get3A_714] : memref<8x10xi32, #tpu.memory_space<smem>>
    %add3A_716 = arith.addi %add3A_664, %get3A_715 : i32
    %jit3A_717 = arith.constant 0 : i32
    %jit3A_718 = arith.constant 9999 : i32
    %max3A_719 = arith.maxsi %jit3A_717, %add3A_716 : i32
    %min3A_720 = arith.minsi %jit3A_718, %max3A_719 : i32
    %get3A_721 = arith.index_cast %min3A_720 : i32 to index
    %get3A_722 = arith.constant 0 : index
    %get3A_723 = vector.load %arg0[%get3A_721, %get3A_722] : memref<10240x20xf32, #tpu.memory_space<vmem>>, vector<1x20xf32>
    %ne3A_724 = arith.constant 0 : i32
    %ne3A_725 = arith.cmpi ne, %get3A_715, %ne3A_724 : i32
    %jit3A_726 = arith.constant 0.000000e+00 : f32
    %broadcast_in_dim3A_727 = vector.broadcast %jit3A_726 : f32 to vector<1x20xf32>
    %select_n3A_728 = arith.select %ne3A_725, %get3A_723, %broadcast_in_dim3A_727 : vector<1x20xf32>
    %get3A_729 = arith.constant 4 : index
    %get3A_730 = arith.constant 4 : index
    %get3A_731 = memref.load %arg4[%get3A_729, %get3A_730] : memref<8x10xi32, #tpu.memory_space<smem>>
    %add3A_732 = arith.addi %add3A_664, %get3A_731 : i32
    %jit3A_733 = arith.constant 0 : i32
    %jit3A_734 = arith.constant 9999 : i32
    %max3A_735 = arith.maxsi %jit3A_733, %add3A_732 : i32
    %min3A_736 = arith.minsi %jit3A_734, %max3A_735 : i32
    %get3A_737 = arith.index_cast %min3A_736 : i32 to index
    %get3A_738 = arith.constant 0 : index
    %get3A_739 = vector.load %arg0[%get3A_737, %get3A_738] : memref<10240x20xf32, #tpu.memory_space<vmem>>, vector<1x20xf32>
    %ne3A_740 = arith.constant 0 : i32
    %ne3A_741 = arith.cmpi ne, %get3A_731, %ne3A_740 : i32
    %jit3A_742 = arith.constant 0.000000e+00 : f32
    %broadcast_in_dim3A_743 = vector.broadcast %jit3A_742 : f32 to vector<1x20xf32>
    %select_n3A_744 = arith.select %ne3A_741, %get3A_739, %broadcast_in_dim3A_743 : vector<1x20xf32>
    %get3A_745 = arith.constant 4 : index
    %get3A_746 = arith.constant 5 : index
    %get3A_747 = memref.load %arg4[%get3A_745, %get3A_746] : memref<8x10xi32, #tpu.memory_space<smem>>
    %add3A_748 = arith.addi %add3A_664, %get3A_747 : i32
    %jit3A_749 = arith.constant 0 : i32
    %jit3A_750 = arith.constant 9999 : i32
    %max3A_751 = arith.maxsi %jit3A_749, %add3A_748 : i32
    %min3A_752 = arith.minsi %jit3A_750, %max3A_751 : i32
    %get3A_753 = arith.index_cast %min3A_752 : i32 to index
    %get3A_754 = arith.constant 0 : index
    %get3A_755 = vector.load %arg0[%get3A_753, %get3A_754] : memref<10240x20xf32, #tpu.memory_space<vmem>>, vector<1x20xf32>
    %ne3A_756 = arith.constant 0 : i32
    %ne3A_757 = arith.cmpi ne, %get3A_747, %ne3A_756 : i32
    %jit3A_758 = arith.constant 0.000000e+00 : f32
    %broadcast_in_dim3A_759 = vector.broadcast %jit3A_758 : f32 to vector<1x20xf32>
    %select_n3A_760 = arith.select %ne3A_757, %get3A_755, %broadcast_in_dim3A_759 : vector<1x20xf32>
    %get3A_761 = arith.constant 4 : index
    %get3A_762 = arith.constant 6 : index
    %get3A_763 = memref.load %arg4[%get3A_761, %get3A_762] : memref<8x10xi32, #tpu.memory_space<smem>>
    %add3A_764 = arith.addi %add3A_664, %get3A_763 : i32
    %jit3A_765 = arith.constant 0 : i32
    %jit3A_766 = arith.constant 9999 : i32
    %max3A_767 = arith.maxsi %jit3A_765, %add3A_764 : i32
    %min3A_768 = arith.minsi %jit3A_766, %max3A_767 : i32
    %get3A_769 = arith.index_cast %min3A_768 : i32 to index
    %get3A_770 = arith.constant 0 : index
    %get3A_771 = vector.load %arg0[%get3A_769, %get3A_770] : memref<10240x20xf32, #tpu.memory_space<vmem>>, vector<1x20xf32>
    %ne3A_772 = arith.constant 0 : i32
    %ne3A_773 = arith.cmpi ne, %get3A_763, %ne3A_772 : i32
    %jit3A_774 = arith.constant 0.000000e+00 : f32
    %broadcast_in_dim3A_775 = vector.broadcast %jit3A_774 : f32 to vector<1x20xf32>
    %select_n3A_776 = arith.select %ne3A_773, %get3A_771, %broadcast_in_dim3A_775 : vector<1x20xf32>
    %get3A_777 = arith.constant 4 : index
    %get3A_778 = arith.constant 7 : index
    %get3A_779 = memref.load %arg4[%get3A_777, %get3A_778] : memref<8x10xi32, #tpu.memory_space<smem>>
    %add3A_780 = arith.addi %add3A_664, %get3A_779 : i32
    %jit3A_781 = arith.constant 0 : i32
    %jit3A_782 = arith.constant 9999 : i32
    %max3A_783 = arith.maxsi %jit3A_781, %add3A_780 : i32
    %min3A_784 = arith.minsi %jit3A_782, %max3A_783 : i32
    %get3A_785 = arith.index_cast %min3A_784 : i32 to index
    %get3A_786 = arith.constant 0 : index
    %get3A_787 = vector.load %arg0[%get3A_785, %get3A_786] : memref<10240x20xf32, #tpu.memory_space<vmem>>, vector<1x20xf32>
    %ne3A_788 = arith.constant 0 : i32
    %ne3A_789 = arith.cmpi ne, %get3A_779, %ne3A_788 : i32
    %jit3A_790 = arith.constant 0.000000e+00 : f32
    %broadcast_in_dim3A_791 = vector.broadcast %jit3A_790 : f32 to vector<1x20xf32>
    %select_n3A_792 = arith.select %ne3A_789, %get3A_787, %broadcast_in_dim3A_791 : vector<1x20xf32>
    %get3A_793 = arith.constant 4 : index
    %get3A_794 = arith.constant 8 : index
    %get3A_795 = memref.load %arg4[%get3A_793, %get3A_794] : memref<8x10xi32, #tpu.memory_space<smem>>
    %add3A_796 = arith.addi %add3A_664, %get3A_795 : i32
    %jit3A_797 = arith.constant 0 : i32
    %jit3A_798 = arith.constant 9999 : i32
    %max3A_799 = arith.maxsi %jit3A_797, %add3A_796 : i32
    %min3A_800 = arith.minsi %jit3A_798, %max3A_799 : i32
    %get3A_801 = arith.index_cast %min3A_800 : i32 to index
    %get3A_802 = arith.constant 0 : index
    %get3A_803 = vector.load %arg0[%get3A_801, %get3A_802] : memref<10240x20xf32, #tpu.memory_space<vmem>>, vector<1x20xf32>
    %ne3A_804 = arith.constant 0 : i32
    %ne3A_805 = arith.cmpi ne, %get3A_795, %ne3A_804 : i32
    %jit3A_806 = arith.constant 0.000000e+00 : f32
    %broadcast_in_dim3A_807 = vector.broadcast %jit3A_806 : f32 to vector<1x20xf32>
    %select_n3A_808 = arith.select %ne3A_805, %get3A_803, %broadcast_in_dim3A_807 : vector<1x20xf32>
    %get3A_809 = arith.constant 4 : index
    %get3A_810 = arith.constant 9 : index
    %get3A_811 = memref.load %arg4[%get3A_809, %get3A_810] : memref<8x10xi32, #tpu.memory_space<smem>>
    %add3A_812 = arith.addi %add3A_664, %get3A_811 : i32
    %jit3A_813 = arith.constant 0 : i32
    %jit3A_814 = arith.constant 9999 : i32
    %max3A_815 = arith.maxsi %jit3A_813, %add3A_812 : i32
    %min3A_816 = arith.minsi %jit3A_814, %max3A_815 : i32
    %get3A_817 = arith.index_cast %min3A_816 : i32 to index
    %get3A_818 = arith.constant 0 : index
    %get3A_819 = vector.load %arg0[%get3A_817, %get3A_818] : memref<10240x20xf32, #tpu.memory_space<vmem>>, vector<1x20xf32>
    %ne3A_820 = arith.constant 0 : i32
    %ne3A_821 = arith.cmpi ne, %get3A_811, %ne3A_820 : i32
    %jit3A_822 = arith.constant 0.000000e+00 : f32
    %broadcast_in_dim3A_823 = vector.broadcast %jit3A_822 : f32 to vector<1x20xf32>
    %select_n3A_824 = arith.select %ne3A_821, %get3A_819, %broadcast_in_dim3A_823 : vector<1x20xf32>
    %concatenate3A_825 = tpu.concatenate %select_n3A_680, %select_n3A_696, %select_n3A_712, %select_n3A_728, %select_n3A_744, %select_n3A_760, %select_n3A_776, %select_n3A_792, %select_n3A_808, %select_n3A_824 in 1 : vector<1x20xf32>, vector<1x20xf32>, vector<1x20xf32>, vector<1x20xf32>, vector<1x20xf32>, vector<1x20xf32>, vector<1x20xf32>, vector<1x20xf32>, vector<1x20xf32>, vector<1x20xf32> -> vector<1x200xf32>
    %get3A_826 = arith.constant 4 : index
    %get3A_827 = arith.constant 0 : index
    %get3A_828 = memref.load %arg3[%get3A_826, %get3A_827] : memref<8x1xf32, #tpu.memory_space<smem>>
    %convert_element_type3A_829 = arith.fptosi %get3A_828 : f32 to i32
    %add3A_830 = arith.addi %add3A_664, %convert_element_type3A_829 : i32
    %get3A_831 = arith.constant 5 : index
    %get3A_832 = arith.constant 0 : index
    %get3A_833 = memref.load %arg4[%get3A_831, %get3A_832] : memref<8x10xi32, #tpu.memory_space<smem>>
    %add3A_834 = arith.addi %add3A_830, %get3A_833 : i32
    %jit3A_835 = arith.constant 0 : i32
    %jit3A_836 = arith.constant 9999 : i32
    %max3A_837 = arith.maxsi %jit3A_835, %add3A_834 : i32
    %min3A_838 = arith.minsi %jit3A_836, %max3A_837 : i32
    %get3A_839 = arith.index_cast %min3A_838 : i32 to index
    %get3A_840 = arith.constant 0 : index
    %get3A_841 = vector.load %arg0[%get3A_839, %get3A_840] : memref<10240x20xf32, #tpu.memory_space<vmem>>, vector<1x20xf32>
    %ne3A_842 = arith.constant 0 : i32
    %ne3A_843 = arith.cmpi ne, %get3A_833, %ne3A_842 : i32
    %jit3A_844 = arith.constant 0.000000e+00 : f32
    %broadcast_in_dim3A_845 = vector.broadcast %jit3A_844 : f32 to vector<1x20xf32>
    %select_n3A_846 = arith.select %ne3A_843, %get3A_841, %broadcast_in_dim3A_845 : vector<1x20xf32>
    %get3A_847 = arith.constant 5 : index
    %get3A_848 = arith.constant 1 : index
    %get3A_849 = memref.load %arg4[%get3A_847, %get3A_848] : memref<8x10xi32, #tpu.memory_space<smem>>
    %add3A_850 = arith.addi %add3A_830, %get3A_849 : i32
    %jit3A_851 = arith.constant 0 : i32
    %jit3A_852 = arith.constant 9999 : i32
    %max3A_853 = arith.maxsi %jit3A_851, %add3A_850 : i32
    %min3A_854 = arith.minsi %jit3A_852, %max3A_853 : i32
    %get3A_855 = arith.index_cast %min3A_854 : i32 to index
    %get3A_856 = arith.constant 0 : index
    %get3A_857 = vector.load %arg0[%get3A_855, %get3A_856] : memref<10240x20xf32, #tpu.memory_space<vmem>>, vector<1x20xf32>
    %ne3A_858 = arith.constant 0 : i32
    %ne3A_859 = arith.cmpi ne, %get3A_849, %ne3A_858 : i32
    %jit3A_860 = arith.constant 0.000000e+00 : f32
    %broadcast_in_dim3A_861 = vector.broadcast %jit3A_860 : f32 to vector<1x20xf32>
    %select_n3A_862 = arith.select %ne3A_859, %get3A_857, %broadcast_in_dim3A_861 : vector<1x20xf32>
    %get3A_863 = arith.constant 5 : index
    %get3A_864 = arith.constant 2 : index
    %get3A_865 = memref.load %arg4[%get3A_863, %get3A_864] : memref<8x10xi32, #tpu.memory_space<smem>>
    %add3A_866 = arith.addi %add3A_830, %get3A_865 : i32
    %jit3A_867 = arith.constant 0 : i32
    %jit3A_868 = arith.constant 9999 : i32
    %max3A_869 = arith.maxsi %jit3A_867, %add3A_866 : i32
    %min3A_870 = arith.minsi %jit3A_868, %max3A_869 : i32
    %get3A_871 = arith.index_cast %min3A_870 : i32 to index
    %get3A_872 = arith.constant 0 : index
    %get3A_873 = vector.load %arg0[%get3A_871, %get3A_872] : memref<10240x20xf32, #tpu.memory_space<vmem>>, vector<1x20xf32>
    %ne3A_874 = arith.constant 0 : i32
    %ne3A_875 = arith.cmpi ne, %get3A_865, %ne3A_874 : i32
    %jit3A_876 = arith.constant 0.000000e+00 : f32
    %broadcast_in_dim3A_877 = vector.broadcast %jit3A_876 : f32 to vector<1x20xf32>
    %select_n3A_878 = arith.select %ne3A_875, %get3A_873, %broadcast_in_dim3A_877 : vector<1x20xf32>
    %get3A_879 = arith.constant 5 : index
    %get3A_880 = arith.constant 3 : index
    %get3A_881 = memref.load %arg4[%get3A_879, %get3A_880] : memref<8x10xi32, #tpu.memory_space<smem>>
    %add3A_882 = arith.addi %add3A_830, %get3A_881 : i32
    %jit3A_883 = arith.constant 0 : i32
    %jit3A_884 = arith.constant 9999 : i32
    %max3A_885 = arith.maxsi %jit3A_883, %add3A_882 : i32
    %min3A_886 = arith.minsi %jit3A_884, %max3A_885 : i32
    %get3A_887 = arith.index_cast %min3A_886 : i32 to index
    %get3A_888 = arith.constant 0 : index
    %get3A_889 = vector.load %arg0[%get3A_887, %get3A_888] : memref<10240x20xf32, #tpu.memory_space<vmem>>, vector<1x20xf32>
    %ne3A_890 = arith.constant 0 : i32
    %ne3A_891 = arith.cmpi ne, %get3A_881, %ne3A_890 : i32
    %jit3A_892 = arith.constant 0.000000e+00 : f32
    %broadcast_in_dim3A_893 = vector.broadcast %jit3A_892 : f32 to vector<1x20xf32>
    %select_n3A_894 = arith.select %ne3A_891, %get3A_889, %broadcast_in_dim3A_893 : vector<1x20xf32>
    %get3A_895 = arith.constant 5 : index
    %get3A_896 = arith.constant 4 : index
    %get3A_897 = memref.load %arg4[%get3A_895, %get3A_896] : memref<8x10xi32, #tpu.memory_space<smem>>
    %add3A_898 = arith.addi %add3A_830, %get3A_897 : i32
    %jit3A_899 = arith.constant 0 : i32
    %jit3A_900 = arith.constant 9999 : i32
    %max3A_901 = arith.maxsi %jit3A_899, %add3A_898 : i32
    %min3A_902 = arith.minsi %jit3A_900, %max3A_901 : i32
    %get3A_903 = arith.index_cast %min3A_902 : i32 to index
    %get3A_904 = arith.constant 0 : index
    %get3A_905 = vector.load %arg0[%get3A_903, %get3A_904] : memref<10240x20xf32, #tpu.memory_space<vmem>>, vector<1x20xf32>
    %ne3A_906 = arith.constant 0 : i32
    %ne3A_907 = arith.cmpi ne, %get3A_897, %ne3A_906 : i32
    %jit3A_908 = arith.constant 0.000000e+00 : f32
    %broadcast_in_dim3A_909 = vector.broadcast %jit3A_908 : f32 to vector<1x20xf32>
    %select_n3A_910 = arith.select %ne3A_907, %get3A_905, %broadcast_in_dim3A_909 : vector<1x20xf32>
    %get3A_911 = arith.constant 5 : index
    %get3A_912 = arith.constant 5 : index
    %get3A_913 = memref.load %arg4[%get3A_911, %get3A_912] : memref<8x10xi32, #tpu.memory_space<smem>>
    %add3A_914 = arith.addi %add3A_830, %get3A_913 : i32
    %jit3A_915 = arith.constant 0 : i32
    %jit3A_916 = arith.constant 9999 : i32
    %max3A_917 = arith.maxsi %jit3A_915, %add3A_914 : i32
    %min3A_918 = arith.minsi %jit3A_916, %max3A_917 : i32
    %get3A_919 = arith.index_cast %min3A_918 : i32 to index
    %get3A_920 = arith.constant 0 : index
    %get3A_921 = vector.load %arg0[%get3A_919, %get3A_920] : memref<10240x20xf32, #tpu.memory_space<vmem>>, vector<1x20xf32>
    %ne3A_922 = arith.constant 0 : i32
    %ne3A_923 = arith.cmpi ne, %get3A_913, %ne3A_922 : i32
    %jit3A_924 = arith.constant 0.000000e+00 : f32
    %broadcast_in_dim3A_925 = vector.broadcast %jit3A_924 : f32 to vector<1x20xf32>
    %select_n3A_926 = arith.select %ne3A_923, %get3A_921, %broadcast_in_dim3A_925 : vector<1x20xf32>
    %get3A_927 = arith.constant 5 : index
    %get3A_928 = arith.constant 6 : index
    %get3A_929 = memref.load %arg4[%get3A_927, %get3A_928] : memref<8x10xi32, #tpu.memory_space<smem>>
    %add3A_930 = arith.addi %add3A_830, %get3A_929 : i32
    %jit3A_931 = arith.constant 0 : i32
    %jit3A_932 = arith.constant 9999 : i32
    %max3A_933 = arith.maxsi %jit3A_931, %add3A_930 : i32
    %min3A_934 = arith.minsi %jit3A_932, %max3A_933 : i32
    %get3A_935 = arith.index_cast %min3A_934 : i32 to index
    %get3A_936 = arith.constant 0 : index
    %get3A_937 = vector.load %arg0[%get3A_935, %get3A_936] : memref<10240x20xf32, #tpu.memory_space<vmem>>, vector<1x20xf32>
    %ne3A_938 = arith.constant 0 : i32
    %ne3A_939 = arith.cmpi ne, %get3A_929, %ne3A_938 : i32
    %jit3A_940 = arith.constant 0.000000e+00 : f32
    %broadcast_in_dim3A_941 = vector.broadcast %jit3A_940 : f32 to vector<1x20xf32>
    %select_n3A_942 = arith.select %ne3A_939, %get3A_937, %broadcast_in_dim3A_941 : vector<1x20xf32>
    %get3A_943 = arith.constant 5 : index
    %get3A_944 = arith.constant 7 : index
    %get3A_945 = memref.load %arg4[%get3A_943, %get3A_944] : memref<8x10xi32, #tpu.memory_space<smem>>
    %add3A_946 = arith.addi %add3A_830, %get3A_945 : i32
    %jit3A_947 = arith.constant 0 : i32
    %jit3A_948 = arith.constant 9999 : i32
    %max3A_949 = arith.maxsi %jit3A_947, %add3A_946 : i32
    %min3A_950 = arith.minsi %jit3A_948, %max3A_949 : i32
    %get3A_951 = arith.index_cast %min3A_950 : i32 to index
    %get3A_952 = arith.constant 0 : index
    %get3A_953 = vector.load %arg0[%get3A_951, %get3A_952] : memref<10240x20xf32, #tpu.memory_space<vmem>>, vector<1x20xf32>
    %ne3A_954 = arith.constant 0 : i32
    %ne3A_955 = arith.cmpi ne, %get3A_945, %ne3A_954 : i32
    %jit3A_956 = arith.constant 0.000000e+00 : f32
    %broadcast_in_dim3A_957 = vector.broadcast %jit3A_956 : f32 to vector<1x20xf32>
    %select_n3A_958 = arith.select %ne3A_955, %get3A_953, %broadcast_in_dim3A_957 : vector<1x20xf32>
    %get3A_959 = arith.constant 5 : index
    %get3A_960 = arith.constant 8 : index
    %get3A_961 = memref.load %arg4[%get3A_959, %get3A_960] : memref<8x10xi32, #tpu.memory_space<smem>>
    %add3A_962 = arith.addi %add3A_830, %get3A_961 : i32
    %jit3A_963 = arith.constant 0 : i32
    %jit3A_964 = arith.constant 9999 : i32
    %max3A_965 = arith.maxsi %jit3A_963, %add3A_962 : i32
    %min3A_966 = arith.minsi %jit3A_964, %max3A_965 : i32
    %get3A_967 = arith.index_cast %min3A_966 : i32 to index
    %get3A_968 = arith.constant 0 : index
    %get3A_969 = vector.load %arg0[%get3A_967, %get3A_968] : memref<10240x20xf32, #tpu.memory_space<vmem>>, vector<1x20xf32>
    %ne3A_970 = arith.constant 0 : i32
    %ne3A_971 = arith.cmpi ne, %get3A_961, %ne3A_970 : i32
    %jit3A_972 = arith.constant 0.000000e+00 : f32
    %broadcast_in_dim3A_973 = vector.broadcast %jit3A_972 : f32 to vector<1x20xf32>
    %select_n3A_974 = arith.select %ne3A_971, %get3A_969, %broadcast_in_dim3A_973 : vector<1x20xf32>
    %get3A_975 = arith.constant 5 : index
    %get3A_976 = arith.constant 9 : index
    %get3A_977 = memref.load %arg4[%get3A_975, %get3A_976] : memref<8x10xi32, #tpu.memory_space<smem>>
    %add3A_978 = arith.addi %add3A_830, %get3A_977 : i32
    %jit3A_979 = arith.constant 0 : i32
    %jit3A_980 = arith.constant 9999 : i32
    %max3A_981 = arith.maxsi %jit3A_979, %add3A_978 : i32
    %min3A_982 = arith.minsi %jit3A_980, %max3A_981 : i32
    %get3A_983 = arith.index_cast %min3A_982 : i32 to index
    %get3A_984 = arith.constant 0 : index
    %get3A_985 = vector.load %arg0[%get3A_983, %get3A_984] : memref<10240x20xf32, #tpu.memory_space<vmem>>, vector<1x20xf32>
    %ne3A_986 = arith.constant 0 : i32
    %ne3A_987 = arith.cmpi ne, %get3A_977, %ne3A_986 : i32
    %jit3A_988 = arith.constant 0.000000e+00 : f32
    %broadcast_in_dim3A_989 = vector.broadcast %jit3A_988 : f32 to vector<1x20xf32>
    %select_n3A_990 = arith.select %ne3A_987, %get3A_985, %broadcast_in_dim3A_989 : vector<1x20xf32>
    %concatenate3A_991 = tpu.concatenate %select_n3A_846, %select_n3A_862, %select_n3A_878, %select_n3A_894, %select_n3A_910, %select_n3A_926, %select_n3A_942, %select_n3A_958, %select_n3A_974, %select_n3A_990 in 1 : vector<1x20xf32>, vector<1x20xf32>, vector<1x20xf32>, vector<1x20xf32>, vector<1x20xf32>, vector<1x20xf32>, vector<1x20xf32>, vector<1x20xf32>, vector<1x20xf32>, vector<1x20xf32> -> vector<1x200xf32>
    %get3A_992 = arith.constant 5 : index
    %get3A_993 = arith.constant 0 : index
    %get3A_994 = memref.load %arg3[%get3A_992, %get3A_993] : memref<8x1xf32, #tpu.memory_space<smem>>
    %convert_element_type3A_995 = arith.fptosi %get3A_994 : f32 to i32
    %add3A_996 = arith.addi %add3A_830, %convert_element_type3A_995 : i32
    %get3A_997 = arith.constant 6 : index
    %get3A_998 = arith.constant 0 : index
    %get3A_999 = memref.load %arg4[%get3A_997, %get3A_998] : memref<8x10xi32, #tpu.memory_space<smem>>
    %add3A_1000 = arith.addi %add3A_996, %get3A_999 : i32
    %jit3A_1001 = arith.constant 0 : i32
    %jit3A_1002 = arith.constant 9999 : i32
    %max3A_1003 = arith.maxsi %jit3A_1001, %add3A_1000 : i32
    %min3A_1004 = arith.minsi %jit3A_1002, %max3A_1003 : i32
    %get3A_1005 = arith.index_cast %min3A_1004 : i32 to index
    %get3A_1006 = arith.constant 0 : index
    %get3A_1007 = vector.load %arg0[%get3A_1005, %get3A_1006] : memref<10240x20xf32, #tpu.memory_space<vmem>>, vector<1x20xf32>
    %ne3A_1008 = arith.constant 0 : i32
    %ne3A_1009 = arith.cmpi ne, %get3A_999, %ne3A_1008 : i32
    %jit3A_1010 = arith.constant 0.000000e+00 : f32
    %broadcast_in_dim3A_1011 = vector.broadcast %jit3A_1010 : f32 to vector<1x20xf32>
    %select_n3A_1012 = arith.select %ne3A_1009, %get3A_1007, %broadcast_in_dim3A_1011 : vector<1x20xf32>
    %get3A_1013 = arith.constant 6 : index
    %get3A_1014 = arith.constant 1 : index
    %get3A_1015 = memref.load %arg4[%get3A_1013, %get3A_1014] : memref<8x10xi32, #tpu.memory_space<smem>>
    %add3A_1016 = arith.addi %add3A_996, %get3A_1015 : i32
    %jit3A_1017 = arith.constant 0 : i32
    %jit3A_1018 = arith.constant 9999 : i32
    %max3A_1019 = arith.maxsi %jit3A_1017, %add3A_1016 : i32
    %min3A_1020 = arith.minsi %jit3A_1018, %max3A_1019 : i32
    %get3A_1021 = arith.index_cast %min3A_1020 : i32 to index
    %get3A_1022 = arith.constant 0 : index
    %get3A_1023 = vector.load %arg0[%get3A_1021, %get3A_1022] : memref<10240x20xf32, #tpu.memory_space<vmem>>, vector<1x20xf32>
    %ne3A_1024 = arith.constant 0 : i32
    %ne3A_1025 = arith.cmpi ne, %get3A_1015, %ne3A_1024 : i32
    %jit3A_1026 = arith.constant 0.000000e+00 : f32
    %broadcast_in_dim3A_1027 = vector.broadcast %jit3A_1026 : f32 to vector<1x20xf32>
    %select_n3A_1028 = arith.select %ne3A_1025, %get3A_1023, %broadcast_in_dim3A_1027 : vector<1x20xf32>
    %get3A_1029 = arith.constant 6 : index
    %get3A_1030 = arith.constant 2 : index
    %get3A_1031 = memref.load %arg4[%get3A_1029, %get3A_1030] : memref<8x10xi32, #tpu.memory_space<smem>>
    %add3A_1032 = arith.addi %add3A_996, %get3A_1031 : i32
    %jit3A_1033 = arith.constant 0 : i32
    %jit3A_1034 = arith.constant 9999 : i32
    %max3A_1035 = arith.maxsi %jit3A_1033, %add3A_1032 : i32
    %min3A_1036 = arith.minsi %jit3A_1034, %max3A_1035 : i32
    %get3A_1037 = arith.index_cast %min3A_1036 : i32 to index
    %get3A_1038 = arith.constant 0 : index
    %get3A_1039 = vector.load %arg0[%get3A_1037, %get3A_1038] : memref<10240x20xf32, #tpu.memory_space<vmem>>, vector<1x20xf32>
    %ne3A_1040 = arith.constant 0 : i32
    %ne3A_1041 = arith.cmpi ne, %get3A_1031, %ne3A_1040 : i32
    %jit3A_1042 = arith.constant 0.000000e+00 : f32
    %broadcast_in_dim3A_1043 = vector.broadcast %jit3A_1042 : f32 to vector<1x20xf32>
    %select_n3A_1044 = arith.select %ne3A_1041, %get3A_1039, %broadcast_in_dim3A_1043 : vector<1x20xf32>
    %get3A_1045 = arith.constant 6 : index
    %get3A_1046 = arith.constant 3 : index
    %get3A_1047 = memref.load %arg4[%get3A_1045, %get3A_1046] : memref<8x10xi32, #tpu.memory_space<smem>>
    %add3A_1048 = arith.addi %add3A_996, %get3A_1047 : i32
    %jit3A_1049 = arith.constant 0 : i32
    %jit3A_1050 = arith.constant 9999 : i32
    %max3A_1051 = arith.maxsi %jit3A_1049, %add3A_1048 : i32
    %min3A_1052 = arith.minsi %jit3A_1050, %max3A_1051 : i32
    %get3A_1053 = arith.index_cast %min3A_1052 : i32 to index
    %get3A_1054 = arith.constant 0 : index
    %get3A_1055 = vector.load %arg0[%get3A_1053, %get3A_1054] : memref<10240x20xf32, #tpu.memory_space<vmem>>, vector<1x20xf32>
    %ne3A_1056 = arith.constant 0 : i32
    %ne3A_1057 = arith.cmpi ne, %get3A_1047, %ne3A_1056 : i32
    %jit3A_1058 = arith.constant 0.000000e+00 : f32
    %broadcast_in_dim3A_1059 = vector.broadcast %jit3A_1058 : f32 to vector<1x20xf32>
    %select_n3A_1060 = arith.select %ne3A_1057, %get3A_1055, %broadcast_in_dim3A_1059 : vector<1x20xf32>
    %get3A_1061 = arith.constant 6 : index
    %get3A_1062 = arith.constant 4 : index
    %get3A_1063 = memref.load %arg4[%get3A_1061, %get3A_1062] : memref<8x10xi32, #tpu.memory_space<smem>>
    %add3A_1064 = arith.addi %add3A_996, %get3A_1063 : i32
    %jit3A_1065 = arith.constant 0 : i32
    %jit3A_1066 = arith.constant 9999 : i32
    %max3A_1067 = arith.maxsi %jit3A_1065, %add3A_1064 : i32
    %min3A_1068 = arith.minsi %jit3A_1066, %max3A_1067 : i32
    %get3A_1069 = arith.index_cast %min3A_1068 : i32 to index
    %get3A_1070 = arith.constant 0 : index
    %get3A_1071 = vector.load %arg0[%get3A_1069, %get3A_1070] : memref<10240x20xf32, #tpu.memory_space<vmem>>, vector<1x20xf32>
    %ne3A_1072 = arith.constant 0 : i32
    %ne3A_1073 = arith.cmpi ne, %get3A_1063, %ne3A_1072 : i32
    %jit3A_1074 = arith.constant 0.000000e+00 : f32
    %broadcast_in_dim3A_1075 = vector.broadcast %jit3A_1074 : f32 to vector<1x20xf32>
    %select_n3A_1076 = arith.select %ne3A_1073, %get3A_1071, %broadcast_in_dim3A_1075 : vector<1x20xf32>
    %get3A_1077 = arith.constant 6 : index
    %get3A_1078 = arith.constant 5 : index
    %get3A_1079 = memref.load %arg4[%get3A_1077, %get3A_1078] : memref<8x10xi32, #tpu.memory_space<smem>>
    %add3A_1080 = arith.addi %add3A_996, %get3A_1079 : i32
    %jit3A_1081 = arith.constant 0 : i32
    %jit3A_1082 = arith.constant 9999 : i32
    %max3A_1083 = arith.maxsi %jit3A_1081, %add3A_1080 : i32
    %min3A_1084 = arith.minsi %jit3A_1082, %max3A_1083 : i32
    %get3A_1085 = arith.index_cast %min3A_1084 : i32 to index
    %get3A_1086 = arith.constant 0 : index
    %get3A_1087 = vector.load %arg0[%get3A_1085, %get3A_1086] : memref<10240x20xf32, #tpu.memory_space<vmem>>, vector<1x20xf32>
    %ne3A_1088 = arith.constant 0 : i32
    %ne3A_1089 = arith.cmpi ne, %get3A_1079, %ne3A_1088 : i32
    %jit3A_1090 = arith.constant 0.000000e+00 : f32
    %broadcast_in_dim3A_1091 = vector.broadcast %jit3A_1090 : f32 to vector<1x20xf32>
    %select_n3A_1092 = arith.select %ne3A_1089, %get3A_1087, %broadcast_in_dim3A_1091 : vector<1x20xf32>
    %get3A_1093 = arith.constant 6 : index
    %get3A_1094 = arith.constant 6 : index
    %get3A_1095 = memref.load %arg4[%get3A_1093, %get3A_1094] : memref<8x10xi32, #tpu.memory_space<smem>>
    %add3A_1096 = arith.addi %add3A_996, %get3A_1095 : i32
    %jit3A_1097 = arith.constant 0 : i32
    %jit3A_1098 = arith.constant 9999 : i32
    %max3A_1099 = arith.maxsi %jit3A_1097, %add3A_1096 : i32
    %min3A_1100 = arith.minsi %jit3A_1098, %max3A_1099 : i32
    %get3A_1101 = arith.index_cast %min3A_1100 : i32 to index
    %get3A_1102 = arith.constant 0 : index
    %get3A_1103 = vector.load %arg0[%get3A_1101, %get3A_1102] : memref<10240x20xf32, #tpu.memory_space<vmem>>, vector<1x20xf32>
    %ne3A_1104 = arith.constant 0 : i32
    %ne3A_1105 = arith.cmpi ne, %get3A_1095, %ne3A_1104 : i32
    %jit3A_1106 = arith.constant 0.000000e+00 : f32
    %broadcast_in_dim3A_1107 = vector.broadcast %jit3A_1106 : f32 to vector<1x20xf32>
    %select_n3A_1108 = arith.select %ne3A_1105, %get3A_1103, %broadcast_in_dim3A_1107 : vector<1x20xf32>
    %get3A_1109 = arith.constant 6 : index
    %get3A_1110 = arith.constant 7 : index
    %get3A_1111 = memref.load %arg4[%get3A_1109, %get3A_1110] : memref<8x10xi32, #tpu.memory_space<smem>>
    %add3A_1112 = arith.addi %add3A_996, %get3A_1111 : i32
    %jit3A_1113 = arith.constant 0 : i32
    %jit3A_1114 = arith.constant 9999 : i32
    %max3A_1115 = arith.maxsi %jit3A_1113, %add3A_1112 : i32
    %min3A_1116 = arith.minsi %jit3A_1114, %max3A_1115 : i32
    %get3A_1117 = arith.index_cast %min3A_1116 : i32 to index
    %get3A_1118 = arith.constant 0 : index
    %get3A_1119 = vector.load %arg0[%get3A_1117, %get3A_1118] : memref<10240x20xf32, #tpu.memory_space<vmem>>, vector<1x20xf32>
    %ne3A_1120 = arith.constant 0 : i32
    %ne3A_1121 = arith.cmpi ne, %get3A_1111, %ne3A_1120 : i32
    %jit3A_1122 = arith.constant 0.000000e+00 : f32
    %broadcast_in_dim3A_1123 = vector.broadcast %jit3A_1122 : f32 to vector<1x20xf32>
    %select_n3A_1124 = arith.select %ne3A_1121, %get3A_1119, %broadcast_in_dim3A_1123 : vector<1x20xf32>
    %get3A_1125 = arith.constant 6 : index
    %get3A_1126 = arith.constant 8 : index
    %get3A_1127 = memref.load %arg4[%get3A_1125, %get3A_1126] : memref<8x10xi32, #tpu.memory_space<smem>>
    %add3A_1128 = arith.addi %add3A_996, %get3A_1127 : i32
    %jit3A_1129 = arith.constant 0 : i32
    %jit3A_1130 = arith.constant 9999 : i32
    %max3A_1131 = arith.maxsi %jit3A_1129, %add3A_1128 : i32
    %min3A_1132 = arith.minsi %jit3A_1130, %max3A_1131 : i32
    %get3A_1133 = arith.index_cast %min3A_1132 : i32 to index
    %get3A_1134 = arith.constant 0 : index
    %get3A_1135 = vector.load %arg0[%get3A_1133, %get3A_1134] : memref<10240x20xf32, #tpu.memory_space<vmem>>, vector<1x20xf32>
    %ne3A_1136 = arith.constant 0 : i32
    %ne3A_1137 = arith.cmpi ne, %get3A_1127, %ne3A_1136 : i32
    %jit3A_1138 = arith.constant 0.000000e+00 : f32
    %broadcast_in_dim3A_1139 = vector.broadcast %jit3A_1138 : f32 to vector<1x20xf32>
    %select_n3A_1140 = arith.select %ne3A_1137, %get3A_1135, %broadcast_in_dim3A_1139 : vector<1x20xf32>
    %get3A_1141 = arith.constant 6 : index
    %get3A_1142 = arith.constant 9 : index
    %get3A_1143 = memref.load %arg4[%get3A_1141, %get3A_1142] : memref<8x10xi32, #tpu.memory_space<smem>>
    %add3A_1144 = arith.addi %add3A_996, %get3A_1143 : i32
    %jit3A_1145 = arith.constant 0 : i32
    %jit3A_1146 = arith.constant 9999 : i32
    %max3A_1147 = arith.maxsi %jit3A_1145, %add3A_1144 : i32
    %min3A_1148 = arith.minsi %jit3A_1146, %max3A_1147 : i32
    %get3A_1149 = arith.index_cast %min3A_1148 : i32 to index
    %get3A_1150 = arith.constant 0 : index
    %get3A_1151 = vector.load %arg0[%get3A_1149, %get3A_1150] : memref<10240x20xf32, #tpu.memory_space<vmem>>, vector<1x20xf32>
    %ne3A_1152 = arith.constant 0 : i32
    %ne3A_1153 = arith.cmpi ne, %get3A_1143, %ne3A_1152 : i32
    %jit3A_1154 = arith.constant 0.000000e+00 : f32
    %broadcast_in_dim3A_1155 = vector.broadcast %jit3A_1154 : f32 to vector<1x20xf32>
    %select_n3A_1156 = arith.select %ne3A_1153, %get3A_1151, %broadcast_in_dim3A_1155 : vector<1x20xf32>
    %concatenate3A_1157 = tpu.concatenate %select_n3A_1012, %select_n3A_1028, %select_n3A_1044, %select_n3A_1060, %select_n3A_1076, %select_n3A_1092, %select_n3A_1108, %select_n3A_1124, %select_n3A_1140, %select_n3A_1156 in 1 : vector<1x20xf32>, vector<1x20xf32>, vector<1x20xf32>, vector<1x20xf32>, vector<1x20xf32>, vector<1x20xf32>, vector<1x20xf32>, vector<1x20xf32>, vector<1x20xf32>, vector<1x20xf32> -> vector<1x200xf32>
    %get3A_1158 = arith.constant 6 : index
    %get3A_1159 = arith.constant 0 : index
    %get3A_1160 = memref.load %arg3[%get3A_1158, %get3A_1159] : memref<8x1xf32, #tpu.memory_space<smem>>
    %convert_element_type3A_1161 = arith.fptosi %get3A_1160 : f32 to i32
    %add3A_1162 = arith.addi %add3A_996, %convert_element_type3A_1161 : i32
    %get3A_1163 = arith.constant 7 : index
    %get3A_1164 = arith.constant 0 : index
    %get3A_1165 = memref.load %arg4[%get3A_1163, %get3A_1164] : memref<8x10xi32, #tpu.memory_space<smem>>
    %add3A_1166 = arith.addi %add3A_1162, %get3A_1165 : i32
    %jit3A_1167 = arith.constant 0 : i32
    %jit3A_1168 = arith.constant 9999 : i32
    %max3A_1169 = arith.maxsi %jit3A_1167, %add3A_1166 : i32
    %min3A_1170 = arith.minsi %jit3A_1168, %max3A_1169 : i32
    %get3A_1171 = arith.index_cast %min3A_1170 : i32 to index
    %get3A_1172 = arith.constant 0 : index
    %get3A_1173 = vector.load %arg0[%get3A_1171, %get3A_1172] : memref<10240x20xf32, #tpu.memory_space<vmem>>, vector<1x20xf32>
    %ne3A_1174 = arith.constant 0 : i32
    %ne3A_1175 = arith.cmpi ne, %get3A_1165, %ne3A_1174 : i32
    %jit3A_1176 = arith.constant 0.000000e+00 : f32
    %broadcast_in_dim3A_1177 = vector.broadcast %jit3A_1176 : f32 to vector<1x20xf32>
    %select_n3A_1178 = arith.select %ne3A_1175, %get3A_1173, %broadcast_in_dim3A_1177 : vector<1x20xf32>
    %get3A_1179 = arith.constant 7 : index
    %get3A_1180 = arith.constant 1 : index
    %get3A_1181 = memref.load %arg4[%get3A_1179, %get3A_1180] : memref<8x10xi32, #tpu.memory_space<smem>>
    %add3A_1182 = arith.addi %add3A_1162, %get3A_1181 : i32
    %jit3A_1183 = arith.constant 0 : i32
    %jit3A_1184 = arith.constant 9999 : i32
    %max3A_1185 = arith.maxsi %jit3A_1183, %add3A_1182 : i32
    %min3A_1186 = arith.minsi %jit3A_1184, %max3A_1185 : i32
    %get3A_1187 = arith.index_cast %min3A_1186 : i32 to index
    %get3A_1188 = arith.constant 0 : index
    %get3A_1189 = vector.load %arg0[%get3A_1187, %get3A_1188] : memref<10240x20xf32, #tpu.memory_space<vmem>>, vector<1x20xf32>
    %ne3A_1190 = arith.constant 0 : i32
    %ne3A_1191 = arith.cmpi ne, %get3A_1181, %ne3A_1190 : i32
    %jit3A_1192 = arith.constant 0.000000e+00 : f32
    %broadcast_in_dim3A_1193 = vector.broadcast %jit3A_1192 : f32 to vector<1x20xf32>
    %select_n3A_1194 = arith.select %ne3A_1191, %get3A_1189, %broadcast_in_dim3A_1193 : vector<1x20xf32>
    %get3A_1195 = arith.constant 7 : index
    %get3A_1196 = arith.constant 2 : index
    %get3A_1197 = memref.load %arg4[%get3A_1195, %get3A_1196] : memref<8x10xi32, #tpu.memory_space<smem>>
    %add3A_1198 = arith.addi %add3A_1162, %get3A_1197 : i32
    %jit3A_1199 = arith.constant 0 : i32
    %jit3A_1200 = arith.constant 9999 : i32
    %max3A_1201 = arith.maxsi %jit3A_1199, %add3A_1198 : i32
    %min3A_1202 = arith.minsi %jit3A_1200, %max3A_1201 : i32
    %get3A_1203 = arith.index_cast %min3A_1202 : i32 to index
    %get3A_1204 = arith.constant 0 : index
    %get3A_1205 = vector.load %arg0[%get3A_1203, %get3A_1204] : memref<10240x20xf32, #tpu.memory_space<vmem>>, vector<1x20xf32>
    %ne3A_1206 = arith.constant 0 : i32
    %ne3A_1207 = arith.cmpi ne, %get3A_1197, %ne3A_1206 : i32
    %jit3A_1208 = arith.constant 0.000000e+00 : f32
    %broadcast_in_dim3A_1209 = vector.broadcast %jit3A_1208 : f32 to vector<1x20xf32>
    %select_n3A_1210 = arith.select %ne3A_1207, %get3A_1205, %broadcast_in_dim3A_1209 : vector<1x20xf32>
    %get3A_1211 = arith.constant 7 : index
    %get3A_1212 = arith.constant 3 : index
    %get3A_1213 = memref.load %arg4[%get3A_1211, %get3A_1212] : memref<8x10xi32, #tpu.memory_space<smem>>
    %add3A_1214 = arith.addi %add3A_1162, %get3A_1213 : i32
    %jit3A_1215 = arith.constant 0 : i32
    %jit3A_1216 = arith.constant 9999 : i32
    %max3A_1217 = arith.maxsi %jit3A_1215, %add3A_1214 : i32
    %min3A_1218 = arith.minsi %jit3A_1216, %max3A_1217 : i32
    %get3A_1219 = arith.index_cast %min3A_1218 : i32 to index
    %get3A_1220 = arith.constant 0 : index
    %get3A_1221 = vector.load %arg0[%get3A_1219, %get3A_1220] : memref<10240x20xf32, #tpu.memory_space<vmem>>, vector<1x20xf32>
    %ne3A_1222 = arith.constant 0 : i32
    %ne3A_1223 = arith.cmpi ne, %get3A_1213, %ne3A_1222 : i32
    %jit3A_1224 = arith.constant 0.000000e+00 : f32
    %broadcast_in_dim3A_1225 = vector.broadcast %jit3A_1224 : f32 to vector<1x20xf32>
    %select_n3A_1226 = arith.select %ne3A_1223, %get3A_1221, %broadcast_in_dim3A_1225 : vector<1x20xf32>
    %get3A_1227 = arith.constant 7 : index
    %get3A_1228 = arith.constant 4 : index
    %get3A_1229 = memref.load %arg4[%get3A_1227, %get3A_1228] : memref<8x10xi32, #tpu.memory_space<smem>>
    %add3A_1230 = arith.addi %add3A_1162, %get3A_1229 : i32
    %jit3A_1231 = arith.constant 0 : i32
    %jit3A_1232 = arith.constant 9999 : i32
    %max3A_1233 = arith.maxsi %jit3A_1231, %add3A_1230 : i32
    %min3A_1234 = arith.minsi %jit3A_1232, %max3A_1233 : i32
    %get3A_1235 = arith.index_cast %min3A_1234 : i32 to index
    %get3A_1236 = arith.constant 0 : index
    %get3A_1237 = vector.load %arg0[%get3A_1235, %get3A_1236] : memref<10240x20xf32, #tpu.memory_space<vmem>>, vector<1x20xf32>
    %ne3A_1238 = arith.constant 0 : i32
    %ne3A_1239 = arith.cmpi ne, %get3A_1229, %ne3A_1238 : i32
    %jit3A_1240 = arith.constant 0.000000e+00 : f32
    %broadcast_in_dim3A_1241 = vector.broadcast %jit3A_1240 : f32 to vector<1x20xf32>
    %select_n3A_1242 = arith.select %ne3A_1239, %get3A_1237, %broadcast_in_dim3A_1241 : vector<1x20xf32>
    %get3A_1243 = arith.constant 7 : index
    %get3A_1244 = arith.constant 5 : index
    %get3A_1245 = memref.load %arg4[%get3A_1243, %get3A_1244] : memref<8x10xi32, #tpu.memory_space<smem>>
    %add3A_1246 = arith.addi %add3A_1162, %get3A_1245 : i32
    %jit3A_1247 = arith.constant 0 : i32
    %jit3A_1248 = arith.constant 9999 : i32
    %max3A_1249 = arith.maxsi %jit3A_1247, %add3A_1246 : i32
    %min3A_1250 = arith.minsi %jit3A_1248, %max3A_1249 : i32
    %get3A_1251 = arith.index_cast %min3A_1250 : i32 to index
    %get3A_1252 = arith.constant 0 : index
    %get3A_1253 = vector.load %arg0[%get3A_1251, %get3A_1252] : memref<10240x20xf32, #tpu.memory_space<vmem>>, vector<1x20xf32>
    %ne3A_1254 = arith.constant 0 : i32
    %ne3A_1255 = arith.cmpi ne, %get3A_1245, %ne3A_1254 : i32
    %jit3A_1256 = arith.constant 0.000000e+00 : f32
    %broadcast_in_dim3A_1257 = vector.broadcast %jit3A_1256 : f32 to vector<1x20xf32>
    %select_n3A_1258 = arith.select %ne3A_1255, %get3A_1253, %broadcast_in_dim3A_1257 : vector<1x20xf32>
    %get3A_1259 = arith.constant 7 : index
    %get3A_1260 = arith.constant 6 : index
    %get3A_1261 = memref.load %arg4[%get3A_1259, %get3A_1260] : memref<8x10xi32, #tpu.memory_space<smem>>
    %add3A_1262 = arith.addi %add3A_1162, %get3A_1261 : i32
    %jit3A_1263 = arith.constant 0 : i32
    %jit3A_1264 = arith.constant 9999 : i32
    %max3A_1265 = arith.maxsi %jit3A_1263, %add3A_1262 : i32
    %min3A_1266 = arith.minsi %jit3A_1264, %max3A_1265 : i32
    %get3A_1267 = arith.index_cast %min3A_1266 : i32 to index
    %get3A_1268 = arith.constant 0 : index
    %get3A_1269 = vector.load %arg0[%get3A_1267, %get3A_1268] : memref<10240x20xf32, #tpu.memory_space<vmem>>, vector<1x20xf32>
    %ne3A_1270 = arith.constant 0 : i32
    %ne3A_1271 = arith.cmpi ne, %get3A_1261, %ne3A_1270 : i32
    %jit3A_1272 = arith.constant 0.000000e+00 : f32
    %broadcast_in_dim3A_1273 = vector.broadcast %jit3A_1272 : f32 to vector<1x20xf32>
    %select_n3A_1274 = arith.select %ne3A_1271, %get3A_1269, %broadcast_in_dim3A_1273 : vector<1x20xf32>
    %get3A_1275 = arith.constant 7 : index
    %get3A_1276 = arith.constant 7 : index
    %get3A_1277 = memref.load %arg4[%get3A_1275, %get3A_1276] : memref<8x10xi32, #tpu.memory_space<smem>>
    %add3A_1278 = arith.addi %add3A_1162, %get3A_1277 : i32
    %jit3A_1279 = arith.constant 0 : i32
    %jit3A_1280 = arith.constant 9999 : i32
    %max3A_1281 = arith.maxsi %jit3A_1279, %add3A_1278 : i32
    %min3A_1282 = arith.minsi %jit3A_1280, %max3A_1281 : i32
    %get3A_1283 = arith.index_cast %min3A_1282 : i32 to index
    %get3A_1284 = arith.constant 0 : index
    %get3A_1285 = vector.load %arg0[%get3A_1283, %get3A_1284] : memref<10240x20xf32, #tpu.memory_space<vmem>>, vector<1x20xf32>
    %ne3A_1286 = arith.constant 0 : i32
    %ne3A_1287 = arith.cmpi ne, %get3A_1277, %ne3A_1286 : i32
    %jit3A_1288 = arith.constant 0.000000e+00 : f32
    %broadcast_in_dim3A_1289 = vector.broadcast %jit3A_1288 : f32 to vector<1x20xf32>
    %select_n3A_1290 = arith.select %ne3A_1287, %get3A_1285, %broadcast_in_dim3A_1289 : vector<1x20xf32>
    %get3A_1291 = arith.constant 7 : index
    %get3A_1292 = arith.constant 8 : index
    %get3A_1293 = memref.load %arg4[%get3A_1291, %get3A_1292] : memref<8x10xi32, #tpu.memory_space<smem>>
    %add3A_1294 = arith.addi %add3A_1162, %get3A_1293 : i32
    %jit3A_1295 = arith.constant 0 : i32
    %jit3A_1296 = arith.constant 9999 : i32
    %max3A_1297 = arith.maxsi %jit3A_1295, %add3A_1294 : i32
    %min3A_1298 = arith.minsi %jit3A_1296, %max3A_1297 : i32
    %get3A_1299 = arith.index_cast %min3A_1298 : i32 to index
    %get3A_1300 = arith.constant 0 : index
    %get3A_1301 = vector.load %arg0[%get3A_1299, %get3A_1300] : memref<10240x20xf32, #tpu.memory_space<vmem>>, vector<1x20xf32>
    %ne3A_1302 = arith.constant 0 : i32
    %ne3A_1303 = arith.cmpi ne, %get3A_1293, %ne3A_1302 : i32
    %jit3A_1304 = arith.constant 0.000000e+00 : f32
    %broadcast_in_dim3A_1305 = vector.broadcast %jit3A_1304 : f32 to vector<1x20xf32>
    %select_n3A_1306 = arith.select %ne3A_1303, %get3A_1301, %broadcast_in_dim3A_1305 : vector<1x20xf32>
    %get3A_1307 = arith.constant 7 : index
    %get3A_1308 = arith.constant 9 : index
    %get3A_1309 = memref.load %arg4[%get3A_1307, %get3A_1308] : memref<8x10xi32, #tpu.memory_space<smem>>
    %add3A_1310 = arith.addi %add3A_1162, %get3A_1309 : i32
    %jit3A_1311 = arith.constant 0 : i32
    %jit3A_1312 = arith.constant 9999 : i32
    %max3A_1313 = arith.maxsi %jit3A_1311, %add3A_1310 : i32
    %min3A_1314 = arith.minsi %jit3A_1312, %max3A_1313 : i32
    %get3A_1315 = arith.index_cast %min3A_1314 : i32 to index
    %get3A_1316 = arith.constant 0 : index
    %get3A_1317 = vector.load %arg0[%get3A_1315, %get3A_1316] : memref<10240x20xf32, #tpu.memory_space<vmem>>, vector<1x20xf32>
    %ne3A_1318 = arith.constant 0 : i32
    %ne3A_1319 = arith.cmpi ne, %get3A_1309, %ne3A_1318 : i32
    %jit3A_1320 = arith.constant 0.000000e+00 : f32
    %broadcast_in_dim3A_1321 = vector.broadcast %jit3A_1320 : f32 to vector<1x20xf32>
    %select_n3A_1322 = arith.select %ne3A_1319, %get3A_1317, %broadcast_in_dim3A_1321 : vector<1x20xf32>
    %concatenate3A_1323 = tpu.concatenate %select_n3A_1178, %select_n3A_1194, %select_n3A_1210, %select_n3A_1226, %select_n3A_1242, %select_n3A_1258, %select_n3A_1274, %select_n3A_1290, %select_n3A_1306, %select_n3A_1322 in 1 : vector<1x20xf32>, vector<1x20xf32>, vector<1x20xf32>, vector<1x20xf32>, vector<1x20xf32>, vector<1x20xf32>, vector<1x20xf32>, vector<1x20xf32>, vector<1x20xf32>, vector<1x20xf32> -> vector<1x200xf32>
    %concatenate3A_1324 = tpu.concatenate %concatenate3A, %concatenate3A_327, %concatenate3A_493, %concatenate3A_659, %concatenate3A_825, %concatenate3A_991, %concatenate3A_1157, %concatenate3A_1323 in 0 : vector<1x200xf32>, vector<1x200xf32>, vector<1x200xf32>, vector<1x200xf32>, vector<1x200xf32>, vector<1x200xf32>, vector<1x200xf32>, vector<1x200xf32> -> vector<8x200xf32>
    %get3A_1325 = arith.constant 0 : index
    %get3A_1326 = arith.constant 0 : index
    %get3A_1327 = vector.load %arg1[%get3A_1325, %get3A_1326] : memref<8x20xf32, #tpu.memory_space<vmem>>, vector<8x20xf32>
    %get3A_1328 = arith.constant 0 : index
    %get3A_1329 = arith.constant 0 : index
    %get3A_1330 = vector.load %arg2[%get3A_1328, %get3A_1329] : memref<8x1xf32, #tpu.memory_space<vmem>>, vector<8x1xf32>
    %max3A_1331 = arith.constant 1.000000e+00 : f32
    %max3A_1332 = vector.broadcast %max3A_1331 : f32 to vector<8x1xf32>
    %max3A_1333 = arith.maximumf %get3A_1330, %max3A_1332 : vector<8x1xf32>
    %div3A = vector.broadcast %max3A_1333 : vector<8x1xf32> to vector<8x20xf32>
    %div3A_1334 = arith.divf %get3A_1327, %div3A : vector<8x20xf32>
    %concatenate3A_1335 = tpu.concatenate %concatenate3A_1324, %div3A_1334 in 1 : vector<8x200xf32>, vector<8x20xf32> -> vector<8x220xf32>
    %get3A_1336 = arith.constant 0 : index
    %get3A_1337 = arith.constant 0 : index
    %get3A_1338 = vector.load %arg5[%get3A_1336, %get3A_1337] : memref<220x64xf32, #tpu.memory_space<vmem>>, vector<220x64xf32>
    %dot_general3A = arith.constant dense<0.000000e+00> : vector<8x64xf32>
    %dot_general3A_1339 = tpu.matmul %concatenate3A_1335, %get3A_1338, %dot_general3A {dimension_numbers = #tpu.dot_dimension_numbers<[1], [0], [0], [1], [0, 0, 1, 1], [], []>, transpose_lhs_hint = false} : vector<8x220xf32>, vector<220x64xf32>, vector<8x64xf32> -> vector<8x64xf32>
    %get3A_1340 = arith.constant 0 : index
    %get3A_1341 = arith.constant 0 : index
    %get3A_1342 = vector.load %arg6[%get3A_1340, %get3A_1341] : memref<1x64xf32, #tpu.memory_space<vmem>>, vector<1x64xf32>
    %add3A_1343 = vector.broadcast %get3A_1342 : vector<1x64xf32> to vector<8x64xf32>
    %add3A_1344 = arith.addf %dot_general3A_1339, %add3A_1343 : vector<8x64xf32>
    %max3A_1345 = arith.constant 0.000000e+00 : f32
    %max3A_1346 = vector.broadcast %max3A_1345 : f32 to vector<8x64xf32>
    %max3A_1347 = arith.maximumf %add3A_1344, %max3A_1346 : vector<8x64xf32>
    %get3A_1348 = arith.constant 0 : index
    %get3A_1349 = arith.constant 0 : index
    %get3A_1350 = vector.load %arg7[%get3A_1348, %get3A_1349] : memref<64x1xf32, #tpu.memory_space<vmem>>, vector<64x1xf32>
    %dot_general3A_1351 = arith.constant dense<0.000000e+00> : vector<8x1xf32>
    %dot_general3A_1352 = tpu.matmul %max3A_1347, %get3A_1350, %dot_general3A_1351 {dimension_numbers = #tpu.dot_dimension_numbers<[1], [0], [0], [1], [0, 0, 1, 1], [], []>, transpose_lhs_hint = false} : vector<8x64xf32>, vector<64x1xf32>, vector<8x1xf32> -> vector<8x1xf32>
    %get3A_1353 = arith.constant 0 : index
    %get3A_1354 = arith.constant 0 : index
    %get3A_1355 = vector.load %arg8[%get3A_1353, %get3A_1354] : memref<1x1xf32, #tpu.memory_space<vmem>>, vector<1x1xf32>
    %add3A_1356 = vector.broadcast %get3A_1355 : vector<1x1xf32> to vector<8x1xf32>
    %add3A_1357 = arith.addf %dot_general3A_1352, %add3A_1356 : vector<8x1xf32>
    %swap3A = arith.constant 0 : index
    %swap3A_1358 = arith.constant 0 : index
    %swap3A_1359 = vector.load %arg9[%swap3A, %swap3A_1358] : memref<8x1xf32, #tpu.memory_space<vmem>>, vector<8x1xf32>
    tpu.vector_store %arg9[%swap3A, %swap3A_1358], %add3A_1357 {strides = array<i32>} : memref<8x1xf32, #tpu.memory_space<vmem>>, vector<8x1xf32>,
    return
  }
}

</mosaic_0001>

<sc_bundles>
// kernel: kernel.16.cloned.1.call-start
scs
__scs_entry_jumppad:
0x0: {  	(pc) =	sbr.rel $0x88, $3  }
0x1: {  	(tag) =	ssettag $0x0;
	lr =	simm.s32 $0x1  }
0x2: {  	[smem:$0x3F8F] =	sst lr;
	_ =	strace $0xD0000000  }
0x3: {  	_ = 	snop  }
0x4: {  	_ = 	snop  }
0x5: {  	_ = 	snop  }
0x6: {  	_ = 	snop  }
0x7: {  	_ = 	snop  }
__scs_overlays_trampoline_lowered:
0x8: {  	[smem:$0x3F9E] =	sst s0  }
0x9: {  	[smem:$0x3F9F] =	sst s1  }
0xa: {  	[smem:$0x3FA0] =	sst s2  }
0xb: {  	[smem:$0x3FA1] =	sst s3  }
0xc: {  	[smem:$0x3FA2] =	sst s4  }
0xd: {  	[smem:$0x3FA3] =	sst s5  }
0xe: {  	[smem:$0x3FA4] =	sst s6  }
0xf: {  	[smem:$0x3FA5] =	sst s7  }
0x10: {  	[smem:$0x3FA6] =	sst s8  }
0x11: {  	[smem:$0x3FA7] =	sst s9;
	s0 =	simm.s32 @!p0 $0x0  }
0x12: {  	s1 =	sld [smem:$0x3F8D];
	s0 =	simm.s32 @p0 $0x1  }
0x13: {  	[smem:$0x3FA8] =	sst s0;
	s0 =	simm.s32 @!p1 $0x0  }
0x14: {  	s2 =	sld [smem:$0x3F8C];
	s0 =	simm.s32 @p1 $0x1  }
0x15: {  	[smem:$0x3FA9] =	sst s0;
	s0 =	simm.s32 @!p2 $0x0  }
0x16: {  	s3 =	sld [smem:$0x3FDB];
	s0 =	simm.s32 @p2 $0x1  }
0x17: {  	s4 =	simm.s32 $0x1BF5;
	[smem:$0x3FAB] =	sst s0  }
0x18: {  	s0 =	sld [smem:$0x3F8E];
	_ =	swait.ge [sflag:s4], $0x0  }
0x19: {  	s7 =	sld [smem:$0x3F8F]  }
0x1a: {  	s8 =	sadd.s32 $0xFFFFE003, lr  }
0x1b: {  	s9 =	sadd.s32 $0xFFFFFEF7, lr;
	s5 =	simm.s32 $0xFFFFFFFF;
	p2 =	slt.u32 s8, $0xFFFFF086  }
0x1c: {  	p1 =	slt.u32 s9, $0xF7A;
	s5 =	simm.s32 @!p2 $0x0  }
0x1d: {  	s5 =	simm.s32 @p1 $0x1;
	p0 =	seq.s32 s7, s2  }
0x1e: {  	s7 =	smul.u32 @!p0 $0xF7A, s2;
	p2 =	seq.s32 @!p0 s5, $0x0  }
0x1f: {  	s9 =	smul.u32 $0xF7A, s1;
	s8 =	simm.s32 @!p0 $0x1BF5;
	p2 =	por !p2, p0  }
0x20: {  	[sflag:s8] =	ssyncset.s32 @!p0 $0xFFFFF086;
	s6 =	sadd.s32 @!p0 s3, s7;
	s7 =	simm.s32 @!p0 $0x108  }
0x21: {  	s3 =	sadd.s32 s3, s9;
	s6 =	sadd.s32 @!p0 $0x88, s6;
	s7 =	simm.s32 @p2 $0x1082  }
0x22: {  	[simem:s7], [sflag:s8] =	dma.local @!p0 [hbm:s6], $0xF7A  }
0x23: {  	s9 =	sor.u32 $0xD0000000, s2;
	s6 =	simm.s32 $0x108;
	_ =	swait.ge @!p0 [sflag:s8], $0x0  }
0x24: {  	s3 =	sadd.s32 $0x88, s3;
	s6 =	simm.s32 @!p1 $0x1082;
	[sflag:s4] =	ssyncset.s32 $0xFFFFF086  }
0x25: {  	[simem:s6], [sflag:s4] =	dma.local [hbm:s3], $0xF7A  }
0x26: {  	[smem:$0x3F8F] =	sst s1;
	(tag) =	ssettag s2;
	_ =	strace s9  }
0x27: {  	s1 =	sld [smem:$0x3F9F]  }
0x28: {  	s2 =	sld [smem:$0x3FA0]  }
0x29: {  	s4 =	sld [smem:$0x3FA2]  }
0x2a: {  	p0 =	seq.s32 s5, $0x0;
	s5 =	sld [smem:$0x3FA3]  }
0x2b: {  	s6 =	sld [smem:$0x3FA4]  }
0x2c: {  	s7 =	sld [smem:$0x3FA5]  }
0x2d: {  	s3 =	simm.s32 $0x108;
	s8 =	sld [smem:$0x3FA6]  }
0x2e: {  	s3 =	simm.s32 @!p0 $0x1082;
	s9 =	sld [smem:$0x3FA7]  }
0x2f: {  	lr =	sadd.s32 s0, s3;
	s0 =	sld [smem:$0x3F9E]  }
0x30: {  	s3 =	sld [smem:$0x3FA1]  }
0x31: {  	[smem:$0x3FAA] =	sst s10  }
0x32: {  	s10 =	sld [smem:$0x3FA8];
	_ =	sdelay $0x3  }
0x33: {  	p0 =	seq.s32 s10, $0x1;
	s10 =	sld [smem:$0x3FAA];
	_ =	sdelay $0x3  }
0x34: {  	[smem:$0x3FAA] =	sst s10  }
0x35: {  	s10 =	sld [smem:$0x3FA9];
	_ =	sdelay $0x3  }
0x36: {  	p1 =	seq.s32 s10, $0x1;
	s10 =	sld [smem:$0x3FAA];
	_ =	sdelay $0x3  }
0x37: {  	[smem:$0x3FAA] =	sst s10  }
0x38: {  	s10 =	sld [smem:$0x3FAB]  }
0x39: {  	_ = 	snop;
	(pc) =	sbr.ind lr, $3  }
0x3a: {  	_ = 	snop  }
0x3b: {  	_ = 	snop  }
0x3c: {  	p2 =	seq.s32 s10, $0x1;
	s10 =	sld [smem:$0x3FAA]  }
0x3d: {  	_ =	shalt  }
0x3e: {  	_ =	shalt  }
0x3f: {  	_ =	shalt  }
0x40: {  	_ =	shalt  }
0x41: {  	_ =	shalt  }
0x42: {  	_ =	shalt  }
0x43: {  	_ =	shalt  }
0x44: {  	_ =	shalt  }
0x45: {  	_ =	shalt  }
0x46: {  	_ =	shalt  }
0x47: {  	_ =	shalt  }
0x48: {  	_ =	shalt  }
0x49: {  	_ =	shalt  }
0x4a: {  	_ =	shalt  }
0x4b: {  	_ =	shalt  }
0x4c: {  	_ =	shalt  }
0x4d: {  	_ =	shalt  }
0x4e: {  	_ =	shalt  }
0x4f: {  	_ =	shalt  }
0x50: {  	_ =	shalt  }
0x51: {  	_ =	shalt  }
0x52: {  	_ =	shalt  }
0x53: {  	_ =	shalt  }
0x54: {  	_ =	shalt  }
0x55: {  	_ =	shalt  }
0x56: {  	_ =	shalt  }
0x57: {  	_ =	shalt  }
0x58: {  	_ =	shalt  }
0x59: {  	_ =	shalt  }
0x5a: {  	_ =	shalt  }
0x5b: {  	_ =	shalt  }
0x5c: {  	_ =	shalt  }
0x5d: {  	_ =	shalt  }
0x5e: {  	_ =	shalt  }
0x5f: {  	_ =	shalt  }
0x60: {  	_ =	shalt  }
0x61: {  	_ =	shalt  }
0x62: {  	_ =	shalt  }
0x63: {  	_ =	shalt  }
0x64: {  	_ =	shalt  }
0x65: {  	_ =	shalt  }
0x66: {  	_ =	shalt  }
0x67: {  	_ =	shalt  }
0x68: {  	_ =	shalt  }
0x69: {  	_ =	shalt  }
0x6a: {  	_ =	shalt  }
0x6b: {  	_ =	shalt  }
0x6c: {  	_ =	shalt  }
0x6d: {  	_ =	shalt  }
0x6e: {  	_ =	shalt  }
0x6f: {  	_ =	shalt  }
0x70: {  	_ =	shalt  }
0x71: {  	_ =	shalt  }
0x72: {  	_ =	shalt  }
0x73: {  	_ =	shalt  }
0x74: {  	_ =	shalt  }
0x75: {  	_ =	shalt  }
0x76: {  	_ =	shalt  }
0x77: {  	_ =	shalt  }
0x78: {  	_ =	shalt  }
0x79: {  	_ =	shalt  }
0x7a: {  	_ =	shalt  }
0x7b: {  	_ =	shalt  }
0x7c: {  	_ =	shalt  }
0x7d: {  	_ =	shalt  }
0x7e: {  	_ =	shalt  }
0x7f: {  	_ =	shalt  }
0x80: {  	_ =	shalt  }
0x81: {  	_ =	shalt  }
0x82: {  	_ =	shalt  }
0x83: {  	_ =	shalt  }
0x84: {  	_ =	shalt  }
0x85: {  	_ =	shalt  }
0x86: {  	_ =	shalt  }
0x87: {  	_ =	shalt  }
.Lfunc_end0:
.L_simem_size_0:
called_computation_lowered:
.L_overlay_start_0:
0x88: {  	s2 =	sld [smem:$0x3FD9]  }
0x89: {  	s3 =	sld [smem:$0x3FFE];
	_ =	sdelay $0x1  }
0x8a: {  	s1 =	srdreg.scid  }
0x8b: {  	s0 =	sand.u32 $0x1, s1  }
0x8c: {  	s16 =	sshll.u32 s0, $0xA;
	s2 =	sadd.s32 s3, s2  }
0x8d: {  	s2 =	sadd.s32 s2, s16  }
0x8e: {  	[smem:$0x3FB6] =	sst s2  }
0x8f: {  	_ = 	snop  }
0x90: {  	(tm) =	ssettm $0x1  }
0x91: {  	s17 =	sld [smem:$0x3FFB];
	_ =	sdelay $0x3  }
0x92: {  	_ =	strace s17  }
0x93: {  	s2 =	sld [smem:$0x3FFC];
	_ =	sdelay $0x3  }
0x94: {  	_ =	strace s2  }
0x95: {  	s2 =	sld [smem:$0x3FFD];
	_ =	sdelay $0x3  }
0x96: {  	_ =	strace s2  }
0x97: {  	_ =	strace $0x8FFFFFFF  }
0x98: {  	s18 =	sld [smem:$0x3FDB];
	_ =	sdelay $0x1  }
0x99: {  	s19 =	simm.s32 $_scs_section_size  }
0x9a: {  	s4 =	simm.s32 $_size__tile_overlayer_lowered;
	s5 =	simm.s32 $_tile_overlayer_lowered  }
0x9b: {  	s22 =	simm.s32 $0x1BFF;
	s21 =	sshll.u32 s5, $0x1;
	s2 =	sadd.s32 s19, s18  }
0x9c: {  	s6 =	simm.s32 $0x0;
	s20 =	sshll.u32 s4, $0x1;
	s4 =	sadd.s32 s21, s2  }
0x9d: {  	[timem:s6], [sflag:s22] =	dma.local [hbm:s4], s20  }
0x9e: {  	_ =	swait.ge [sflag:s22], s20  }
0x9f: {  	s3 =	ssub.s32 $0x0, s20;
	[sflag:s22] =	ssyncset.done $0x0  }
0xa0: {  	[sflag:s22] =	ssyncadd.s32 s3;
	_ =	sdelay $0x1  }
0xa1: {  	s23 =	simm.s32 $0x1B8B  }
0xa2: {  	_ =	swait.ge [sflag:s23], $0x1  }
0xa3: {  	[sflag:s23] =	ssyncset.done $0x0  }
0xa4: {  	s25 =	simm.s32 $0x1B8E;
	s24 =	sld [smem:$0x3FFE];
	[sflag:s23] =	ssyncadd.s32 $0xFFFFFFFF  }
0xa5: {  	s26 =	simm.s32 $execute0_lowered;
	[smem:$0x3FD2] =	sst s25  }
0xa6: {  	s4 =	sshll.u32 s26, $0x1;
	_ =	strace $0x80000046;
	[dreg:$0x1] =	wrdreg $0xFFFFFFFF  }
0xa7: {  	s28 =	simm.s32 $_size_execute0_lowered;
	s2 =	sadd.s32 s2, s4;
	[dreg:$0x0] =	wrdreg $0x0  }
0xa8: {  	s4 =	sshll.u32 s28, $0x1;
	[dreg:$0x2] =	wrdreg s2  }
0xa9: {  	[dreg:$0x3] =	wrdreg s4  }
0xaa: {  	[dreg:$0x4] =	wrdreg $0xC0  }
0xab: {  	_ =	task [dreg:s6], $0x5FFFF  }
0xac: {  	[dreg:$0x1] =	wrdreg $0xFFFFFFFF  }
0xad: {  	[dreg:$0x0] =	wrdreg $0x60  }
0xae: {  	[dreg:$0x2] =	wrdreg s24  }
0xaf: {  	[dreg:$0x3] =	wrdreg $0x2F800  }
0xb0: {  	[dreg:$0x4] =	wrdreg $0x9  }
0xb1: {  	_ =	task.clear_ibuf [dreg:s6], $0x5FFFF;
	_ =	strace $0x90000046  }
0xb2: {  	s29 =	simm.s32 $0x9;
	_ =	strace $0x80000048  }
0xb3: {  	_ =	swait.ge [sflag:s29], $0x1  }
0xb4: {  	[sflag:s29] =	ssyncadd.s32 $0xFFFFFFFF  }
0xb5: {  	_ =	strace $0x90000048  }
0xb6: {  	_ =	sfence  }
0xb7: {  	s30 =	sld [smem:$0x0];
	_ =	sdelay $0x2  }
0xb8: {  	s31 =	sshll.u32 s1, $0xD;
	s1 =	sshrl.u32 s1, $0x2  }
0xb9: {  	s3 =	sand.u32 $0x4000, s31;
	s1 =	sadd.s32 s1, s30  }
0xba: {  	s0 =	sor.u32 s3, s0;
	s1 =	sshll.u32 s1, $0x11  }
0xbb: {  	s0 =	sor.u32 s1, s0  }
0xbc: {  	s0 =	sadd.s32 $0x8F2B, s0  }
0xbd: {  	[sflag:s0] =	ssyncadd.remote.s32 $0x1  }
0xbe: {  	_ =	sfence.sel $0xFFFF  }
0xbf: {  	[dreg:$0x0] =	wrdreg $0xFFFFFFFF;
	(pc) =	sbr.abs _section_cstart, $3  }
0xc0: {  	[dreg:$0x1] =	wrdreg $0xFFFFFFFF  }
0xc1: {  	_ =	task.clear_ibuf [dreg:s6], $0x2FFFF;
	_ =	strace $0x9FFFFFFF  }
0xc2: {  	(tm) =	ssettm $0x7FFFFFFF  }
0xc3: {  	_ =	shalt  }
tec
execute0_lowered:
.L_overlay_start_1:
0x0: {  	(tag) =	ssettag $0x1  }
0x1: {  	s0 =	srdreg.scid;
	s5 =	rddreg [dreg:$0x0]  }
0x2: {  	s2 =	rddreg [dreg:$0x1];
	s3 =	simm.s32 $0x0;
	s12 =	simm.s32 $0x2780  }
0x3: {  	s13 =	simm.s32 $0x0;
	s4 =	sand.u32 $0x1, s0;
	s0 =	stileid.u32  }
0x4: {  	[smem:$0x7FF] =	sst s3;
	s1 =	sshll.u32 s4, $0x4;
	s7 =	smul.u32 $0x2800, s0  }
0x5: {  	s8 =	smul.u32 $0x28000, s4;
	s4 =	ssub.s32 $0x2, s4;
	s1 =	sor.u32 s0, s1  }
0x6: {  	s31 =	sshll.u32 s0, $0x6;
	s10 =	sshrl.u32 s4, $0x1;
	s6 =	smul.u32 $0x4F0, s1  }
0x7: {  	s1 =	rddreg [dreg:$0x2];
	_ =	strace $0x80000047;
	s8 =	sadd.s32 s7, s8  }
0x8: {  	s9 =	sshrl.u32 s7, $0x3;
	s10 =	ssub.s32 s4, s10;
	s11 =	sadd.s32 s7, s2  }
0x9: {  	s8 =	sshrl.u32 s8, $0x3;
	s9 =	sadd.s32 s9, s5;
	s6 =	sadd.s32 s6, s5  }
0xa: {  	s8 =	sadd.s32 s8, s5;
	s4 =	sadd.s32 $0xD000, s9;
	s5 =	sor.u32 $0x1C01, s31  }
0xb: {  	s9 =	sshrl.u32 s11, $0x3;
	s11 =	simm.s32 $0x80;
	s6 =	sadd.s32 $0x3200, s6  }
0xc: {  	v0 =	vimm.f32 $1.000000000e+00;
	s7 =	sadd.s32 $0x12000, s8;
	s8 =	smax.u32 s10, $0x1;
	s10 =	simm.s32 $0x1  }
.LBB2_1:
0xd: {  	[spmem:s9], [sflag:s5] =	dma.local [hbm:s4], $0x500  }
0xe: {  	_ =	swait.ge [sflag:s10], $0x500  }
0xf: {  	[sflag:s10] =	ssyncset.done $0x0  }
0x10: {  	[sflag:s10] =	ssyncadd.s32 $0xFFFFFB00  }
0x11: {  	[tilespmem:s3], [sflag:$0x1] =	stream.linear.gather [hbm4b:s6+s3], $0x2780, $0x38;
	[tilespmem:$0x5780] =	vst v63  }
0x12: {  	_ =	swait.ge [sflag:s10], $0x2780  }
0x13: {  	[sflag:s10] =	ssyncset.done $0x0  }
0x14: {  	s14 =	simm.s32 $0x40;
	s15 =	simm.s32 $0x0;
	[sflag:s10] =	ssyncadd.s32 $0xFFFFD880  }
.LBB2_2:
0x15: {  	p0 =	sne.s32 s14, $0x1FC0;
	[tilespmem:s15+$0x2780] =	vst v0;
	s15 =	smov.u32 s14;
	s14 =	sadd.s32 $0x40, s14  }
.Ltmp0:
0x16: {  	(pc) =	sbr.rel @p0 .LBB2_2-.Ltmp0, $2  }
0x17: {  	_ =	sdelay $0x2  }
0x18: {  	s15 =	sshra.s32 s15, $0x2  }
0x19: {  	[tilespmem:s15+$0x2780] =	vst v0  }
0x1a: {  	s14 =	simm.s32 $0x0;
	[bflag:$0x0] =	sbarrier.arrive $0xFFFF  }
0x1b: {  	[spmem:s2] =	stream.indirect.scatter.add.f32 [tilespmem:s12], [sflag:$0x1], $0x10, s14, s11, $0xb8;
	[tilespmem:$0x5780] =	vst v63  }
0x1c: {  	_ =	swait.ge [sflag:s10], $0x800  }
0x1d: {  	s14 =	simm.s32 $0x200;
	[sflag:s10] =	ssyncset.done $0x0  }
.LBB2_4:
0x1e: {  	s15 =	sshra.s32 s14, $0x2;
	[sflag:s10] =	ssyncadd.s32 $0xFFFFF800;
	p0 =	sne.s32 s14, $0x9C00  }
0x1f: {  	[spmem:s2] =	stream.indirect.scatter.add.f32 [tilespmem:s12], [sflag:$0x1], $0x10, s15, s11, $0xb8;
	[tilespmem:$0x5780] =	vst v63  }
.Ltmp1:
0x20: {  	_ = 	snop;
	(pc) =	sbr.rel @p0 .LBB2_4-.Ltmp1, $4  }
0x21: {  	_ = 	snop  }
0x22: {  	s14 =	sadd.s32 $0x200, s14  }
0x23: {  	_ =	swait.ge [sflag:s10], $0x800  }
0x24: {  	[sflag:s10] =	ssyncset.done $0x0  }
0x25: {  	s13 =	sadd.s32 $0x1, s13  }
0x26: {  	[sflag:s10] =	ssyncadd.s32 $0xFFFFF800;
	p0 =	sne.s32 s13, s8  }
.Ltmp2:
0x27: {  	[bflag:$0x0] =	sbarrier.arrive $0xFFFF;
	(pc) =	sbr.rel @p0 .LBB2_1-.Ltmp2, $4  }
0x28: {  	[hbm:s7], [sflag:s5] =	dma.local [spmem:s9], $0x500  }
0x29: {  	_ =	swait.ge [sflag:s10], $0x500  }
0x2a: {  	[sflag:s10] =	ssyncset.done $0x0  }
0x2b: {  	[sflag:s10] =	ssyncadd.s32 $0xFFFFFB00  }
0x2c: {  	_ =	sfence.sel $0x180000  }
0x2d: {  	[bflag:$0x0] =	sbarrier.arrive $0xFFFF  }
0x2e: {  	p0 =	sne.s32 s0, $0x0;
	_ =	strace $0x90000047  }
0x2f: {  	s0 =	sadd.s32 @!p0 $0x100000, s1;
	[bflag:$0x2] =	sbarrier.arrive $0xFFFF  }
0x30: {  	[sflag:s0] =	ssyncadd.tile.s32 @!p0 $0x1;
	_ =	shalt  }
.Lfunc_end2:
_tile_overlayer_lowered:
.L_overlay_start_2:
0x31: {  	(tag) =	ssettag $0x2  }
0x32: {  	s0 =	rddreg [dreg:$0x0];
	s2 =	stileid.u32  }
0x33: {  	s1 =	rddreg [dreg:$0x1];
	p0 =	sne.s32 s2, $0x0  }
0x34: {  	s3 =	rddreg [dreg:$0x2];
	[bflag:$0x3] =	sbarrier.arrive $0xFFFF;
	s2 =	simm.s32 @!p0 $0x1C01  }
0x35: {  	[timem:s3], [sflag:s2] =	dma.local @!p0 [hbm:s0], s1  }
0x36: {  	s0 =	simm.s32 @!p0 $0x1  }
0x37: {  	_ =	swait.ge @!p0 [sflag:s0], s1  }
0x38: {  	s1 =	ssub.s32 @!p0 $0x0, s1;
	[sflag:s0] =	ssyncset.done @!p0 $0x0  }
0x39: {  	[sflag:s0] =	ssyncadd.s32 @!p0 s1  }
0x3a: {  	[bflag:$0x3] =	sbarrier.arrive $0xFFFF  }
0x3b: {  	_ =	shalt  }

// kernel: kernel.19.cloned.1.call-start
scs
__scs_entry_jumppad:
0x0: {  	(pc) =	sbr.rel $0x88, $3  }
0x1: {  	(tag) =	ssettag $0x0;
	lr =	simm.s32 $0x1  }
0x2: {  	[smem:$0x3F8F] =	sst lr;
	_ =	strace $0xD0000000  }
0x3: {  	_ = 	snop  }
0x4: {  	_ = 	snop  }
0x5: {  	_ = 	snop  }
0x6: {  	_ = 	snop  }
0x7: {  	_ = 	snop  }
__scs_overlays_trampoline_lowered:
0x8: {  	[smem:$0x3F9E] =	sst s0  }
0x9: {  	[smem:$0x3F9F] =	sst s1  }
0xa: {  	[smem:$0x3FA0] =	sst s2  }
0xb: {  	[smem:$0x3FA1] =	sst s3  }
0xc: {  	[smem:$0x3FA2] =	sst s4  }
0xd: {  	[smem:$0x3FA3] =	sst s5  }
0xe: {  	[smem:$0x3FA4] =	sst s6  }
0xf: {  	[smem:$0x3FA5] =	sst s7  }
0x10: {  	[smem:$0x3FA6] =	sst s8  }
0x11: {  	[smem:$0x3FA7] =	sst s9;
	s0 =	simm.s32 @!p0 $0x0  }
0x12: {  	s1 =	sld [smem:$0x3F8D];
	s0 =	simm.s32 @p0 $0x1  }
0x13: {  	[smem:$0x3FA8] =	sst s0;
	s0 =	simm.s32 @!p1 $0x0  }
0x14: {  	s2 =	sld [smem:$0x3F8C];
	s0 =	simm.s32 @p1 $0x1  }
0x15: {  	[smem:$0x3FA9] =	sst s0;
	s0 =	simm.s32 @!p2 $0x0  }
0x16: {  	s3 =	sld [smem:$0x3FDB];
	s0 =	simm.s32 @p2 $0x1  }
0x17: {  	s4 =	simm.s32 $0x1BF5;
	[smem:$0x3FAB] =	sst s0  }
0x18: {  	s0 =	sld [smem:$0x3F8E];
	_ =	swait.ge [sflag:s4], $0x0  }
0x19: {  	s7 =	sld [smem:$0x3F8F]  }
0x1a: {  	s8 =	sadd.s32 $0xFFFFE003, lr  }
0x1b: {  	s9 =	sadd.s32 $0xFFFFFEF7, lr;
	s5 =	simm.s32 $0xFFFFFFFF;
	p2 =	slt.u32 s8, $0xFFFFF086  }
0x1c: {  	p1 =	slt.u32 s9, $0xF7A;
	s5 =	simm.s32 @!p2 $0x0  }
0x1d: {  	s5 =	simm.s32 @p1 $0x1;
	p0 =	seq.s32 s7, s2  }
0x1e: {  	s7 =	smul.u32 @!p0 $0xF7A, s2;
	p2 =	seq.s32 @!p0 s5, $0x0  }
0x1f: {  	s9 =	smul.u32 $0xF7A, s1;
	s8 =	simm.s32 @!p0 $0x1BF5;
	p2 =	por !p2, p0  }
0x20: {  	[sflag:s8] =	ssyncset.s32 @!p0 $0xFFFFF086;
	s6 =	sadd.s32 @!p0 s3, s7;
	s7 =	simm.s32 @!p0 $0x108  }
0x21: {  	s3 =	sadd.s32 s3, s9;
	s6 =	sadd.s32 @!p0 $0x88, s6;
	s7 =	simm.s32 @p2 $0x1082  }
0x22: {  	[simem:s7], [sflag:s8] =	dma.local @!p0 [hbm:s6], $0xF7A  }
0x23: {  	s9 =	sor.u32 $0xD0000000, s2;
	s6 =	simm.s32 $0x108;
	_ =	swait.ge @!p0 [sflag:s8], $0x0  }
0x24: {  	s3 =	sadd.s32 $0x88, s3;
	s6 =	simm.s32 @!p1 $0x1082;
	[sflag:s4] =	ssyncset.s32 $0xFFFFF086  }
0x25: {  	[simem:s6], [sflag:s4] =	dma.local [hbm:s3], $0xF7A  }
0x26: {  	[smem:$0x3F8F] =	sst s1;
	(tag) =	ssettag s2;
	_ =	strace s9  }
0x27: {  	s1 =	sld [smem:$0x3F9F]  }
0x28: {  	s2 =	sld [smem:$0x3FA0]  }
0x29: {  	s4 =	sld [smem:$0x3FA2]  }
0x2a: {  	p0 =	seq.s32 s5, $0x0;
	s5 =	sld [smem:$0x3FA3]  }
0x2b: {  	s6 =	sld [smem:$0x3FA4]  }
0x2c: {  	s7 =	sld [smem:$0x3FA5]  }
0x2d: {  	s3 =	simm.s32 $0x108;
	s8 =	sld [smem:$0x3FA6]  }
0x2e: {  	s3 =	simm.s32 @!p0 $0x1082;
	s9 =	sld [smem:$0x3FA7]  }
0x2f: {  	lr =	sadd.s32 s0, s3;
	s0 =	sld [smem:$0x3F9E]  }
0x30: {  	s3 =	sld [smem:$0x3FA1]  }
0x31: {  	[smem:$0x3FAA] =	sst s10  }
0x32: {  	s10 =	sld [smem:$0x3FA8];
	_ =	sdelay $0x3  }
0x33: {  	p0 =	seq.s32 s10, $0x1;
	s10 =	sld [smem:$0x3FAA];
	_ =	sdelay $0x3  }
0x34: {  	[smem:$0x3FAA] =	sst s10  }
0x35: {  	s10 =	sld [smem:$0x3FA9];
	_ =	sdelay $0x3  }
0x36: {  	p1 =	seq.s32 s10, $0x1;
	s10 =	sld [smem:$0x3FAA];
	_ =	sdelay $0x3  }
0x37: {  	[smem:$0x3FAA] =	sst s10  }
0x38: {  	s10 =	sld [smem:$0x3FAB]  }
0x39: {  	_ = 	snop;
	(pc) =	sbr.ind lr, $3  }
0x3a: {  	_ = 	snop  }
0x3b: {  	_ = 	snop  }
0x3c: {  	p2 =	seq.s32 s10, $0x1;
	s10 =	sld [smem:$0x3FAA]  }
0x3d: {  	_ =	shalt  }
0x3e: {  	_ =	shalt  }
0x3f: {  	_ =	shalt  }
0x40: {  	_ =	shalt  }
0x41: {  	_ =	shalt  }
0x42: {  	_ =	shalt  }
0x43: {  	_ =	shalt  }
0x44: {  	_ =	shalt  }
0x45: {  	_ =	shalt  }
0x46: {  	_ =	shalt  }
0x47: {  	_ =	shalt  }
0x48: {  	_ =	shalt  }
0x49: {  	_ =	shalt  }
0x4a: {  	_ =	shalt  }
0x4b: {  	_ =	shalt  }
0x4c: {  	_ =	shalt  }
0x4d: {  	_ =	shalt  }
0x4e: {  	_ =	shalt  }
0x4f: {  	_ =	shalt  }
0x50: {  	_ =	shalt  }
0x51: {  	_ =	shalt  }
0x52: {  	_ =	shalt  }
0x53: {  	_ =	shalt  }
0x54: {  	_ =	shalt  }
0x55: {  	_ =	shalt  }
0x56: {  	_ =	shalt  }
0x57: {  	_ =	shalt  }
0x58: {  	_ =	shalt  }
0x59: {  	_ =	shalt  }
0x5a: {  	_ =	shalt  }
0x5b: {  	_ =	shalt  }
0x5c: {  	_ =	shalt  }
0x5d: {  	_ =	shalt  }
0x5e: {  	_ =	shalt  }
0x5f: {  	_ =	shalt  }
0x60: {  	_ =	shalt  }
0x61: {  	_ =	shalt  }
0x62: {  	_ =	shalt  }
0x63: {  	_ =	shalt  }
0x64: {  	_ =	shalt  }
0x65: {  	_ =	shalt  }
0x66: {  	_ =	shalt  }
0x67: {  	_ =	shalt  }
0x68: {  	_ =	shalt  }
0x69: {  	_ =	shalt  }
0x6a: {  	_ =	shalt  }
0x6b: {  	_ =	shalt  }
0x6c: {  	_ =	shalt  }
0x6d: {  	_ =	shalt  }
0x6e: {  	_ =	shalt  }
0x6f: {  	_ =	shalt  }
0x70: {  	_ =	shalt  }
0x71: {  	_ =	shalt  }
0x72: {  	_ =	shalt  }
0x73: {  	_ =	shalt  }
0x74: {  	_ =	shalt  }
0x75: {  	_ =	shalt  }
0x76: {  	_ =	shalt  }
0x77: {  	_ =	shalt  }
0x78: {  	_ =	shalt  }
0x79: {  	_ =	shalt  }
0x7a: {  	_ =	shalt  }
0x7b: {  	_ =	shalt  }
0x7c: {  	_ =	shalt  }
0x7d: {  	_ =	shalt  }
0x7e: {  	_ =	shalt  }
0x7f: {  	_ =	shalt  }
0x80: {  	_ =	shalt  }
0x81: {  	_ =	shalt  }
0x82: {  	_ =	shalt  }
0x83: {  	_ =	shalt  }
0x84: {  	_ =	shalt  }
0x85: {  	_ =	shalt  }
0x86: {  	_ =	shalt  }
0x87: {  	_ =	shalt  }
.Lfunc_end0:
.L_simem_size_0:
called_computation.1_lowered:
.L_overlay_start_0:
0x88: {  	s2 =	sld [smem:$0x3FD9]  }
0x89: {  	s3 =	sld [smem:$0x3FFE];
	_ =	sdelay $0x1  }
0x8a: {  	s1 =	srdreg.scid  }
0x8b: {  	s0 =	sand.u32 $0x1, s1  }
0x8c: {  	s16 =	sshll.u32 s0, $0xA;
	s2 =	sadd.s32 s3, s2  }
0x8d: {  	s2 =	sadd.s32 s2, s16  }
0x8e: {  	[smem:$0x3FB6] =	sst s2  }
0x8f: {  	_ = 	snop  }
0x90: {  	(tm) =	ssettm $0x1  }
0x91: {  	s17 =	sld [smem:$0x3FFB];
	_ =	sdelay $0x3  }
0x92: {  	_ =	strace s17  }
0x93: {  	s2 =	sld [smem:$0x3FFC];
	_ =	sdelay $0x3  }
0x94: {  	_ =	strace s2  }
0x95: {  	s2 =	sld [smem:$0x3FFD];
	_ =	sdelay $0x3  }
0x96: {  	_ =	strace s2  }
0x97: {  	_ =	strace $0x8FFFFFFF  }
0x98: {  	s18 =	sld [smem:$0x3FDB];
	_ =	sdelay $0x1  }
0x99: {  	s19 =	simm.s32 $_scs_section_size  }
0x9a: {  	s4 =	simm.s32 $_size__tile_overlayer_lowered;
	s5 =	simm.s32 $_tile_overlayer_lowered  }
0x9b: {  	s22 =	simm.s32 $0x1BFF;
	s21 =	sshll.u32 s5, $0x1;
	s2 =	sadd.s32 s19, s18  }
0x9c: {  	s6 =	simm.s32 $0x0;
	s20 =	sshll.u32 s4, $0x1;
	s4 =	sadd.s32 s21, s2  }
0x9d: {  	[timem:s6], [sflag:s22] =	dma.local [hbm:s4], s20  }
0x9e: {  	_ =	swait.ge [sflag:s22], s20  }
0x9f: {  	s3 =	ssub.s32 $0x0, s20;
	[sflag:s22] =	ssyncset.done $0x0  }
0xa0: {  	[sflag:s22] =	ssyncadd.s32 s3;
	_ =	sdelay $0x1  }
0xa1: {  	s23 =	simm.s32 $0x1B8B  }
0xa2: {  	_ =	swait.ge [sflag:s23], $0x1  }
0xa3: {  	[sflag:s23] =	ssyncset.done $0x0  }
0xa4: {  	s25 =	simm.s32 $0x1B8E;
	s24 =	sld [smem:$0x3FFE];
	[sflag:s23] =	ssyncadd.s32 $0xFFFFFFFF  }
0xa5: {  	s26 =	simm.s32 $execute0_lowered;
	[smem:$0x3FD2] =	sst s25  }
0xa6: {  	s4 =	sshll.u32 s26, $0x1;
	_ =	strace $0x80000049;
	[dreg:$0x1] =	wrdreg $0xFFFFFFFF  }
0xa7: {  	s28 =	simm.s32 $_size_execute0_lowered;
	s2 =	sadd.s32 s2, s4;
	[dreg:$0x0] =	wrdreg $0x0  }
0xa8: {  	s4 =	sshll.u32 s28, $0x1;
	[dreg:$0x2] =	wrdreg s2  }
0xa9: {  	[dreg:$0x3] =	wrdreg s4  }
0xaa: {  	[dreg:$0x4] =	wrdreg $0xC0  }
0xab: {  	_ =	task [dreg:s6], $0x5FFFF  }
0xac: {  	[dreg:$0x1] =	wrdreg $0xFFFFFFFF  }
0xad: {  	[dreg:$0x0] =	wrdreg $0x60  }
0xae: {  	[dreg:$0x2] =	wrdreg s24  }
0xaf: {  	[dreg:$0x3] =	wrdreg $0x6F000  }
0xb0: {  	[dreg:$0x4] =	wrdreg $0x10F000  }
0xb1: {  	[dreg:$0x5] =	wrdreg $0x9  }
0xb2: {  	_ =	task.clear_ibuf [dreg:s6], $0x6FFFF;
	_ =	strace $0x90000049  }
0xb3: {  	s29 =	simm.s32 $0x9;
	_ =	strace $0x8000004B  }
0xb4: {  	_ =	swait.ge [sflag:s29], $0x1  }
0xb5: {  	[sflag:s29] =	ssyncadd.s32 $0xFFFFFFFF  }
0xb6: {  	_ =	strace $0x9000004B  }
0xb7: {  	_ =	sfence  }
0xb8: {  	s30 =	sld [smem:$0x0];
	_ =	sdelay $0x2  }
0xb9: {  	s31 =	sshll.u32 s1, $0xD;
	s1 =	sshrl.u32 s1, $0x2  }
0xba: {  	s3 =	sand.u32 $0x4000, s31;
	s1 =	sadd.s32 s1, s30  }
0xbb: {  	s0 =	sor.u32 s3, s0;
	s1 =	sshll.u32 s1, $0x11  }
0xbc: {  	s0 =	sor.u32 s1, s0  }
0xbd: {  	s0 =	sadd.s32 $0x8F2B, s0  }
0xbe: {  	[sflag:s0] =	ssyncadd.remote.s32 $0x1  }
0xbf: {  	_ =	sfence.sel $0xFFFF  }
0xc0: {  	[dreg:$0x0] =	wrdreg $0xFFFFFFFF;
	(pc) =	sbr.abs _section_cstart, $3  }
0xc1: {  	[dreg:$0x1] =	wrdreg $0xFFFFFFFF  }
0xc2: {  	_ =	task.clear_ibuf [dreg:s6], $0x2FFFF;
	_ =	strace $0x9FFFFFFF  }
0xc3: {  	(tm) =	ssettm $0x7FFFFFFF  }
tec
execute0_lowered:
.L_overlay_start_1:
0x0: {  	(tag) =	ssettag $0x1  }
0x1: {  	s5 =	rddreg [dreg:$0x0]  }
0x2: {  	s2 =	rddreg [dreg:$0x1]  }
0x3: {  	s3 =	rddreg [dreg:$0x2]  }
0x4: {  	s0 =	rddreg [dreg:$0x3];
	s1 =	stileid.u32  }
0x5: {  	s6 =	srdreg.scid;
	s4 =	simm.s32 $0x0;
	s16 =	simm.s32 $0x80  }
0x6: {  	s17 =	simm.s32 $0x4F00;
	s18 =	simm.s32 $0x0;
	s7 =	smul.u32 $0xA000, s1  }
0x7: {  	s6 =	sand.u32 $0x1, s6;
	[smem:$0x7FF] =	sst s4;
	s31 =	sshll.u32 s1, $0x6  }
0x8: {  	s8 =	sshll.u32 s6, $0x4;
	s9 =	smul.u32 $0xA0000, s6;
	_ =	strace $0x8000004A  }
0x9: {  	s6 =	ssub.s32 $0x2, s6;
	s8 =	sor.u32 s1, s8;
	s10 =	sshrl.u32 s7, $0x3  }
0xa: {  	s30 =	sshrl.u32 s6, $0x1;
	s14 =	sadd.s32 s7, s2;
	s15 =	sadd.s32 s7, s3  }
0xb: {  	s8 =	smul.u32 $0x4F0, s8;
	s9 =	sadd.s32 s7, s9;
	s10 =	sadd.s32 s10, s5  }
0xc: {  	s13 =	ssub.s32 s6, s30;
	s6 =	sor.u32 $0x1C01, s31;
	s9 =	sshrl.u32 s9, $0x3  }
0xd: {  	s7 =	sadd.s32 $0x25E00, s10;
	s11 =	sadd.s32 s8, s5;
	s12 =	sadd.s32 s9, s5  }
0xe: {  	s5 =	sadd.s32 $0x39E00, s10;
	s8 =	sadd.s32 $0x1C000, s11;
	s9 =	sadd.s32 $0x3200, s11  }
0xf: {  	s10 =	sadd.s32 $0x4DE00, s12;
	s11 =	smax.u32 s13, $0x1;
	s12 =	sshrl.u32 s14, $0x3  }
0x10: {  	s13 =	simm.s32 $0x1;
	s14 =	sshrl.u32 s15, $0x3;
	s15 =	simm.s32 $0x2780  }
.LBB2_1:
0x11: {  	[spmem:s12], [sflag:s6] =	dma.local [hbm:s5], $0x1400  }
0x12: {  	_ =	swait.ge [sflag:s13], $0x1400  }
0x13: {  	[sflag:s13] =	ssyncset.done $0x0  }
0x14: {  	[sflag:s13] =	ssyncadd.s32 $0xFFFFEC00  }
0x15: {  	[spmem:s14], [sflag:s6] =	dma.local [hbm:s7], $0x1400  }
0x16: {  	_ =	swait.ge [sflag:s13], $0x1400  }
0x17: {  	[sflag:s13] =	ssyncset.done $0x0  }
0x18: {  	[sflag:s13] =	ssyncadd.s32 $0xFFFFEC00  }
0x19: {  	[tilespmem:s4], [sflag:$0x1] =	stream.linear.gather [hbm4b:s8+s4], $0x2780, $0x38;
	[tilespmem:$0x1AF00] =	vst v63  }
0x1a: {  	_ =	swait.ge [sflag:s13], $0x2780  }
0x1b: {  	[sflag:s13] =	ssyncset.done $0x0  }
0x1c: {  	[sflag:s13] =	ssyncadd.s32 $0xFFFFD880  }
0x1d: {  	[tilespmem:s15], [sflag:$0x1] =	stream.linear.gather [hbm4b:s9+s4], $0x2780, $0x38;
	[tilespmem:$0x1AF00] =	vst v63  }
0x1e: {  	_ =	swait.ge [sflag:s13], $0x2780  }
0x1f: {  	[sflag:s13] =	ssyncset.done $0x0  }
0x20: {  	[sflag:s13] =	ssyncadd.s32 $0xFFFFD880  }
0x21: {  	s19 =	simm.s32 $0x0;
	[bflag:$0x0] =	sbarrier.arrive $0xFFFF  }
0x22: {  	[tilespmem:s17], [sflag:$0x1] =	stream.indirect.gather [spmem:s3], $0x40, s19, s16, $0xb8;
	[tilespmem:$0x1AF00] =	vst v63  }
0x23: {  	_ =	swait.ge [sflag:s13], $0x2000  }
0x24: {  	[sflag:s13] =	ssyncset.done $0x0  }
0x25: {  	s31 =	simm.s32 $0x2780;
	[sflag:s13] =	ssyncadd.s32 $0xFFFFE000  }
0x26: {  	[spmem:s2] =	stream.indirect.scatter.add.f32 [tilespmem:s17], [sflag:$0x1], $0x40, s31, s16, $0xb8;
	[tilespmem:$0x1AF00] =	vst v63  }
0x27: {  	_ =	swait.ge [sflag:s13], $0x2000  }
0x28: {  	s20 =	simm.s32 $0x400;
	s19 =	simm.s32 $0x200;
	[sflag:s13] =	ssyncset.done $0x0  }
.LBB2_2:
0x29: {  	s21 =	sshra.s32 s19, $0x2  }
0x2a: {  	[sflag:s13] =	ssyncadd.s32 $0xFFFFE000;
	s19 =	smov.u32 s20;
	s22 =	sadd.s32 $0x200, s20  }
0x2b: {  	[tilespmem:s17], [sflag:$0x1] =	stream.indirect.gather [spmem:s3], $0x40, s21, s16, $0xb8;
	[tilespmem:$0x1AF00] =	vst v63  }
0x2c: {  	p0 =	sne.s32 s20, $0x9C00;
	_ =	swait.ge [sflag:s13], $0x2000  }
.Ltmp0:
0x2d: {  	[sflag:s13] =	ssyncset.done $0x0;
	(pc) =	sbr.rel @p0 .LBB2_2-.Ltmp0, $4  }
0x2e: {  	s20 =	sadd.s32 $0x2780, s21;
	[sflag:s13] =	ssyncadd.s32 $0xFFFFE000  }
0x2f: {  	[spmem:s2] =	stream.indirect.scatter.add.f32 [tilespmem:s17], [sflag:$0x1], $0x40, s20, s16, $0xb8;
	[tilespmem:$0x1AF00] =	vst v63  }
0x30: {  	_ =	swait.ge [sflag:s13], $0x2000  }
0x31: {  	s20 =	smov.u32 s22;
	[sflag:s13] =	ssyncset.done $0x0  }
0x32: {  	s19 =	sshra.s32 s19, $0x2;
	[sflag:s13] =	ssyncadd.s32 $0xFFFFE000  }
0x33: {  	[tilespmem:s17], [sflag:$0x1] =	stream.indirect.gather [spmem:s3], $0x40, s19, s16, $0xb8;
	[tilespmem:$0x1AF00] =	vst v63  }
0x34: {  	_ =	swait.ge [sflag:s13], $0x2000  }
0x35: {  	[sflag:s13] =	ssyncset.done $0x0  }
0x36: {  	s19 =	sadd.s32 $0x2780, s19;
	[sflag:s13] =	ssyncadd.s32 $0xFFFFE000  }
0x37: {  	[spmem:s2] =	stream.indirect.scatter.add.f32 [tilespmem:s17], [sflag:$0x1], $0x40, s19, s16, $0xb8;
	[tilespmem:$0x1AF00] =	vst v63  }
0x38: {  	_ =	swait.ge [sflag:s13], $0x2000  }
0x39: {  	s18 =	sadd.s32 $0x1, s18;
	[sflag:s13] =	ssyncset.done $0x0  }
0x3a: {  	p0 =	sne.s32 s18, s11;
	[sflag:s13] =	ssyncadd.s32 $0xFFFFE000  }
.Ltmp1:
0x3b: {  	[bflag:$0x0] =	sbarrier.arrive $0xFFFF;
	(pc) =	sbr.rel @p0 .LBB2_1-.Ltmp1, $4  }
0x3c: {  	[hbm:s10], [sflag:s6] =	dma.local [spmem:s12], $0x1400  }
0x3d: {  	_ =	swait.ge [sflag:s13], $0x1400  }
0x3e: {  	[sflag:s13] =	ssyncset.done $0x0  }
0x3f: {  	[sflag:s13] =	ssyncadd.s32 $0xFFFFEC00  }
0x40: {  	_ =	sfence.sel $0x180000  }
0x41: {  	[bflag:$0x0] =	sbarrier.arrive $0xFFFF  }
0x42: {  	p0 =	sne.s32 s1, $0x0;
	_ =	strace $0x9000004A  }
0x43: {  	s0 =	sadd.s32 @!p0 $0x100000, s0;
	[bflag:$0x2] =	sbarrier.arrive $0xFFFF  }
0x44: {  	[sflag:s0] =	ssyncadd.tile.s32 @!p0 $0x1;
	_ =	shalt  }
.Lfunc_end2:
_tile_overlayer_lowered:
.L_overlay_start_2:
0x45: {  	(tag) =	ssettag $0x2  }
0x46: {  	s0 =	rddreg [dreg:$0x0];
	s2 =	stileid.u32  }
0x47: {  	s1 =	rddreg [dreg:$0x1];
	p0 =	sne.s32 s2, $0x0  }
0x48: {  	s3 =	rddreg [dreg:$0x2];
	[bflag:$0x3] =	sbarrier.arrive $0xFFFF;
	s2 =	simm.s32 @!p0 $0x1C01  }
0x49: {  	[timem:s3], [sflag:s2] =	dma.local @!p0 [hbm:s0], s1  }
0x4a: {  	s0 =	simm.s32 @!p0 $0x1  }
0x4b: {  	_ =	swait.ge @!p0 [sflag:s0], s1  }
0x4c: {  	s1 =	ssub.s32 @!p0 $0x0, s1;
	[sflag:s0] =	ssyncset.done @!p0 $0x0  }
0x4d: {  	[sflag:s0] =	ssyncadd.s32 @!p0 s1  }
0x4e: {  	[bflag:$0x3] =	sbarrier.arrive $0xFFFF  }
0x4f: {  	_ =	shalt  }

// kernel: kernel.22.cloned.1.call-start
scs
__scs_entry_jumppad:
0x0: {  	(pc) =	sbr.rel $0x88, $3  }
0x1: {  	(tag) =	ssettag $0x0;
	lr =	simm.s32 $0x1  }
0x2: {  	[smem:$0x3F8F] =	sst lr;
	_ =	strace $0xD0000000  }
0x3: {  	_ = 	snop  }
0x4: {  	_ = 	snop  }
0x5: {  	_ = 	snop  }
0x6: {  	_ = 	snop  }
0x7: {  	_ = 	snop  }
__scs_overlays_trampoline_lowered:
0x8: {  	[smem:$0x3F9E] =	sst s0  }
0x9: {  	[smem:$0x3F9F] =	sst s1  }
0xa: {  	[smem:$0x3FA0] =	sst s2  }
0xb: {  	[smem:$0x3FA1] =	sst s3  }
0xc: {  	[smem:$0x3FA2] =	sst s4  }
0xd: {  	[smem:$0x3FA3] =	sst s5  }
0xe: {  	[smem:$0x3FA4] =	sst s6  }
0xf: {  	[smem:$0x3FA5] =	sst s7  }
0x10: {  	[smem:$0x3FA6] =	sst s8  }
0x11: {  	[smem:$0x3FA7] =	sst s9;
	s0 =	simm.s32 @!p0 $0x0  }
0x12: {  	s1 =	sld [smem:$0x3F8D];
	s0 =	simm.s32 @p0 $0x1  }
0x13: {  	[smem:$0x3FA8] =	sst s0;
	s0 =	simm.s32 @!p1 $0x0  }
0x14: {  	s2 =	sld [smem:$0x3F8C];
	s0 =	simm.s32 @p1 $0x1  }
0x15: {  	[smem:$0x3FA9] =	sst s0;
	s0 =	simm.s32 @!p2 $0x0  }
0x16: {  	s3 =	sld [smem:$0x3FDB];
	s0 =	simm.s32 @p2 $0x1  }
0x17: {  	s4 =	simm.s32 $0x1BF5;
	[smem:$0x3FAB] =	sst s0  }
0x18: {  	s0 =	sld [smem:$0x3F8E];
	_ =	swait.ge [sflag:s4], $0x0  }
0x19: {  	s7 =	sld [smem:$0x3F8F]  }
0x1a: {  	s8 =	sadd.s32 $0xFFFFE003, lr  }
0x1b: {  	s9 =	sadd.s32 $0xFFFFFEF7, lr;
	s5 =	simm.s32 $0xFFFFFFFF;
	p2 =	slt.u32 s8, $0xFFFFF086  }
0x1c: {  	p1 =	slt.u32 s9, $0xF7A;
	s5 =	simm.s32 @!p2 $0x0  }
0x1d: {  	s5 =	simm.s32 @p1 $0x1;
	p0 =	seq.s32 s7, s2  }
0x1e: {  	s7 =	smul.u32 @!p0 $0xF7A, s2;
	p2 =	seq.s32 @!p0 s5, $0x0  }
0x1f: {  	s9 =	smul.u32 $0xF7A, s1;
	s8 =	simm.s32 @!p0 $0x1BF5;
	p2 =	por !p2, p0  }
0x20: {  	[sflag:s8] =	ssyncset.s32 @!p0 $0xFFFFF086;
	s6 =	sadd.s32 @!p0 s3, s7;
	s7 =	simm.s32 @!p0 $0x108  }
0x21: {  	s3 =	sadd.s32 s3, s9;
	s6 =	sadd.s32 @!p0 $0x88, s6;
	s7 =	simm.s32 @p2 $0x1082  }
0x22: {  	[simem:s7], [sflag:s8] =	dma.local @!p0 [hbm:s6], $0xF7A  }
0x23: {  	s9 =	sor.u32 $0xD0000000, s2;
	s6 =	simm.s32 $0x108;
	_ =	swait.ge @!p0 [sflag:s8], $0x0  }
0x24: {  	s3 =	sadd.s32 $0x88, s3;
	s6 =	simm.s32 @!p1 $0x1082;
	[sflag:s4] =	ssyncset.s32 $0xFFFFF086  }
0x25: {  	[simem:s6], [sflag:s4] =	dma.local [hbm:s3], $0xF7A  }
0x26: {  	[smem:$0x3F8F] =	sst s1;
	(tag) =	ssettag s2;
	_ =	strace s9  }
0x27: {  	s1 =	sld [smem:$0x3F9F]  }
0x28: {  	s2 =	sld [smem:$0x3FA0]  }
0x29: {  	s4 =	sld [smem:$0x3FA2]  }
0x2a: {  	p0 =	seq.s32 s5, $0x0;
	s5 =	sld [smem:$0x3FA3]  }
0x2b: {  	s6 =	sld [smem:$0x3FA4]  }
0x2c: {  	s7 =	sld [smem:$0x3FA5]  }
0x2d: {  	s3 =	simm.s32 $0x108;
	s8 =	sld [smem:$0x3FA6]  }
0x2e: {  	s3 =	simm.s32 @!p0 $0x1082;
	s9 =	sld [smem:$0x3FA7]  }
0x2f: {  	lr =	sadd.s32 s0, s3;
	s0 =	sld [smem:$0x3F9E]  }
0x30: {  	s3 =	sld [smem:$0x3FA1]  }
0x31: {  	[smem:$0x3FAA] =	sst s10  }
0x32: {  	s10 =	sld [smem:$0x3FA8];
	_ =	sdelay $0x3  }
0x33: {  	p0 =	seq.s32 s10, $0x1;
	s10 =	sld [smem:$0x3FAA];
	_ =	sdelay $0x3  }
0x34: {  	[smem:$0x3FAA] =	sst s10  }
0x35: {  	s10 =	sld [smem:$0x3FA9];
	_ =	sdelay $0x3  }
0x36: {  	p1 =	seq.s32 s10, $0x1;
	s10 =	sld [smem:$0x3FAA];
	_ =	sdelay $0x3  }
0x37: {  	[smem:$0x3FAA] =	sst s10  }
0x38: {  	s10 =	sld [smem:$0x3FAB]  }
0x39: {  	_ = 	snop;
	(pc) =	sbr.ind lr, $3  }
0x3a: {  	_ = 	snop  }
0x3b: {  	_ = 	snop  }
0x3c: {  	p2 =	seq.s32 s10, $0x1;
	s10 =	sld [smem:$0x3FAA]  }
0x3d: {  	_ =	shalt  }
0x3e: {  	_ =	shalt  }
0x3f: {  	_ =	shalt  }
0x40: {  	_ =	shalt  }
0x41: {  	_ =	shalt  }
0x42: {  	_ =	shalt  }
0x43: {  	_ =	shalt  }
0x44: {  	_ =	shalt  }
0x45: {  	_ =	shalt  }
0x46: {  	_ =	shalt  }
0x47: {  	_ =	shalt  }
0x48: {  	_ =	shalt  }
0x49: {  	_ =	shalt  }
0x4a: {  	_ =	shalt  }
0x4b: {  	_ =	shalt  }
0x4c: {  	_ =	shalt  }
0x4d: {  	_ =	shalt  }
0x4e: {  	_ =	shalt  }
0x4f: {  	_ =	shalt  }
0x50: {  	_ =	shalt  }
0x51: {  	_ =	shalt  }
0x52: {  	_ =	shalt  }
0x53: {  	_ =	shalt  }
0x54: {  	_ =	shalt  }
0x55: {  	_ =	shalt  }
0x56: {  	_ =	shalt  }
0x57: {  	_ =	shalt  }
0x58: {  	_ =	shalt  }
0x59: {  	_ =	shalt  }
0x5a: {  	_ =	shalt  }
0x5b: {  	_ =	shalt  }
0x5c: {  	_ =	shalt  }
0x5d: {  	_ =	shalt  }
0x5e: {  	_ =	shalt  }
0x5f: {  	_ =	shalt  }
0x60: {  	_ =	shalt  }
0x61: {  	_ =	shalt  }
0x62: {  	_ =	shalt  }
0x63: {  	_ =	shalt  }
0x64: {  	_ =	shalt  }
0x65: {  	_ =	shalt  }
0x66: {  	_ =	shalt  }
0x67: {  	_ =	shalt  }
0x68: {  	_ =	shalt  }
0x69: {  	_ =	shalt  }
0x6a: {  	_ =	shalt  }
0x6b: {  	_ =	shalt  }
0x6c: {  	_ =	shalt  }
0x6d: {  	_ =	shalt  }
0x6e: {  	_ =	shalt  }
0x6f: {  	_ =	shalt  }
0x70: {  	_ =	shalt  }
0x71: {  	_ =	shalt  }
0x72: {  	_ =	shalt  }
0x73: {  	_ =	shalt  }
0x74: {  	_ =	shalt  }
0x75: {  	_ =	shalt  }
0x76: {  	_ =	shalt  }
0x77: {  	_ =	shalt  }
0x78: {  	_ =	shalt  }
0x79: {  	_ =	shalt  }
0x7a: {  	_ =	shalt  }
0x7b: {  	_ =	shalt  }
0x7c: {  	_ =	shalt  }
0x7d: {  	_ =	shalt  }
0x7e: {  	_ =	shalt  }
0x7f: {  	_ =	shalt  }
0x80: {  	_ =	shalt  }
0x81: {  	_ =	shalt  }
0x82: {  	_ =	shalt  }
0x83: {  	_ =	shalt  }
0x84: {  	_ =	shalt  }
0x85: {  	_ =	shalt  }
0x86: {  	_ =	shalt  }
0x87: {  	_ =	shalt  }
.Lfunc_end0:
.L_simem_size_0:
called_computation.2_lowered:
.L_overlay_start_0:
0x88: {  	s2 =	sld [smem:$0x3FD9]  }
0x89: {  	s3 =	sld [smem:$0x3FFE];
	_ =	sdelay $0x1  }
0x8a: {  	s1 =	srdreg.scid  }
0x8b: {  	s0 =	sand.u32 $0x1, s1  }
0x8c: {  	s16 =	sshll.u32 s0, $0xA;
	s2 =	sadd.s32 s3, s2  }
0x8d: {  	s2 =	sadd.s32 s2, s16  }
0x8e: {  	[smem:$0x3FB6] =	sst s2  }
0x8f: {  	_ = 	snop  }
0x90: {  	(tm) =	ssettm $0x1  }
0x91: {  	s17 =	sld [smem:$0x3FFB];
	_ =	sdelay $0x3  }
0x92: {  	_ =	strace s17  }
0x93: {  	s2 =	sld [smem:$0x3FFC];
	_ =	sdelay $0x3  }
0x94: {  	_ =	strace s2  }
0x95: {  	s2 =	sld [smem:$0x3FFD];
	_ =	sdelay $0x3  }
0x96: {  	_ =	strace s2  }
0x97: {  	_ =	strace $0x8FFFFFFF  }
0x98: {  	s18 =	sld [smem:$0x3FDB];
	_ =	sdelay $0x1  }
0x99: {  	s19 =	simm.s32 $_scs_section_size  }
0x9a: {  	s4 =	simm.s32 $_size__tile_overlayer_lowered;
	s5 =	simm.s32 $_tile_overlayer_lowered  }
0x9b: {  	s22 =	simm.s32 $0x1BFF;
	s21 =	sshll.u32 s5, $0x1;
	s2 =	sadd.s32 s19, s18  }
0x9c: {  	s6 =	simm.s32 $0x0;
	s20 =	sshll.u32 s4, $0x1;
	s4 =	sadd.s32 s21, s2  }
0x9d: {  	[timem:s6], [sflag:s22] =	dma.local [hbm:s4], s20  }
0x9e: {  	_ =	swait.ge [sflag:s22], s20  }
0x9f: {  	s3 =	ssub.s32 $0x0, s20;
	[sflag:s22] =	ssyncset.done $0x0  }
0xa0: {  	[sflag:s22] =	ssyncadd.s32 s3;
	_ =	sdelay $0x1  }
0xa1: {  	s23 =	simm.s32 $0x1B8B  }
0xa2: {  	_ =	swait.ge [sflag:s23], $0x1  }
0xa3: {  	[sflag:s23] =	ssyncset.done $0x0  }
0xa4: {  	s25 =	simm.s32 $0x1B8E;
	s24 =	sld [smem:$0x3FFE];
	[sflag:s23] =	ssyncadd.s32 $0xFFFFFFFF  }
0xa5: {  	s26 =	simm.s32 $execute0_lowered;
	[smem:$0x3FD2] =	sst s25  }
0xa6: {  	s4 =	sshll.u32 s26, $0x1;
	_ =	strace $0x8000004C;
	[dreg:$0x1] =	wrdreg $0xFFFFFFFF  }
0xa7: {  	s28 =	simm.s32 $_size_execute0_lowered;
	s2 =	sadd.s32 s2, s4;
	[dreg:$0x0] =	wrdreg $0x0  }
0xa8: {  	s4 =	sshll.u32 s28, $0x1;
	[dreg:$0x2] =	wrdreg s2  }
0xa9: {  	[dreg:$0x3] =	wrdreg s4  }
0xaa: {  	[dreg:$0x4] =	wrdreg $0xC0  }
0xab: {  	_ =	task [dreg:s6], $0x5FFFF  }
0xac: {  	[dreg:$0x1] =	wrdreg $0xFFFFFFFF  }
0xad: {  	[dreg:$0x0] =	wrdreg $0x60  }
0xae: {  	[dreg:$0x2] =	wrdreg s24  }
0xaf: {  	[dreg:$0x3] =	wrdreg $0x6F000  }
0xb0: {  	[dreg:$0x4] =	wrdreg $0x10F000  }
0xb1: {  	[dreg:$0x5] =	wrdreg $0x9  }
0xb2: {  	_ =	task.clear_ibuf [dreg:s6], $0x6FFFF;
	_ =	strace $0x9000004C  }
0xb3: {  	s29 =	simm.s32 $0x9;
	_ =	strace $0x8000004E  }
0xb4: {  	_ =	swait.ge [sflag:s29], $0x1  }
0xb5: {  	[sflag:s29] =	ssyncadd.s32 $0xFFFFFFFF  }
0xb6: {  	_ =	strace $0x9000004E  }
0xb7: {  	_ =	sfence  }
0xb8: {  	s30 =	sld [smem:$0x0];
	_ =	sdelay $0x2  }
0xb9: {  	s31 =	sshll.u32 s1, $0xD;
	s1 =	sshrl.u32 s1, $0x2  }
0xba: {  	s3 =	sand.u32 $0x4000, s31;
	s1 =	sadd.s32 s1, s30  }
0xbb: {  	s0 =	sor.u32 s3, s0;
	s1 =	sshll.u32 s1, $0x11  }
0xbc: {  	s0 =	sor.u32 s1, s0  }
0xbd: {  	s0 =	sadd.s32 $0x8F2B, s0  }
0xbe: {  	[sflag:s0] =	ssyncadd.remote.s32 $0x1  }
0xbf: {  	_ =	sfence.sel $0xFFFF  }
0xc0: {  	[dreg:$0x0] =	wrdreg $0xFFFFFFFF;
	(pc) =	sbr.abs _section_cstart, $3  }
0xc1: {  	[dreg:$0x1] =	wrdreg $0xFFFFFFFF  }
0xc2: {  	_ =	task.clear_ibuf [dreg:s6], $0x2FFFF;
	_ =	strace $0x9FFFFFFF  }
0xc3: {  	(tm) =	ssettm $0x7FFFFFFF  }
tec
execute0_lowered:
.L_overlay_start_1:
0x0: {  	(tag) =	ssettag $0x1  }
0x1: {  	s5 =	rddreg [dreg:$0x0]  }
0x2: {  	s2 =	rddreg [dreg:$0x1]  }
0x3: {  	s3 =	rddreg [dreg:$0x2]  }
0x4: {  	s0 =	rddreg [dreg:$0x3];
	s1 =	stileid.u32  }
0x5: {  	s6 =	srdreg.scid;
	s4 =	simm.s32 $0x0;
	s16 =	simm.s32 $0x80  }
0x6: {  	s17 =	simm.s32 $0x4F00;
	s18 =	simm.s32 $0x0;
	s7 =	smul.u32 $0xA000, s1  }
0x7: {  	s6 =	sand.u32 $0x1, s6;
	[smem:$0x7FF] =	sst s4;
	s31 =	sshll.u32 s1, $0x6  }
0x8: {  	s8 =	sshll.u32 s6, $0x4;
	s9 =	smul.u32 $0xA0000, s6;
	_ =	strace $0x8000004D  }
0x9: {  	s6 =	ssub.s32 $0x2, s6;
	s8 =	sor.u32 s1, s8;
	s10 =	sshrl.u32 s7, $0x3  }
0xa: {  	s30 =	sshrl.u32 s6, $0x1;
	s14 =	sadd.s32 s7, s2;
	s15 =	sadd.s32 s7, s3  }
0xb: {  	s8 =	smul.u32 $0x4F0, s8;
	s9 =	sadd.s32 s7, s9;
	s10 =	sadd.s32 s10, s5  }
0xc: {  	s13 =	ssub.s32 s6, s30;
	s6 =	sor.u32 $0x1C01, s31;
	s9 =	sshrl.u32 s9, $0x3  }
0xd: {  	s7 =	sadd.s32 $0x25E00, s10;
	s11 =	sadd.s32 s8, s5;
	s12 =	sadd.s32 s9, s5  }
0xe: {  	s5 =	sadd.s32 $0x39E00, s10;
	s8 =	sadd.s32 $0x1C000, s11;
	s9 =	sadd.s32 $0x3200, s11  }
0xf: {  	s10 =	sadd.s32 $0x4DE00, s12;
	s11 =	smax.u32 s13, $0x1;
	s12 =	sshrl.u32 s14, $0x3  }
0x10: {  	s13 =	simm.s32 $0x1;
	s14 =	sshrl.u32 s15, $0x3;
	s15 =	simm.s32 $0x2780  }
.LBB2_1:
0x11: {  	[spmem:s12], [sflag:s6] =	dma.local [hbm:s5], $0x1400  }
0x12: {  	_ =	swait.ge [sflag:s13], $0x1400  }
0x13: {  	[sflag:s13] =	ssyncset.done $0x0  }
0x14: {  	[sflag:s13] =	ssyncadd.s32 $0xFFFFEC00  }
0x15: {  	[spmem:s14], [sflag:s6] =	dma.local [hbm:s7], $0x1400  }
0x16: {  	_ =	swait.ge [sflag:s13], $0x1400  }
0x17: {  	[sflag:s13] =	ssyncset.done $0x0  }
0x18: {  	[sflag:s13] =	ssyncadd.s32 $0xFFFFEC00  }
0x19: {  	[tilespmem:s4], [sflag:$0x1] =	stream.linear.gather [hbm4b:s8+s4], $0x2780, $0x38;
	[tilespmem:$0x1AF00] =	vst v63  }
0x1a: {  	_ =	swait.ge [sflag:s13], $0x2780  }
0x1b: {  	[sflag:s13] =	ssyncset.done $0x0  }
0x1c: {  	[sflag:s13] =	ssyncadd.s32 $0xFFFFD880  }
0x1d: {  	[tilespmem:s15], [sflag:$0x1] =	stream.linear.gather [hbm4b:s9+s4], $0x2780, $0x38;
	[tilespmem:$0x1AF00] =	vst v63  }
0x1e: {  	_ =	swait.ge [sflag:s13], $0x2780  }
0x1f: {  	[sflag:s13] =	ssyncset.done $0x0  }
0x20: {  	[sflag:s13] =	ssyncadd.s32 $0xFFFFD880  }
0x21: {  	s19 =	simm.s32 $0x0;
	[bflag:$0x0] =	sbarrier.arrive $0xFFFF  }
0x22: {  	[tilespmem:s17], [sflag:$0x1] =	stream.indirect.gather [spmem:s3], $0x40, s19, s16, $0xb8;
	[tilespmem:$0x1AF00] =	vst v63  }
0x23: {  	_ =	swait.ge [sflag:s13], $0x2000  }
0x24: {  	[sflag:s13] =	ssyncset.done $0x0  }
0x25: {  	s31 =	simm.s32 $0x2780;
	[sflag:s13] =	ssyncadd.s32 $0xFFFFE000  }
0x26: {  	[spmem:s2] =	stream.indirect.scatter.add.f32 [tilespmem:s17], [sflag:$0x1], $0x40, s31, s16, $0xb8;
	[tilespmem:$0x1AF00] =	vst v63  }
0x27: {  	_ =	swait.ge [sflag:s13], $0x2000  }
0x28: {  	s20 =	simm.s32 $0x400;
	s19 =	simm.s32 $0x200;
	[sflag:s13] =	ssyncset.done $0x0  }
.LBB2_2:
0x29: {  	s21 =	sshra.s32 s19, $0x2  }
0x2a: {  	[sflag:s13] =	ssyncadd.s32 $0xFFFFE000;
	s19 =	smov.u32 s20;
	s22 =	sadd.s32 $0x200, s20  }
0x2b: {  	[tilespmem:s17], [sflag:$0x1] =	stream.indirect.gather [spmem:s3], $0x40, s21, s16, $0xb8;
	[tilespmem:$0x1AF00] =	vst v63  }
0x2c: {  	p0 =	sne.s32 s20, $0x9C00;
	_ =	swait.ge [sflag:s13], $0x2000  }
.Ltmp0:
0x2d: {  	[sflag:s13] =	ssyncset.done $0x0;
	(pc) =	sbr.rel @p0 .LBB2_2-.Ltmp0, $4  }
0x2e: {  	s20 =	sadd.s32 $0x2780, s21;
	[sflag:s13] =	ssyncadd.s32 $0xFFFFE000  }
0x2f: {  	[spmem:s2] =	stream.indirect.scatter.add.f32 [tilespmem:s17], [sflag:$0x1], $0x40, s20, s16, $0xb8;
	[tilespmem:$0x1AF00] =	vst v63  }
0x30: {  	_ =	swait.ge [sflag:s13], $0x2000  }
0x31: {  	s20 =	smov.u32 s22;
	[sflag:s13] =	ssyncset.done $0x0  }
0x32: {  	s19 =	sshra.s32 s19, $0x2;
	[sflag:s13] =	ssyncadd.s32 $0xFFFFE000  }
0x33: {  	[tilespmem:s17], [sflag:$0x1] =	stream.indirect.gather [spmem:s3], $0x40, s19, s16, $0xb8;
	[tilespmem:$0x1AF00] =	vst v63  }
0x34: {  	_ =	swait.ge [sflag:s13], $0x2000  }
0x35: {  	[sflag:s13] =	ssyncset.done $0x0  }
0x36: {  	s19 =	sadd.s32 $0x2780, s19;
	[sflag:s13] =	ssyncadd.s32 $0xFFFFE000  }
0x37: {  	[spmem:s2] =	stream.indirect.scatter.add.f32 [tilespmem:s17], [sflag:$0x1], $0x40, s19, s16, $0xb8;
	[tilespmem:$0x1AF00] =	vst v63  }
0x38: {  	_ =	swait.ge [sflag:s13], $0x2000  }
0x39: {  	s18 =	sadd.s32 $0x1, s18;
	[sflag:s13] =	ssyncset.done $0x0  }
0x3a: {  	p0 =	sne.s32 s18, s11;
	[sflag:s13] =	ssyncadd.s32 $0xFFFFE000  }
.Ltmp1:
0x3b: {  	[bflag:$0x0] =	sbarrier.arrive $0xFFFF;
	(pc) =	sbr.rel @p0 .LBB2_1-.Ltmp1, $4  }
0x3c: {  	[hbm:s10], [sflag:s6] =	dma.local [spmem:s12], $0x1400  }
0x3d: {  	_ =	swait.ge [sflag:s13], $0x1400  }
0x3e: {  	[sflag:s13] =	ssyncset.done $0x0  }
0x3f: {  	[sflag:s13] =	ssyncadd.s32 $0xFFFFEC00  }
0x40: {  	_ =	sfence.sel $0x180000  }
0x41: {  	[bflag:$0x0] =	sbarrier.arrive $0xFFFF  }
0x42: {  	p0 =	sne.s32 s1, $0x0;
	_ =	strace $0x9000004D  }
0x43: {  	s0 =	sadd.s32 @!p0 $0x100000, s0;
	[bflag:$0x2] =	sbarrier.arrive $0xFFFF  }
0x44: {  	[sflag:s0] =	ssyncadd.tile.s32 @!p0 $0x1;
	_ =	shalt  }
.Lfunc_end2:
_tile_overlayer_lowered:
.L_overlay_start_2:
0x45: {  	(tag) =	ssettag $0x2  }
0x46: {  	s0 =	rddreg [dreg:$0x0];
	s2 =	stileid.u32  }
0x47: {  	s1 =	rddreg [dreg:$0x1];
	p0 =	sne.s32 s2, $0x0  }
0x48: {  	s3 =	rddreg [dreg:$0x2];
	[bflag:$0x3] =	sbarrier.arrive $0xFFFF;
	s2 =	simm.s32 @!p0 $0x1C01  }
0x49: {  	[timem:s3], [sflag:s2] =	dma.local @!p0 [hbm:s0], s1  }
0x4a: {  	s0 =	simm.s32 @!p0 $0x1  }
0x4b: {  	_ =	swait.ge @!p0 [sflag:s0], s1  }
0x4c: {  	s1 =	ssub.s32 @!p0 $0x0, s1;
	[sflag:s0] =	ssyncset.done @!p0 $0x0  }
0x4d: {  	[sflag:s0] =	ssyncadd.s32 @!p0 s1  }
0x4e: {  	[bflag:$0x3] =	sbarrier.arrive $0xFFFF  }
0x4f: {  	_ =	shalt  }

// kernel: kernel.25.cloned.1.call-start
scs
__scs_entry_jumppad:
0x0: {  	(pc) =	sbr.rel $0x88, $3  }
0x1: {  	(tag) =	ssettag $0x0;
	lr =	simm.s32 $0x1  }
0x2: {  	[smem:$0x3F8F] =	sst lr;
	_ =	strace $0xD0000000  }
0x3: {  	_ = 	snop  }
0x4: {  	_ = 	snop  }
0x5: {  	_ = 	snop  }
0x6: {  	_ = 	snop  }
0x7: {  	_ = 	snop  }
__scs_overlays_trampoline_lowered:
0x8: {  	[smem:$0x3F9E] =	sst s0  }
0x9: {  	[smem:$0x3F9F] =	sst s1  }
0xa: {  	[smem:$0x3FA0] =	sst s2  }
0xb: {  	[smem:$0x3FA1] =	sst s3  }
0xc: {  	[smem:$0x3FA2] =	sst s4  }
0xd: {  	[smem:$0x3FA3] =	sst s5  }
0xe: {  	[smem:$0x3FA4] =	sst s6  }
0xf: {  	[smem:$0x3FA5] =	sst s7  }
0x10: {  	[smem:$0x3FA6] =	sst s8  }
0x11: {  	[smem:$0x3FA7] =	sst s9;
	s0 =	simm.s32 @!p0 $0x0  }
0x12: {  	s1 =	sld [smem:$0x3F8D];
	s0 =	simm.s32 @p0 $0x1  }
0x13: {  	[smem:$0x3FA8] =	sst s0;
	s0 =	simm.s32 @!p1 $0x0  }
0x14: {  	s2 =	sld [smem:$0x3F8C];
	s0 =	simm.s32 @p1 $0x1  }
0x15: {  	[smem:$0x3FA9] =	sst s0;
	s0 =	simm.s32 @!p2 $0x0  }
0x16: {  	s3 =	sld [smem:$0x3FDB];
	s0 =	simm.s32 @p2 $0x1  }
0x17: {  	s4 =	simm.s32 $0x1BF5;
	[smem:$0x3FAB] =	sst s0  }
0x18: {  	s0 =	sld [smem:$0x3F8E];
	_ =	swait.ge [sflag:s4], $0x0  }
0x19: {  	s7 =	sld [smem:$0x3F8F]  }
0x1a: {  	s8 =	sadd.s32 $0xFFFFE003, lr  }
0x1b: {  	s9 =	sadd.s32 $0xFFFFFEF7, lr;
	s5 =	simm.s32 $0xFFFFFFFF;
	p2 =	slt.u32 s8, $0xFFFFF086  }
0x1c: {  	p1 =	slt.u32 s9, $0xF7A;
	s5 =	simm.s32 @!p2 $0x0  }
0x1d: {  	s5 =	simm.s32 @p1 $0x1;
	p0 =	seq.s32 s7, s2  }
0x1e: {  	s7 =	smul.u32 @!p0 $0xF7A, s2;
	p2 =	seq.s32 @!p0 s5, $0x0  }
0x1f: {  	s9 =	smul.u32 $0xF7A, s1;
	s8 =	simm.s32 @!p0 $0x1BF5;
	p2 =	por !p2, p0  }
0x20: {  	[sflag:s8] =	ssyncset.s32 @!p0 $0xFFFFF086;
	s6 =	sadd.s32 @!p0 s3, s7;
	s7 =	simm.s32 @!p0 $0x108  }
0x21: {  	s3 =	sadd.s32 s3, s9;
	s6 =	sadd.s32 @!p0 $0x88, s6;
	s7 =	simm.s32 @p2 $0x1082  }
0x22: {  	[simem:s7], [sflag:s8] =	dma.local @!p0 [hbm:s6], $0xF7A  }
0x23: {  	s9 =	sor.u32 $0xD0000000, s2;
	s6 =	simm.s32 $0x108;
	_ =	swait.ge @!p0 [sflag:s8], $0x0  }
0x24: {  	s3 =	sadd.s32 $0x88, s3;
	s6 =	simm.s32 @!p1 $0x1082;
	[sflag:s4] =	ssyncset.s32 $0xFFFFF086  }
0x25: {  	[simem:s6], [sflag:s4] =	dma.local [hbm:s3], $0xF7A  }
0x26: {  	[smem:$0x3F8F] =	sst s1;
	(tag) =	ssettag s2;
	_ =	strace s9  }
0x27: {  	s1 =	sld [smem:$0x3F9F]  }
0x28: {  	s2 =	sld [smem:$0x3FA0]  }
0x29: {  	s4 =	sld [smem:$0x3FA2]  }
0x2a: {  	p0 =	seq.s32 s5, $0x0;
	s5 =	sld [smem:$0x3FA3]  }
0x2b: {  	s6 =	sld [smem:$0x3FA4]  }
0x2c: {  	s7 =	sld [smem:$0x3FA5]  }
0x2d: {  	s3 =	simm.s32 $0x108;
	s8 =	sld [smem:$0x3FA6]  }
0x2e: {  	s3 =	simm.s32 @!p0 $0x1082;
	s9 =	sld [smem:$0x3FA7]  }
0x2f: {  	lr =	sadd.s32 s0, s3;
	s0 =	sld [smem:$0x3F9E]  }
0x30: {  	s3 =	sld [smem:$0x3FA1]  }
0x31: {  	[smem:$0x3FAA] =	sst s10  }
0x32: {  	s10 =	sld [smem:$0x3FA8];
	_ =	sdelay $0x3  }
0x33: {  	p0 =	seq.s32 s10, $0x1;
	s10 =	sld [smem:$0x3FAA];
	_ =	sdelay $0x3  }
0x34: {  	[smem:$0x3FAA] =	sst s10  }
0x35: {  	s10 =	sld [smem:$0x3FA9];
	_ =	sdelay $0x3  }
0x36: {  	p1 =	seq.s32 s10, $0x1;
	s10 =	sld [smem:$0x3FAA];
	_ =	sdelay $0x3  }
0x37: {  	[smem:$0x3FAA] =	sst s10  }
0x38: {  	s10 =	sld [smem:$0x3FAB]  }
0x39: {  	_ = 	snop;
	(pc) =	sbr.ind lr, $3  }
0x3a: {  	_ = 	snop  }
0x3b: {  	_ = 	snop  }
0x3c: {  	p2 =	seq.s32 s10, $0x1;
	s10 =	sld [smem:$0x3FAA]  }
0x3d: {  	_ =	shalt  }
0x3e: {  	_ =	shalt  }
0x3f: {  	_ =	shalt  }
0x40: {  	_ =	shalt  }
0x41: {  	_ =	shalt  }
0x42: {  	_ =	shalt  }
0x43: {  	_ =	shalt  }
0x44: {  	_ =	shalt  }
0x45: {  	_ =	shalt  }
0x46: {  	_ =	shalt  }
0x47: {  	_ =	shalt  }
0x48: {  	_ =	shalt  }
0x49: {  	_ =	shalt  }
0x4a: {  	_ =	shalt  }
0x4b: {  	_ =	shalt  }
0x4c: {  	_ =	shalt  }
0x4d: {  	_ =	shalt  }
0x4e: {  	_ =	shalt  }
0x4f: {  	_ =	shalt  }
0x50: {  	_ =	shalt  }
0x51: {  	_ =	shalt  }
0x52: {  	_ =	shalt  }
0x53: {  	_ =	shalt  }
0x54: {  	_ =	shalt  }
0x55: {  	_ =	shalt  }
0x56: {  	_ =	shalt  }
0x57: {  	_ =	shalt  }
0x58: {  	_ =	shalt  }
0x59: {  	_ =	shalt  }
0x5a: {  	_ =	shalt  }
0x5b: {  	_ =	shalt  }
0x5c: {  	_ =	shalt  }
0x5d: {  	_ =	shalt  }
0x5e: {  	_ =	shalt  }
0x5f: {  	_ =	shalt  }
0x60: {  	_ =	shalt  }
0x61: {  	_ =	shalt  }
0x62: {  	_ =	shalt  }
0x63: {  	_ =	shalt  }
0x64: {  	_ =	shalt  }
0x65: {  	_ =	shalt  }
0x66: {  	_ =	shalt  }
0x67: {  	_ =	shalt  }
0x68: {  	_ =	shalt  }
0x69: {  	_ =	shalt  }
0x6a: {  	_ =	shalt  }
0x6b: {  	_ =	shalt  }
0x6c: {  	_ =	shalt  }
0x6d: {  	_ =	shalt  }
0x6e: {  	_ =	shalt  }
0x6f: {  	_ =	shalt  }
0x70: {  	_ =	shalt  }
0x71: {  	_ =	shalt  }
0x72: {  	_ =	shalt  }
0x73: {  	_ =	shalt  }
0x74: {  	_ =	shalt  }
0x75: {  	_ =	shalt  }
0x76: {  	_ =	shalt  }
0x77: {  	_ =	shalt  }
0x78: {  	_ =	shalt  }
0x79: {  	_ =	shalt  }
0x7a: {  	_ =	shalt  }
0x7b: {  	_ =	shalt  }
0x7c: {  	_ =	shalt  }
0x7d: {  	_ =	shalt  }
0x7e: {  	_ =	shalt  }
0x7f: {  	_ =	shalt  }
0x80: {  	_ =	shalt  }
0x81: {  	_ =	shalt  }
0x82: {  	_ =	shalt  }
0x83: {  	_ =	shalt  }
0x84: {  	_ =	shalt  }
0x85: {  	_ =	shalt  }
0x86: {  	_ =	shalt  }
0x87: {  	_ =	shalt  }
.Lfunc_end0:
.L_simem_size_0:
called_computation.3_lowered:
.L_overlay_start_0:
0x88: {  	s2 =	sld [smem:$0x3FD9]  }
0x89: {  	s3 =	sld [smem:$0x3FFE];
	_ =	sdelay $0x1  }
0x8a: {  	s1 =	srdreg.scid  }
0x8b: {  	s0 =	sand.u32 $0x1, s1  }
0x8c: {  	s16 =	sshll.u32 s0, $0xA;
	s2 =	sadd.s32 s3, s2  }
0x8d: {  	s2 =	sadd.s32 s2, s16  }
0x8e: {  	[smem:$0x3FB6] =	sst s2  }
0x8f: {  	_ = 	snop  }
0x90: {  	(tm) =	ssettm $0x1  }
0x91: {  	s17 =	sld [smem:$0x3FFB];
	_ =	sdelay $0x3  }
0x92: {  	_ =	strace s17  }
0x93: {  	s2 =	sld [smem:$0x3FFC];
	_ =	sdelay $0x3  }
0x94: {  	_ =	strace s2  }
0x95: {  	s2 =	sld [smem:$0x3FFD];
	_ =	sdelay $0x3  }
0x96: {  	_ =	strace s2  }
0x97: {  	_ =	strace $0x8FFFFFFF  }
0x98: {  	s18 =	sld [smem:$0x3FDB];
	_ =	sdelay $0x1  }
0x99: {  	s19 =	simm.s32 $_scs_section_size  }
0x9a: {  	s4 =	simm.s32 $_size__tile_overlayer_lowered;
	s5 =	simm.s32 $_tile_overlayer_lowered  }
0x9b: {  	s22 =	simm.s32 $0x1BFF;
	s21 =	sshll.u32 s5, $0x1;
	s2 =	sadd.s32 s19, s18  }
0x9c: {  	s6 =	simm.s32 $0x0;
	s20 =	sshll.u32 s4, $0x1;
	s4 =	sadd.s32 s21, s2  }
0x9d: {  	[timem:s6], [sflag:s22] =	dma.local [hbm:s4], s20  }
0x9e: {  	_ =	swait.ge [sflag:s22], s20  }
0x9f: {  	s3 =	ssub.s32 $0x0, s20;
	[sflag:s22] =	ssyncset.done $0x0  }
0xa0: {  	[sflag:s22] =	ssyncadd.s32 s3;
	_ =	sdelay $0x1  }
0xa1: {  	s23 =	simm.s32 $0x1B8B  }
0xa2: {  	_ =	swait.ge [sflag:s23], $0x1  }
0xa3: {  	[sflag:s23] =	ssyncset.done $0x0  }
0xa4: {  	s25 =	simm.s32 $0x1B8E;
	s24 =	sld [smem:$0x3FFE];
	[sflag:s23] =	ssyncadd.s32 $0xFFFFFFFF  }
0xa5: {  	s26 =	simm.s32 $execute0_lowered;
	[smem:$0x3FD2] =	sst s25  }
0xa6: {  	s4 =	sshll.u32 s26, $0x1;
	_ =	strace $0x8000004F;
	[dreg:$0x1] =	wrdreg $0xFFFFFFFF  }
0xa7: {  	s28 =	simm.s32 $_size_execute0_lowered;
	s2 =	sadd.s32 s2, s4;
	[dreg:$0x0] =	wrdreg $0x0  }
0xa8: {  	s4 =	sshll.u32 s28, $0x1;
	[dreg:$0x2] =	wrdreg s2  }
0xa9: {  	[dreg:$0x3] =	wrdreg s4  }
0xaa: {  	[dreg:$0x4] =	wrdreg $0xC0  }
0xab: {  	_ =	task [dreg:s6], $0x5FFFF  }
0xac: {  	[dreg:$0x1] =	wrdreg $0xFFFFFFFF  }
0xad: {  	[dreg:$0x0] =	wrdreg $0x60  }
0xae: {  	[dreg:$0x2] =	wrdreg s24  }
0xaf: {  	[dreg:$0x3] =	wrdreg $0x6F000  }
0xb0: {  	[dreg:$0x4] =	wrdreg $0x10F000  }
0xb1: {  	[dreg:$0x5] =	wrdreg $0x9  }
0xb2: {  	_ =	task.clear_ibuf [dreg:s6], $0x6FFFF;
	_ =	strace $0x9000004F  }
0xb3: {  	s29 =	simm.s32 $0x9;
	_ =	strace $0x80000051  }
0xb4: {  	_ =	swait.ge [sflag:s29], $0x1  }
0xb5: {  	[sflag:s29] =	ssyncadd.s32 $0xFFFFFFFF  }
0xb6: {  	_ =	strace $0x90000051  }
0xb7: {  	_ =	sfence  }
0xb8: {  	s30 =	sld [smem:$0x0];
	_ =	sdelay $0x2  }
0xb9: {  	s31 =	sshll.u32 s1, $0xD;
	s1 =	sshrl.u32 s1, $0x2  }
0xba: {  	s3 =	sand.u32 $0x4000, s31;
	s1 =	sadd.s32 s1, s30  }
0xbb: {  	s0 =	sor.u32 s3, s0;
	s1 =	sshll.u32 s1, $0x11  }
0xbc: {  	s0 =	sor.u32 s1, s0  }
0xbd: {  	s0 =	sadd.s32 $0x8F2B, s0  }
0xbe: {  	[sflag:s0] =	ssyncadd.remote.s32 $0x1  }
0xbf: {  	_ =	sfence.sel $0xFFFF  }
0xc0: {  	[dreg:$0x0] =	wrdreg $0xFFFFFFFF;
	(pc) =	sbr.abs _section_cstart, $3  }
0xc1: {  	[dreg:$0x1] =	wrdreg $0xFFFFFFFF  }
0xc2: {  	_ =	task.clear_ibuf [dreg:s6], $0x2FFFF;
	_ =	strace $0x9FFFFFFF  }
0xc3: {  	(tm) =	ssettm $0x7FFFFFFF  }
tec
execute0_lowered:
.L_overlay_start_1:
0x0: {  	(tag) =	ssettag $0x1  }
0x1: {  	s5 =	rddreg [dreg:$0x0]  }
0x2: {  	s2 =	rddreg [dreg:$0x1]  }
0x3: {  	s3 =	rddreg [dreg:$0x2]  }
0x4: {  	s0 =	rddreg [dreg:$0x3];
	s1 =	stileid.u32  }
0x5: {  	s6 =	srdreg.scid;
	s4 =	simm.s32 $0x0;
	s16 =	simm.s32 $0x80  }
0x6: {  	s17 =	simm.s32 $0x4F00;
	s18 =	simm.s32 $0x0;
	s7 =	smul.u32 $0xA000, s1  }
0x7: {  	s6 =	sand.u32 $0x1, s6;
	[smem:$0x7FF] =	sst s4;
	s31 =	sshll.u32 s1, $0x6  }
0x8: {  	s8 =	sshll.u32 s6, $0x4;
	s9 =	smul.u32 $0xA0000, s6;
	_ =	strace $0x80000050  }
0x9: {  	s6 =	ssub.s32 $0x2, s6;
	s8 =	sor.u32 s1, s8;
	s10 =	sshrl.u32 s7, $0x3  }
0xa: {  	s30 =	sshrl.u32 s6, $0x1;
	s14 =	sadd.s32 s7, s2;
	s15 =	sadd.s32 s7, s3  }
0xb: {  	s8 =	smul.u32 $0x4F0, s8;
	s9 =	sadd.s32 s7, s9;
	s10 =	sadd.s32 s10, s5  }
0xc: {  	s13 =	ssub.s32 s6, s30;
	s6 =	sor.u32 $0x1C01, s31;
	s9 =	sshrl.u32 s9, $0x3  }
0xd: {  	s7 =	sadd.s32 $0x25E00, s10;
	s11 =	sadd.s32 s8, s5;
	s12 =	sadd.s32 s9, s5  }
0xe: {  	s5 =	sadd.s32 $0x39E00, s10;
	s8 =	sadd.s32 $0x1C000, s11;
	s9 =	sadd.s32 $0x3200, s11  }
0xf: {  	s10 =	sadd.s32 $0x4DE00, s12;
	s11 =	smax.u32 s13, $0x1;
	s12 =	sshrl.u32 s14, $0x3  }
0x10: {  	s13 =	simm.s32 $0x1;
	s14 =	sshrl.u32 s15, $0x3;
	s15 =	simm.s32 $0x2780  }
.LBB2_1:
0x11: {  	[spmem:s12], [sflag:s6] =	dma.local [hbm:s5], $0x1400  }
0x12: {  	_ =	swait.ge [sflag:s13], $0x1400  }
0x13: {  	[sflag:s13] =	ssyncset.done $0x0  }
0x14: {  	[sflag:s13] =	ssyncadd.s32 $0xFFFFEC00  }
0x15: {  	[spmem:s14], [sflag:s6] =	dma.local [hbm:s7], $0x1400  }
0x16: {  	_ =	swait.ge [sflag:s13], $0x1400  }
0x17: {  	[sflag:s13] =	ssyncset.done $0x0  }
0x18: {  	[sflag:s13] =	ssyncadd.s32 $0xFFFFEC00  }
0x19: {  	[tilespmem:s4], [sflag:$0x1] =	stream.linear.gather [hbm4b:s8+s4], $0x2780, $0x38;
	[tilespmem:$0x1AF00] =	vst v63  }
0x1a: {  	_ =	swait.ge [sflag:s13], $0x2780  }
0x1b: {  	[sflag:s13] =	ssyncset.done $0x0  }
0x1c: {  	[sflag:s13] =	ssyncadd.s32 $0xFFFFD880  }
0x1d: {  	[tilespmem:s15], [sflag:$0x1] =	stream.linear.gather [hbm4b:s9+s4], $0x2780, $0x38;
	[tilespmem:$0x1AF00] =	vst v63  }
0x1e: {  	_ =	swait.ge [sflag:s13], $0x2780  }
0x1f: {  	[sflag:s13] =	ssyncset.done $0x0  }
0x20: {  	[sflag:s13] =	ssyncadd.s32 $0xFFFFD880  }
0x21: {  	s19 =	simm.s32 $0x0;
	[bflag:$0x0] =	sbarrier.arrive $0xFFFF  }
0x22: {  	[tilespmem:s17], [sflag:$0x1] =	stream.indirect.gather [spmem:s3], $0x40, s19, s16, $0xb8;
	[tilespmem:$0x1AF00] =	vst v63  }
0x23: {  	_ =	swait.ge [sflag:s13], $0x2000  }
0x24: {  	[sflag:s13] =	ssyncset.done $0x0  }
0x25: {  	s31 =	simm.s32 $0x2780;
	[sflag:s13] =	ssyncadd.s32 $0xFFFFE000  }
0x26: {  	[spmem:s2] =	stream.indirect.scatter.add.f32 [tilespmem:s17], [sflag:$0x1], $0x40, s31, s16, $0xb8;
	[tilespmem:$0x1AF00] =	vst v63  }
0x27: {  	_ =	swait.ge [sflag:s13], $0x2000  }
0x28: {  	s20 =	simm.s32 $0x400;
	s19 =	simm.s32 $0x200;
	[sflag:s13] =	ssyncset.done $0x0  }
.LBB2_2:
0x29: {  	s21 =	sshra.s32 s19, $0x2  }
0x2a: {  	[sflag:s13] =	ssyncadd.s32 $0xFFFFE000;
	s19 =	smov.u32 s20;
	s22 =	sadd.s32 $0x200, s20  }
0x2b: {  	[tilespmem:s17], [sflag:$0x1] =	stream.indirect.gather [spmem:s3], $0x40, s21, s16, $0xb8;
	[tilespmem:$0x1AF00] =	vst v63  }
0x2c: {  	p0 =	sne.s32 s20, $0x9C00;
	_ =	swait.ge [sflag:s13], $0x2000  }
.Ltmp0:
0x2d: {  	[sflag:s13] =	ssyncset.done $0x0;
	(pc) =	sbr.rel @p0 .LBB2_2-.Ltmp0, $4  }
0x2e: {  	s20 =	sadd.s32 $0x2780, s21;
	[sflag:s13] =	ssyncadd.s32 $0xFFFFE000  }
0x2f: {  	[spmem:s2] =	stream.indirect.scatter.add.f32 [tilespmem:s17], [sflag:$0x1], $0x40, s20, s16, $0xb8;
	[tilespmem:$0x1AF00] =	vst v63  }
0x30: {  	_ =	swait.ge [sflag:s13], $0x2000  }
0x31: {  	s20 =	smov.u32 s22;
	[sflag:s13] =	ssyncset.done $0x0  }
0x32: {  	s19 =	sshra.s32 s19, $0x2;
	[sflag:s13] =	ssyncadd.s32 $0xFFFFE000  }
0x33: {  	[tilespmem:s17], [sflag:$0x1] =	stream.indirect.gather [spmem:s3], $0x40, s19, s16, $0xb8;
	[tilespmem:$0x1AF00] =	vst v63  }
0x34: {  	_ =	swait.ge [sflag:s13], $0x2000  }
0x35: {  	[sflag:s13] =	ssyncset.done $0x0  }
0x36: {  	s19 =	sadd.s32 $0x2780, s19;
	[sflag:s13] =	ssyncadd.s32 $0xFFFFE000  }
0x37: {  	[spmem:s2] =	stream.indirect.scatter.add.f32 [tilespmem:s17], [sflag:$0x1], $0x40, s19, s16, $0xb8;
	[tilespmem:$0x1AF00] =	vst v63  }
0x38: {  	_ =	swait.ge [sflag:s13], $0x2000  }
0x39: {  	s18 =	sadd.s32 $0x1, s18;
	[sflag:s13] =	ssyncset.done $0x0  }
0x3a: {  	p0 =	sne.s32 s18, s11;
	[sflag:s13] =	ssyncadd.s32 $0xFFFFE000  }
.Ltmp1:
0x3b: {  	[bflag:$0x0] =	sbarrier.arrive $0xFFFF;
	(pc) =	sbr.rel @p0 .LBB2_1-.Ltmp1, $4  }
0x3c: {  	[hbm:s10], [sflag:s6] =	dma.local [spmem:s12], $0x1400  }
0x3d: {  	_ =	swait.ge [sflag:s13], $0x1400  }
0x3e: {  	[sflag:s13] =	ssyncset.done $0x0  }
0x3f: {  	[sflag:s13] =	ssyncadd.s32 $0xFFFFEC00  }
0x40: {  	_ =	sfence.sel $0x180000  }
0x41: {  	[bflag:$0x0] =	sbarrier.arrive $0xFFFF  }
0x42: {  	p0 =	sne.s32 s1, $0x0;
	_ =	strace $0x90000050  }
0x43: {  	s0 =	sadd.s32 @!p0 $0x100000, s0;
	[bflag:$0x2] =	sbarrier.arrive $0xFFFF  }
0x44: {  	[sflag:s0] =	ssyncadd.tile.s32 @!p0 $0x1;
	_ =	shalt  }
.Lfunc_end2:
_tile_overlayer_lowered:
.L_overlay_start_2:
0x45: {  	(tag) =	ssettag $0x2  }
0x46: {  	s0 =	rddreg [dreg:$0x0];
	s2 =	stileid.u32  }
0x47: {  	s1 =	rddreg [dreg:$0x1];
	p0 =	sne.s32 s2, $0x0  }
0x48: {  	s3 =	rddreg [dreg:$0x2];
	[bflag:$0x3] =	sbarrier.arrive $0xFFFF;
	s2 =	simm.s32 @!p0 $0x1C01  }
0x49: {  	[timem:s3], [sflag:s2] =	dma.local @!p0 [hbm:s0], s1  }
0x4a: {  	s0 =	simm.s32 @!p0 $0x1  }
0x4b: {  	_ =	swait.ge @!p0 [sflag:s0], s1  }
0x4c: {  	s1 =	ssub.s32 @!p0 $0x0, s1;
	[sflag:s0] =	ssyncset.done @!p0 $0x0  }
0x4d: {  	[sflag:s0] =	ssyncadd.s32 @!p0 s1  }
0x4e: {  	[bflag:$0x3] =	sbarrier.arrive $0xFFFF  }
0x4f: {  	_ =	shalt  }

// kernel: kernel.28.cloned.1.call-start
scs
__scs_entry_jumppad:
0x0: {  	(pc) =	sbr.rel $0x88, $3  }
0x1: {  	(tag) =	ssettag $0x0;
	lr =	simm.s32 $0x1  }
0x2: {  	[smem:$0x3F8F] =	sst lr;
	_ =	strace $0xD0000000  }
0x3: {  	_ = 	snop  }
0x4: {  	_ = 	snop  }
0x5: {  	_ = 	snop  }
0x6: {  	_ = 	snop  }
0x7: {  	_ = 	snop  }
__scs_overlays_trampoline_lowered:
0x8: {  	[smem:$0x3F9E] =	sst s0  }
0x9: {  	[smem:$0x3F9F] =	sst s1  }
0xa: {  	[smem:$0x3FA0] =	sst s2  }
0xb: {  	[smem:$0x3FA1] =	sst s3  }
0xc: {  	[smem:$0x3FA2] =	sst s4  }
0xd: {  	[smem:$0x3FA3] =	sst s5  }
0xe: {  	[smem:$0x3FA4] =	sst s6  }
0xf: {  	[smem:$0x3FA5] =	sst s7  }
0x10: {  	[smem:$0x3FA6] =	sst s8  }
0x11: {  	[smem:$0x3FA7] =	sst s9;
	s0 =	simm.s32 @!p0 $0x0  }
0x12: {  	s1 =	sld [smem:$0x3F8D];
	s0 =	simm.s32 @p0 $0x1  }
0x13: {  	[smem:$0x3FA8] =	sst s0;
	s0 =	simm.s32 @!p1 $0x0  }
0x14: {  	s2 =	sld [smem:$0x3F8C];
	s0 =	simm.s32 @p1 $0x1  }
0x15: {  	[smem:$0x3FA9] =	sst s0;
	s0 =	simm.s32 @!p2 $0x0  }
0x16: {  	s3 =	sld [smem:$0x3FDB];
	s0 =	simm.s32 @p2 $0x1  }
0x17: {  	s4 =	simm.s32 $0x1BF5;
	[smem:$0x3FAB] =	sst s0  }
0x18: {  	s0 =	sld [smem:$0x3F8E];
	_ =	swait.ge [sflag:s4], $0x0  }
0x19: {  	s7 =	sld [smem:$0x3F8F]  }
0x1a: {  	s8 =	sadd.s32 $0xFFFFE003, lr  }
0x1b: {  	s9 =	sadd.s32 $0xFFFFFEF7, lr;
	s5 =	simm.s32 $0xFFFFFFFF;
	p2 =	slt.u32 s8, $0xFFFFF086  }
0x1c: {  	p1 =	slt.u32 s9, $0xF7A;
	s5 =	simm.s32 @!p2 $0x0  }
0x1d: {  	s5 =	simm.s32 @p1 $0x1;
	p0 =	seq.s32 s7, s2  }
0x1e: {  	s7 =	smul.u32 @!p0 $0xF7A, s2;
	p2 =	seq.s32 @!p0 s5, $0x0  }
0x1f: {  	s9 =	smul.u32 $0xF7A, s1;
	s8 =	simm.s32 @!p0 $0x1BF5;
	p2 =	por !p2, p0  }
0x20: {  	[sflag:s8] =	ssyncset.s32 @!p0 $0xFFFFF086;
	s6 =	sadd.s32 @!p0 s3, s7;
	s7 =	simm.s32 @!p0 $0x108  }
0x21: {  	s3 =	sadd.s32 s3, s9;
	s6 =	sadd.s32 @!p0 $0x88, s6;
	s7 =	simm.s32 @p2 $0x1082  }
0x22: {  	[simem:s7], [sflag:s8] =	dma.local @!p0 [hbm:s6], $0xF7A  }
0x23: {  	s9 =	sor.u32 $0xD0000000, s2;
	s6 =	simm.s32 $0x108;
	_ =	swait.ge @!p0 [sflag:s8], $0x0  }
0x24: {  	s3 =	sadd.s32 $0x88, s3;
	s6 =	simm.s32 @!p1 $0x1082;
	[sflag:s4] =	ssyncset.s32 $0xFFFFF086  }
0x25: {  	[simem:s6], [sflag:s4] =	dma.local [hbm:s3], $0xF7A  }
0x26: {  	[smem:$0x3F8F] =	sst s1;
	(tag) =	ssettag s2;
	_ =	strace s9  }
0x27: {  	s1 =	sld [smem:$0x3F9F]  }
0x28: {  	s2 =	sld [smem:$0x3FA0]  }
0x29: {  	s4 =	sld [smem:$0x3FA2]  }
0x2a: {  	p0 =	seq.s32 s5, $0x0;
	s5 =	sld [smem:$0x3FA3]  }
0x2b: {  	s6 =	sld [smem:$0x3FA4]  }
0x2c: {  	s7 =	sld [smem:$0x3FA5]  }
0x2d: {  	s3 =	simm.s32 $0x108;
	s8 =	sld [smem:$0x3FA6]  }
0x2e: {  	s3 =	simm.s32 @!p0 $0x1082;
	s9 =	sld [smem:$0x3FA7]  }
0x2f: {  	lr =	sadd.s32 s0, s3;
	s0 =	sld [smem:$0x3F9E]  }
0x30: {  	s3 =	sld [smem:$0x3FA1]  }
0x31: {  	[smem:$0x3FAA] =	sst s10  }
0x32: {  	s10 =	sld [smem:$0x3FA8];
	_ =	sdelay $0x3  }
0x33: {  	p0 =	seq.s32 s10, $0x1;
	s10 =	sld [smem:$0x3FAA];
	_ =	sdelay $0x3  }
0x34: {  	[smem:$0x3FAA] =	sst s10  }
0x35: {  	s10 =	sld [smem:$0x3FA9];
	_ =	sdelay $0x3  }
0x36: {  	p1 =	seq.s32 s10, $0x1;
	s10 =	sld [smem:$0x3FAA];
	_ =	sdelay $0x3  }
0x37: {  	[smem:$0x3FAA] =	sst s10  }
0x38: {  	s10 =	sld [smem:$0x3FAB]  }
0x39: {  	_ = 	snop;
	(pc) =	sbr.ind lr, $3  }
0x3a: {  	_ = 	snop  }
0x3b: {  	_ = 	snop  }
0x3c: {  	p2 =	seq.s32 s10, $0x1;
	s10 =	sld [smem:$0x3FAA]  }
0x3d: {  	_ =	shalt  }
0x3e: {  	_ =	shalt  }
0x3f: {  	_ =	shalt  }
0x40: {  	_ =	shalt  }
0x41: {  	_ =	shalt  }
0x42: {  	_ =	shalt  }
0x43: {  	_ =	shalt  }
0x44: {  	_ =	shalt  }
0x45: {  	_ =	shalt  }
0x46: {  	_ =	shalt  }
0x47: {  	_ =	shalt  }
0x48: {  	_ =	shalt  }
0x49: {  	_ =	shalt  }
0x4a: {  	_ =	shalt  }
0x4b: {  	_ =	shalt  }
0x4c: {  	_ =	shalt  }
0x4d: {  	_ =	shalt  }
0x4e: {  	_ =	shalt  }
0x4f: {  	_ =	shalt  }
0x50: {  	_ =	shalt  }
0x51: {  	_ =	shalt  }
0x52: {  	_ =	shalt  }
0x53: {  	_ =	shalt  }
0x54: {  	_ =	shalt  }
0x55: {  	_ =	shalt  }
0x56: {  	_ =	shalt  }
0x57: {  	_ =	shalt  }
0x58: {  	_ =	shalt  }
0x59: {  	_ =	shalt  }
0x5a: {  	_ =	shalt  }
0x5b: {  	_ =	shalt  }
0x5c: {  	_ =	shalt  }
0x5d: {  	_ =	shalt  }
0x5e: {  	_ =	shalt  }
0x5f: {  	_ =	shalt  }
0x60: {  	_ =	shalt  }
0x61: {  	_ =	shalt  }
0x62: {  	_ =	shalt  }
0x63: {  	_ =	shalt  }
0x64: {  	_ =	shalt  }
0x65: {  	_ =	shalt  }
0x66: {  	_ =	shalt  }
0x67: {  	_ =	shalt  }
0x68: {  	_ =	shalt  }
0x69: {  	_ =	shalt  }
0x6a: {  	_ =	shalt  }
0x6b: {  	_ =	shalt  }
0x6c: {  	_ =	shalt  }
0x6d: {  	_ =	shalt  }
0x6e: {  	_ =	shalt  }
0x6f: {  	_ =	shalt  }
0x70: {  	_ =	shalt  }
0x71: {  	_ =	shalt  }
0x72: {  	_ =	shalt  }
0x73: {  	_ =	shalt  }
0x74: {  	_ =	shalt  }
0x75: {  	_ =	shalt  }
0x76: {  	_ =	shalt  }
0x77: {  	_ =	shalt  }
0x78: {  	_ =	shalt  }
0x79: {  	_ =	shalt  }
0x7a: {  	_ =	shalt  }
0x7b: {  	_ =	shalt  }
0x7c: {  	_ =	shalt  }
0x7d: {  	_ =	shalt  }
0x7e: {  	_ =	shalt  }
0x7f: {  	_ =	shalt  }
0x80: {  	_ =	shalt  }
0x81: {  	_ =	shalt  }
0x82: {  	_ =	shalt  }
0x83: {  	_ =	shalt  }
0x84: {  	_ =	shalt  }
0x85: {  	_ =	shalt  }
0x86: {  	_ =	shalt  }
0x87: {  	_ =	shalt  }
.Lfunc_end0:
.L_simem_size_0:
called_computation.4_lowered:
.L_overlay_start_0:
0x88: {  	s2 =	sld [smem:$0x3FD9]  }
0x89: {  	s3 =	sld [smem:$0x3FFE];
	_ =	sdelay $0x1  }
0x8a: {  	s1 =	srdreg.scid  }
0x8b: {  	s0 =	sand.u32 $0x1, s1  }
0x8c: {  	s16 =	sshll.u32 s0, $0xA;
	s2 =	sadd.s32 s3, s2  }
0x8d: {  	s2 =	sadd.s32 s2, s16  }
0x8e: {  	[smem:$0x3FB6] =	sst s2  }
0x8f: {  	_ = 	snop  }
0x90: {  	(tm) =	ssettm $0x1  }
0x91: {  	s17 =	sld [smem:$0x3FFB];
	_ =	sdelay $0x3  }
0x92: {  	_ =	strace s17  }
0x93: {  	s2 =	sld [smem:$0x3FFC];
	_ =	sdelay $0x3  }
0x94: {  	_ =	strace s2  }
0x95: {  	s2 =	sld [smem:$0x3FFD];
	_ =	sdelay $0x3  }
0x96: {  	_ =	strace s2  }
0x97: {  	_ =	strace $0x8FFFFFFF  }
0x98: {  	s18 =	sld [smem:$0x3FDB];
	_ =	sdelay $0x1  }
0x99: {  	s19 =	simm.s32 $_scs_section_size  }
0x9a: {  	s4 =	simm.s32 $_size__tile_overlayer_lowered;
	s5 =	simm.s32 $_tile_overlayer_lowered  }
0x9b: {  	s22 =	simm.s32 $0x1BFF;
	s21 =	sshll.u32 s5, $0x1;
	s2 =	sadd.s32 s19, s18  }
0x9c: {  	s6 =	simm.s32 $0x0;
	s20 =	sshll.u32 s4, $0x1;
	s4 =	sadd.s32 s21, s2  }
0x9d: {  	[timem:s6], [sflag:s22] =	dma.local [hbm:s4], s20  }
0x9e: {  	_ =	swait.ge [sflag:s22], s20  }
0x9f: {  	s3 =	ssub.s32 $0x0, s20;
	[sflag:s22] =	ssyncset.done $0x0  }
0xa0: {  	[sflag:s22] =	ssyncadd.s32 s3;
	_ =	sdelay $0x1  }
0xa1: {  	s23 =	simm.s32 $0x1B8B  }
0xa2: {  	_ =	swait.ge [sflag:s23], $0x1  }
0xa3: {  	[sflag:s23] =	ssyncset.done $0x0  }
0xa4: {  	s25 =	simm.s32 $0x1B8E;
	s24 =	sld [smem:$0x3FFE];
	[sflag:s23] =	ssyncadd.s32 $0xFFFFFFFF  }
0xa5: {  	s26 =	simm.s32 $execute0_lowered;
	[smem:$0x3FD2] =	sst s25  }
0xa6: {  	s4 =	sshll.u32 s26, $0x1;
	_ =	strace $0x80000052;
	[dreg:$0x1] =	wrdreg $0xFFFFFFFF  }
0xa7: {  	s28 =	simm.s32 $_size_execute0_lowered;
	s2 =	sadd.s32 s2, s4;
	[dreg:$0x0] =	wrdreg $0x0  }
0xa8: {  	s4 =	sshll.u32 s28, $0x1;
	[dreg:$0x2] =	wrdreg s2  }
0xa9: {  	[dreg:$0x3] =	wrdreg s4  }
0xaa: {  	[dreg:$0x4] =	wrdreg $0xC0  }
0xab: {  	_ =	task [dreg:s6], $0x5FFFF  }
0xac: {  	[dreg:$0x1] =	wrdreg $0xFFFFFFFF  }
0xad: {  	[dreg:$0x0] =	wrdreg $0x60  }
0xae: {  	[dreg:$0x2] =	wrdreg s24  }
0xaf: {  	[dreg:$0x3] =	wrdreg $0x6F000  }
0xb0: {  	[dreg:$0x4] =	wrdreg $0x10F000  }
0xb1: {  	[dreg:$0x5] =	wrdreg $0x9  }
0xb2: {  	_ =	task.clear_ibuf [dreg:s6], $0x6FFFF;
	_ =	strace $0x90000052  }
0xb3: {  	s29 =	simm.s32 $0x9;
	_ =	strace $0x80000054  }
0xb4: {  	_ =	swait.ge [sflag:s29], $0x1  }
0xb5: {  	[sflag:s29] =	ssyncadd.s32 $0xFFFFFFFF  }
0xb6: {  	_ =	strace $0x90000054  }
0xb7: {  	_ =	sfence  }
0xb8: {  	s30 =	sld [smem:$0x0];
	_ =	sdelay $0x2  }
0xb9: {  	s31 =	sshll.u32 s1, $0xD;
	s1 =	sshrl.u32 s1, $0x2  }
0xba: {  	s3 =	sand.u32 $0x4000, s31;
	s1 =	sadd.s32 s1, s30  }
0xbb: {  	s0 =	sor.u32 s3, s0;
	s1 =	sshll.u32 s1, $0x11  }
0xbc: {  	s0 =	sor.u32 s1, s0  }
0xbd: {  	s0 =	sadd.s32 $0x8F2B, s0  }
0xbe: {  	[sflag:s0] =	ssyncadd.remote.s32 $0x1  }
0xbf: {  	_ =	sfence.sel $0xFFFF  }
0xc0: {  	[dreg:$0x0] =	wrdreg $0xFFFFFFFF;
	(pc) =	sbr.abs _section_cstart, $3  }
0xc1: {  	[dreg:$0x1] =	wrdreg $0xFFFFFFFF  }
0xc2: {  	_ =	task.clear_ibuf [dreg:s6], $0x2FFFF;
	_ =	strace $0x9FFFFFFF  }
0xc3: {  	(tm) =	ssettm $0x7FFFFFFF  }
tec
execute0_lowered:
.L_overlay_start_1:
0x0: {  	(tag) =	ssettag $0x1  }
0x1: {  	s5 =	rddreg [dreg:$0x0]  }
0x2: {  	s2 =	rddreg [dreg:$0x1]  }
0x3: {  	s3 =	rddreg [dreg:$0x2]  }
0x4: {  	s0 =	rddreg [dreg:$0x3];
	s1 =	stileid.u32  }
0x5: {  	s6 =	srdreg.scid;
	s4 =	simm.s32 $0x0;
	s16 =	simm.s32 $0x80  }
0x6: {  	s17 =	simm.s32 $0x4F00;
	s18 =	simm.s32 $0x0;
	s7 =	smul.u32 $0xA000, s1  }
0x7: {  	s6 =	sand.u32 $0x1, s6;
	[smem:$0x7FF] =	sst s4;
	s31 =	sshll.u32 s1, $0x6  }
0x8: {  	s8 =	sshll.u32 s6, $0x4;
	s9 =	smul.u32 $0xA0000, s6;
	_ =	strace $0x80000053  }
0x9: {  	s6 =	ssub.s32 $0x2, s6;
	s8 =	sor.u32 s1, s8;
	s10 =	sshrl.u32 s7, $0x3  }
0xa: {  	s30 =	sshrl.u32 s6, $0x1;
	s14 =	sadd.s32 s7, s2;
	s15 =	sadd.s32 s7, s3  }
0xb: {  	s8 =	smul.u32 $0x4F0, s8;
	s9 =	sadd.s32 s7, s9;
	s10 =	sadd.s32 s10, s5  }
0xc: {  	s13 =	ssub.s32 s6, s30;
	s6 =	sor.u32 $0x1C01, s31;
	s9 =	sshrl.u32 s9, $0x3  }
0xd: {  	s7 =	sadd.s32 $0x25E00, s10;
	s11 =	sadd.s32 s8, s5;
	s12 =	sadd.s32 s9, s5  }
0xe: {  	s5 =	sadd.s32 $0x39E00, s10;
	s8 =	sadd.s32 $0x1C000, s11;
	s9 =	sadd.s32 $0x3200, s11  }
0xf: {  	s10 =	sadd.s32 $0x4DE00, s12;
	s11 =	smax.u32 s13, $0x1;
	s12 =	sshrl.u32 s14, $0x3  }
0x10: {  	s13 =	simm.s32 $0x1;
	s14 =	sshrl.u32 s15, $0x3;
	s15 =	simm.s32 $0x2780  }
.LBB2_1:
0x11: {  	[spmem:s12], [sflag:s6] =	dma.local [hbm:s5], $0x1400  }
0x12: {  	_ =	swait.ge [sflag:s13], $0x1400  }
0x13: {  	[sflag:s13] =	ssyncset.done $0x0  }
0x14: {  	[sflag:s13] =	ssyncadd.s32 $0xFFFFEC00  }
0x15: {  	[spmem:s14], [sflag:s6] =	dma.local [hbm:s7], $0x1400  }
0x16: {  	_ =	swait.ge [sflag:s13], $0x1400  }
0x17: {  	[sflag:s13] =	ssyncset.done $0x0  }
0x18: {  	[sflag:s13] =	ssyncadd.s32 $0xFFFFEC00  }
0x19: {  	[tilespmem:s4], [sflag:$0x1] =	stream.linear.gather [hbm4b:s8+s4], $0x2780, $0x38;
	[tilespmem:$0x1AF00] =	vst v63  }
0x1a: {  	_ =	swait.ge [sflag:s13], $0x2780  }
0x1b: {  	[sflag:s13] =	ssyncset.done $0x0  }
0x1c: {  	[sflag:s13] =	ssyncadd.s32 $0xFFFFD880  }
0x1d: {  	[tilespmem:s15], [sflag:$0x1] =	stream.linear.gather [hbm4b:s9+s4], $0x2780, $0x38;
	[tilespmem:$0x1AF00] =	vst v63  }
0x1e: {  	_ =	swait.ge [sflag:s13], $0x2780  }
0x1f: {  	[sflag:s13] =	ssyncset.done $0x0  }
0x20: {  	[sflag:s13] =	ssyncadd.s32 $0xFFFFD880  }
0x21: {  	s19 =	simm.s32 $0x0;
	[bflag:$0x0] =	sbarrier.arrive $0xFFFF  }
0x22: {  	[tilespmem:s17], [sflag:$0x1] =	stream.indirect.gather [spmem:s3], $0x40, s19, s16, $0xb8;
	[tilespmem:$0x1AF00] =	vst v63  }
0x23: {  	_ =	swait.ge [sflag:s13], $0x2000  }
0x24: {  	[sflag:s13] =	ssyncset.done $0x0  }
0x25: {  	s31 =	simm.s32 $0x2780;
	[sflag:s13] =	ssyncadd.s32 $0xFFFFE000  }
0x26: {  	[spmem:s2] =	stream.indirect.scatter.add.f32 [tilespmem:s17], [sflag:$0x1], $0x40, s31, s16, $0xb8;
	[tilespmem:$0x1AF00] =	vst v63  }
0x27: {  	_ =	swait.ge [sflag:s13], $0x2000  }
0x28: {  	s20 =	simm.s32 $0x400;
	s19 =	simm.s32 $0x200;
	[sflag:s13] =	ssyncset.done $0x0  }
.LBB2_2:
0x29: {  	s21 =	sshra.s32 s19, $0x2  }
0x2a: {  	[sflag:s13] =	ssyncadd.s32 $0xFFFFE000;
	s19 =	smov.u32 s20;
	s22 =	sadd.s32 $0x200, s20  }
0x2b: {  	[tilespmem:s17], [sflag:$0x1] =	stream.indirect.gather [spmem:s3], $0x40, s21, s16, $0xb8;
	[tilespmem:$0x1AF00] =	vst v63  }
0x2c: {  	p0 =	sne.s32 s20, $0x9C00;
	_ =	swait.ge [sflag:s13], $0x2000  }
.Ltmp0:
0x2d: {  	[sflag:s13] =	ssyncset.done $0x0;
	(pc) =	sbr.rel @p0 .LBB2_2-.Ltmp0, $4  }
0x2e: {  	s20 =	sadd.s32 $0x2780, s21;
	[sflag:s13] =	ssyncadd.s32 $0xFFFFE000  }
0x2f: {  	[spmem:s2] =	stream.indirect.scatter.add.f32 [tilespmem:s17], [sflag:$0x1], $0x40, s20, s16, $0xb8;
	[tilespmem:$0x1AF00] =	vst v63  }
0x30: {  	_ =	swait.ge [sflag:s13], $0x2000  }
0x31: {  	s20 =	smov.u32 s22;
	[sflag:s13] =	ssyncset.done $0x0  }
0x32: {  	s19 =	sshra.s32 s19, $0x2;
	[sflag:s13] =	ssyncadd.s32 $0xFFFFE000  }
0x33: {  	[tilespmem:s17], [sflag:$0x1] =	stream.indirect.gather [spmem:s3], $0x40, s19, s16, $0xb8;
	[tilespmem:$0x1AF00] =	vst v63  }
0x34: {  	_ =	swait.ge [sflag:s13], $0x2000  }
0x35: {  	[sflag:s13] =	ssyncset.done $0x0  }
0x36: {  	s19 =	sadd.s32 $0x2780, s19;
	[sflag:s13] =	ssyncadd.s32 $0xFFFFE000  }
0x37: {  	[spmem:s2] =	stream.indirect.scatter.add.f32 [tilespmem:s17], [sflag:$0x1], $0x40, s19, s16, $0xb8;
	[tilespmem:$0x1AF00] =	vst v63  }
0x38: {  	_ =	swait.ge [sflag:s13], $0x2000  }
0x39: {  	s18 =	sadd.s32 $0x1, s18;
	[sflag:s13] =	ssyncset.done $0x0  }
0x3a: {  	p0 =	sne.s32 s18, s11;
	[sflag:s13] =	ssyncadd.s32 $0xFFFFE000  }
.Ltmp1:
0x3b: {  	[bflag:$0x0] =	sbarrier.arrive $0xFFFF;
	(pc) =	sbr.rel @p0 .LBB2_1-.Ltmp1, $4  }
0x3c: {  	[hbm:s10], [sflag:s6] =	dma.local [spmem:s12], $0x1400  }
0x3d: {  	_ =	swait.ge [sflag:s13], $0x1400  }
0x3e: {  	[sflag:s13] =	ssyncset.done $0x0  }
0x3f: {  	[sflag:s13] =	ssyncadd.s32 $0xFFFFEC00  }
0x40: {  	_ =	sfence.sel $0x180000  }
0x41: {  	[bflag:$0x0] =	sbarrier.arrive $0xFFFF  }
0x42: {  	p0 =	sne.s32 s1, $0x0;
	_ =	strace $0x90000053  }
0x43: {  	s0 =	sadd.s32 @!p0 $0x100000, s0;
	[bflag:$0x2] =	sbarrier.arrive $0xFFFF  }
0x44: {  	[sflag:s0] =	ssyncadd.tile.s32 @!p0 $0x1;
	_ =	shalt  }
.Lfunc_end2:
_tile_overlayer_lowered:
.L_overlay_start_2:
0x45: {  	(tag) =	ssettag $0x2  }
0x46: {  	s0 =	rddreg [dreg:$0x0];
	s2 =	stileid.u32  }
0x47: {  	s1 =	rddreg [dreg:$0x1];
	p0 =	sne.s32 s2, $0x0  }
0x48: {  	s3 =	rddreg [dreg:$0x2];
	[bflag:$0x3] =	sbarrier.arrive $0xFFFF;
	s2 =	simm.s32 @!p0 $0x1C01  }
0x49: {  	[timem:s3], [sflag:s2] =	dma.local @!p0 [hbm:s0], s1  }
0x4a: {  	s0 =	simm.s32 @!p0 $0x1  }
0x4b: {  	_ =	swait.ge @!p0 [sflag:s0], s1  }
0x4c: {  	s1 =	ssub.s32 @!p0 $0x0, s1;
	[sflag:s0] =	ssyncset.done @!p0 $0x0  }
0x4d: {  	[sflag:s0] =	ssyncadd.s32 @!p0 s1  }
0x4e: {  	[bflag:$0x3] =	sbarrier.arrive $0xFFFF  }
0x4f: {  	_ =	shalt  }

// kernel: kernel.31.cloned.1.call-start
scs
__scs_entry_jumppad:
0x0: {  	(pc) =	sbr.rel $0x88, $3  }
0x1: {  	(tag) =	ssettag $0x0;
	lr =	simm.s32 $0x1  }
0x2: {  	[smem:$0x3F8F] =	sst lr;
	_ =	strace $0xD0000000  }
0x3: {  	_ = 	snop  }
0x4: {  	_ = 	snop  }
0x5: {  	_ = 	snop  }
0x6: {  	_ = 	snop  }
0x7: {  	_ = 	snop  }
__scs_overlays_trampoline_lowered:
0x8: {  	[smem:$0x3F9E] =	sst s0  }
0x9: {  	[smem:$0x3F9F] =	sst s1  }
0xa: {  	[smem:$0x3FA0] =	sst s2  }
0xb: {  	[smem:$0x3FA1] =	sst s3  }
0xc: {  	[smem:$0x3FA2] =	sst s4  }
0xd: {  	[smem:$0x3FA3] =	sst s5  }
0xe: {  	[smem:$0x3FA4] =	sst s6  }
0xf: {  	[smem:$0x3FA5] =	sst s7  }
0x10: {  	[smem:$0x3FA6] =	sst s8  }
0x11: {  	[smem:$0x3FA7] =	sst s9;
	s0 =	simm.s32 @!p0 $0x0  }
0x12: {  	s1 =	sld [smem:$0x3F8D];
	s0 =	simm.s32 @p0 $0x1  }
0x13: {  	[smem:$0x3FA8] =	sst s0;
	s0 =	simm.s32 @!p1 $0x0  }
0x14: {  	s2 =	sld [smem:$0x3F8C];
	s0 =	simm.s32 @p1 $0x1  }
0x15: {  	[smem:$0x3FA9] =	sst s0;
	s0 =	simm.s32 @!p2 $0x0  }
0x16: {  	s3 =	sld [smem:$0x3FDB];
	s0 =	simm.s32 @p2 $0x1  }
0x17: {  	s4 =	simm.s32 $0x1BF5;
	[smem:$0x3FAB] =	sst s0  }
0x18: {  	s0 =	sld [smem:$0x3F8E];
	_ =	swait.ge [sflag:s4], $0x0  }
0x19: {  	s7 =	sld [smem:$0x3F8F]  }
0x1a: {  	s8 =	sadd.s32 $0xFFFFE003, lr  }
0x1b: {  	s9 =	sadd.s32 $0xFFFFFEF7, lr;
	s5 =	simm.s32 $0xFFFFFFFF;
	p2 =	slt.u32 s8, $0xFFFFF086  }
0x1c: {  	p1 =	slt.u32 s9, $0xF7A;
	s5 =	simm.s32 @!p2 $0x0  }
0x1d: {  	s5 =	simm.s32 @p1 $0x1;
	p0 =	seq.s32 s7, s2  }
0x1e: {  	s7 =	smul.u32 @!p0 $0xF7A, s2;
	p2 =	seq.s32 @!p0 s5, $0x0  }
0x1f: {  	s9 =	smul.u32 $0xF7A, s1;
	s8 =	simm.s32 @!p0 $0x1BF5;
	p2 =	por !p2, p0  }
0x20: {  	[sflag:s8] =	ssyncset.s32 @!p0 $0xFFFFF086;
	s6 =	sadd.s32 @!p0 s3, s7;
	s7 =	simm.s32 @!p0 $0x108  }
0x21: {  	s3 =	sadd.s32 s3, s9;
	s6 =	sadd.s32 @!p0 $0x88, s6;
	s7 =	simm.s32 @p2 $0x1082  }
0x22: {  	[simem:s7], [sflag:s8] =	dma.local @!p0 [hbm:s6], $0xF7A  }
0x23: {  	s9 =	sor.u32 $0xD0000000, s2;
	s6 =	simm.s32 $0x108;
	_ =	swait.ge @!p0 [sflag:s8], $0x0  }
0x24: {  	s3 =	sadd.s32 $0x88, s3;
	s6 =	simm.s32 @!p1 $0x1082;
	[sflag:s4] =	ssyncset.s32 $0xFFFFF086  }
0x25: {  	[simem:s6], [sflag:s4] =	dma.local [hbm:s3], $0xF7A  }
0x26: {  	[smem:$0x3F8F] =	sst s1;
	(tag) =	ssettag s2;
	_ =	strace s9  }
0x27: {  	s1 =	sld [smem:$0x3F9F]  }
0x28: {  	s2 =	sld [smem:$0x3FA0]  }
0x29: {  	s4 =	sld [smem:$0x3FA2]  }
0x2a: {  	p0 =	seq.s32 s5, $0x0;
	s5 =	sld [smem:$0x3FA3]  }
0x2b: {  	s6 =	sld [smem:$0x3FA4]  }
0x2c: {  	s7 =	sld [smem:$0x3FA5]  }
0x2d: {  	s3 =	simm.s32 $0x108;
	s8 =	sld [smem:$0x3FA6]  }
0x2e: {  	s3 =	simm.s32 @!p0 $0x1082;
	s9 =	sld [smem:$0x3FA7]  }
0x2f: {  	lr =	sadd.s32 s0, s3;
	s0 =	sld [smem:$0x3F9E]  }
0x30: {  	s3 =	sld [smem:$0x3FA1]  }
0x31: {  	[smem:$0x3FAA] =	sst s10  }
0x32: {  	s10 =	sld [smem:$0x3FA8];
	_ =	sdelay $0x3  }
0x33: {  	p0 =	seq.s32 s10, $0x1;
	s10 =	sld [smem:$0x3FAA];
	_ =	sdelay $0x3  }
0x34: {  	[smem:$0x3FAA] =	sst s10  }
0x35: {  	s10 =	sld [smem:$0x3FA9];
	_ =	sdelay $0x3  }
0x36: {  	p1 =	seq.s32 s10, $0x1;
	s10 =	sld [smem:$0x3FAA];
	_ =	sdelay $0x3  }
0x37: {  	[smem:$0x3FAA] =	sst s10  }
0x38: {  	s10 =	sld [smem:$0x3FAB]  }
0x39: {  	_ = 	snop;
	(pc) =	sbr.ind lr, $3  }
0x3a: {  	_ = 	snop  }
0x3b: {  	_ = 	snop  }
0x3c: {  	p2 =	seq.s32 s10, $0x1;
	s10 =	sld [smem:$0x3FAA]  }
0x3d: {  	_ =	shalt  }
0x3e: {  	_ =	shalt  }
0x3f: {  	_ =	shalt  }
0x40: {  	_ =	shalt  }
0x41: {  	_ =	shalt  }
0x42: {  	_ =	shalt  }
0x43: {  	_ =	shalt  }
0x44: {  	_ =	shalt  }
0x45: {  	_ =	shalt  }
0x46: {  	_ =	shalt  }
0x47: {  	_ =	shalt  }
0x48: {  	_ =	shalt  }
0x49: {  	_ =	shalt  }
0x4a: {  	_ =	shalt  }
0x4b: {  	_ =	shalt  }
0x4c: {  	_ =	shalt  }
0x4d: {  	_ =	shalt  }
0x4e: {  	_ =	shalt  }
0x4f: {  	_ =	shalt  }
0x50: {  	_ =	shalt  }
0x51: {  	_ =	shalt  }
0x52: {  	_ =	shalt  }
0x53: {  	_ =	shalt  }
0x54: {  	_ =	shalt  }
0x55: {  	_ =	shalt  }
0x56: {  	_ =	shalt  }
0x57: {  	_ =	shalt  }
0x58: {  	_ =	shalt  }
0x59: {  	_ =	shalt  }
0x5a: {  	_ =	shalt  }
0x5b: {  	_ =	shalt  }
0x5c: {  	_ =	shalt  }
0x5d: {  	_ =	shalt  }
0x5e: {  	_ =	shalt  }
0x5f: {  	_ =	shalt  }
0x60: {  	_ =	shalt  }
0x61: {  	_ =	shalt  }
0x62: {  	_ =	shalt  }
0x63: {  	_ =	shalt  }
0x64: {  	_ =	shalt  }
0x65: {  	_ =	shalt  }
0x66: {  	_ =	shalt  }
0x67: {  	_ =	shalt  }
0x68: {  	_ =	shalt  }
0x69: {  	_ =	shalt  }
0x6a: {  	_ =	shalt  }
0x6b: {  	_ =	shalt  }
0x6c: {  	_ =	shalt  }
0x6d: {  	_ =	shalt  }
0x6e: {  	_ =	shalt  }
0x6f: {  	_ =	shalt  }
0x70: {  	_ =	shalt  }
0x71: {  	_ =	shalt  }
0x72: {  	_ =	shalt  }
0x73: {  	_ =	shalt  }
0x74: {  	_ =	shalt  }
0x75: {  	_ =	shalt  }
0x76: {  	_ =	shalt  }
0x77: {  	_ =	shalt  }
0x78: {  	_ =	shalt  }
0x79: {  	_ =	shalt  }
0x7a: {  	_ =	shalt  }
0x7b: {  	_ =	shalt  }
0x7c: {  	_ =	shalt  }
0x7d: {  	_ =	shalt  }
0x7e: {  	_ =	shalt  }
0x7f: {  	_ =	shalt  }
0x80: {  	_ =	shalt  }
0x81: {  	_ =	shalt  }
0x82: {  	_ =	shalt  }
0x83: {  	_ =	shalt  }
0x84: {  	_ =	shalt  }
0x85: {  	_ =	shalt  }
0x86: {  	_ =	shalt  }
0x87: {  	_ =	shalt  }
.Lfunc_end0:
.L_simem_size_0:
called_computation.5_lowered:
.L_overlay_start_0:
0x88: {  	s2 =	sld [smem:$0x3FD9]  }
0x89: {  	s3 =	sld [smem:$0x3FFE];
	_ =	sdelay $0x1  }
0x8a: {  	s1 =	srdreg.scid  }
0x8b: {  	s0 =	sand.u32 $0x1, s1  }
0x8c: {  	s16 =	sshll.u32 s0, $0xA;
	s2 =	sadd.s32 s3, s2  }
0x8d: {  	s2 =	sadd.s32 s2, s16  }
0x8e: {  	[smem:$0x3FB6] =	sst s2  }
0x8f: {  	_ = 	snop  }
0x90: {  	(tm) =	ssettm $0x1  }
0x91: {  	s17 =	sld [smem:$0x3FFB];
	_ =	sdelay $0x3  }
0x92: {  	_ =	strace s17  }
0x93: {  	s2 =	sld [smem:$0x3FFC];
	_ =	sdelay $0x3  }
0x94: {  	_ =	strace s2  }
0x95: {  	s2 =	sld [smem:$0x3FFD];
	_ =	sdelay $0x3  }
0x96: {  	_ =	strace s2  }
0x97: {  	_ =	strace $0x8FFFFFFF  }
0x98: {  	s18 =	sld [smem:$0x3FDB];
	_ =	sdelay $0x1  }
0x99: {  	s19 =	simm.s32 $_scs_section_size  }
0x9a: {  	s4 =	simm.s32 $_size__tile_overlayer_lowered;
	s5 =	simm.s32 $_tile_overlayer_lowered  }
0x9b: {  	s22 =	simm.s32 $0x1BFF;
	s21 =	sshll.u32 s5, $0x1;
	s2 =	sadd.s32 s19, s18  }
0x9c: {  	s6 =	simm.s32 $0x0;
	s20 =	sshll.u32 s4, $0x1;
	s4 =	sadd.s32 s21, s2  }
0x9d: {  	[timem:s6], [sflag:s22] =	dma.local [hbm:s4], s20  }
0x9e: {  	_ =	swait.ge [sflag:s22], s20  }
0x9f: {  	s3 =	ssub.s32 $0x0, s20;
	[sflag:s22] =	ssyncset.done $0x0  }
0xa0: {  	[sflag:s22] =	ssyncadd.s32 s3;
	_ =	sdelay $0x1  }
0xa1: {  	s23 =	simm.s32 $0x1B8B  }
0xa2: {  	_ =	swait.ge [sflag:s23], $0x1  }
0xa3: {  	[sflag:s23] =	ssyncset.done $0x0  }
0xa4: {  	s25 =	simm.s32 $0x1B8E;
	s24 =	sld [smem:$0x3FFE];
	[sflag:s23] =	ssyncadd.s32 $0xFFFFFFFF  }
0xa5: {  	s26 =	simm.s32 $execute0_lowered;
	[smem:$0x3FD2] =	sst s25  }
0xa6: {  	s4 =	sshll.u32 s26, $0x1;
	_ =	strace $0x80000055;
	[dreg:$0x1] =	wrdreg $0xFFFFFFFF  }
0xa7: {  	s28 =	simm.s32 $_size_execute0_lowered;
	s2 =	sadd.s32 s2, s4;
	[dreg:$0x0] =	wrdreg $0x0  }
0xa8: {  	s4 =	sshll.u32 s28, $0x1;
	[dreg:$0x2] =	wrdreg s2  }
0xa9: {  	[dreg:$0x3] =	wrdreg s4  }
0xaa: {  	[dreg:$0x4] =	wrdreg $0xC0  }
0xab: {  	_ =	task [dreg:s6], $0x5FFFF  }
0xac: {  	[dreg:$0x1] =	wrdreg $0xFFFFFFFF  }
0xad: {  	[dreg:$0x0] =	wrdreg $0x60  }
0xae: {  	[dreg:$0x2] =	wrdreg s24  }
0xaf: {  	[dreg:$0x3] =	wrdreg $0x5F000  }
0xb0: {  	[dreg:$0x4] =	wrdreg $0xAF000  }
0xb1: {  	[dreg:$0x5] =	wrdreg $0x9  }
0xb2: {  	_ =	task.clear_ibuf [dreg:s6], $0x6FFFF;
	_ =	strace $0x90000055  }
0xb3: {  	s29 =	simm.s32 $0x9;
	_ =	strace $0x80000057  }
0xb4: {  	_ =	swait.ge [sflag:s29], $0x1  }
0xb5: {  	[sflag:s29] =	ssyncadd.s32 $0xFFFFFFFF  }
0xb6: {  	_ =	strace $0x90000057  }
0xb7: {  	_ =	sfence  }
0xb8: {  	s30 =	sld [smem:$0x0];
	_ =	sdelay $0x2  }
0xb9: {  	s31 =	sshll.u32 s1, $0xD;
	s1 =	sshrl.u32 s1, $0x2  }
0xba: {  	s3 =	sand.u32 $0x4000, s31;
	s1 =	sadd.s32 s1, s30  }
0xbb: {  	s0 =	sor.u32 s3, s0;
	s1 =	sshll.u32 s1, $0x11  }
0xbc: {  	s0 =	sor.u32 s1, s0  }
0xbd: {  	s0 =	sadd.s32 $0x8F2B, s0  }
0xbe: {  	[sflag:s0] =	ssyncadd.remote.s32 $0x1  }
0xbf: {  	_ =	sfence.sel $0xFFFF  }
0xc0: {  	[dreg:$0x0] =	wrdreg $0xFFFFFFFF;
	(pc) =	sbr.abs _section_cstart, $3  }
0xc1: {  	[dreg:$0x1] =	wrdreg $0xFFFFFFFF  }
0xc2: {  	_ =	task.clear_ibuf [dreg:s6], $0x2FFFF;
	_ =	strace $0x9FFFFFFF  }
0xc3: {  	(tm) =	ssettm $0x7FFFFFFF  }
tec
execute0_lowered:
.L_overlay_start_1:
0x0: {  	(tag) =	ssettag $0x1  }
0x1: {  	s5 =	rddreg [dreg:$0x0]  }
0x2: {  	s2 =	rddreg [dreg:$0x1]  }
0x3: {  	s3 =	rddreg [dreg:$0x2]  }
0x4: {  	s0 =	rddreg [dreg:$0x3];
	s1 =	stileid.u32  }
0x5: {  	s6 =	srdreg.scid;
	s4 =	simm.s32 $0x0;
	s16 =	simm.s32 $0x80  }
0x6: {  	s17 =	simm.s32 $0x4F00;
	s18 =	simm.s32 $0x0;
	s7 =	smul.u32 $0x5000, s1  }
0x7: {  	s6 =	sand.u32 $0x1, s6;
	[smem:$0x7FF] =	sst s4;
	s31 =	sshll.u32 s1, $0x6  }
0x8: {  	s8 =	sshll.u32 s6, $0x4;
	s9 =	smul.u32 $0x50000, s6;
	_ =	strace $0x80000056  }
0x9: {  	s6 =	ssub.s32 $0x2, s6;
	s8 =	sor.u32 s1, s8;
	s10 =	sshrl.u32 s7, $0x3  }
0xa: {  	s30 =	sshrl.u32 s6, $0x1;
	s14 =	sadd.s32 s7, s2;
	s15 =	sadd.s32 s7, s3  }
0xb: {  	s8 =	smul.u32 $0x4F0, s8;
	s9 =	sadd.s32 s7, s9;
	s10 =	sadd.s32 s10, s5  }
0xc: {  	s13 =	ssub.s32 s6, s30;
	s6 =	sor.u32 $0x1C01, s31;
	s9 =	sshrl.u32 s9, $0x3  }
0xd: {  	s7 =	sadd.s32 $0xD000, s10;
	s11 =	sadd.s32 s8, s5;
	s12 =	sadd.s32 s9, s5  }
0xe: {  	s5 =	sadd.s32 $0x25E00, s10;
	s8 =	sadd.s32 $0x1C000, s11;
	s9 =	sadd.s32 $0x3200, s11  }
0xf: {  	s10 =	sadd.s32 $0x2FE00, s12;
	s11 =	smax.u32 s13, $0x1;
	s12 =	sshrl.u32 s14, $0x3  }
0x10: {  	s13 =	simm.s32 $0x1;
	s14 =	sshrl.u32 s15, $0x3;
	s15 =	simm.s32 $0x2780  }
.LBB2_1:
0x11: {  	[spmem:s12], [sflag:s6] =	dma.local [hbm:s5], $0xA00  }
0x12: {  	_ =	swait.ge [sflag:s13], $0xA00  }
0x13: {  	[sflag:s13] =	ssyncset.done $0x0  }
0x14: {  	[sflag:s13] =	ssyncadd.s32 $0xFFFFF600  }
0x15: {  	[spmem:s14], [sflag:s6] =	dma.local [hbm:s7], $0xA00  }
0x16: {  	_ =	swait.ge [sflag:s13], $0xA00  }
0x17: {  	[sflag:s13] =	ssyncset.done $0x0  }
0x18: {  	[sflag:s13] =	ssyncadd.s32 $0xFFFFF600  }
0x19: {  	[tilespmem:s4], [sflag:$0x1] =	stream.linear.gather [hbm4b:s8+s4], $0x2780, $0x38;
	[tilespmem:$0xFF00] =	vst v63  }
0x1a: {  	_ =	swait.ge [sflag:s13], $0x2780  }
0x1b: {  	[sflag:s13] =	ssyncset.done $0x0  }
0x1c: {  	[sflag:s13] =	ssyncadd.s32 $0xFFFFD880  }
0x1d: {  	[tilespmem:s15], [sflag:$0x1] =	stream.linear.gather [hbm4b:s9+s4], $0x2780, $0x38;
	[tilespmem:$0xFF00] =	vst v63  }
0x1e: {  	_ =	swait.ge [sflag:s13], $0x2780  }
0x1f: {  	[sflag:s13] =	ssyncset.done $0x0  }
0x20: {  	[sflag:s13] =	ssyncadd.s32 $0xFFFFD880  }
0x21: {  	s19 =	simm.s32 $0x0;
	[bflag:$0x0] =	sbarrier.arrive $0xFFFF  }
0x22: {  	[tilespmem:s17], [sflag:$0x1] =	stream.indirect.gather [spmem:s3], $0x20, s19, s16, $0xb8;
	[tilespmem:$0xFF00] =	vst v63  }
0x23: {  	_ =	swait.ge [sflag:s13], $0x1000  }
0x24: {  	[sflag:s13] =	ssyncset.done $0x0  }
0x25: {  	s31 =	simm.s32 $0x2780;
	[sflag:s13] =	ssyncadd.s32 $0xFFFFF000  }
0x26: {  	[spmem:s2] =	stream.indirect.scatter.add.f32 [tilespmem:s17], [sflag:$0x1], $0x20, s31, s16, $0xb8;
	[tilespmem:$0xFF00] =	vst v63  }
0x27: {  	_ =	swait.ge [sflag:s13], $0x1000  }
0x28: {  	s20 =	simm.s32 $0x400;
	s19 =	simm.s32 $0x200;
	[sflag:s13] =	ssyncset.done $0x0  }
.LBB2_2:
0x29: {  	s21 =	sshra.s32 s19, $0x2  }
0x2a: {  	[sflag:s13] =	ssyncadd.s32 $0xFFFFF000;
	s19 =	smov.u32 s20;
	s22 =	sadd.s32 $0x200, s20  }
0x2b: {  	[tilespmem:s17], [sflag:$0x1] =	stream.indirect.gather [spmem:s3], $0x20, s21, s16, $0xb8;
	[tilespmem:$0xFF00] =	vst v63  }
0x2c: {  	p0 =	sne.s32 s20, $0x9C00;
	_ =	swait.ge [sflag:s13], $0x1000  }
.Ltmp0:
0x2d: {  	[sflag:s13] =	ssyncset.done $0x0;
	(pc) =	sbr.rel @p0 .LBB2_2-.Ltmp0, $4  }
0x2e: {  	s20 =	sadd.s32 $0x2780, s21;
	[sflag:s13] =	ssyncadd.s32 $0xFFFFF000  }
0x2f: {  	[spmem:s2] =	stream.indirect.scatter.add.f32 [tilespmem:s17], [sflag:$0x1], $0x20, s20, s16, $0xb8;
	[tilespmem:$0xFF00] =	vst v63  }
0x30: {  	_ =	swait.ge [sflag:s13], $0x1000  }
0x31: {  	s20 =	smov.u32 s22;
	[sflag:s13] =	ssyncset.done $0x0  }
0x32: {  	s19 =	sshra.s32 s19, $0x2;
	[sflag:s13] =	ssyncadd.s32 $0xFFFFF000  }
0x33: {  	[tilespmem:s17], [sflag:$0x1] =	stream.indirect.gather [spmem:s3], $0x20, s19, s16, $0xb8;
	[tilespmem:$0xFF00] =	vst v63  }
0x34: {  	_ =	swait.ge [sflag:s13], $0x1000  }
0x35: {  	[sflag:s13] =	ssyncset.done $0x0  }
0x36: {  	s19 =	sadd.s32 $0x2780, s19;
	[sflag:s13] =	ssyncadd.s32 $0xFFFFF000  }
0x37: {  	[spmem:s2] =	stream.indirect.scatter.add.f32 [tilespmem:s17], [sflag:$0x1], $0x20, s19, s16, $0xb8;
	[tilespmem:$0xFF00] =	vst v63  }
0x38: {  	_ =	swait.ge [sflag:s13], $0x1000  }
0x39: {  	s18 =	sadd.s32 $0x1, s18;
	[sflag:s13] =	ssyncset.done $0x0  }
0x3a: {  	p0 =	sne.s32 s18, s11;
	[sflag:s13] =	ssyncadd.s32 $0xFFFFF000  }
.Ltmp1:
0x3b: {  	[bflag:$0x0] =	sbarrier.arrive $0xFFFF;
	(pc) =	sbr.rel @p0 .LBB2_1-.Ltmp1, $4  }
0x3c: {  	[hbm:s10], [sflag:s6] =	dma.local [spmem:s12], $0xA00  }
0x3d: {  	_ =	swait.ge [sflag:s13], $0xA00  }
0x3e: {  	[sflag:s13] =	ssyncset.done $0x0  }
0x3f: {  	[sflag:s13] =	ssyncadd.s32 $0xFFFFF600  }
0x40: {  	_ =	sfence.sel $0x180000  }
0x41: {  	[bflag:$0x0] =	sbarrier.arrive $0xFFFF  }
0x42: {  	p0 =	sne.s32 s1, $0x0;
	_ =	strace $0x90000056  }
0x43: {  	s0 =	sadd.s32 @!p0 $0x100000, s0;
	[bflag:$0x2] =	sbarrier.arrive $0xFFFF  }
0x44: {  	[sflag:s0] =	ssyncadd.tile.s32 @!p0 $0x1;
	_ =	shalt  }
.Lfunc_end2:
_tile_overlayer_lowered:
.L_overlay_start_2:
0x45: {  	(tag) =	ssettag $0x2  }
0x46: {  	s0 =	rddreg [dreg:$0x0];
	s2 =	stileid.u32  }
0x47: {  	s1 =	rddreg [dreg:$0x1];
	p0 =	sne.s32 s2, $0x0  }
0x48: {  	s3 =	rddreg [dreg:$0x2];
	[bflag:$0x3] =	sbarrier.arrive $0xFFFF;
	s2 =	simm.s32 @!p0 $0x1C01  }
0x49: {  	[timem:s3], [sflag:s2] =	dma.local @!p0 [hbm:s0], s1  }
0x4a: {  	s0 =	simm.s32 @!p0 $0x1  }
0x4b: {  	_ =	swait.ge @!p0 [sflag:s0], s1  }
0x4c: {  	s1 =	ssub.s32 @!p0 $0x0, s1;
	[sflag:s0] =	ssyncset.done @!p0 $0x0  }
0x4d: {  	[sflag:s0] =	ssyncadd.s32 @!p0 s1  }
0x4e: {  	[bflag:$0x3] =	sbarrier.arrive $0xFFFF  }
0x4f: {  	_ =	shalt  }

</sc_bundles>
